<compile_context>
chip_gen: v7x
topology: tpu7x:2x2x1
jax: 0.10.2.dev20260603
libtpu: 0.0.44.dev20260713+nightly
codegen_flags: <defaults>
</compile_context>

<pallas_src>
import functools

import jax
import jax.numpy as jnp
from jax import lax
from jax.experimental import pallas as pl
from jax.experimental.pallas import tpu as pltpu
from jax.experimental.pallas import tpu_sc as plsc

_N = 8388608
_MSE_WEIGHT = 0.3
_NC = 2
_NS = 16
_NW = _NC * _NS
_E = _N // _NW
_C = 16384
_NCH = _E // _C
_LANES = 16


def _body(num_classes, pred_hbm, tgt_hbm, pmat_hbm, dmat_hbm,
          out_pen_hbm, out_mse_hbm,
          pbuf0, pbuf1, tbuf0, tbuf1, pmat_v, dmat_v, accv_pen, accv_mse,
          sem_p0, sem_p1, sem_t0, sem_t1):
    wid = lax.axis_index("c") * _NS + lax.axis_index("s")
    base = wid * _E

    pltpu.sync_copy(pmat_hbm, pmat_v)
    pltpu.sync_copy(dmat_hbm, dmat_v)

    top = jnp.float32(num_classes - 1)
    pbufs = (pbuf0, pbuf1)
    tbufs = (tbuf0, tbuf1)
    psem = (sem_p0, sem_p1)
    tsem = (sem_t0, sem_t1)

    def start(k):
        b = k % 2
        return (
            pltpu.async_copy(pred_hbm.at[pl.ds(base + k * _C, _C)],
                             pbufs[b], psem[b]),
            pltpu.async_copy(tgt_hbm.at[pl.ds(base + k * _C, _C)],
                             tbufs[b], tsem[b]),
        )

    def chunk_sum(pb, tb, acc):
        @plsc.parallel_loop(0, _C // _LANES, carry=acc, unroll=8)
        def result(j, carry):
            acc_pen, acc_mse = carry
            p = pb[pl.ds(j * _LANES, _LANES)]
            t = tb[pl.ds(j * _LANES, _LANES)]
            cp = jnp.minimum(jnp.maximum(p, 0.0), top)
            li = cp.astype(jnp.int32)
            wu = cp - li.astype(jnp.float32)
            idx = t * num_classes + li
            pen = plsc.load_gather(pmat_v, [idx])
            dlt = plsc.load_gather(dmat_v, [idx])
            d = p - t.astype(jnp.float32)
            return acc_pen + (pen + wu * dlt), acc_mse + d * d
        return result

    acc = (jnp.zeros((_LANES,), jnp.float32),
           jnp.zeros((_LANES,), jnp.float32))
    pending = start(0)
    for k in range(_NCH):
        b = k % 2
        for cp_desc in pending:
            cp_desc.wait()
        if k + 1 < _NCH:
            pending = start(k + 1)
        acc = chunk_sum(pbufs[b], tbufs[b], acc)
    acc_pen, acc_mse = acc

    accv_pen[...] = acc_pen
    accv_mse[...] = acc_mse
    pltpu.sync_copy(accv_pen, out_pen_hbm.at[wid])
    pltpu.sync_copy(accv_mse, out_mse_hbm.at[wid])


def kernel(predictions, targets, penalty_matrix):
    num_classes = penalty_matrix.shape[0]
    pmat_flat = penalty_matrix.reshape(-1)
    dmat_flat = jnp.concatenate(
        [penalty_matrix[:, 1:] - penalty_matrix[:, :-1],
         jnp.zeros((num_classes, 1), penalty_matrix.dtype)],
        axis=1).reshape(-1)

    mesh = plsc.VectorSubcoreMesh(core_axis_name="c", subcore_axis_name="s")
    run = pl.kernel(
        functools.partial(_body, num_classes),
        out_type=[
            jax.ShapeDtypeStruct((_NW, _LANES), jnp.float32),
            jax.ShapeDtypeStruct((_NW, _LANES), jnp.float32),
        ],
        mesh=mesh,
        scratch_types=[
            pltpu.VMEM((_C,), jnp.float32),
            pltpu.VMEM((_C,), jnp.float32),
            pltpu.VMEM((_C,), jnp.int32),
            pltpu.VMEM((_C,), jnp.int32),
            pltpu.VMEM((num_classes * num_classes,), jnp.float32),
            pltpu.VMEM((num_classes * num_classes,), jnp.float32),
            pltpu.VMEM((_LANES,), jnp.float32),
            pltpu.VMEM((_LANES,), jnp.float32),
            pltpu.SemaphoreType.DMA,
            pltpu.SemaphoreType.DMA,
            pltpu.SemaphoreType.DMA,
            pltpu.SemaphoreType.DMA,
        ],
        compiler_params=pltpu.CompilerParams(needs_layout_passes=False),
        name="soft_penalty_loss_sc",
    )
    pen_part, mse_part = run(predictions, targets, pmat_flat, dmat_flat)
    inv_n = jnp.float32(1.0 / _N)
    return pen_part.sum() * inv_n + _MSE_WEIGHT * (mse_part.sum() * inv_n)

# --- scband reference (transcript-rebuilt; emitter-appended) ---
"""Pipeline reference for scband-soft-penalty-matrix-loss-41764261987137 (READ-ONLY COPY).

The authoritative reference and input builder live on the scoring server;
editing this copy changes nothing except your own understanding.
"""

import jax, jax.numpy as jnp
import numpy as np

N = 8388608
NUM_CLASSES = 8
MSE_WEIGHT = 0.3


def setup_inputs(seed: int = 0) -> dict:
    key = jax.random.key(seed)
    k1, k2 = jax.random.split(key)
    # predictions are continuous class scores in [0, num_classes-1]
    predictions = jax.random.uniform(k1, (N,), dtype=jnp.float32) * (NUM_CLASSES - 1)
    targets = jax.random.randint(k2, (N,), 0, NUM_CLASSES, dtype=jnp.int32)
    idx = jnp.arange(NUM_CLASSES)
    penalty_matrix = jnp.abs(idx[:, None] - idx[None, :]).astype(jnp.float32)
    return {"predictions": predictions, "targets": targets, "penalty_matrix": penalty_matrix}


def reference(predictions, targets, penalty_matrix):
    num_classes = penalty_matrix.shape[0]
    clamped_preds = jnp.clip(predictions, 0.0, float(num_classes - 1))
    target_classes = targets.astype(jnp.int32)
    lower_class = jnp.floor(clamped_preds).astype(jnp.int32)
    upper_class = jnp.ceil(clamped_preds).astype(jnp.int32)
    weight_upper = clamped_preds - lower_class.astype(jnp.float32)
    weight_lower = 1.0 - weight_upper
    # 2-D gather from the penalty matrix (SparseCore-style gather)
    penalties_lower = penalty_matrix[target_classes, lower_class]
    penalties_upper = penalty_matrix[target_classes, upper_class]
    interpolated_penalties = weight_lower * penalties_lower + weight_upper * penalties_upper
    penalty_loss = jnp.mean(interpolated_penalties)
    mse_loss = jnp.mean((predictions - targets.astype(jnp.float32)) ** 2)
    total_loss = penalty_loss + MSE_WEIGHT * mse_loss
    return total_loss

if __name__ == "__main__":
    import jax
    _d = setup_inputs()
    print(jax.jit(kernel)(*tuple(_d.values())))

</pallas_src>

<mosaic_0001>
#map = affine_map<(d0, d1) -> (0)>
#map1 = affine_map<(d0, d1) -> (0, 0)>
module attributes {stable_mosaic.version = 14 : i64} {
  func.func @soft_penalty_loss_sc(%arg0: i32, %arg1: i32, %arg2: memref<8388608xf32, #tpu.memory_space<hbm>>, %arg3: memref<8388608xi32, #tpu.memory_space<hbm>>, %arg4: memref<64xf32, #tpu.memory_space<hbm>>, %arg5: memref<64xf32, #tpu.memory_space<hbm>>, %arg6: memref<32x16xf32, #tpu.memory_space<hbm>>, %arg7: memref<32x16xf32, #tpu.memory_space<hbm>>, %arg8: memref<16384xf32, #tpu.memory_space<vmem>>, %arg9: memref<16384xf32, #tpu.memory_space<vmem>>, %arg10: memref<16384xi32, #tpu.memory_space<vmem>>, %arg11: memref<16384xi32, #tpu.memory_space<vmem>>, %arg12: memref<64xf32, #tpu.memory_space<vmem>>, %arg13: memref<64xf32, #tpu.memory_space<vmem>>, %arg14: memref<16xf32, #tpu.memory_space<vmem>>, %arg15: memref<16xf32, #tpu.memory_space<vmem>>, %arg16: memref<!tpu.dma_semaphore, #tpu.memory_space<semaphore_mem>>, %arg17: memref<!tpu.dma_semaphore, #tpu.memory_space<semaphore_mem>>, %arg18: memref<!tpu.dma_semaphore, #tpu.memory_space<semaphore_mem>>, %arg19: memref<!tpu.dma_semaphore, #tpu.memory_space<semaphore_mem>>) attributes {dimension_semantics = [#tpu.dimension_semantics<core_parallel>, #tpu.dimension_semantics<subcore_parallel>], iteration_bounds = array<i64: 2, 16>, scalar_prefetch = 0 : i64, scratch_operands = 12 : i64, tpu.core_type = #tpu.core_type<sc_vector_subcore>, window_params = [{transform_indices = #map}, {transform_indices = #map}, {transform_indices = #map}, {transform_indices = #map}, {transform_indices = #map1}, {transform_indices = #map1}]} {
    %mul3A = arith.constant 16 : i32
    %mul3A_0 = arith.muli %arg0, %mul3A : i32
    %add3A = arith.addi %mul3A_0, %arg1 : i32
    %mul3A_1 = arith.constant 262144 : i32
    %mul3A_2 = arith.muli %add3A, %mul3A_1 : i32
    "tpu.region"() ({
      %run_scoped3A = tpu.sem_alloc : memref<!tpu.dma_semaphore, #tpu.memory_space<semaphore_mem>>
      tpu.enqueue_dma source(%arg4 : memref<64xf32, #tpu.memory_space<hbm>>) target(%arg12 : memref<64xf32, #tpu.memory_space<vmem>>) target_semaphore(%run_scoped3A : memref<!tpu.dma_semaphore, #tpu.memory_space<semaphore_mem>>)
      tpu.wait_dma2 semaphore(%run_scoped3A : memref<!tpu.dma_semaphore, #tpu.memory_space<semaphore_mem>>) src(%arg4 : memref<64xf32, #tpu.memory_space<hbm>>) dst(%arg12 : memref<64xf32, #tpu.memory_space<vmem>>)
      tpu.yield
    }) : () -> ()
    "tpu.region"() ({
      %run_scoped3A = tpu.sem_alloc : memref<!tpu.dma_semaphore, #tpu.memory_space<semaphore_mem>>
      tpu.enqueue_dma source(%arg5 : memref<64xf32, #tpu.memory_space<hbm>>) target(%arg13 : memref<64xf32, #tpu.memory_space<vmem>>) target_semaphore(%run_scoped3A : memref<!tpu.dma_semaphore, #tpu.memory_space<semaphore_mem>>)
      tpu.wait_dma2 semaphore(%run_scoped3A : memref<!tpu.dma_semaphore, #tpu.memory_space<semaphore_mem>>) src(%arg5 : memref<64xf32, #tpu.memory_space<hbm>>) dst(%arg13 : memref<64xf32, #tpu.memory_space<vmem>>)
      tpu.yield
    }) : () -> ()
    %broadcast_in_dim3A = arith.constant 0.000000e+00 : f32
    %broadcast_in_dim3A_3 = vector.broadcast %broadcast_in_dim3A : f32 to vector<16xf32>
    %broadcast_in_dim3A_4 = arith.constant 0.000000e+00 : f32
    %broadcast_in_dim3A_5 = vector.broadcast %broadcast_in_dim3A_4 : f32 to vector<16xf32>
    %add3A_6 = arith.constant 0 : i32
    %add3A_7 = arith.addi %mul3A_2, %add3A_6 : i32
    %dma_start3A = tpu.memref_slice %arg2[%add3A_7] : memref<8388608xf32, #tpu.memory_space<hbm>> -> memref<16384xf32, #tpu.memory_space<hbm>>
    %dma_start3A_8 = tpu.memref_slice %arg2[%add3A_7] : memref<8388608xf32, #tpu.memory_space<hbm>> -> memref<16384xf32, #tpu.memory_space<hbm>>
    tpu.enqueue_dma source(%dma_start3A_8 : memref<16384xf32, #tpu.memory_space<hbm>>) target(%arg8 : memref<16384xf32, #tpu.memory_space<vmem>>) target_semaphore(%arg16 : memref<!tpu.dma_semaphore, #tpu.memory_space<semaphore_mem>>)
    %add3A_9 = arith.constant 0 : i32
    %add3A_10 = arith.addi %mul3A_2, %add3A_9 : i32
    %dma_start3A_11 = tpu.memref_slice %arg3[%add3A_10] : memref<8388608xi32, #tpu.memory_space<hbm>> -> memref<16384xi32, #tpu.memory_space<hbm>>
    %dma_start3A_12 = tpu.memref_slice %arg3[%add3A_10] : memref<8388608xi32, #tpu.memory_space<hbm>> -> memref<16384xi32, #tpu.memory_space<hbm>>
    tpu.enqueue_dma source(%dma_start3A_12 : memref<16384xi32, #tpu.memory_space<hbm>>) target(%arg10 : memref<16384xi32, #tpu.memory_space<vmem>>) target_semaphore(%arg18 : memref<!tpu.dma_semaphore, #tpu.memory_space<semaphore_mem>>)
    %dma_wait3A = tpu.memref_slice %arg2[%add3A_7] : memref<8388608xf32, #tpu.memory_space<hbm>> -> memref<16384xf32, #tpu.memory_space<hbm>>
    %dma_wait3A_13 = tpu.memref_slice %arg2[%add3A_7] : memref<8388608xf32, #tpu.memory_space<hbm>> -> memref<16384xf32, #tpu.memory_space<hbm>>
    tpu.wait_dma2 semaphore(%arg16 : memref<!tpu.dma_semaphore, #tpu.memory_space<semaphore_mem>>) src(%dma_wait3A_13 : memref<16384xf32, #tpu.memory_space<hbm>>) dst(%arg8 : memref<16384xf32, #tpu.memory_space<vmem>>)
    %dma_wait3A_14 = tpu.memref_slice %arg3[%add3A_10] : memref<8388608xi32, #tpu.memory_space<hbm>> -> memref<16384xi32, #tpu.memory_space<hbm>>
    %dma_wait3A_15 = tpu.memref_slice %arg3[%add3A_10] : memref<8388608xi32, #tpu.memory_space<hbm>> -> memref<16384xi32, #tpu.memory_space<hbm>>
    tpu.wait_dma2 semaphore(%arg18 : memref<!tpu.dma_semaphore, #tpu.memory_space<semaphore_mem>>) src(%dma_wait3A_15 : memref<16384xi32, #tpu.memory_space<hbm>>) dst(%arg10 : memref<16384xi32, #tpu.memory_space<vmem>>)
    %add3A_16 = arith.constant 16384 : i32
    %add3A_17 = arith.addi %mul3A_2, %add3A_16 : i32
    %dma_start3A_18 = tpu.memref_slice %arg2[%add3A_17] : memref<8388608xf32, #tpu.memory_space<hbm>> -> memref<16384xf32, #tpu.memory_space<hbm>>
    %dma_start3A_19 = tpu.memref_slice %arg2[%add3A_17] : memref<8388608xf32, #tpu.memory_space<hbm>> -> memref<16384xf32, #tpu.memory_space<hbm>>
    tpu.enqueue_dma source(%dma_start3A_19 : memref<16384xf32, #tpu.memory_space<hbm>>) target(%arg9 : memref<16384xf32, #tpu.memory_space<vmem>>) target_semaphore(%arg17 : memref<!tpu.dma_semaphore, #tpu.memory_space<semaphore_mem>>)
    %add3A_20 = arith.constant 16384 : i32
    %add3A_21 = arith.addi %mul3A_2, %add3A_20 : i32
    %dma_start3A_22 = tpu.memref_slice %arg3[%add3A_21] : memref<8388608xi32, #tpu.memory_space<hbm>> -> memref<16384xi32, #tpu.memory_space<hbm>>
    %dma_start3A_23 = tpu.memref_slice %arg3[%add3A_21] : memref<8388608xi32, #tpu.memory_space<hbm>> -> memref<16384xi32, #tpu.memory_space<hbm>>
    tpu.enqueue_dma source(%dma_start3A_23 : memref<16384xi32, #tpu.memory_space<hbm>>) target(%arg11 : memref<16384xi32, #tpu.memory_space<vmem>>) target_semaphore(%arg19 : memref<!tpu.dma_semaphore, #tpu.memory_space<semaphore_mem>>)
    %parallel_loop3A = arith.constant 0 : i32
    %parallel_loop3A_24 = arith.constant 1024 : i32
    %parallel_loop3A_25 = arith.constant 1 : i32
    %parallel_loop3A_26 = arith.constant 7.000000e+00 : f32
    %parallel_loop3A_27:2 = scf.for %parallel_loop3A_278 = %parallel_loop3A to %parallel_loop3A_24 step %parallel_loop3A_25 iter_args(%parallel_loop3A_279 = %broadcast_in_dim3A_3, %parallel_loop3A_280 = %broadcast_in_dim3A_5) -> (vector<16xf32>, vector<16xf32>)  : i32 {
      %parallel_loop3A_281 = arith.constant 16 : i32
      %parallel_loop3A_282 = arith.muli %parallel_loop3A_278, %parallel_loop3A_281 : i32
      %parallel_loop3A_283 = arith.index_cast %parallel_loop3A_282 : i32 to index
      %parallel_loop3A_284 = tpu.vector_load %arg8[%parallel_loop3A_283] {strides = array<i32>} : memref<16384xf32, #tpu.memory_space<vmem>>, vector<16xf32>,
      %parallel_loop3A_285 = arith.constant 16 : i32
      %parallel_loop3A_286 = arith.muli %parallel_loop3A_278, %parallel_loop3A_285 : i32
      %parallel_loop3A_287 = arith.index_cast %parallel_loop3A_286 : i32 to index
      %parallel_loop3A_288 = tpu.vector_load %arg10[%parallel_loop3A_287] {strides = array<i32>} : memref<16384xi32, #tpu.memory_space<vmem>>, vector<16xi32>,
      %parallel_loop3A_289 = arith.constant 0.000000e+00 : f32
      %parallel_loop3A_290 = vector.broadcast %parallel_loop3A_289 : f32 to vector<16xf32>
      %parallel_loop3A_291 = arith.maximumf %parallel_loop3A_284, %parallel_loop3A_290 : vector<16xf32>
      %parallel_loop3A_292 = vector.broadcast %parallel_loop3A_26 : f32 to vector<16xf32>
      %parallel_loop3A_293 = arith.minimumf %parallel_loop3A_291, %parallel_loop3A_292 : vector<16xf32>
      %parallel_loop3A_294 = arith.fptosi %parallel_loop3A_293 : vector<16xf32> to vector<16xi32>
      %parallel_loop3A_295 = arith.sitofp %parallel_loop3A_294 : vector<16xi32> to vector<16xf32>
      %parallel_loop3A_296 = arith.subf %parallel_loop3A_293, %parallel_loop3A_295 : vector<16xf32>
      %parallel_loop3A_297 = arith.constant 8 : i32
      %parallel_loop3A_298 = vector.broadcast %parallel_loop3A_297 : i32 to vector<16xi32>
      %parallel_loop3A_299 = arith.muli %parallel_loop3A_288, %parallel_loop3A_298 : vector<16xi32>
      %parallel_loop3A_300 = arith.addi %parallel_loop3A_299, %parallel_loop3A_294 : vector<16xi32>
      %parallel_loop3A_301 = tpu.vector_load_idx %arg12[%parallel_loop3A_300] : memref<64xf32, #tpu.memory_space<vmem>>[vector<16xi32>], vector<16xf32>,
      %parallel_loop3A_302 = tpu.vector_load_idx %arg13[%parallel_loop3A_300] : memref<64xf32, #tpu.memory_space<vmem>>[vector<16xi32>], vector<16xf32>,
      %parallel_loop3A_303 = arith.sitofp %parallel_loop3A_288 : vector<16xi32> to vector<16xf32>
      %parallel_loop3A_304 = arith.subf %parallel_loop3A_284, %parallel_loop3A_303 : vector<16xf32>
      %parallel_loop3A_305 = arith.mulf %parallel_loop3A_296, %parallel_loop3A_302 : vector<16xf32>
      %parallel_loop3A_306 = arith.addf %parallel_loop3A_301, %parallel_loop3A_305 : vector<16xf32>
      %parallel_loop3A_307 = arith.addf %parallel_loop3A_279, %parallel_loop3A_306 : vector<16xf32>
      %parallel_loop3A_308 = arith.mulf %parallel_loop3A_304, %parallel_loop3A_304 : vector<16xf32>
      %parallel_loop3A_309 = arith.addf %parallel_loop3A_280, %parallel_loop3A_308 : vector<16xf32>
      scf.yield %parallel_loop3A_307, %parallel_loop3A_309 : vector<16xf32>, vector<16xf32>
    } {sc.loop_unroll_factor = 8 : i64, sc.parallel_access}
    %dma_wait3A_28 = tpu.memref_slice %arg2[%add3A_17] : memref<8388608xf32, #tpu.memory_space<hbm>> -> memref<16384xf32, #tpu.memory_space<hbm>>
    %dma_wait3A_29 = tpu.memref_slice %arg2[%add3A_17] : memref<8388608xf32, #tpu.memory_space<hbm>> -> memref<16384xf32, #tpu.memory_space<hbm>>
    tpu.wait_dma2 semaphore(%arg17 : memref<!tpu.dma_semaphore, #tpu.memory_space<semaphore_mem>>) src(%dma_wait3A_29 : memref<16384xf32, #tpu.memory_space<hbm>>) dst(%arg9 : memref<16384xf32, #tpu.memory_space<vmem>>)
    %dma_wait3A_30 = tpu.memref_slice %arg3[%add3A_21] : memref<8388608xi32, #tpu.memory_space<hbm>> -> memref<16384xi32, #tpu.memory_space<hbm>>
    %dma_wait3A_31 = tpu.memref_slice %arg3[%add3A_21] : memref<8388608xi32, #tpu.memory_space<hbm>> -> memref<16384xi32, #tpu.memory_space<hbm>>
    tpu.wait_dma2 semaphore(%arg19 : memref<!tpu.dma_semaphore, #tpu.memory_space<semaphore_mem>>) src(%dma_wait3A_31 : memref<16384xi32, #tpu.memory_space<hbm>>) dst(%arg11 : memref<16384xi32, #tpu.memory_space<vmem>>)
    %add3A_32 = arith.constant 32768 : i32
    %add3A_33 = arith.addi %mul3A_2, %add3A_32 : i32
    %dma_start3A_34 = tpu.memref_slice %arg2[%add3A_33] : memref<8388608xf32, #tpu.memory_space<hbm>> -> memref<16384xf32, #tpu.memory_space<hbm>>
    %dma_start3A_35 = tpu.memref_slice %arg2[%add3A_33] : memref<8388608xf32, #tpu.memory_space<hbm>> -> memref<16384xf32, #tpu.memory_space<hbm>>
    tpu.enqueue_dma source(%dma_start3A_35 : memref<16384xf32, #tpu.memory_space<hbm>>) target(%arg8 : memref<16384xf32, #tpu.memory_space<vmem>>) target_semaphore(%arg16 : memref<!tpu.dma_semaphore, #tpu.memory_space<semaphore_mem>>)
    %add3A_36 = arith.constant 32768 : i32
    %add3A_37 = arith.addi %mul3A_2, %add3A_36 : i32
    %dma_start3A_38 = tpu.memref_slice %arg3[%add3A_37] : memref<8388608xi32, #tpu.memory_space<hbm>> -> memref<16384xi32, #tpu.memory_space<hbm>>
    %dma_start3A_39 = tpu.memref_slice %arg3[%add3A_37] : memref<8388608xi32, #tpu.memory_space<hbm>> -> memref<16384xi32, #tpu.memory_space<hbm>>
    tpu.enqueue_dma source(%dma_start3A_39 : memref<16384xi32, #tpu.memory_space<hbm>>) target(%arg10 : memref<16384xi32, #tpu.memory_space<vmem>>) target_semaphore(%arg18 : memref<!tpu.dma_semaphore, #tpu.memory_space<semaphore_mem>>)
    %parallel_loop3A_40 = arith.constant 0 : i32
    %parallel_loop3A_41 = arith.constant 1024 : i32
    %parallel_loop3A_42 = arith.constant 1 : i32
    %parallel_loop3A_43 = arith.constant 7.000000e+00 : f32
    %parallel_loop3A_44:2 = scf.for %parallel_loop3A_278 = %parallel_loop3A_40 to %parallel_loop3A_41 step %parallel_loop3A_42 iter_args(%parallel_loop3A_279 = %parallel_loop3A_27#0, %parallel_loop3A_280 = %parallel_loop3A_27#1) -> (vector<16xf32>, vector<16xf32>)  : i32 {
      %parallel_loop3A_281 = arith.constant 16 : i32
      %parallel_loop3A_282 = arith.muli %parallel_loop3A_278, %parallel_loop3A_281 : i32
      %parallel_loop3A_283 = arith.index_cast %parallel_loop3A_282 : i32 to index
      %parallel_loop3A_284 = tpu.vector_load %arg9[%parallel_loop3A_283] {strides = array<i32>} : memref<16384xf32, #tpu.memory_space<vmem>>, vector<16xf32>,
      %parallel_loop3A_285 = arith.constant 16 : i32
      %parallel_loop3A_286 = arith.muli %parallel_loop3A_278, %parallel_loop3A_285 : i32
      %parallel_loop3A_287 = arith.index_cast %parallel_loop3A_286 : i32 to index
      %parallel_loop3A_288 = tpu.vector_load %arg11[%parallel_loop3A_287] {strides = array<i32>} : memref<16384xi32, #tpu.memory_space<vmem>>, vector<16xi32>,
      %parallel_loop3A_289 = arith.constant 0.000000e+00 : f32
      %parallel_loop3A_290 = vector.broadcast %parallel_loop3A_289 : f32 to vector<16xf32>
      %parallel_loop3A_291 = arith.maximumf %parallel_loop3A_284, %parallel_loop3A_290 : vector<16xf32>
      %parallel_loop3A_292 = vector.broadcast %parallel_loop3A_43 : f32 to vector<16xf32>
      %parallel_loop3A_293 = arith.minimumf %parallel_loop3A_291, %parallel_loop3A_292 : vector<16xf32>
      %parallel_loop3A_294 = arith.fptosi %parallel_loop3A_293 : vector<16xf32> to vector<16xi32>
      %parallel_loop3A_295 = arith.sitofp %parallel_loop3A_294 : vector<16xi32> to vector<16xf32>
      %parallel_loop3A_296 = arith.subf %parallel_loop3A_293, %parallel_loop3A_295 : vector<16xf32>
      %parallel_loop3A_297 = arith.constant 8 : i32
      %parallel_loop3A_298 = vector.broadcast %parallel_loop3A_297 : i32 to vector<16xi32>
      %parallel_loop3A_299 = arith.muli %parallel_loop3A_288, %parallel_loop3A_298 : vector<16xi32>
      %parallel_loop3A_300 = arith.addi %parallel_loop3A_299, %parallel_loop3A_294 : vector<16xi32>
      %parallel_loop3A_301 = tpu.vector_load_idx %arg12[%parallel_loop3A_300] : memref<64xf32, #tpu.memory_space<vmem>>[vector<16xi32>], vector<16xf32>,
      %parallel_loop3A_302 = tpu.vector_load_idx %arg13[%parallel_loop3A_300] : memref<64xf32, #tpu.memory_space<vmem>>[vector<16xi32>], vector<16xf32>,
      %parallel_loop3A_303 = arith.sitofp %parallel_loop3A_288 : vector<16xi32> to vector<16xf32>
      %parallel_loop3A_304 = arith.subf %parallel_loop3A_284, %parallel_loop3A_303 : vector<16xf32>
      %parallel_loop3A_305 = arith.mulf %parallel_loop3A_296, %parallel_loop3A_302 : vector<16xf32>
      %parallel_loop3A_306 = arith.addf %parallel_loop3A_301, %parallel_loop3A_305 : vector<16xf32>
      %parallel_loop3A_307 = arith.addf %parallel_loop3A_279, %parallel_loop3A_306 : vector<16xf32>
      %parallel_loop3A_308 = arith.mulf %parallel_loop3A_304, %parallel_loop3A_304 : vector<16xf32>
      %parallel_loop3A_309 = arith.addf %parallel_loop3A_280, %parallel_loop3A_308 : vector<16xf32>
      scf.yield %parallel_loop3A_307, %parallel_loop3A_309 : vector<16xf32>, vector<16xf32>
    } {sc.loop_unroll_factor = 8 : i64, sc.parallel_access}
    %dma_wait3A_45 = tpu.memref_slice %arg2[%add3A_33] : memref<8388608xf32, #tpu.memory_space<hbm>> -> memref<16384xf32, #tpu.memory_space<hbm>>
    %dma_wait3A_46 = tpu.memref_slice %arg2[%add3A_33] : memref<8388608xf32, #tpu.memory_space<hbm>> -> memref<16384xf32, #tpu.memory_space<hbm>>
    tpu.wait_dma2 semaphore(%arg16 : memref<!tpu.dma_semaphore, #tpu.memory_space<semaphore_mem>>) src(%dma_wait3A_46 : memref<16384xf32, #tpu.memory_space<hbm>>) dst(%arg8 : memref<16384xf32, #tpu.memory_space<vmem>>)
    %dma_wait3A_47 = tpu.memref_slice %arg3[%add3A_37] : memref<8388608xi32, #tpu.memory_space<hbm>> -> memref<16384xi32, #tpu.memory_space<hbm>>
    %dma_wait3A_48 = tpu.memref_slice %arg3[%add3A_37] : memref<8388608xi32, #tpu.memory_space<hbm>> -> memref<16384xi32, #tpu.memory_space<hbm>>
    tpu.wait_dma2 semaphore(%arg18 : memref<!tpu.dma_semaphore, #tpu.memory_space<semaphore_mem>>) src(%dma_wait3A_48 : memref<16384xi32, #tpu.memory_space<hbm>>) dst(%arg10 : memref<16384xi32, #tpu.memory_space<vmem>>)
    %add3A_49 = arith.constant 49152 : i32
    %add3A_50 = arith.addi %mul3A_2, %add3A_49 : i32
    %dma_start3A_51 = tpu.memref_slice %arg2[%add3A_50] : memref<8388608xf32, #tpu.memory_space<hbm>> -> memref<16384xf32, #tpu.memory_space<hbm>>
    %dma_start3A_52 = tpu.memref_slice %arg2[%add3A_50] : memref<8388608xf32, #tpu.memory_space<hbm>> -> memref<16384xf32, #tpu.memory_space<hbm>>
    tpu.enqueue_dma source(%dma_start3A_52 : memref<16384xf32, #tpu.memory_space<hbm>>) target(%arg9 : memref<16384xf32, #tpu.memory_space<vmem>>) target_semaphore(%arg17 : memref<!tpu.dma_semaphore, #tpu.memory_space<semaphore_mem>>)
    %add3A_53 = arith.constant 49152 : i32
    %add3A_54 = arith.addi %mul3A_2, %add3A_53 : i32
    %dma_start3A_55 = tpu.memref_slice %arg3[%add3A_54] : memref<8388608xi32, #tpu.memory_space<hbm>> -> memref<16384xi32, #tpu.memory_space<hbm>>
    %dma_start3A_56 = tpu.memref_slice %arg3[%add3A_54] : memref<8388608xi32, #tpu.memory_space<hbm>> -> memref<16384xi32, #tpu.memory_space<hbm>>
    tpu.enqueue_dma source(%dma_start3A_56 : memref<16384xi32, #tpu.memory_space<hbm>>) target(%arg11 : memref<16384xi32, #tpu.memory_space<vmem>>) target_semaphore(%arg19 : memref<!tpu.dma_semaphore, #tpu.memory_space<semaphore_mem>>)
    %parallel_loop3A_57 = arith.constant 0 : i32
    %parallel_loop3A_58 = arith.constant 1024 : i32
    %parallel_loop3A_59 = arith.constant 1 : i32
    %parallel_loop3A_60 = arith.constant 7.000000e+00 : f32
    %parallel_loop3A_61:2 = scf.for %parallel_loop3A_278 = %parallel_loop3A_57 to %parallel_loop3A_58 step %parallel_loop3A_59 iter_args(%parallel_loop3A_279 = %parallel_loop3A_44#0, %parallel_loop3A_280 = %parallel_loop3A_44#1) -> (vector<16xf32>, vector<16xf32>)  : i32 {
      %parallel_loop3A_281 = arith.constant 16 : i32
      %parallel_loop3A_282 = arith.muli %parallel_loop3A_278, %parallel_loop3A_281 : i32
      %parallel_loop3A_283 = arith.index_cast %parallel_loop3A_282 : i32 to index
      %parallel_loop3A_284 = tpu.vector_load %arg8[%parallel_loop3A_283] {strides = array<i32>} : memref<16384xf32, #tpu.memory_space<vmem>>, vector<16xf32>,
      %parallel_loop3A_285 = arith.constant 16 : i32
      %parallel_loop3A_286 = arith.muli %parallel_loop3A_278, %parallel_loop3A_285 : i32
      %parallel_loop3A_287 = arith.index_cast %parallel_loop3A_286 : i32 to index
      %parallel_loop3A_288 = tpu.vector_load %arg10[%parallel_loop3A_287] {strides = array<i32>} : memref<16384xi32, #tpu.memory_space<vmem>>, vector<16xi32>,
      %parallel_loop3A_289 = arith.constant 0.000000e+00 : f32
      %parallel_loop3A_290 = vector.broadcast %parallel_loop3A_289 : f32 to vector<16xf32>
      %parallel_loop3A_291 = arith.maximumf %parallel_loop3A_284, %parallel_loop3A_290 : vector<16xf32>
      %parallel_loop3A_292 = vector.broadcast %parallel_loop3A_60 : f32 to vector<16xf32>
      %parallel_loop3A_293 = arith.minimumf %parallel_loop3A_291, %parallel_loop3A_292 : vector<16xf32>
      %parallel_loop3A_294 = arith.fptosi %parallel_loop3A_293 : vector<16xf32> to vector<16xi32>
      %parallel_loop3A_295 = arith.sitofp %parallel_loop3A_294 : vector<16xi32> to vector<16xf32>
      %parallel_loop3A_296 = arith.subf %parallel_loop3A_293, %parallel_loop3A_295 : vector<16xf32>
      %parallel_loop3A_297 = arith.constant 8 : i32
      %parallel_loop3A_298 = vector.broadcast %parallel_loop3A_297 : i32 to vector<16xi32>
      %parallel_loop3A_299 = arith.muli %parallel_loop3A_288, %parallel_loop3A_298 : vector<16xi32>
      %parallel_loop3A_300 = arith.addi %parallel_loop3A_299, %parallel_loop3A_294 : vector<16xi32>
      %parallel_loop3A_301 = tpu.vector_load_idx %arg12[%parallel_loop3A_300] : memref<64xf32, #tpu.memory_space<vmem>>[vector<16xi32>], vector<16xf32>,
      %parallel_loop3A_302 = tpu.vector_load_idx %arg13[%parallel_loop3A_300] : memref<64xf32, #tpu.memory_space<vmem>>[vector<16xi32>], vector<16xf32>,
      %parallel_loop3A_303 = arith.sitofp %parallel_loop3A_288 : vector<16xi32> to vector<16xf32>
      %parallel_loop3A_304 = arith.subf %parallel_loop3A_284, %parallel_loop3A_303 : vector<16xf32>
      %parallel_loop3A_305 = arith.mulf %parallel_loop3A_296, %parallel_loop3A_302 : vector<16xf32>
      %parallel_loop3A_306 = arith.addf %parallel_loop3A_301, %parallel_loop3A_305 : vector<16xf32>
      %parallel_loop3A_307 = arith.addf %parallel_loop3A_279, %parallel_loop3A_306 : vector<16xf32>
      %parallel_loop3A_308 = arith.mulf %parallel_loop3A_304, %parallel_loop3A_304 : vector<16xf32>
      %parallel_loop3A_309 = arith.addf %parallel_loop3A_280, %parallel_loop3A_308 : vector<16xf32>
      scf.yield %parallel_loop3A_307, %parallel_loop3A_309 : vector<16xf32>, vector<16xf32>
    } {sc.loop_unroll_factor = 8 : i64, sc.parallel_access}
    %dma_wait3A_62 = tpu.memref_slice %arg2[%add3A_50] : memref<8388608xf32, #tpu.memory_space<hbm>> -> memref<16384xf32, #tpu.memory_space<hbm>>
    %dma_wait3A_63 = tpu.memref_slice %arg2[%add3A_50] : memref<8388608xf32, #tpu.memory_space<hbm>> -> memref<16384xf32, #tpu.memory_space<hbm>>
    tpu.wait_dma2 semaphore(%arg17 : memref<!tpu.dma_semaphore, #tpu.memory_space<semaphore_mem>>) src(%dma_wait3A_63 : memref<16384xf32, #tpu.memory_space<hbm>>) dst(%arg9 : memref<16384xf32, #tpu.memory_space<vmem>>)
    %dma_wait3A_64 = tpu.memref_slice %arg3[%add3A_54] : memref<8388608xi32, #tpu.memory_space<hbm>> -> memref<16384xi32, #tpu.memory_space<hbm>>
    %dma_wait3A_65 = tpu.memref_slice %arg3[%add3A_54] : memref<8388608xi32, #tpu.memory_space<hbm>> -> memref<16384xi32, #tpu.memory_space<hbm>>
    tpu.wait_dma2 semaphore(%arg19 : memref<!tpu.dma_semaphore, #tpu.memory_space<semaphore_mem>>) src(%dma_wait3A_65 : memref<16384xi32, #tpu.memory_space<hbm>>) dst(%arg11 : memref<16384xi32, #tpu.memory_space<vmem>>)
    %add3A_66 = arith.constant 65536 : i32
    %add3A_67 = arith.addi %mul3A_2, %add3A_66 : i32
    %dma_start3A_68 = tpu.memref_slice %arg2[%add3A_67] : memref<8388608xf32, #tpu.memory_space<hbm>> -> memref<16384xf32, #tpu.memory_space<hbm>>
    %dma_start3A_69 = tpu.memref_slice %arg2[%add3A_67] : memref<8388608xf32, #tpu.memory_space<hbm>> -> memref<16384xf32, #tpu.memory_space<hbm>>
    tpu.enqueue_dma source(%dma_start3A_69 : memref<16384xf32, #tpu.memory_space<hbm>>) target(%arg8 : memref<16384xf32, #tpu.memory_space<vmem>>) target_semaphore(%arg16 : memref<!tpu.dma_semaphore, #tpu.memory_space<semaphore_mem>>)
    %add3A_70 = arith.constant 65536 : i32
    %add3A_71 = arith.addi %mul3A_2, %add3A_70 : i32
    %dma_start3A_72 = tpu.memref_slice %arg3[%add3A_71] : memref<8388608xi32, #tpu.memory_space<hbm>> -> memref<16384xi32, #tpu.memory_space<hbm>>
    %dma_start3A_73 = tpu.memref_slice %arg3[%add3A_71] : memref<8388608xi32, #tpu.memory_space<hbm>> -> memref<16384xi32, #tpu.memory_space<hbm>>
    tpu.enqueue_dma source(%dma_start3A_73 : memref<16384xi32, #tpu.memory_space<hbm>>) target(%arg10 : memref<16384xi32, #tpu.memory_space<vmem>>) target_semaphore(%arg18 : memref<!tpu.dma_semaphore, #tpu.memory_space<semaphore_mem>>)
    %parallel_loop3A_74 = arith.constant 0 : i32
    %parallel_loop3A_75 = arith.constant 1024 : i32
    %parallel_loop3A_76 = arith.constant 1 : i32
    %parallel_loop3A_77 = arith.constant 7.000000e+00 : f32
    %parallel_loop3A_78:2 = scf.for %parallel_loop3A_278 = %parallel_loop3A_74 to %parallel_loop3A_75 step %parallel_loop3A_76 iter_args(%parallel_loop3A_279 = %parallel_loop3A_61#0, %parallel_loop3A_280 = %parallel_loop3A_61#1) -> (vector<16xf32>, vector<16xf32>)  : i32 {
      %parallel_loop3A_281 = arith.constant 16 : i32
      %parallel_loop3A_282 = arith.muli %parallel_loop3A_278, %parallel_loop3A_281 : i32
      %parallel_loop3A_283 = arith.index_cast %parallel_loop3A_282 : i32 to index
      %parallel_loop3A_284 = tpu.vector_load %arg9[%parallel_loop3A_283] {strides = array<i32>} : memref<16384xf32, #tpu.memory_space<vmem>>, vector<16xf32>,
      %parallel_loop3A_285 = arith.constant 16 : i32
      %parallel_loop3A_286 = arith.muli %parallel_loop3A_278, %parallel_loop3A_285 : i32
      %parallel_loop3A_287 = arith.index_cast %parallel_loop3A_286 : i32 to index
      %parallel_loop3A_288 = tpu.vector_load %arg11[%parallel_loop3A_287] {strides = array<i32>} : memref<16384xi32, #tpu.memory_space<vmem>>, vector<16xi32>,
      %parallel_loop3A_289 = arith.constant 0.000000e+00 : f32
      %parallel_loop3A_290 = vector.broadcast %parallel_loop3A_289 : f32 to vector<16xf32>
      %parallel_loop3A_291 = arith.maximumf %parallel_loop3A_284, %parallel_loop3A_290 : vector<16xf32>
      %parallel_loop3A_292 = vector.broadcast %parallel_loop3A_77 : f32 to vector<16xf32>
      %parallel_loop3A_293 = arith.minimumf %parallel_loop3A_291, %parallel_loop3A_292 : vector<16xf32>
      %parallel_loop3A_294 = arith.fptosi %parallel_loop3A_293 : vector<16xf32> to vector<16xi32>
      %parallel_loop3A_295 = arith.sitofp %parallel_loop3A_294 : vector<16xi32> to vector<16xf32>
      %parallel_loop3A_296 = arith.subf %parallel_loop3A_293, %parallel_loop3A_295 : vector<16xf32>
      %parallel_loop3A_297 = arith.constant 8 : i32
      %parallel_loop3A_298 = vector.broadcast %parallel_loop3A_297 : i32 to vector<16xi32>
      %parallel_loop3A_299 = arith.muli %parallel_loop3A_288, %parallel_loop3A_298 : vector<16xi32>
      %parallel_loop3A_300 = arith.addi %parallel_loop3A_299, %parallel_loop3A_294 : vector<16xi32>
      %parallel_loop3A_301 = tpu.vector_load_idx %arg12[%parallel_loop3A_300] : memref<64xf32, #tpu.memory_space<vmem>>[vector<16xi32>], vector<16xf32>,
      %parallel_loop3A_302 = tpu.vector_load_idx %arg13[%parallel_loop3A_300] : memref<64xf32, #tpu.memory_space<vmem>>[vector<16xi32>], vector<16xf32>,
      %parallel_loop3A_303 = arith.sitofp %parallel_loop3A_288 : vector<16xi32> to vector<16xf32>
      %parallel_loop3A_304 = arith.subf %parallel_loop3A_284, %parallel_loop3A_303 : vector<16xf32>
      %parallel_loop3A_305 = arith.mulf %parallel_loop3A_296, %parallel_loop3A_302 : vector<16xf32>
      %parallel_loop3A_306 = arith.addf %parallel_loop3A_301, %parallel_loop3A_305 : vector<16xf32>
      %parallel_loop3A_307 = arith.addf %parallel_loop3A_279, %parallel_loop3A_306 : vector<16xf32>
      %parallel_loop3A_308 = arith.mulf %parallel_loop3A_304, %parallel_loop3A_304 : vector<16xf32>
      %parallel_loop3A_309 = arith.addf %parallel_loop3A_280, %parallel_loop3A_308 : vector<16xf32>
      scf.yield %parallel_loop3A_307, %parallel_loop3A_309 : vector<16xf32>, vector<16xf32>
    } {sc.loop_unroll_factor = 8 : i64, sc.parallel_access}
    %dma_wait3A_79 = tpu.memref_slice %arg2[%add3A_67] : memref<8388608xf32, #tpu.memory_space<hbm>> -> memref<16384xf32, #tpu.memory_space<hbm>>
    %dma_wait3A_80 = tpu.memref_slice %arg2[%add3A_67] : memref<8388608xf32, #tpu.memory_space<hbm>> -> memref<16384xf32, #tpu.memory_space<hbm>>
    tpu.wait_dma2 semaphore(%arg16 : memref<!tpu.dma_semaphore, #tpu.memory_space<semaphore_mem>>) src(%dma_wait3A_80 : memref<16384xf32, #tpu.memory_space<hbm>>) dst(%arg8 : memref<16384xf32, #tpu.memory_space<vmem>>)
    %dma_wait3A_81 = tpu.memref_slice %arg3[%add3A_71] : memref<8388608xi32, #tpu.memory_space<hbm>> -> memref<16384xi32, #tpu.memory_space<hbm>>
    %dma_wait3A_82 = tpu.memref_slice %arg3[%add3A_71] : memref<8388608xi32, #tpu.memory_space<hbm>> -> memref<16384xi32, #tpu.memory_space<hbm>>
    tpu.wait_dma2 semaphore(%arg18 : memref<!tpu.dma_semaphore, #tpu.memory_space<semaphore_mem>>) src(%dma_wait3A_82 : memref<16384xi32, #tpu.memory_space<hbm>>) dst(%arg10 : memref<16384xi32, #tpu.memory_space<vmem>>)
    %add3A_83 = arith.constant 81920 : i32
    %add3A_84 = arith.addi %mul3A_2, %add3A_83 : i32
    %dma_start3A_85 = tpu.memref_slice %arg2[%add3A_84] : memref<8388608xf32, #tpu.memory_space<hbm>> -> memref<16384xf32, #tpu.memory_space<hbm>>
    %dma_start3A_86 = tpu.memref_slice %arg2[%add3A_84] : memref<8388608xf32, #tpu.memory_space<hbm>> -> memref<16384xf32, #tpu.memory_space<hbm>>
    tpu.enqueue_dma source(%dma_start3A_86 : memref<16384xf32, #tpu.memory_space<hbm>>) target(%arg9 : memref<16384xf32, #tpu.memory_space<vmem>>) target_semaphore(%arg17 : memref<!tpu.dma_semaphore, #tpu.memory_space<semaphore_mem>>)
    %add3A_87 = arith.constant 81920 : i32
    %add3A_88 = arith.addi %mul3A_2, %add3A_87 : i32
    %dma_start3A_89 = tpu.memref_slice %arg3[%add3A_88] : memref<8388608xi32, #tpu.memory_space<hbm>> -> memref<16384xi32, #tpu.memory_space<hbm>>
    %dma_start3A_90 = tpu.memref_slice %arg3[%add3A_88] : memref<8388608xi32, #tpu.memory_space<hbm>> -> memref<16384xi32, #tpu.memory_space<hbm>>
    tpu.enqueue_dma source(%dma_start3A_90 : memref<16384xi32, #tpu.memory_space<hbm>>) target(%arg11 : memref<16384xi32, #tpu.memory_space<vmem>>) target_semaphore(%arg19 : memref<!tpu.dma_semaphore, #tpu.memory_space<semaphore_mem>>)
    %parallel_loop3A_91 = arith.constant 0 : i32
    %parallel_loop3A_92 = arith.constant 1024 : i32
    %parallel_loop3A_93 = arith.constant 1 : i32
    %parallel_loop3A_94 = arith.constant 7.000000e+00 : f32
    %parallel_loop3A_95:2 = scf.for %parallel_loop3A_278 = %parallel_loop3A_91 to %parallel_loop3A_92 step %parallel_loop3A_93 iter_args(%parallel_loop3A_279 = %parallel_loop3A_78#0, %parallel_loop3A_280 = %parallel_loop3A_78#1) -> (vector<16xf32>, vector<16xf32>)  : i32 {
      %parallel_loop3A_281 = arith.constant 16 : i32
      %parallel_loop3A_282 = arith.muli %parallel_loop3A_278, %parallel_loop3A_281 : i32
      %parallel_loop3A_283 = arith.index_cast %parallel_loop3A_282 : i32 to index
      %parallel_loop3A_284 = tpu.vector_load %arg8[%parallel_loop3A_283] {strides = array<i32>} : memref<16384xf32, #tpu.memory_space<vmem>>, vector<16xf32>,
      %parallel_loop3A_285 = arith.constant 16 : i32
      %parallel_loop3A_286 = arith.muli %parallel_loop3A_278, %parallel_loop3A_285 : i32
      %parallel_loop3A_287 = arith.index_cast %parallel_loop3A_286 : i32 to index
      %parallel_loop3A_288 = tpu.vector_load %arg10[%parallel_loop3A_287] {strides = array<i32>} : memref<16384xi32, #tpu.memory_space<vmem>>, vector<16xi32>,
      %parallel_loop3A_289 = arith.constant 0.000000e+00 : f32
      %parallel_loop3A_290 = vector.broadcast %parallel_loop3A_289 : f32 to vector<16xf32>
      %parallel_loop3A_291 = arith.maximumf %parallel_loop3A_284, %parallel_loop3A_290 : vector<16xf32>
      %parallel_loop3A_292 = vector.broadcast %parallel_loop3A_94 : f32 to vector<16xf32>
      %parallel_loop3A_293 = arith.minimumf %parallel_loop3A_291, %parallel_loop3A_292 : vector<16xf32>
      %parallel_loop3A_294 = arith.fptosi %parallel_loop3A_293 : vector<16xf32> to vector<16xi32>
      %parallel_loop3A_295 = arith.sitofp %parallel_loop3A_294 : vector<16xi32> to vector<16xf32>
      %parallel_loop3A_296 = arith.subf %parallel_loop3A_293, %parallel_loop3A_295 : vector<16xf32>
      %parallel_loop3A_297 = arith.constant 8 : i32
      %parallel_loop3A_298 = vector.broadcast %parallel_loop3A_297 : i32 to vector<16xi32>
      %parallel_loop3A_299 = arith.muli %parallel_loop3A_288, %parallel_loop3A_298 : vector<16xi32>
      %parallel_loop3A_300 = arith.addi %parallel_loop3A_299, %parallel_loop3A_294 : vector<16xi32>
      %parallel_loop3A_301 = tpu.vector_load_idx %arg12[%parallel_loop3A_300] : memref<64xf32, #tpu.memory_space<vmem>>[vector<16xi32>], vector<16xf32>,
      %parallel_loop3A_302 = tpu.vector_load_idx %arg13[%parallel_loop3A_300] : memref<64xf32, #tpu.memory_space<vmem>>[vector<16xi32>], vector<16xf32>,
      %parallel_loop3A_303 = arith.sitofp %parallel_loop3A_288 : vector<16xi32> to vector<16xf32>
      %parallel_loop3A_304 = arith.subf %parallel_loop3A_284, %parallel_loop3A_303 : vector<16xf32>
      %parallel_loop3A_305 = arith.mulf %parallel_loop3A_296, %parallel_loop3A_302 : vector<16xf32>
      %parallel_loop3A_306 = arith.addf %parallel_loop3A_301, %parallel_loop3A_305 : vector<16xf32>
      %parallel_loop3A_307 = arith.addf %parallel_loop3A_279, %parallel_loop3A_306 : vector<16xf32>
      %parallel_loop3A_308 = arith.mulf %parallel_loop3A_304, %parallel_loop3A_304 : vector<16xf32>
      %parallel_loop3A_309 = arith.addf %parallel_loop3A_280, %parallel_loop3A_308 : vector<16xf32>
      scf.yield %parallel_loop3A_307, %parallel_loop3A_309 : vector<16xf32>, vector<16xf32>
    } {sc.loop_unroll_factor = 8 : i64, sc.parallel_access}
    %dma_wait3A_96 = tpu.memref_slice %arg2[%add3A_84] : memref<8388608xf32, #tpu.memory_space<hbm>> -> memref<16384xf32, #tpu.memory_space<hbm>>
    %dma_wait3A_97 = tpu.memref_slice %arg2[%add3A_84] : memref<8388608xf32, #tpu.memory_space<hbm>> -> memref<16384xf32, #tpu.memory_space<hbm>>
    tpu.wait_dma2 semaphore(%arg17 : memref<!tpu.dma_semaphore, #tpu.memory_space<semaphore_mem>>) src(%dma_wait3A_97 : memref<16384xf32, #tpu.memory_space<hbm>>) dst(%arg9 : memref<16384xf32, #tpu.memory_space<vmem>>)
    %dma_wait3A_98 = tpu.memref_slice %arg3[%add3A_88] : memref<8388608xi32, #tpu.memory_space<hbm>> -> memref<16384xi32, #tpu.memory_space<hbm>>
    %dma_wait3A_99 = tpu.memref_slice %arg3[%add3A_88] : memref<8388608xi32, #tpu.memory_space<hbm>> -> memref<16384xi32, #tpu.memory_space<hbm>>
    tpu.wait_dma2 semaphore(%arg19 : memref<!tpu.dma_semaphore, #tpu.memory_space<semaphore_mem>>) src(%dma_wait3A_99 : memref<16384xi32, #tpu.memory_space<hbm>>) dst(%arg11 : memref<16384xi32, #tpu.memory_space<vmem>>)
    %add3A_100 = arith.constant 98304 : i32
    %add3A_101 = arith.addi %mul3A_2, %add3A_100 : i32
    %dma_start3A_102 = tpu.memref_slice %arg2[%add3A_101] : memref<8388608xf32, #tpu.memory_space<hbm>> -> memref<16384xf32, #tpu.memory_space<hbm>>
    %dma_start3A_103 = tpu.memref_slice %arg2[%add3A_101] : memref<8388608xf32, #tpu.memory_space<hbm>> -> memref<16384xf32, #tpu.memory_space<hbm>>
    tpu.enqueue_dma source(%dma_start3A_103 : memref<16384xf32, #tpu.memory_space<hbm>>) target(%arg8 : memref<16384xf32, #tpu.memory_space<vmem>>) target_semaphore(%arg16 : memref<!tpu.dma_semaphore, #tpu.memory_space<semaphore_mem>>)
    %add3A_104 = arith.constant 98304 : i32
    %add3A_105 = arith.addi %mul3A_2, %add3A_104 : i32
    %dma_start3A_106 = tpu.memref_slice %arg3[%add3A_105] : memref<8388608xi32, #tpu.memory_space<hbm>> -> memref<16384xi32, #tpu.memory_space<hbm>>
    %dma_start3A_107 = tpu.memref_slice %arg3[%add3A_105] : memref<8388608xi32, #tpu.memory_space<hbm>> -> memref<16384xi32, #tpu.memory_space<hbm>>
    tpu.enqueue_dma source(%dma_start3A_107 : memref<16384xi32, #tpu.memory_space<hbm>>) target(%arg10 : memref<16384xi32, #tpu.memory_space<vmem>>) target_semaphore(%arg18 : memref<!tpu.dma_semaphore, #tpu.memory_space<semaphore_mem>>)
    %parallel_loop3A_108 = arith.constant 0 : i32
    %parallel_loop3A_109 = arith.constant 1024 : i32
    %parallel_loop3A_110 = arith.constant 1 : i32
    %parallel_loop3A_111 = arith.constant 7.000000e+00 : f32
    %parallel_loop3A_112:2 = scf.for %parallel_loop3A_278 = %parallel_loop3A_108 to %parallel_loop3A_109 step %parallel_loop3A_110 iter_args(%parallel_loop3A_279 = %parallel_loop3A_95#0, %parallel_loop3A_280 = %parallel_loop3A_95#1) -> (vector<16xf32>, vector<16xf32>)  : i32 {
      %parallel_loop3A_281 = arith.constant 16 : i32
      %parallel_loop3A_282 = arith.muli %parallel_loop3A_278, %parallel_loop3A_281 : i32
      %parallel_loop3A_283 = arith.index_cast %parallel_loop3A_282 : i32 to index
      %parallel_loop3A_284 = tpu.vector_load %arg9[%parallel_loop3A_283] {strides = array<i32>} : memref<16384xf32, #tpu.memory_space<vmem>>, vector<16xf32>,
      %parallel_loop3A_285 = arith.constant 16 : i32
      %parallel_loop3A_286 = arith.muli %parallel_loop3A_278, %parallel_loop3A_285 : i32
      %parallel_loop3A_287 = arith.index_cast %parallel_loop3A_286 : i32 to index
      %parallel_loop3A_288 = tpu.vector_load %arg11[%parallel_loop3A_287] {strides = array<i32>} : memref<16384xi32, #tpu.memory_space<vmem>>, vector<16xi32>,
      %parallel_loop3A_289 = arith.constant 0.000000e+00 : f32
      %parallel_loop3A_290 = vector.broadcast %parallel_loop3A_289 : f32 to vector<16xf32>
      %parallel_loop3A_291 = arith.maximumf %parallel_loop3A_284, %parallel_loop3A_290 : vector<16xf32>
      %parallel_loop3A_292 = vector.broadcast %parallel_loop3A_111 : f32 to vector<16xf32>
      %parallel_loop3A_293 = arith.minimumf %parallel_loop3A_291, %parallel_loop3A_292 : vector<16xf32>
      %parallel_loop3A_294 = arith.fptosi %parallel_loop3A_293 : vector<16xf32> to vector<16xi32>
      %parallel_loop3A_295 = arith.sitofp %parallel_loop3A_294 : vector<16xi32> to vector<16xf32>
      %parallel_loop3A_296 = arith.subf %parallel_loop3A_293, %parallel_loop3A_295 : vector<16xf32>
      %parallel_loop3A_297 = arith.constant 8 : i32
      %parallel_loop3A_298 = vector.broadcast %parallel_loop3A_297 : i32 to vector<16xi32>
      %parallel_loop3A_299 = arith.muli %parallel_loop3A_288, %parallel_loop3A_298 : vector<16xi32>
      %parallel_loop3A_300 = arith.addi %parallel_loop3A_299, %parallel_loop3A_294 : vector<16xi32>
      %parallel_loop3A_301 = tpu.vector_load_idx %arg12[%parallel_loop3A_300] : memref<64xf32, #tpu.memory_space<vmem>>[vector<16xi32>], vector<16xf32>,
      %parallel_loop3A_302 = tpu.vector_load_idx %arg13[%parallel_loop3A_300] : memref<64xf32, #tpu.memory_space<vmem>>[vector<16xi32>], vector<16xf32>,
      %parallel_loop3A_303 = arith.sitofp %parallel_loop3A_288 : vector<16xi32> to vector<16xf32>
      %parallel_loop3A_304 = arith.subf %parallel_loop3A_284, %parallel_loop3A_303 : vector<16xf32>
      %parallel_loop3A_305 = arith.mulf %parallel_loop3A_296, %parallel_loop3A_302 : vector<16xf32>
      %parallel_loop3A_306 = arith.addf %parallel_loop3A_301, %parallel_loop3A_305 : vector<16xf32>
      %parallel_loop3A_307 = arith.addf %parallel_loop3A_279, %parallel_loop3A_306 : vector<16xf32>
      %parallel_loop3A_308 = arith.mulf %parallel_loop3A_304, %parallel_loop3A_304 : vector<16xf32>
      %parallel_loop3A_309 = arith.addf %parallel_loop3A_280, %parallel_loop3A_308 : vector<16xf32>
      scf.yield %parallel_loop3A_307, %parallel_loop3A_309 : vector<16xf32>, vector<16xf32>
    } {sc.loop_unroll_factor = 8 : i64, sc.parallel_access}
    %dma_wait3A_113 = tpu.memref_slice %arg2[%add3A_101] : memref<8388608xf32, #tpu.memory_space<hbm>> -> memref<16384xf32, #tpu.memory_space<hbm>>
    %dma_wait3A_114 = tpu.memref_slice %arg2[%add3A_101] : memref<8388608xf32, #tpu.memory_space<hbm>> -> memref<16384xf32, #tpu.memory_space<hbm>>
    tpu.wait_dma2 semaphore(%arg16 : memref<!tpu.dma_semaphore, #tpu.memory_space<semaphore_mem>>) src(%dma_wait3A_114 : memref<16384xf32, #tpu.memory_space<hbm>>) dst(%arg8 : memref<16384xf32, #tpu.memory_space<vmem>>)
    %dma_wait3A_115 = tpu.memref_slice %arg3[%add3A_105] : memref<8388608xi32, #tpu.memory_space<hbm>> -> memref<16384xi32, #tpu.memory_space<hbm>>
    %dma_wait3A_116 = tpu.memref_slice %arg3[%add3A_105] : memref<8388608xi32, #tpu.memory_space<hbm>> -> memref<16384xi32, #tpu.memory_space<hbm>>
    tpu.wait_dma2 semaphore(%arg18 : memref<!tpu.dma_semaphore, #tpu.memory_space<semaphore_mem>>) src(%dma_wait3A_116 : memref<16384xi32, #tpu.memory_space<hbm>>) dst(%arg10 : memref<16384xi32, #tpu.memory_space<vmem>>)
    %add3A_117 = arith.constant 114688 : i32
    %add3A_118 = arith.addi %mul3A_2, %add3A_117 : i32
    %dma_start3A_119 = tpu.memref_slice %arg2[%add3A_118] : memref<8388608xf32, #tpu.memory_space<hbm>> -> memref<16384xf32, #tpu.memory_space<hbm>>
    %dma_start3A_120 = tpu.memref_slice %arg2[%add3A_118] : memref<8388608xf32, #tpu.memory_space<hbm>> -> memref<16384xf32, #tpu.memory_space<hbm>>
    tpu.enqueue_dma source(%dma_start3A_120 : memref<16384xf32, #tpu.memory_space<hbm>>) target(%arg9 : memref<16384xf32, #tpu.memory_space<vmem>>) target_semaphore(%arg17 : memref<!tpu.dma_semaphore, #tpu.memory_space<semaphore_mem>>)
    %add3A_121 = arith.constant 114688 : i32
    %add3A_122 = arith.addi %mul3A_2, %add3A_121 : i32
    %dma_start3A_123 = tpu.memref_slice %arg3[%add3A_122] : memref<8388608xi32, #tpu.memory_space<hbm>> -> memref<16384xi32, #tpu.memory_space<hbm>>
    %dma_start3A_124 = tpu.memref_slice %arg3[%add3A_122] : memref<8388608xi32, #tpu.memory_space<hbm>> -> memref<16384xi32, #tpu.memory_space<hbm>>
    tpu.enqueue_dma source(%dma_start3A_124 : memref<16384xi32, #tpu.memory_space<hbm>>) target(%arg11 : memref<16384xi32, #tpu.memory_space<vmem>>) target_semaphore(%arg19 : memref<!tpu.dma_semaphore, #tpu.memory_space<semaphore_mem>>)
    %parallel_loop3A_125 = arith.constant 0 : i32
    %parallel_loop3A_126 = arith.constant 1024 : i32
    %parallel_loop3A_127 = arith.constant 1 : i32
    %parallel_loop3A_128 = arith.constant 7.000000e+00 : f32
    %parallel_loop3A_129:2 = scf.for %parallel_loop3A_278 = %parallel_loop3A_125 to %parallel_loop3A_126 step %parallel_loop3A_127 iter_args(%parallel_loop3A_279 = %parallel_loop3A_112#0, %parallel_loop3A_280 = %parallel_loop3A_112#1) -> (vector<16xf32>, vector<16xf32>)  : i32 {
      %parallel_loop3A_281 = arith.constant 16 : i32
      %parallel_loop3A_282 = arith.muli %parallel_loop3A_278, %parallel_loop3A_281 : i32
      %parallel_loop3A_283 = arith.index_cast %parallel_loop3A_282 : i32 to index
      %parallel_loop3A_284 = tpu.vector_load %arg8[%parallel_loop3A_283] {strides = array<i32>} : memref<16384xf32, #tpu.memory_space<vmem>>, vector<16xf32>,
      %parallel_loop3A_285 = arith.constant 16 : i32
      %parallel_loop3A_286 = arith.muli %parallel_loop3A_278, %parallel_loop3A_285 : i32
      %parallel_loop3A_287 = arith.index_cast %parallel_loop3A_286 : i32 to index
      %parallel_loop3A_288 = tpu.vector_load %arg10[%parallel_loop3A_287] {strides = array<i32>} : memref<16384xi32, #tpu.memory_space<vmem>>, vector<16xi32>,
      %parallel_loop3A_289 = arith.constant 0.000000e+00 : f32
      %parallel_loop3A_290 = vector.broadcast %parallel_loop3A_289 : f32 to vector<16xf32>
      %parallel_loop3A_291 = arith.maximumf %parallel_loop3A_284, %parallel_loop3A_290 : vector<16xf32>
      %parallel_loop3A_292 = vector.broadcast %parallel_loop3A_128 : f32 to vector<16xf32>
      %parallel_loop3A_293 = arith.minimumf %parallel_loop3A_291, %parallel_loop3A_292 : vector<16xf32>
      %parallel_loop3A_294 = arith.fptosi %parallel_loop3A_293 : vector<16xf32> to vector<16xi32>
      %parallel_loop3A_295 = arith.sitofp %parallel_loop3A_294 : vector<16xi32> to vector<16xf32>
      %parallel_loop3A_296 = arith.subf %parallel_loop3A_293, %parallel_loop3A_295 : vector<16xf32>
      %parallel_loop3A_297 = arith.constant 8 : i32
      %parallel_loop3A_298 = vector.broadcast %parallel_loop3A_297 : i32 to vector<16xi32>
      %parallel_loop3A_299 = arith.muli %parallel_loop3A_288, %parallel_loop3A_298 : vector<16xi32>
      %parallel_loop3A_300 = arith.addi %parallel_loop3A_299, %parallel_loop3A_294 : vector<16xi32>
      %parallel_loop3A_301 = tpu.vector_load_idx %arg12[%parallel_loop3A_300] : memref<64xf32, #tpu.memory_space<vmem>>[vector<16xi32>], vector<16xf32>,
      %parallel_loop3A_302 = tpu.vector_load_idx %arg13[%parallel_loop3A_300] : memref<64xf32, #tpu.memory_space<vmem>>[vector<16xi32>], vector<16xf32>,
      %parallel_loop3A_303 = arith.sitofp %parallel_loop3A_288 : vector<16xi32> to vector<16xf32>
      %parallel_loop3A_304 = arith.subf %parallel_loop3A_284, %parallel_loop3A_303 : vector<16xf32>
      %parallel_loop3A_305 = arith.mulf %parallel_loop3A_296, %parallel_loop3A_302 : vector<16xf32>
      %parallel_loop3A_306 = arith.addf %parallel_loop3A_301, %parallel_loop3A_305 : vector<16xf32>
      %parallel_loop3A_307 = arith.addf %parallel_loop3A_279, %parallel_loop3A_306 : vector<16xf32>
      %parallel_loop3A_308 = arith.mulf %parallel_loop3A_304, %parallel_loop3A_304 : vector<16xf32>
      %parallel_loop3A_309 = arith.addf %parallel_loop3A_280, %parallel_loop3A_308 : vector<16xf32>
      scf.yield %parallel_loop3A_307, %parallel_loop3A_309 : vector<16xf32>, vector<16xf32>
    } {sc.loop_unroll_factor = 8 : i64, sc.parallel_access}
    %dma_wait3A_130 = tpu.memref_slice %arg2[%add3A_118] : memref<8388608xf32, #tpu.memory_space<hbm>> -> memref<16384xf32, #tpu.memory_space<hbm>>
    %dma_wait3A_131 = tpu.memref_slice %arg2[%add3A_118] : memref<8388608xf32, #tpu.memory_space<hbm>> -> memref<16384xf32, #tpu.memory_space<hbm>>
    tpu.wait_dma2 semaphore(%arg17 : memref<!tpu.dma_semaphore, #tpu.memory_space<semaphore_mem>>) src(%dma_wait3A_131 : memref<16384xf32, #tpu.memory_space<hbm>>) dst(%arg9 : memref<16384xf32, #tpu.memory_space<vmem>>)
    %dma_wait3A_132 = tpu.memref_slice %arg3[%add3A_122] : memref<8388608xi32, #tpu.memory_space<hbm>> -> memref<16384xi32, #tpu.memory_space<hbm>>
    %dma_wait3A_133 = tpu.memref_slice %arg3[%add3A_122] : memref<8388608xi32, #tpu.memory_space<hbm>> -> memref<16384xi32, #tpu.memory_space<hbm>>
    tpu.wait_dma2 semaphore(%arg19 : memref<!tpu.dma_semaphore, #tpu.memory_space<semaphore_mem>>) src(%dma_wait3A_133 : memref<16384xi32, #tpu.memory_space<hbm>>) dst(%arg11 : memref<16384xi32, #tpu.memory_space<vmem>>)
    %add3A_134 = arith.constant 131072 : i32
    %add3A_135 = arith.addi %mul3A_2, %add3A_134 : i32
    %dma_start3A_136 = tpu.memref_slice %arg2[%add3A_135] : memref<8388608xf32, #tpu.memory_space<hbm>> -> memref<16384xf32, #tpu.memory_space<hbm>>
    %dma_start3A_137 = tpu.memref_slice %arg2[%add3A_135] : memref<8388608xf32, #tpu.memory_space<hbm>> -> memref<16384xf32, #tpu.memory_space<hbm>>
    tpu.enqueue_dma source(%dma_start3A_137 : memref<16384xf32, #tpu.memory_space<hbm>>) target(%arg8 : memref<16384xf32, #tpu.memory_space<vmem>>) target_semaphore(%arg16 : memref<!tpu.dma_semaphore, #tpu.memory_space<semaphore_mem>>)
    %add3A_138 = arith.constant 131072 : i32
    %add3A_139 = arith.addi %mul3A_2, %add3A_138 : i32
    %dma_start3A_140 = tpu.memref_slice %arg3[%add3A_139] : memref<8388608xi32, #tpu.memory_space<hbm>> -> memref<16384xi32, #tpu.memory_space<hbm>>
    %dma_start3A_141 = tpu.memref_slice %arg3[%add3A_139] : memref<8388608xi32, #tpu.memory_space<hbm>> -> memref<16384xi32, #tpu.memory_space<hbm>>
    tpu.enqueue_dma source(%dma_start3A_141 : memref<16384xi32, #tpu.memory_space<hbm>>) target(%arg10 : memref<16384xi32, #tpu.memory_space<vmem>>) target_semaphore(%arg18 : memref<!tpu.dma_semaphore, #tpu.memory_space<semaphore_mem>>)
    %parallel_loop3A_142 = arith.constant 0 : i32
    %parallel_loop3A_143 = arith.constant 1024 : i32
    %parallel_loop3A_144 = arith.constant 1 : i32
    %parallel_loop3A_145 = arith.constant 7.000000e+00 : f32
    %parallel_loop3A_146:2 = scf.for %parallel_loop3A_278 = %parallel_loop3A_142 to %parallel_loop3A_143 step %parallel_loop3A_144 iter_args(%parallel_loop3A_279 = %parallel_loop3A_129#0, %parallel_loop3A_280 = %parallel_loop3A_129#1) -> (vector<16xf32>, vector<16xf32>)  : i32 {
      %parallel_loop3A_281 = arith.constant 16 : i32
      %parallel_loop3A_282 = arith.muli %parallel_loop3A_278, %parallel_loop3A_281 : i32
      %parallel_loop3A_283 = arith.index_cast %parallel_loop3A_282 : i32 to index
      %parallel_loop3A_284 = tpu.vector_load %arg9[%parallel_loop3A_283] {strides = array<i32>} : memref<16384xf32, #tpu.memory_space<vmem>>, vector<16xf32>,
      %parallel_loop3A_285 = arith.constant 16 : i32
      %parallel_loop3A_286 = arith.muli %parallel_loop3A_278, %parallel_loop3A_285 : i32
      %parallel_loop3A_287 = arith.index_cast %parallel_loop3A_286 : i32 to index
      %parallel_loop3A_288 = tpu.vector_load %arg11[%parallel_loop3A_287] {strides = array<i32>} : memref<16384xi32, #tpu.memory_space<vmem>>, vector<16xi32>,
      %parallel_loop3A_289 = arith.constant 0.000000e+00 : f32
      %parallel_loop3A_290 = vector.broadcast %parallel_loop3A_289 : f32 to vector<16xf32>
      %parallel_loop3A_291 = arith.maximumf %parallel_loop3A_284, %parallel_loop3A_290 : vector<16xf32>
      %parallel_loop3A_292 = vector.broadcast %parallel_loop3A_145 : f32 to vector<16xf32>
      %parallel_loop3A_293 = arith.minimumf %parallel_loop3A_291, %parallel_loop3A_292 : vector<16xf32>
      %parallel_loop3A_294 = arith.fptosi %parallel_loop3A_293 : vector<16xf32> to vector<16xi32>
      %parallel_loop3A_295 = arith.sitofp %parallel_loop3A_294 : vector<16xi32> to vector<16xf32>
      %parallel_loop3A_296 = arith.subf %parallel_loop3A_293, %parallel_loop3A_295 : vector<16xf32>
      %parallel_loop3A_297 = arith.constant 8 : i32
      %parallel_loop3A_298 = vector.broadcast %parallel_loop3A_297 : i32 to vector<16xi32>
      %parallel_loop3A_299 = arith.muli %parallel_loop3A_288, %parallel_loop3A_298 : vector<16xi32>
      %parallel_loop3A_300 = arith.addi %parallel_loop3A_299, %parallel_loop3A_294 : vector<16xi32>
      %parallel_loop3A_301 = tpu.vector_load_idx %arg12[%parallel_loop3A_300] : memref<64xf32, #tpu.memory_space<vmem>>[vector<16xi32>], vector<16xf32>,
      %parallel_loop3A_302 = tpu.vector_load_idx %arg13[%parallel_loop3A_300] : memref<64xf32, #tpu.memory_space<vmem>>[vector<16xi32>], vector<16xf32>,
      %parallel_loop3A_303 = arith.sitofp %parallel_loop3A_288 : vector<16xi32> to vector<16xf32>
      %parallel_loop3A_304 = arith.subf %parallel_loop3A_284, %parallel_loop3A_303 : vector<16xf32>
      %parallel_loop3A_305 = arith.mulf %parallel_loop3A_296, %parallel_loop3A_302 : vector<16xf32>
      %parallel_loop3A_306 = arith.addf %parallel_loop3A_301, %parallel_loop3A_305 : vector<16xf32>
      %parallel_loop3A_307 = arith.addf %parallel_loop3A_279, %parallel_loop3A_306 : vector<16xf32>
      %parallel_loop3A_308 = arith.mulf %parallel_loop3A_304, %parallel_loop3A_304 : vector<16xf32>
      %parallel_loop3A_309 = arith.addf %parallel_loop3A_280, %parallel_loop3A_308 : vector<16xf32>
      scf.yield %parallel_loop3A_307, %parallel_loop3A_309 : vector<16xf32>, vector<16xf32>
    } {sc.loop_unroll_factor = 8 : i64, sc.parallel_access}
    %dma_wait3A_147 = tpu.memref_slice %arg2[%add3A_135] : memref<8388608xf32, #tpu.memory_space<hbm>> -> memref<16384xf32, #tpu.memory_space<hbm>>
    %dma_wait3A_148 = tpu.memref_slice %arg2[%add3A_135] : memref<8388608xf32, #tpu.memory_space<hbm>> -> memref<16384xf32, #tpu.memory_space<hbm>>
    tpu.wait_dma2 semaphore(%arg16 : memref<!tpu.dma_semaphore, #tpu.memory_space<semaphore_mem>>) src(%dma_wait3A_148 : memref<16384xf32, #tpu.memory_space<hbm>>) dst(%arg8 : memref<16384xf32, #tpu.memory_space<vmem>>)
    %dma_wait3A_149 = tpu.memref_slice %arg3[%add3A_139] : memref<8388608xi32, #tpu.memory_space<hbm>> -> memref<16384xi32, #tpu.memory_space<hbm>>
    %dma_wait3A_150 = tpu.memref_slice %arg3[%add3A_139] : memref<8388608xi32, #tpu.memory_space<hbm>> -> memref<16384xi32, #tpu.memory_space<hbm>>
    tpu.wait_dma2 semaphore(%arg18 : memref<!tpu.dma_semaphore, #tpu.memory_space<semaphore_mem>>) src(%dma_wait3A_150 : memref<16384xi32, #tpu.memory_space<hbm>>) dst(%arg10 : memref<16384xi32, #tpu.memory_space<vmem>>)
    %add3A_151 = arith.constant 147456 : i32
    %add3A_152 = arith.addi %mul3A_2, %add3A_151 : i32
    %dma_start3A_153 = tpu.memref_slice %arg2[%add3A_152] : memref<8388608xf32, #tpu.memory_space<hbm>> -> memref<16384xf32, #tpu.memory_space<hbm>>
    %dma_start3A_154 = tpu.memref_slice %arg2[%add3A_152] : memref<8388608xf32, #tpu.memory_space<hbm>> -> memref<16384xf32, #tpu.memory_space<hbm>>
    tpu.enqueue_dma source(%dma_start3A_154 : memref<16384xf32, #tpu.memory_space<hbm>>) target(%arg9 : memref<16384xf32, #tpu.memory_space<vmem>>) target_semaphore(%arg17 : memref<!tpu.dma_semaphore, #tpu.memory_space<semaphore_mem>>)
    %add3A_155 = arith.constant 147456 : i32
    %add3A_156 = arith.addi %mul3A_2, %add3A_155 : i32
    %dma_start3A_157 = tpu.memref_slice %arg3[%add3A_156] : memref<8388608xi32, #tpu.memory_space<hbm>> -> memref<16384xi32, #tpu.memory_space<hbm>>
    %dma_start3A_158 = tpu.memref_slice %arg3[%add3A_156] : memref<8388608xi32, #tpu.memory_space<hbm>> -> memref<16384xi32, #tpu.memory_space<hbm>>
    tpu.enqueue_dma source(%dma_start3A_158 : memref<16384xi32, #tpu.memory_space<hbm>>) target(%arg11 : memref<16384xi32, #tpu.memory_space<vmem>>) target_semaphore(%arg19 : memref<!tpu.dma_semaphore, #tpu.memory_space<semaphore_mem>>)
    %parallel_loop3A_159 = arith.constant 0 : i32
    %parallel_loop3A_160 = arith.constant 1024 : i32
    %parallel_loop3A_161 = arith.constant 1 : i32
    %parallel_loop3A_162 = arith.constant 7.000000e+00 : f32
    %parallel_loop3A_163:2 = scf.for %parallel_loop3A_278 = %parallel_loop3A_159 to %parallel_loop3A_160 step %parallel_loop3A_161 iter_args(%parallel_loop3A_279 = %parallel_loop3A_146#0, %parallel_loop3A_280 = %parallel_loop3A_146#1) -> (vector<16xf32>, vector<16xf32>)  : i32 {
      %parallel_loop3A_281 = arith.constant 16 : i32
      %parallel_loop3A_282 = arith.muli %parallel_loop3A_278, %parallel_loop3A_281 : i32
      %parallel_loop3A_283 = arith.index_cast %parallel_loop3A_282 : i32 to index
      %parallel_loop3A_284 = tpu.vector_load %arg8[%parallel_loop3A_283] {strides = array<i32>} : memref<16384xf32, #tpu.memory_space<vmem>>, vector<16xf32>,
      %parallel_loop3A_285 = arith.constant 16 : i32
      %parallel_loop3A_286 = arith.muli %parallel_loop3A_278, %parallel_loop3A_285 : i32
      %parallel_loop3A_287 = arith.index_cast %parallel_loop3A_286 : i32 to index
      %parallel_loop3A_288 = tpu.vector_load %arg10[%parallel_loop3A_287] {strides = array<i32>} : memref<16384xi32, #tpu.memory_space<vmem>>, vector<16xi32>,
      %parallel_loop3A_289 = arith.constant 0.000000e+00 : f32
      %parallel_loop3A_290 = vector.broadcast %parallel_loop3A_289 : f32 to vector<16xf32>
      %parallel_loop3A_291 = arith.maximumf %parallel_loop3A_284, %parallel_loop3A_290 : vector<16xf32>
      %parallel_loop3A_292 = vector.broadcast %parallel_loop3A_162 : f32 to vector<16xf32>
      %parallel_loop3A_293 = arith.minimumf %parallel_loop3A_291, %parallel_loop3A_292 : vector<16xf32>
      %parallel_loop3A_294 = arith.fptosi %parallel_loop3A_293 : vector<16xf32> to vector<16xi32>
      %parallel_loop3A_295 = arith.sitofp %parallel_loop3A_294 : vector<16xi32> to vector<16xf32>
      %parallel_loop3A_296 = arith.subf %parallel_loop3A_293, %parallel_loop3A_295 : vector<16xf32>
      %parallel_loop3A_297 = arith.constant 8 : i32
      %parallel_loop3A_298 = vector.broadcast %parallel_loop3A_297 : i32 to vector<16xi32>
      %parallel_loop3A_299 = arith.muli %parallel_loop3A_288, %parallel_loop3A_298 : vector<16xi32>
      %parallel_loop3A_300 = arith.addi %parallel_loop3A_299, %parallel_loop3A_294 : vector<16xi32>
      %parallel_loop3A_301 = tpu.vector_load_idx %arg12[%parallel_loop3A_300] : memref<64xf32, #tpu.memory_space<vmem>>[vector<16xi32>], vector<16xf32>,
      %parallel_loop3A_302 = tpu.vector_load_idx %arg13[%parallel_loop3A_300] : memref<64xf32, #tpu.memory_space<vmem>>[vector<16xi32>], vector<16xf32>,
      %parallel_loop3A_303 = arith.sitofp %parallel_loop3A_288 : vector<16xi32> to vector<16xf32>
      %parallel_loop3A_304 = arith.subf %parallel_loop3A_284, %parallel_loop3A_303 : vector<16xf32>
      %parallel_loop3A_305 = arith.mulf %parallel_loop3A_296, %parallel_loop3A_302 : vector<16xf32>
      %parallel_loop3A_306 = arith.addf %parallel_loop3A_301, %parallel_loop3A_305 : vector<16xf32>
      %parallel_loop3A_307 = arith.addf %parallel_loop3A_279, %parallel_loop3A_306 : vector<16xf32>
      %parallel_loop3A_308 = arith.mulf %parallel_loop3A_304, %parallel_loop3A_304 : vector<16xf32>
      %parallel_loop3A_309 = arith.addf %parallel_loop3A_280, %parallel_loop3A_308 : vector<16xf32>
      scf.yield %parallel_loop3A_307, %parallel_loop3A_309 : vector<16xf32>, vector<16xf32>
    } {sc.loop_unroll_factor = 8 : i64, sc.parallel_access}
    %dma_wait3A_164 = tpu.memref_slice %arg2[%add3A_152] : memref<8388608xf32, #tpu.memory_space<hbm>> -> memref<16384xf32, #tpu.memory_space<hbm>>
    %dma_wait3A_165 = tpu.memref_slice %arg2[%add3A_152] : memref<8388608xf32, #tpu.memory_space<hbm>> -> memref<16384xf32, #tpu.memory_space<hbm>>
    tpu.wait_dma2 semaphore(%arg17 : memref<!tpu.dma_semaphore, #tpu.memory_space<semaphore_mem>>) src(%dma_wait3A_165 : memref<16384xf32, #tpu.memory_space<hbm>>) dst(%arg9 : memref<16384xf32, #tpu.memory_space<vmem>>)
    %dma_wait3A_166 = tpu.memref_slice %arg3[%add3A_156] : memref<8388608xi32, #tpu.memory_space<hbm>> -> memref<16384xi32, #tpu.memory_space<hbm>>
    %dma_wait3A_167 = tpu.memref_slice %arg3[%add3A_156] : memref<8388608xi32, #tpu.memory_space<hbm>> -> memref<16384xi32, #tpu.memory_space<hbm>>
    tpu.wait_dma2 semaphore(%arg19 : memref<!tpu.dma_semaphore, #tpu.memory_space<semaphore_mem>>) src(%dma_wait3A_167 : memref<16384xi32, #tpu.memory_space<hbm>>) dst(%arg11 : memref<16384xi32, #tpu.memory_space<vmem>>)
    %add3A_168 = arith.constant 163840 : i32
    %add3A_169 = arith.addi %mul3A_2, %add3A_168 : i32
    %dma_start3A_170 = tpu.memref_slice %arg2[%add3A_169] : memref<8388608xf32, #tpu.memory_space<hbm>> -> memref<16384xf32, #tpu.memory_space<hbm>>
    %dma_start3A_171 = tpu.memref_slice %arg2[%add3A_169] : memref<8388608xf32, #tpu.memory_space<hbm>> -> memref<16384xf32, #tpu.memory_space<hbm>>
    tpu.enqueue_dma source(%dma_start3A_171 : memref<16384xf32, #tpu.memory_space<hbm>>) target(%arg8 : memref<16384xf32, #tpu.memory_space<vmem>>) target_semaphore(%arg16 : memref<!tpu.dma_semaphore, #tpu.memory_space<semaphore_mem>>)
    %add3A_172 = arith.constant 163840 : i32
    %add3A_173 = arith.addi %mul3A_2, %add3A_172 : i32
    %dma_start3A_174 = tpu.memref_slice %arg3[%add3A_173] : memref<8388608xi32, #tpu.memory_space<hbm>> -> memref<16384xi32, #tpu.memory_space<hbm>>
    %dma_start3A_175 = tpu.memref_slice %arg3[%add3A_173] : memref<8388608xi32, #tpu.memory_space<hbm>> -> memref<16384xi32, #tpu.memory_space<hbm>>
    tpu.enqueue_dma source(%dma_start3A_175 : memref<16384xi32, #tpu.memory_space<hbm>>) target(%arg10 : memref<16384xi32, #tpu.memory_space<vmem>>) target_semaphore(%arg18 : memref<!tpu.dma_semaphore, #tpu.memory_space<semaphore_mem>>)
    %parallel_loop3A_176 = arith.constant 0 : i32
    %parallel_loop3A_177 = arith.constant 1024 : i32
    %parallel_loop3A_178 = arith.constant 1 : i32
    %parallel_loop3A_179 = arith.constant 7.000000e+00 : f32
    %parallel_loop3A_180:2 = scf.for %parallel_loop3A_278 = %parallel_loop3A_176 to %parallel_loop3A_177 step %parallel_loop3A_178 iter_args(%parallel_loop3A_279 = %parallel_loop3A_163#0, %parallel_loop3A_280 = %parallel_loop3A_163#1) -> (vector<16xf32>, vector<16xf32>)  : i32 {
      %parallel_loop3A_281 = arith.constant 16 : i32
      %parallel_loop3A_282 = arith.muli %parallel_loop3A_278, %parallel_loop3A_281 : i32
      %parallel_loop3A_283 = arith.index_cast %parallel_loop3A_282 : i32 to index
      %parallel_loop3A_284 = tpu.vector_load %arg9[%parallel_loop3A_283] {strides = array<i32>} : memref<16384xf32, #tpu.memory_space<vmem>>, vector<16xf32>,
      %parallel_loop3A_285 = arith.constant 16 : i32
      %parallel_loop3A_286 = arith.muli %parallel_loop3A_278, %parallel_loop3A_285 : i32
      %parallel_loop3A_287 = arith.index_cast %parallel_loop3A_286 : i32 to index
      %parallel_loop3A_288 = tpu.vector_load %arg11[%parallel_loop3A_287] {strides = array<i32>} : memref<16384xi32, #tpu.memory_space<vmem>>, vector<16xi32>,
      %parallel_loop3A_289 = arith.constant 0.000000e+00 : f32
      %parallel_loop3A_290 = vector.broadcast %parallel_loop3A_289 : f32 to vector<16xf32>
      %parallel_loop3A_291 = arith.maximumf %parallel_loop3A_284, %parallel_loop3A_290 : vector<16xf32>
      %parallel_loop3A_292 = vector.broadcast %parallel_loop3A_179 : f32 to vector<16xf32>
      %parallel_loop3A_293 = arith.minimumf %parallel_loop3A_291, %parallel_loop3A_292 : vector<16xf32>
      %parallel_loop3A_294 = arith.fptosi %parallel_loop3A_293 : vector<16xf32> to vector<16xi32>
      %parallel_loop3A_295 = arith.sitofp %parallel_loop3A_294 : vector<16xi32> to vector<16xf32>
      %parallel_loop3A_296 = arith.subf %parallel_loop3A_293, %parallel_loop3A_295 : vector<16xf32>
      %parallel_loop3A_297 = arith.constant 8 : i32
      %parallel_loop3A_298 = vector.broadcast %parallel_loop3A_297 : i32 to vector<16xi32>
      %parallel_loop3A_299 = arith.muli %parallel_loop3A_288, %parallel_loop3A_298 : vector<16xi32>
      %parallel_loop3A_300 = arith.addi %parallel_loop3A_299, %parallel_loop3A_294 : vector<16xi32>
      %parallel_loop3A_301 = tpu.vector_load_idx %arg12[%parallel_loop3A_300] : memref<64xf32, #tpu.memory_space<vmem>>[vector<16xi32>], vector<16xf32>,
      %parallel_loop3A_302 = tpu.vector_load_idx %arg13[%parallel_loop3A_300] : memref<64xf32, #tpu.memory_space<vmem>>[vector<16xi32>], vector<16xf32>,
      %parallel_loop3A_303 = arith.sitofp %parallel_loop3A_288 : vector<16xi32> to vector<16xf32>
      %parallel_loop3A_304 = arith.subf %parallel_loop3A_284, %parallel_loop3A_303 : vector<16xf32>
      %parallel_loop3A_305 = arith.mulf %parallel_loop3A_296, %parallel_loop3A_302 : vector<16xf32>
      %parallel_loop3A_306 = arith.addf %parallel_loop3A_301, %parallel_loop3A_305 : vector<16xf32>
      %parallel_loop3A_307 = arith.addf %parallel_loop3A_279, %parallel_loop3A_306 : vector<16xf32>
      %parallel_loop3A_308 = arith.mulf %parallel_loop3A_304, %parallel_loop3A_304 : vector<16xf32>
      %parallel_loop3A_309 = arith.addf %parallel_loop3A_280, %parallel_loop3A_308 : vector<16xf32>
      scf.yield %parallel_loop3A_307, %parallel_loop3A_309 : vector<16xf32>, vector<16xf32>
    } {sc.loop_unroll_factor = 8 : i64, sc.parallel_access}
    %dma_wait3A_181 = tpu.memref_slice %arg2[%add3A_169] : memref<8388608xf32, #tpu.memory_space<hbm>> -> memref<16384xf32, #tpu.memory_space<hbm>>
    %dma_wait3A_182 = tpu.memref_slice %arg2[%add3A_169] : memref<8388608xf32, #tpu.memory_space<hbm>> -> memref<16384xf32, #tpu.memory_space<hbm>>
    tpu.wait_dma2 semaphore(%arg16 : memref<!tpu.dma_semaphore, #tpu.memory_space<semaphore_mem>>) src(%dma_wait3A_182 : memref<16384xf32, #tpu.memory_space<hbm>>) dst(%arg8 : memref<16384xf32, #tpu.memory_space<vmem>>)
    %dma_wait3A_183 = tpu.memref_slice %arg3[%add3A_173] : memref<8388608xi32, #tpu.memory_space<hbm>> -> memref<16384xi32, #tpu.memory_space<hbm>>
    %dma_wait3A_184 = tpu.memref_slice %arg3[%add3A_173] : memref<8388608xi32, #tpu.memory_space<hbm>> -> memref<16384xi32, #tpu.memory_space<hbm>>
    tpu.wait_dma2 semaphore(%arg18 : memref<!tpu.dma_semaphore, #tpu.memory_space<semaphore_mem>>) src(%dma_wait3A_184 : memref<16384xi32, #tpu.memory_space<hbm>>) dst(%arg10 : memref<16384xi32, #tpu.memory_space<vmem>>)
    %add3A_185 = arith.constant 180224 : i32
    %add3A_186 = arith.addi %mul3A_2, %add3A_185 : i32
    %dma_start3A_187 = tpu.memref_slice %arg2[%add3A_186] : memref<8388608xf32, #tpu.memory_space<hbm>> -> memref<16384xf32, #tpu.memory_space<hbm>>
    %dma_start3A_188 = tpu.memref_slice %arg2[%add3A_186] : memref<8388608xf32, #tpu.memory_space<hbm>> -> memref<16384xf32, #tpu.memory_space<hbm>>
    tpu.enqueue_dma source(%dma_start3A_188 : memref<16384xf32, #tpu.memory_space<hbm>>) target(%arg9 : memref<16384xf32, #tpu.memory_space<vmem>>) target_semaphore(%arg17 : memref<!tpu.dma_semaphore, #tpu.memory_space<semaphore_mem>>)
    %add3A_189 = arith.constant 180224 : i32
    %add3A_190 = arith.addi %mul3A_2, %add3A_189 : i32
    %dma_start3A_191 = tpu.memref_slice %arg3[%add3A_190] : memref<8388608xi32, #tpu.memory_space<hbm>> -> memref<16384xi32, #tpu.memory_space<hbm>>
    %dma_start3A_192 = tpu.memref_slice %arg3[%add3A_190] : memref<8388608xi32, #tpu.memory_space<hbm>> -> memref<16384xi32, #tpu.memory_space<hbm>>
    tpu.enqueue_dma source(%dma_start3A_192 : memref<16384xi32, #tpu.memory_space<hbm>>) target(%arg11 : memref<16384xi32, #tpu.memory_space<vmem>>) target_semaphore(%arg19 : memref<!tpu.dma_semaphore, #tpu.memory_space<semaphore_mem>>)
    %parallel_loop3A_193 = arith.constant 0 : i32
    %parallel_loop3A_194 = arith.constant 1024 : i32
    %parallel_loop3A_195 = arith.constant 1 : i32
    %parallel_loop3A_196 = arith.constant 7.000000e+00 : f32
    %parallel_loop3A_197:2 = scf.for %parallel_loop3A_278 = %parallel_loop3A_193 to %parallel_loop3A_194 step %parallel_loop3A_195 iter_args(%parallel_loop3A_279 = %parallel_loop3A_180#0, %parallel_loop3A_280 = %parallel_loop3A_180#1) -> (vector<16xf32>, vector<16xf32>)  : i32 {
      %parallel_loop3A_281 = arith.constant 16 : i32
      %parallel_loop3A_282 = arith.muli %parallel_loop3A_278, %parallel_loop3A_281 : i32
      %parallel_loop3A_283 = arith.index_cast %parallel_loop3A_282 : i32 to index
      %parallel_loop3A_284 = tpu.vector_load %arg8[%parallel_loop3A_283] {strides = array<i32>} : memref<16384xf32, #tpu.memory_space<vmem>>, vector<16xf32>,
      %parallel_loop3A_285 = arith.constant 16 : i32
      %parallel_loop3A_286 = arith.muli %parallel_loop3A_278, %parallel_loop3A_285 : i32
      %parallel_loop3A_287 = arith.index_cast %parallel_loop3A_286 : i32 to index
      %parallel_loop3A_288 = tpu.vector_load %arg10[%parallel_loop3A_287] {strides = array<i32>} : memref<16384xi32, #tpu.memory_space<vmem>>, vector<16xi32>,
      %parallel_loop3A_289 = arith.constant 0.000000e+00 : f32
      %parallel_loop3A_290 = vector.broadcast %parallel_loop3A_289 : f32 to vector<16xf32>
      %parallel_loop3A_291 = arith.maximumf %parallel_loop3A_284, %parallel_loop3A_290 : vector<16xf32>
      %parallel_loop3A_292 = vector.broadcast %parallel_loop3A_196 : f32 to vector<16xf32>
      %parallel_loop3A_293 = arith.minimumf %parallel_loop3A_291, %parallel_loop3A_292 : vector<16xf32>
      %parallel_loop3A_294 = arith.fptosi %parallel_loop3A_293 : vector<16xf32> to vector<16xi32>
      %parallel_loop3A_295 = arith.sitofp %parallel_loop3A_294 : vector<16xi32> to vector<16xf32>
      %parallel_loop3A_296 = arith.subf %parallel_loop3A_293, %parallel_loop3A_295 : vector<16xf32>
      %parallel_loop3A_297 = arith.constant 8 : i32
      %parallel_loop3A_298 = vector.broadcast %parallel_loop3A_297 : i32 to vector<16xi32>
      %parallel_loop3A_299 = arith.muli %parallel_loop3A_288, %parallel_loop3A_298 : vector<16xi32>
      %parallel_loop3A_300 = arith.addi %parallel_loop3A_299, %parallel_loop3A_294 : vector<16xi32>
      %parallel_loop3A_301 = tpu.vector_load_idx %arg12[%parallel_loop3A_300] : memref<64xf32, #tpu.memory_space<vmem>>[vector<16xi32>], vector<16xf32>,
      %parallel_loop3A_302 = tpu.vector_load_idx %arg13[%parallel_loop3A_300] : memref<64xf32, #tpu.memory_space<vmem>>[vector<16xi32>], vector<16xf32>,
      %parallel_loop3A_303 = arith.sitofp %parallel_loop3A_288 : vector<16xi32> to vector<16xf32>
      %parallel_loop3A_304 = arith.subf %parallel_loop3A_284, %parallel_loop3A_303 : vector<16xf32>
      %parallel_loop3A_305 = arith.mulf %parallel_loop3A_296, %parallel_loop3A_302 : vector<16xf32>
      %parallel_loop3A_306 = arith.addf %parallel_loop3A_301, %parallel_loop3A_305 : vector<16xf32>
      %parallel_loop3A_307 = arith.addf %parallel_loop3A_279, %parallel_loop3A_306 : vector<16xf32>
      %parallel_loop3A_308 = arith.mulf %parallel_loop3A_304, %parallel_loop3A_304 : vector<16xf32>
      %parallel_loop3A_309 = arith.addf %parallel_loop3A_280, %parallel_loop3A_308 : vector<16xf32>
      scf.yield %parallel_loop3A_307, %parallel_loop3A_309 : vector<16xf32>, vector<16xf32>
    } {sc.loop_unroll_factor = 8 : i64, sc.parallel_access}
    %dma_wait3A_198 = tpu.memref_slice %arg2[%add3A_186] : memref<8388608xf32, #tpu.memory_space<hbm>> -> memref<16384xf32, #tpu.memory_space<hbm>>
    %dma_wait3A_199 = tpu.memref_slice %arg2[%add3A_186] : memref<8388608xf32, #tpu.memory_space<hbm>> -> memref<16384xf32, #tpu.memory_space<hbm>>
    tpu.wait_dma2 semaphore(%arg17 : memref<!tpu.dma_semaphore, #tpu.memory_space<semaphore_mem>>) src(%dma_wait3A_199 : memref<16384xf32, #tpu.memory_space<hbm>>) dst(%arg9 : memref<16384xf32, #tpu.memory_space<vmem>>)
    %dma_wait3A_200 = tpu.memref_slice %arg3[%add3A_190] : memref<8388608xi32, #tpu.memory_space<hbm>> -> memref<16384xi32, #tpu.memory_space<hbm>>
    %dma_wait3A_201 = tpu.memref_slice %arg3[%add3A_190] : memref<8388608xi32, #tpu.memory_space<hbm>> -> memref<16384xi32, #tpu.memory_space<hbm>>
    tpu.wait_dma2 semaphore(%arg19 : memref<!tpu.dma_semaphore, #tpu.memory_space<semaphore_mem>>) src(%dma_wait3A_201 : memref<16384xi32, #tpu.memory_space<hbm>>) dst(%arg11 : memref<16384xi32, #tpu.memory_space<vmem>>)
    %add3A_202 = arith.constant 196608 : i32
    %add3A_203 = arith.addi %mul3A_2, %add3A_202 : i32
    %dma_start3A_204 = tpu.memref_slice %arg2[%add3A_203] : memref<8388608xf32, #tpu.memory_space<hbm>> -> memref<16384xf32, #tpu.memory_space<hbm>>
    %dma_start3A_205 = tpu.memref_slice %arg2[%add3A_203] : memref<8388608xf32, #tpu.memory_space<hbm>> -> memref<16384xf32, #tpu.memory_space<hbm>>
    tpu.enqueue_dma source(%dma_start3A_205 : memref<16384xf32, #tpu.memory_space<hbm>>) target(%arg8 : memref<16384xf32, #tpu.memory_space<vmem>>) target_semaphore(%arg16 : memref<!tpu.dma_semaphore, #tpu.memory_space<semaphore_mem>>)
    %add3A_206 = arith.constant 196608 : i32
    %add3A_207 = arith.addi %mul3A_2, %add3A_206 : i32
    %dma_start3A_208 = tpu.memref_slice %arg3[%add3A_207] : memref<8388608xi32, #tpu.memory_space<hbm>> -> memref<16384xi32, #tpu.memory_space<hbm>>
    %dma_start3A_209 = tpu.memref_slice %arg3[%add3A_207] : memref<8388608xi32, #tpu.memory_space<hbm>> -> memref<16384xi32, #tpu.memory_space<hbm>>
    tpu.enqueue_dma source(%dma_start3A_209 : memref<16384xi32, #tpu.memory_space<hbm>>) target(%arg10 : memref<16384xi32, #tpu.memory_space<vmem>>) target_semaphore(%arg18 : memref<!tpu.dma_semaphore, #tpu.memory_space<semaphore_mem>>)
    %parallel_loop3A_210 = arith.constant 0 : i32
    %parallel_loop3A_211 = arith.constant 1024 : i32
    %parallel_loop3A_212 = arith.constant 1 : i32
    %parallel_loop3A_213 = arith.constant 7.000000e+00 : f32
    %parallel_loop3A_214:2 = scf.for %parallel_loop3A_278 = %parallel_loop3A_210 to %parallel_loop3A_211 step %parallel_loop3A_212 iter_args(%parallel_loop3A_279 = %parallel_loop3A_197#0, %parallel_loop3A_280 = %parallel_loop3A_197#1) -> (vector<16xf32>, vector<16xf32>)  : i32 {
      %parallel_loop3A_281 = arith.constant 16 : i32
      %parallel_loop3A_282 = arith.muli %parallel_loop3A_278, %parallel_loop3A_281 : i32
      %parallel_loop3A_283 = arith.index_cast %parallel_loop3A_282 : i32 to index
      %parallel_loop3A_284 = tpu.vector_load %arg9[%parallel_loop3A_283] {strides = array<i32>} : memref<16384xf32, #tpu.memory_space<vmem>>, vector<16xf32>,
      %parallel_loop3A_285 = arith.constant 16 : i32
      %parallel_loop3A_286 = arith.muli %parallel_loop3A_278, %parallel_loop3A_285 : i32
      %parallel_loop3A_287 = arith.index_cast %parallel_loop3A_286 : i32 to index
      %parallel_loop3A_288 = tpu.vector_load %arg11[%parallel_loop3A_287] {strides = array<i32>} : memref<16384xi32, #tpu.memory_space<vmem>>, vector<16xi32>,
      %parallel_loop3A_289 = arith.constant 0.000000e+00 : f32
      %parallel_loop3A_290 = vector.broadcast %parallel_loop3A_289 : f32 to vector<16xf32>
      %parallel_loop3A_291 = arith.maximumf %parallel_loop3A_284, %parallel_loop3A_290 : vector<16xf32>
      %parallel_loop3A_292 = vector.broadcast %parallel_loop3A_213 : f32 to vector<16xf32>
      %parallel_loop3A_293 = arith.minimumf %parallel_loop3A_291, %parallel_loop3A_292 : vector<16xf32>
      %parallel_loop3A_294 = arith.fptosi %parallel_loop3A_293 : vector<16xf32> to vector<16xi32>
      %parallel_loop3A_295 = arith.sitofp %parallel_loop3A_294 : vector<16xi32> to vector<16xf32>
      %parallel_loop3A_296 = arith.subf %parallel_loop3A_293, %parallel_loop3A_295 : vector<16xf32>
      %parallel_loop3A_297 = arith.constant 8 : i32
      %parallel_loop3A_298 = vector.broadcast %parallel_loop3A_297 : i32 to vector<16xi32>
      %parallel_loop3A_299 = arith.muli %parallel_loop3A_288, %parallel_loop3A_298 : vector<16xi32>
      %parallel_loop3A_300 = arith.addi %parallel_loop3A_299, %parallel_loop3A_294 : vector<16xi32>
      %parallel_loop3A_301 = tpu.vector_load_idx %arg12[%parallel_loop3A_300] : memref<64xf32, #tpu.memory_space<vmem>>[vector<16xi32>], vector<16xf32>,
      %parallel_loop3A_302 = tpu.vector_load_idx %arg13[%parallel_loop3A_300] : memref<64xf32, #tpu.memory_space<vmem>>[vector<16xi32>], vector<16xf32>,
      %parallel_loop3A_303 = arith.sitofp %parallel_loop3A_288 : vector<16xi32> to vector<16xf32>
      %parallel_loop3A_304 = arith.subf %parallel_loop3A_284, %parallel_loop3A_303 : vector<16xf32>
      %parallel_loop3A_305 = arith.mulf %parallel_loop3A_296, %parallel_loop3A_302 : vector<16xf32>
      %parallel_loop3A_306 = arith.addf %parallel_loop3A_301, %parallel_loop3A_305 : vector<16xf32>
      %parallel_loop3A_307 = arith.addf %parallel_loop3A_279, %parallel_loop3A_306 : vector<16xf32>
      %parallel_loop3A_308 = arith.mulf %parallel_loop3A_304, %parallel_loop3A_304 : vector<16xf32>
      %parallel_loop3A_309 = arith.addf %parallel_loop3A_280, %parallel_loop3A_308 : vector<16xf32>
      scf.yield %parallel_loop3A_307, %parallel_loop3A_309 : vector<16xf32>, vector<16xf32>
    } {sc.loop_unroll_factor = 8 : i64, sc.parallel_access}
    %dma_wait3A_215 = tpu.memref_slice %arg2[%add3A_203] : memref<8388608xf32, #tpu.memory_space<hbm>> -> memref<16384xf32, #tpu.memory_space<hbm>>
    %dma_wait3A_216 = tpu.memref_slice %arg2[%add3A_203] : memref<8388608xf32, #tpu.memory_space<hbm>> -> memref<16384xf32, #tpu.memory_space<hbm>>
    tpu.wait_dma2 semaphore(%arg16 : memref<!tpu.dma_semaphore, #tpu.memory_space<semaphore_mem>>) src(%dma_wait3A_216 : memref<16384xf32, #tpu.memory_space<hbm>>) dst(%arg8 : memref<16384xf32, #tpu.memory_space<vmem>>)
    %dma_wait3A_217 = tpu.memref_slice %arg3[%add3A_207] : memref<8388608xi32, #tpu.memory_space<hbm>> -> memref<16384xi32, #tpu.memory_space<hbm>>
    %dma_wait3A_218 = tpu.memref_slice %arg3[%add3A_207] : memref<8388608xi32, #tpu.memory_space<hbm>> -> memref<16384xi32, #tpu.memory_space<hbm>>
    tpu.wait_dma2 semaphore(%arg18 : memref<!tpu.dma_semaphore, #tpu.memory_space<semaphore_mem>>) src(%dma_wait3A_218 : memref<16384xi32, #tpu.memory_space<hbm>>) dst(%arg10 : memref<16384xi32, #tpu.memory_space<vmem>>)
    %add3A_219 = arith.constant 212992 : i32
    %add3A_220 = arith.addi %mul3A_2, %add3A_219 : i32
    %dma_start3A_221 = tpu.memref_slice %arg2[%add3A_220] : memref<8388608xf32, #tpu.memory_space<hbm>> -> memref<16384xf32, #tpu.memory_space<hbm>>
    %dma_start3A_222 = tpu.memref_slice %arg2[%add3A_220] : memref<8388608xf32, #tpu.memory_space<hbm>> -> memref<16384xf32, #tpu.memory_space<hbm>>
    tpu.enqueue_dma source(%dma_start3A_222 : memref<16384xf32, #tpu.memory_space<hbm>>) target(%arg9 : memref<16384xf32, #tpu.memory_space<vmem>>) target_semaphore(%arg17 : memref<!tpu.dma_semaphore, #tpu.memory_space<semaphore_mem>>)
    %add3A_223 = arith.constant 212992 : i32
    %add3A_224 = arith.addi %mul3A_2, %add3A_223 : i32
    %dma_start3A_225 = tpu.memref_slice %arg3[%add3A_224] : memref<8388608xi32, #tpu.memory_space<hbm>> -> memref<16384xi32, #tpu.memory_space<hbm>>
    %dma_start3A_226 = tpu.memref_slice %arg3[%add3A_224] : memref<8388608xi32, #tpu.memory_space<hbm>> -> memref<16384xi32, #tpu.memory_space<hbm>>
    tpu.enqueue_dma source(%dma_start3A_226 : memref<16384xi32, #tpu.memory_space<hbm>>) target(%arg11 : memref<16384xi32, #tpu.memory_space<vmem>>) target_semaphore(%arg19 : memref<!tpu.dma_semaphore, #tpu.memory_space<semaphore_mem>>)
    %parallel_loop3A_227 = arith.constant 0 : i32
    %parallel_loop3A_228 = arith.constant 1024 : i32
    %parallel_loop3A_229 = arith.constant 1 : i32
    %parallel_loop3A_230 = arith.constant 7.000000e+00 : f32
    %parallel_loop3A_231:2 = scf.for %parallel_loop3A_278 = %parallel_loop3A_227 to %parallel_loop3A_228 step %parallel_loop3A_229 iter_args(%parallel_loop3A_279 = %parallel_loop3A_214#0, %parallel_loop3A_280 = %parallel_loop3A_214#1) -> (vector<16xf32>, vector<16xf32>)  : i32 {
      %parallel_loop3A_281 = arith.constant 16 : i32
      %parallel_loop3A_282 = arith.muli %parallel_loop3A_278, %parallel_loop3A_281 : i32
      %parallel_loop3A_283 = arith.index_cast %parallel_loop3A_282 : i32 to index
      %parallel_loop3A_284 = tpu.vector_load %arg8[%parallel_loop3A_283] {strides = array<i32>} : memref<16384xf32, #tpu.memory_space<vmem>>, vector<16xf32>,
      %parallel_loop3A_285 = arith.constant 16 : i32
      %parallel_loop3A_286 = arith.muli %parallel_loop3A_278, %parallel_loop3A_285 : i32
      %parallel_loop3A_287 = arith.index_cast %parallel_loop3A_286 : i32 to index
      %parallel_loop3A_288 = tpu.vector_load %arg10[%parallel_loop3A_287] {strides = array<i32>} : memref<16384xi32, #tpu.memory_space<vmem>>, vector<16xi32>,
      %parallel_loop3A_289 = arith.constant 0.000000e+00 : f32
      %parallel_loop3A_290 = vector.broadcast %parallel_loop3A_289 : f32 to vector<16xf32>
      %parallel_loop3A_291 = arith.maximumf %parallel_loop3A_284, %parallel_loop3A_290 : vector<16xf32>
      %parallel_loop3A_292 = vector.broadcast %parallel_loop3A_230 : f32 to vector<16xf32>
      %parallel_loop3A_293 = arith.minimumf %parallel_loop3A_291, %parallel_loop3A_292 : vector<16xf32>
      %parallel_loop3A_294 = arith.fptosi %parallel_loop3A_293 : vector<16xf32> to vector<16xi32>
      %parallel_loop3A_295 = arith.sitofp %parallel_loop3A_294 : vector<16xi32> to vector<16xf32>
      %parallel_loop3A_296 = arith.subf %parallel_loop3A_293, %parallel_loop3A_295 : vector<16xf32>
      %parallel_loop3A_297 = arith.constant 8 : i32
      %parallel_loop3A_298 = vector.broadcast %parallel_loop3A_297 : i32 to vector<16xi32>
      %parallel_loop3A_299 = arith.muli %parallel_loop3A_288, %parallel_loop3A_298 : vector<16xi32>
      %parallel_loop3A_300 = arith.addi %parallel_loop3A_299, %parallel_loop3A_294 : vector<16xi32>
      %parallel_loop3A_301 = tpu.vector_load_idx %arg12[%parallel_loop3A_300] : memref<64xf32, #tpu.memory_space<vmem>>[vector<16xi32>], vector<16xf32>,
      %parallel_loop3A_302 = tpu.vector_load_idx %arg13[%parallel_loop3A_300] : memref<64xf32, #tpu.memory_space<vmem>>[vector<16xi32>], vector<16xf32>,
      %parallel_loop3A_303 = arith.sitofp %parallel_loop3A_288 : vector<16xi32> to vector<16xf32>
      %parallel_loop3A_304 = arith.subf %parallel_loop3A_284, %parallel_loop3A_303 : vector<16xf32>
      %parallel_loop3A_305 = arith.mulf %parallel_loop3A_296, %parallel_loop3A_302 : vector<16xf32>
      %parallel_loop3A_306 = arith.addf %parallel_loop3A_301, %parallel_loop3A_305 : vector<16xf32>
      %parallel_loop3A_307 = arith.addf %parallel_loop3A_279, %parallel_loop3A_306 : vector<16xf32>
      %parallel_loop3A_308 = arith.mulf %parallel_loop3A_304, %parallel_loop3A_304 : vector<16xf32>
      %parallel_loop3A_309 = arith.addf %parallel_loop3A_280, %parallel_loop3A_308 : vector<16xf32>
      scf.yield %parallel_loop3A_307, %parallel_loop3A_309 : vector<16xf32>, vector<16xf32>
    } {sc.loop_unroll_factor = 8 : i64, sc.parallel_access}
    %dma_wait3A_232 = tpu.memref_slice %arg2[%add3A_220] : memref<8388608xf32, #tpu.memory_space<hbm>> -> memref<16384xf32, #tpu.memory_space<hbm>>
    %dma_wait3A_233 = tpu.memref_slice %arg2[%add3A_220] : memref<8388608xf32, #tpu.memory_space<hbm>> -> memref<16384xf32, #tpu.memory_space<hbm>>
    tpu.wait_dma2 semaphore(%arg17 : memref<!tpu.dma_semaphore, #tpu.memory_space<semaphore_mem>>) src(%dma_wait3A_233 : memref<16384xf32, #tpu.memory_space<hbm>>) dst(%arg9 : memref<16384xf32, #tpu.memory_space<vmem>>)
    %dma_wait3A_234 = tpu.memref_slice %arg3[%add3A_224] : memref<8388608xi32, #tpu.memory_space<hbm>> -> memref<16384xi32, #tpu.memory_space<hbm>>
    %dma_wait3A_235 = tpu.memref_slice %arg3[%add3A_224] : memref<8388608xi32, #tpu.memory_space<hbm>> -> memref<16384xi32, #tpu.memory_space<hbm>>
    tpu.wait_dma2 semaphore(%arg19 : memref<!tpu.dma_semaphore, #tpu.memory_space<semaphore_mem>>) src(%dma_wait3A_235 : memref<16384xi32, #tpu.memory_space<hbm>>) dst(%arg11 : memref<16384xi32, #tpu.memory_space<vmem>>)
    %add3A_236 = arith.constant 229376 : i32
    %add3A_237 = arith.addi %mul3A_2, %add3A_236 : i32
    %dma_start3A_238 = tpu.memref_slice %arg2[%add3A_237] : memref<8388608xf32, #tpu.memory_space<hbm>> -> memref<16384xf32, #tpu.memory_space<hbm>>
    %dma_start3A_239 = tpu.memref_slice %arg2[%add3A_237] : memref<8388608xf32, #tpu.memory_space<hbm>> -> memref<16384xf32, #tpu.memory_space<hbm>>
    tpu.enqueue_dma source(%dma_start3A_239 : memref<16384xf32, #tpu.memory_space<hbm>>) target(%arg8 : memref<16384xf32, #tpu.memory_space<vmem>>) target_semaphore(%arg16 : memref<!tpu.dma_semaphore, #tpu.memory_space<semaphore_mem>>)
    %add3A_240 = arith.constant 229376 : i32
    %add3A_241 = arith.addi %mul3A_2, %add3A_240 : i32
    %dma_start3A_242 = tpu.memref_slice %arg3[%add3A_241] : memref<8388608xi32, #tpu.memory_space<hbm>> -> memref<16384xi32, #tpu.memory_space<hbm>>
    %dma_start3A_243 = tpu.memref_slice %arg3[%add3A_241] : memref<8388608xi32, #tpu.memory_space<hbm>> -> memref<16384xi32, #tpu.memory_space<hbm>>
    tpu.enqueue_dma source(%dma_start3A_243 : memref<16384xi32, #tpu.memory_space<hbm>>) target(%arg10 : memref<16384xi32, #tpu.memory_space<vmem>>) target_semaphore(%arg18 : memref<!tpu.dma_semaphore, #tpu.memory_space<semaphore_mem>>)
    %parallel_loop3A_244 = arith.constant 0 : i32
    %parallel_loop3A_245 = arith.constant 1024 : i32
    %parallel_loop3A_246 = arith.constant 1 : i32
    %parallel_loop3A_247 = arith.constant 7.000000e+00 : f32
    %parallel_loop3A_248:2 = scf.for %parallel_loop3A_278 = %parallel_loop3A_244 to %parallel_loop3A_245 step %parallel_loop3A_246 iter_args(%parallel_loop3A_279 = %parallel_loop3A_231#0, %parallel_loop3A_280 = %parallel_loop3A_231#1) -> (vector<16xf32>, vector<16xf32>)  : i32 {
      %parallel_loop3A_281 = arith.constant 16 : i32
      %parallel_loop3A_282 = arith.muli %parallel_loop3A_278, %parallel_loop3A_281 : i32
      %parallel_loop3A_283 = arith.index_cast %parallel_loop3A_282 : i32 to index
      %parallel_loop3A_284 = tpu.vector_load %arg9[%parallel_loop3A_283] {strides = array<i32>} : memref<16384xf32, #tpu.memory_space<vmem>>, vector<16xf32>,
      %parallel_loop3A_285 = arith.constant 16 : i32
      %parallel_loop3A_286 = arith.muli %parallel_loop3A_278, %parallel_loop3A_285 : i32
      %parallel_loop3A_287 = arith.index_cast %parallel_loop3A_286 : i32 to index
      %parallel_loop3A_288 = tpu.vector_load %arg11[%parallel_loop3A_287] {strides = array<i32>} : memref<16384xi32, #tpu.memory_space<vmem>>, vector<16xi32>,
      %parallel_loop3A_289 = arith.constant 0.000000e+00 : f32
      %parallel_loop3A_290 = vector.broadcast %parallel_loop3A_289 : f32 to vector<16xf32>
      %parallel_loop3A_291 = arith.maximumf %parallel_loop3A_284, %parallel_loop3A_290 : vector<16xf32>
      %parallel_loop3A_292 = vector.broadcast %parallel_loop3A_247 : f32 to vector<16xf32>
      %parallel_loop3A_293 = arith.minimumf %parallel_loop3A_291, %parallel_loop3A_292 : vector<16xf32>
      %parallel_loop3A_294 = arith.fptosi %parallel_loop3A_293 : vector<16xf32> to vector<16xi32>
      %parallel_loop3A_295 = arith.sitofp %parallel_loop3A_294 : vector<16xi32> to vector<16xf32>
      %parallel_loop3A_296 = arith.subf %parallel_loop3A_293, %parallel_loop3A_295 : vector<16xf32>
      %parallel_loop3A_297 = arith.constant 8 : i32
      %parallel_loop3A_298 = vector.broadcast %parallel_loop3A_297 : i32 to vector<16xi32>
      %parallel_loop3A_299 = arith.muli %parallel_loop3A_288, %parallel_loop3A_298 : vector<16xi32>
      %parallel_loop3A_300 = arith.addi %parallel_loop3A_299, %parallel_loop3A_294 : vector<16xi32>
      %parallel_loop3A_301 = tpu.vector_load_idx %arg12[%parallel_loop3A_300] : memref<64xf32, #tpu.memory_space<vmem>>[vector<16xi32>], vector<16xf32>,
      %parallel_loop3A_302 = tpu.vector_load_idx %arg13[%parallel_loop3A_300] : memref<64xf32, #tpu.memory_space<vmem>>[vector<16xi32>], vector<16xf32>,
      %parallel_loop3A_303 = arith.sitofp %parallel_loop3A_288 : vector<16xi32> to vector<16xf32>
      %parallel_loop3A_304 = arith.subf %parallel_loop3A_284, %parallel_loop3A_303 : vector<16xf32>
      %parallel_loop3A_305 = arith.mulf %parallel_loop3A_296, %parallel_loop3A_302 : vector<16xf32>
      %parallel_loop3A_306 = arith.addf %parallel_loop3A_301, %parallel_loop3A_305 : vector<16xf32>
      %parallel_loop3A_307 = arith.addf %parallel_loop3A_279, %parallel_loop3A_306 : vector<16xf32>
      %parallel_loop3A_308 = arith.mulf %parallel_loop3A_304, %parallel_loop3A_304 : vector<16xf32>
      %parallel_loop3A_309 = arith.addf %parallel_loop3A_280, %parallel_loop3A_308 : vector<16xf32>
      scf.yield %parallel_loop3A_307, %parallel_loop3A_309 : vector<16xf32>, vector<16xf32>
    } {sc.loop_unroll_factor = 8 : i64, sc.parallel_access}
    %dma_wait3A_249 = tpu.memref_slice %arg2[%add3A_237] : memref<8388608xf32, #tpu.memory_space<hbm>> -> memref<16384xf32, #tpu.memory_space<hbm>>
    %dma_wait3A_250 = tpu.memref_slice %arg2[%add3A_237] : memref<8388608xf32, #tpu.memory_space<hbm>> -> memref<16384xf32, #tpu.memory_space<hbm>>
    tpu.wait_dma2 semaphore(%arg16 : memref<!tpu.dma_semaphore, #tpu.memory_space<semaphore_mem>>) src(%dma_wait3A_250 : memref<16384xf32, #tpu.memory_space<hbm>>) dst(%arg8 : memref<16384xf32, #tpu.memory_space<vmem>>)
    %dma_wait3A_251 = tpu.memref_slice %arg3[%add3A_241] : memref<8388608xi32, #tpu.memory_space<hbm>> -> memref<16384xi32, #tpu.memory_space<hbm>>
    %dma_wait3A_252 = tpu.memref_slice %arg3[%add3A_241] : memref<8388608xi32, #tpu.memory_space<hbm>> -> memref<16384xi32, #tpu.memory_space<hbm>>
    tpu.wait_dma2 semaphore(%arg18 : memref<!tpu.dma_semaphore, #tpu.memory_space<semaphore_mem>>) src(%dma_wait3A_252 : memref<16384xi32, #tpu.memory_space<hbm>>) dst(%arg10 : memref<16384xi32, #tpu.memory_space<vmem>>)
    %add3A_253 = arith.constant 245760 : i32
    %add3A_254 = arith.addi %mul3A_2, %add3A_253 : i32
    %dma_start3A_255 = tpu.memref_slice %arg2[%add3A_254] : memref<8388608xf32, #tpu.memory_space<hbm>> -> memref<16384xf32, #tpu.memory_space<hbm>>
    %dma_start3A_256 = tpu.memref_slice %arg2[%add3A_254] : memref<8388608xf32, #tpu.memory_space<hbm>> -> memref<16384xf32, #tpu.memory_space<hbm>>
    tpu.enqueue_dma source(%dma_start3A_256 : memref<16384xf32, #tpu.memory_space<hbm>>) target(%arg9 : memref<16384xf32, #tpu.memory_space<vmem>>) target_semaphore(%arg17 : memref<!tpu.dma_semaphore, #tpu.memory_space<semaphore_mem>>)
    %add3A_257 = arith.constant 245760 : i32
    %add3A_258 = arith.addi %mul3A_2, %add3A_257 : i32
    %dma_start3A_259 = tpu.memref_slice %arg3[%add3A_258] : memref<8388608xi32, #tpu.memory_space<hbm>> -> memref<16384xi32, #tpu.memory_space<hbm>>
    %dma_start3A_260 = tpu.memref_slice %arg3[%add3A_258] : memref<8388608xi32, #tpu.memory_space<hbm>> -> memref<16384xi32, #tpu.memory_space<hbm>>
    tpu.enqueue_dma source(%dma_start3A_260 : memref<16384xi32, #tpu.memory_space<hbm>>) target(%arg11 : memref<16384xi32, #tpu.memory_space<vmem>>) target_semaphore(%arg19 : memref<!tpu.dma_semaphore, #tpu.memory_space<semaphore_mem>>)
    %parallel_loop3A_261 = arith.constant 0 : i32
    %parallel_loop3A_262 = arith.constant 1024 : i32
    %parallel_loop3A_263 = arith.constant 1 : i32
    %parallel_loop3A_264 = arith.constant 7.000000e+00 : f32
    %parallel_loop3A_265:2 = scf.for %parallel_loop3A_278 = %parallel_loop3A_261 to %parallel_loop3A_262 step %parallel_loop3A_263 iter_args(%parallel_loop3A_279 = %parallel_loop3A_248#0, %parallel_loop3A_280 = %parallel_loop3A_248#1) -> (vector<16xf32>, vector<16xf32>)  : i32 {
      %parallel_loop3A_281 = arith.constant 16 : i32
      %parallel_loop3A_282 = arith.muli %parallel_loop3A_278, %parallel_loop3A_281 : i32
      %parallel_loop3A_283 = arith.index_cast %parallel_loop3A_282 : i32 to index
      %parallel_loop3A_284 = tpu.vector_load %arg8[%parallel_loop3A_283] {strides = array<i32>} : memref<16384xf32, #tpu.memory_space<vmem>>, vector<16xf32>,
      %parallel_loop3A_285 = arith.constant 16 : i32
      %parallel_loop3A_286 = arith.muli %parallel_loop3A_278, %parallel_loop3A_285 : i32
      %parallel_loop3A_287 = arith.index_cast %parallel_loop3A_286 : i32 to index
      %parallel_loop3A_288 = tpu.vector_load %arg10[%parallel_loop3A_287] {strides = array<i32>} : memref<16384xi32, #tpu.memory_space<vmem>>, vector<16xi32>,
      %parallel_loop3A_289 = arith.constant 0.000000e+00 : f32
      %parallel_loop3A_290 = vector.broadcast %parallel_loop3A_289 : f32 to vector<16xf32>
      %parallel_loop3A_291 = arith.maximumf %parallel_loop3A_284, %parallel_loop3A_290 : vector<16xf32>
      %parallel_loop3A_292 = vector.broadcast %parallel_loop3A_264 : f32 to vector<16xf32>
      %parallel_loop3A_293 = arith.minimumf %parallel_loop3A_291, %parallel_loop3A_292 : vector<16xf32>
      %parallel_loop3A_294 = arith.fptosi %parallel_loop3A_293 : vector<16xf32> to vector<16xi32>
      %parallel_loop3A_295 = arith.sitofp %parallel_loop3A_294 : vector<16xi32> to vector<16xf32>
      %parallel_loop3A_296 = arith.subf %parallel_loop3A_293, %parallel_loop3A_295 : vector<16xf32>
      %parallel_loop3A_297 = arith.constant 8 : i32
      %parallel_loop3A_298 = vector.broadcast %parallel_loop3A_297 : i32 to vector<16xi32>
      %parallel_loop3A_299 = arith.muli %parallel_loop3A_288, %parallel_loop3A_298 : vector<16xi32>
      %parallel_loop3A_300 = arith.addi %parallel_loop3A_299, %parallel_loop3A_294 : vector<16xi32>
      %parallel_loop3A_301 = tpu.vector_load_idx %arg12[%parallel_loop3A_300] : memref<64xf32, #tpu.memory_space<vmem>>[vector<16xi32>], vector<16xf32>,
      %parallel_loop3A_302 = tpu.vector_load_idx %arg13[%parallel_loop3A_300] : memref<64xf32, #tpu.memory_space<vmem>>[vector<16xi32>], vector<16xf32>,
      %parallel_loop3A_303 = arith.sitofp %parallel_loop3A_288 : vector<16xi32> to vector<16xf32>
      %parallel_loop3A_304 = arith.subf %parallel_loop3A_284, %parallel_loop3A_303 : vector<16xf32>
      %parallel_loop3A_305 = arith.mulf %parallel_loop3A_296, %parallel_loop3A_302 : vector<16xf32>
      %parallel_loop3A_306 = arith.addf %parallel_loop3A_301, %parallel_loop3A_305 : vector<16xf32>
      %parallel_loop3A_307 = arith.addf %parallel_loop3A_279, %parallel_loop3A_306 : vector<16xf32>
      %parallel_loop3A_308 = arith.mulf %parallel_loop3A_304, %parallel_loop3A_304 : vector<16xf32>
      %parallel_loop3A_309 = arith.addf %parallel_loop3A_280, %parallel_loop3A_308 : vector<16xf32>
      scf.yield %parallel_loop3A_307, %parallel_loop3A_309 : vector<16xf32>, vector<16xf32>
    } {sc.loop_unroll_factor = 8 : i64, sc.parallel_access}
    %dma_wait3A_266 = tpu.memref_slice %arg2[%add3A_254] : memref<8388608xf32, #tpu.memory_space<hbm>> -> memref<16384xf32, #tpu.memory_space<hbm>>
    %dma_wait3A_267 = tpu.memref_slice %arg2[%add3A_254] : memref<8388608xf32, #tpu.memory_space<hbm>> -> memref<16384xf32, #tpu.memory_space<hbm>>
    tpu.wait_dma2 semaphore(%arg17 : memref<!tpu.dma_semaphore, #tpu.memory_space<semaphore_mem>>) src(%dma_wait3A_267 : memref<16384xf32, #tpu.memory_space<hbm>>) dst(%arg9 : memref<16384xf32, #tpu.memory_space<vmem>>)
    %dma_wait3A_268 = tpu.memref_slice %arg3[%add3A_258] : memref<8388608xi32, #tpu.memory_space<hbm>> -> memref<16384xi32, #tpu.memory_space<hbm>>
    %dma_wait3A_269 = tpu.memref_slice %arg3[%add3A_258] : memref<8388608xi32, #tpu.memory_space<hbm>> -> memref<16384xi32, #tpu.memory_space<hbm>>
    tpu.wait_dma2 semaphore(%arg19 : memref<!tpu.dma_semaphore, #tpu.memory_space<semaphore_mem>>) src(%dma_wait3A_269 : memref<16384xi32, #tpu.memory_space<hbm>>) dst(%arg11 : memref<16384xi32, #tpu.memory_space<vmem>>)
    %parallel_loop3A_270 = arith.constant 0 : i32
    %parallel_loop3A_271 = arith.constant 1024 : i32
    %parallel_loop3A_272 = arith.constant 1 : i32
    %parallel_loop3A_273 = arith.constant 7.000000e+00 : f32
    %parallel_loop3A_274:2 = scf.for %parallel_loop3A_278 = %parallel_loop3A_270 to %parallel_loop3A_271 step %parallel_loop3A_272 iter_args(%parallel_loop3A_279 = %parallel_loop3A_265#0, %parallel_loop3A_280 = %parallel_loop3A_265#1) -> (vector<16xf32>, vector<16xf32>)  : i32 {
      %parallel_loop3A_281 = arith.constant 16 : i32
      %parallel_loop3A_282 = arith.muli %parallel_loop3A_278, %parallel_loop3A_281 : i32
      %parallel_loop3A_283 = arith.index_cast %parallel_loop3A_282 : i32 to index
      %parallel_loop3A_284 = tpu.vector_load %arg9[%parallel_loop3A_283] {strides = array<i32>} : memref<16384xf32, #tpu.memory_space<vmem>>, vector<16xf32>,
      %parallel_loop3A_285 = arith.constant 16 : i32
      %parallel_loop3A_286 = arith.muli %parallel_loop3A_278, %parallel_loop3A_285 : i32
      %parallel_loop3A_287 = arith.index_cast %parallel_loop3A_286 : i32 to index
      %parallel_loop3A_288 = tpu.vector_load %arg11[%parallel_loop3A_287] {strides = array<i32>} : memref<16384xi32, #tpu.memory_space<vmem>>, vector<16xi32>,
      %parallel_loop3A_289 = arith.constant 0.000000e+00 : f32
      %parallel_loop3A_290 = vector.broadcast %parallel_loop3A_289 : f32 to vector<16xf32>
      %parallel_loop3A_291 = arith.maximumf %parallel_loop3A_284, %parallel_loop3A_290 : vector<16xf32>
      %parallel_loop3A_292 = vector.broadcast %parallel_loop3A_273 : f32 to vector<16xf32>
      %parallel_loop3A_293 = arith.minimumf %parallel_loop3A_291, %parallel_loop3A_292 : vector<16xf32>
      %parallel_loop3A_294 = arith.fptosi %parallel_loop3A_293 : vector<16xf32> to vector<16xi32>
      %parallel_loop3A_295 = arith.sitofp %parallel_loop3A_294 : vector<16xi32> to vector<16xf32>
      %parallel_loop3A_296 = arith.subf %parallel_loop3A_293, %parallel_loop3A_295 : vector<16xf32>
      %parallel_loop3A_297 = arith.constant 8 : i32
      %parallel_loop3A_298 = vector.broadcast %parallel_loop3A_297 : i32 to vector<16xi32>
      %parallel_loop3A_299 = arith.muli %parallel_loop3A_288, %parallel_loop3A_298 : vector<16xi32>
      %parallel_loop3A_300 = arith.addi %parallel_loop3A_299, %parallel_loop3A_294 : vector<16xi32>
      %parallel_loop3A_301 = tpu.vector_load_idx %arg12[%parallel_loop3A_300] : memref<64xf32, #tpu.memory_space<vmem>>[vector<16xi32>], vector<16xf32>,
      %parallel_loop3A_302 = tpu.vector_load_idx %arg13[%parallel_loop3A_300] : memref<64xf32, #tpu.memory_space<vmem>>[vector<16xi32>], vector<16xf32>,
      %parallel_loop3A_303 = arith.sitofp %parallel_loop3A_288 : vector<16xi32> to vector<16xf32>
      %parallel_loop3A_304 = arith.subf %parallel_loop3A_284, %parallel_loop3A_303 : vector<16xf32>
      %parallel_loop3A_305 = arith.mulf %parallel_loop3A_296, %parallel_loop3A_302 : vector<16xf32>
      %parallel_loop3A_306 = arith.addf %parallel_loop3A_301, %parallel_loop3A_305 : vector<16xf32>
      %parallel_loop3A_307 = arith.addf %parallel_loop3A_279, %parallel_loop3A_306 : vector<16xf32>
      %parallel_loop3A_308 = arith.mulf %parallel_loop3A_304, %parallel_loop3A_304 : vector<16xf32>
      %parallel_loop3A_309 = arith.addf %parallel_loop3A_280, %parallel_loop3A_308 : vector<16xf32>
      scf.yield %parallel_loop3A_307, %parallel_loop3A_309 : vector<16xf32>, vector<16xf32>
    } {sc.loop_unroll_factor = 8 : i64, sc.parallel_access}
    %swap3A = arith.constant 0 : index
    %swap3A_275 = tpu.vector_load %arg14[%swap3A] {strides = array<i32>} : memref<16xf32, #tpu.memory_space<vmem>>, vector<16xf32>,
    tpu.vector_store %arg14[%swap3A], %parallel_loop3A_274#0 {strides = array<i32>} : memref<16xf32, #tpu.memory_space<vmem>>, vector<16xf32>,
    %swap3A_276 = arith.constant 0 : index
    %swap3A_277 = tpu.vector_load %arg15[%swap3A_276] {strides = array<i32>} : memref<16xf32, #tpu.memory_space<vmem>>, vector<16xf32>,
    tpu.vector_store %arg15[%swap3A_276], %parallel_loop3A_274#1 {strides = array<i32>} : memref<16xf32, #tpu.memory_space<vmem>>, vector<16xf32>,
    "tpu.region"() ({
      %run_scoped3A = tpu.sem_alloc : memref<!tpu.dma_semaphore, #tpu.memory_space<semaphore_mem>>
      %dma_start3A_278 = arith.constant 0 : i32
      %dma_start3A_279 = tpu.memref_slice %arg6[%add3A, %dma_start3A_278] : memref<32x16xf32, #tpu.memory_space<hbm>> -> memref<1x16xf32, #tpu.memory_space<hbm>>
      %dma_start3A_280 = tpu.memref_squeeze %dma_start3A_279 : memref<1x16xf32, #tpu.memory_space<hbm>> -> memref<16xf32, #tpu.memory_space<hbm>>
      %dma_start3A_281 = arith.constant 0 : i32
      %dma_start3A_282 = tpu.memref_slice %arg6[%add3A, %dma_start3A_281] : memref<32x16xf32, #tpu.memory_space<hbm>> -> memref<1x16xf32, #tpu.memory_space<hbm>>
      %dma_start3A_283 = tpu.memref_squeeze %dma_start3A_282 : memref<1x16xf32, #tpu.memory_space<hbm>> -> memref<16xf32, #tpu.memory_space<hbm>>
      tpu.enqueue_dma source(%arg14 : memref<16xf32, #tpu.memory_space<vmem>>) target(%dma_start3A_283 : memref<16xf32, #tpu.memory_space<hbm>>) target_semaphore(%run_scoped3A : memref<!tpu.dma_semaphore, #tpu.memory_space<semaphore_mem>>)
      %dma_wait3A_284 = arith.constant 0 : i32
      %dma_wait3A_285 = tpu.memref_slice %arg6[%add3A, %dma_wait3A_284] : memref<32x16xf32, #tpu.memory_space<hbm>> -> memref<1x16xf32, #tpu.memory_space<hbm>>
      %dma_wait3A_286 = tpu.memref_squeeze %dma_wait3A_285 : memref<1x16xf32, #tpu.memory_space<hbm>> -> memref<16xf32, #tpu.memory_space<hbm>>
      %dma_wait3A_287 = arith.constant 0 : i32
      %dma_wait3A_288 = tpu.memref_slice %arg6[%add3A, %dma_wait3A_287] : memref<32x16xf32, #tpu.memory_space<hbm>> -> memref<1x16xf32, #tpu.memory_space<hbm>>
      %dma_wait3A_289 = tpu.memref_squeeze %dma_wait3A_288 : memref<1x16xf32, #tpu.memory_space<hbm>> -> memref<16xf32, #tpu.memory_space<hbm>>
      tpu.wait_dma2 semaphore(%run_scoped3A : memref<!tpu.dma_semaphore, #tpu.memory_space<semaphore_mem>>) src(%arg14 : memref<16xf32, #tpu.memory_space<vmem>>) dst(%dma_wait3A_289 : memref<16xf32, #tpu.memory_space<hbm>>)
      tpu.yield
    }) : () -> ()
    "tpu.region"() ({
      %run_scoped3A = tpu.sem_alloc : memref<!tpu.dma_semaphore, #tpu.memory_space<semaphore_mem>>
      %dma_start3A_278 = arith.constant 0 : i32
      %dma_start3A_279 = tpu.memref_slice %arg7[%add3A, %dma_start3A_278] : memref<32x16xf32, #tpu.memory_space<hbm>> -> memref<1x16xf32, #tpu.memory_space<hbm>>
      %dma_start3A_280 = tpu.memref_squeeze %dma_start3A_279 : memref<1x16xf32, #tpu.memory_space<hbm>> -> memref<16xf32, #tpu.memory_space<hbm>>
      %dma_start3A_281 = arith.constant 0 : i32
      %dma_start3A_282 = tpu.memref_slice %arg7[%add3A, %dma_start3A_281] : memref<32x16xf32, #tpu.memory_space<hbm>> -> memref<1x16xf32, #tpu.memory_space<hbm>>
      %dma_start3A_283 = tpu.memref_squeeze %dma_start3A_282 : memref<1x16xf32, #tpu.memory_space<hbm>> -> memref<16xf32, #tpu.memory_space<hbm>>
      tpu.enqueue_dma source(%arg15 : memref<16xf32, #tpu.memory_space<vmem>>) target(%dma_start3A_283 : memref<16xf32, #tpu.memory_space<hbm>>) target_semaphore(%run_scoped3A : memref<!tpu.dma_semaphore, #tpu.memory_space<semaphore_mem>>)
      %dma_wait3A_284 = arith.constant 0 : i32
      %dma_wait3A_285 = tpu.memref_slice %arg7[%add3A, %dma_wait3A_284] : memref<32x16xf32, #tpu.memory_space<hbm>> -> memref<1x16xf32, #tpu.memory_space<hbm>>
      %dma_wait3A_286 = tpu.memref_squeeze %dma_wait3A_285 : memref<1x16xf32, #tpu.memory_space<hbm>> -> memref<16xf32, #tpu.memory_space<hbm>>
      %dma_wait3A_287 = arith.constant 0 : i32
      %dma_wait3A_288 = tpu.memref_slice %arg7[%add3A, %dma_wait3A_287] : memref<32x16xf32, #tpu.memory_space<hbm>> -> memref<1x16xf32, #tpu.memory_space<hbm>>
      %dma_wait3A_289 = tpu.memref_squeeze %dma_wait3A_288 : memref<1x16xf32, #tpu.memory_space<hbm>> -> memref<16xf32, #tpu.memory_space<hbm>>
      tpu.wait_dma2 semaphore(%run_scoped3A : memref<!tpu.dma_semaphore, #tpu.memory_space<semaphore_mem>>) src(%arg15 : memref<16xf32, #tpu.memory_space<vmem>>) dst(%dma_wait3A_289 : memref<16xf32, #tpu.memory_space<hbm>>)
      tpu.yield
    }) : () -> ()
    return
  }
}

</mosaic_0001>

<sc_bundles>
// kernel: soft_penalty_loss_sc.3.cloned.1.call-start
scs
__scs_entry_jumppad:
0x0: {  	(pc) =	sbr.rel $0x88, $3  }
0x1: {  	(tag) =	ssettag $0x0;
	lr =	simm.s32 $0x1  }
0x2: {  	[smem:$0x3F9E] =	sst lr;
	_ =	strace $0xD0000000  }
0x3: {  	_ = 	snop  }
0x4: {  	_ = 	snop  }
0x5: {  	_ = 	snop  }
0x6: {  	_ = 	snop  }
0x7: {  	_ = 	snop  }
__scs_overlays_trampoline_lowered:
0x8: {  	[smem:$0x3FAD] =	sst s0  }
0x9: {  	[smem:$0x3FAE] =	sst s1  }
0xa: {  	[smem:$0x3FAF] =	sst s2  }
0xb: {  	[smem:$0x3FB0] =	sst s3  }
0xc: {  	[smem:$0x3FB1] =	sst s4  }
0xd: {  	[smem:$0x3FB2] =	sst s5  }
0xe: {  	[smem:$0x3FB3] =	sst s6  }
0xf: {  	[smem:$0x3FB4] =	sst s7  }
0x10: {  	[smem:$0x3FB5] =	sst s8  }
0x11: {  	[smem:$0x3FB6] =	sst s9;
	s0 =	simm.s32 @!p0 $0x0  }
0x12: {  	s1 =	sld [smem:$0x3F9C];
	s0 =	simm.s32 @p0 $0x1  }
0x13: {  	[smem:$0x3FB7] =	sst s0;
	s0 =	simm.s32 @!p1 $0x0  }
0x14: {  	s2 =	sld [smem:$0x3F9B];
	s0 =	simm.s32 @p1 $0x1  }
0x15: {  	[smem:$0x3FB8] =	sst s0;
	s0 =	simm.s32 @!p2 $0x0  }
0x16: {  	s3 =	sld [smem:$0x3FDB];
	s0 =	simm.s32 @p2 $0x1  }
0x17: {  	s4 =	simm.s32 $0x1BF5;
	[smem:$0x3FBA] =	sst s0  }
0x18: {  	s0 =	sld [smem:$0x3F9D];
	_ =	swait.ge [sflag:s4], $0x0  }
0x19: {  	s7 =	sld [smem:$0x3F9E]  }
0x1a: {  	s8 =	sadd.s32 $0xFFFFE003, lr  }
0x1b: {  	s9 =	sadd.s32 $0xFFFFFEF7, lr;
	s5 =	simm.s32 $0xFFFFFFFF;
	p2 =	slt.u32 s8, $0xFFFFF086  }
0x1c: {  	p1 =	slt.u32 s9, $0xF7A;
	s5 =	simm.s32 @!p2 $0x0  }
0x1d: {  	s5 =	simm.s32 @p1 $0x1;
	p0 =	seq.s32 s7, s2  }
0x1e: {  	s7 =	smul.u32 @!p0 $0xF7A, s2;
	p2 =	seq.s32 @!p0 s5, $0x0  }
0x1f: {  	s9 =	smul.u32 $0xF7A, s1;
	s8 =	simm.s32 @!p0 $0x1BF5;
	p2 =	por !p2, p0  }
0x20: {  	[sflag:s8] =	ssyncset.s32 @!p0 $0xFFFFF086;
	s6 =	sadd.s32 @!p0 s3, s7;
	s7 =	simm.s32 @!p0 $0x108  }
0x21: {  	s3 =	sadd.s32 s3, s9;
	s6 =	sadd.s32 @!p0 $0x88, s6;
	s7 =	simm.s32 @p2 $0x1082  }
0x22: {  	[simem:s7], [sflag:s8] =	dma.local @!p0 [hbm:s6], $0xF7A  }
0x23: {  	s9 =	sor.u32 $0xD0000000, s2;
	s6 =	simm.s32 $0x108;
	_ =	swait.ge @!p0 [sflag:s8], $0x0  }
0x24: {  	s3 =	sadd.s32 $0x88, s3;
	s6 =	simm.s32 @!p1 $0x1082;
	[sflag:s4] =	ssyncset.s32 $0xFFFFF086  }
0x25: {  	[simem:s6], [sflag:s4] =	dma.local [hbm:s3], $0xF7A  }
0x26: {  	[smem:$0x3F9E] =	sst s1;
	(tag) =	ssettag s2;
	_ =	strace s9  }
0x27: {  	s1 =	sld [smem:$0x3FAE]  }
0x28: {  	s2 =	sld [smem:$0x3FAF]  }
0x29: {  	s4 =	sld [smem:$0x3FB1]  }
0x2a: {  	p0 =	seq.s32 s5, $0x0;
	s5 =	sld [smem:$0x3FB2]  }
0x2b: {  	s6 =	sld [smem:$0x3FB3]  }
0x2c: {  	s7 =	sld [smem:$0x3FB4]  }
0x2d: {  	s3 =	simm.s32 $0x108;
	s8 =	sld [smem:$0x3FB5]  }
0x2e: {  	s3 =	simm.s32 @!p0 $0x1082;
	s9 =	sld [smem:$0x3FB6]  }
0x2f: {  	lr =	sadd.s32 s0, s3;
	s0 =	sld [smem:$0x3FAD]  }
0x30: {  	s3 =	sld [smem:$0x3FB0]  }
0x31: {  	[smem:$0x3FB9] =	sst s10  }
0x32: {  	s10 =	sld [smem:$0x3FB7];
	_ =	sdelay $0x3  }
0x33: {  	p0 =	seq.s32 s10, $0x1;
	s10 =	sld [smem:$0x3FB9];
	_ =	sdelay $0x3  }
0x34: {  	[smem:$0x3FB9] =	sst s10  }
0x35: {  	s10 =	sld [smem:$0x3FB8];
	_ =	sdelay $0x3  }
0x36: {  	p1 =	seq.s32 s10, $0x1;
	s10 =	sld [smem:$0x3FB9];
	_ =	sdelay $0x3  }
0x37: {  	[smem:$0x3FB9] =	sst s10  }
0x38: {  	s10 =	sld [smem:$0x3FBA]  }
0x39: {  	_ = 	snop;
	(pc) =	sbr.ind lr, $3  }
0x3a: {  	_ = 	snop  }
0x3b: {  	_ = 	snop  }
0x3c: {  	p2 =	seq.s32 s10, $0x1;
	s10 =	sld [smem:$0x3FB9]  }
0x3d: {  	_ =	shalt  }
0x3e: {  	_ =	shalt  }
0x3f: {  	_ =	shalt  }
0x40: {  	_ =	shalt  }
0x41: {  	_ =	shalt  }
0x42: {  	_ =	shalt  }
0x43: {  	_ =	shalt  }
0x44: {  	_ =	shalt  }
0x45: {  	_ =	shalt  }
0x46: {  	_ =	shalt  }
0x47: {  	_ =	shalt  }
0x48: {  	_ =	shalt  }
0x49: {  	_ =	shalt  }
0x4a: {  	_ =	shalt  }
0x4b: {  	_ =	shalt  }
0x4c: {  	_ =	shalt  }
0x4d: {  	_ =	shalt  }
0x4e: {  	_ =	shalt  }
0x4f: {  	_ =	shalt  }
0x50: {  	_ =	shalt  }
0x51: {  	_ =	shalt  }
0x52: {  	_ =	shalt  }
0x53: {  	_ =	shalt  }
0x54: {  	_ =	shalt  }
0x55: {  	_ =	shalt  }
0x56: {  	_ =	shalt  }
0x57: {  	_ =	shalt  }
0x58: {  	_ =	shalt  }
0x59: {  	_ =	shalt  }
0x5a: {  	_ =	shalt  }
0x5b: {  	_ =	shalt  }
0x5c: {  	_ =	shalt  }
0x5d: {  	_ =	shalt  }
0x5e: {  	_ =	shalt  }
0x5f: {  	_ =	shalt  }
0x60: {  	_ =	shalt  }
0x61: {  	_ =	shalt  }
0x62: {  	_ =	shalt  }
0x63: {  	_ =	shalt  }
0x64: {  	_ =	shalt  }
0x65: {  	_ =	shalt  }
0x66: {  	_ =	shalt  }
0x67: {  	_ =	shalt  }
0x68: {  	_ =	shalt  }
0x69: {  	_ =	shalt  }
0x6a: {  	_ =	shalt  }
0x6b: {  	_ =	shalt  }
0x6c: {  	_ =	shalt  }
0x6d: {  	_ =	shalt  }
0x6e: {  	_ =	shalt  }
0x6f: {  	_ =	shalt  }
0x70: {  	_ =	shalt  }
0x71: {  	_ =	shalt  }
0x72: {  	_ =	shalt  }
0x73: {  	_ =	shalt  }
0x74: {  	_ =	shalt  }
0x75: {  	_ =	shalt  }
0x76: {  	_ =	shalt  }
0x77: {  	_ =	shalt  }
0x78: {  	_ =	shalt  }
0x79: {  	_ =	shalt  }
0x7a: {  	_ =	shalt  }
0x7b: {  	_ =	shalt  }
0x7c: {  	_ =	shalt  }
0x7d: {  	_ =	shalt  }
0x7e: {  	_ =	shalt  }
0x7f: {  	_ =	shalt  }
0x80: {  	_ =	shalt  }
0x81: {  	_ =	shalt  }
0x82: {  	_ =	shalt  }
0x83: {  	_ =	shalt  }
0x84: {  	_ =	shalt  }
0x85: {  	_ =	shalt  }
0x86: {  	_ =	shalt  }
0x87: {  	_ =	shalt  }
.Lfunc_end0:
.L_simem_size_0:
called_computation_lowered:
.L_overlay_start_0:
0x88: {  	s2 =	sld [smem:$0x3FD9]  }
0x89: {  	s3 =	sld [smem:$0x3FFE];
	_ =	sdelay $0x1  }
0x8a: {  	s1 =	srdreg.scid  }
0x8b: {  	s0 =	sand.u32 $0x1, s1  }
0x8c: {  	s17 =	sshll.u32 s0, $0xA;
	s2 =	sadd.s32 s3, s2  }
0x8d: {  	s2 =	sadd.s32 s2, s17  }
0x8e: {  	[smem:$0x3FC5] =	sst s2  }
0x8f: {  	_ = 	snop  }
0x90: {  	s2 =	sld [smem:$0x3FC9]  }
0x91: {  	s18 =	sld [smem:$0x3FC8]  }
0x92: {  	s4 =	sld [smem:$0x3FD0];
	(tm) =	ssettm $0x1  }
0x93: {  	s5 =	sld [smem:$0x3FFB];
	_ =	sdelay $0x3  }
0x94: {  	_ =	strace s5  }
0x95: {  	s5 =	sld [smem:$0x3FFC];
	_ =	sdelay $0x3  }
0x96: {  	_ =	strace s5  }
0x97: {  	s5 =	sld [smem:$0x3FFD];
	_ =	sdelay $0x3  }
0x98: {  	_ =	strace s5  }
0x99: {  	_ =	strace $0x8FFFFFFF  }
0x9a: {  	s19 =	sld [smem:$0x3FDB];
	_ =	sdelay $0x1  }
0x9b: {  	s6 =	simm.s32 $_scs_section_size  }
0x9c: {  	s7 =	simm.s32 $_size__tile_overlayer_lowered;
	s8 =	simm.s32 $_tile_overlayer_lowered  }
0x9d: {  	s22 =	simm.s32 $0x1BFF;
	s21 =	sshll.u32 s8, $0x1;
	s5 =	sadd.s32 s6, s19  }
0x9e: {  	s9 =	simm.s32 $0x0;
	s20 =	sshll.u32 s7, $0x1;
	s7 =	sadd.s32 s21, s5  }
0x9f: {  	[timem:s9], [sflag:s22] =	dma.local [hbm:s7], s20  }
0xa0: {  	_ =	swait.ge [sflag:s22], s20  }
0xa1: {  	s6 =	ssub.s32 $0x0, s20;
	[sflag:s22] =	ssyncset.done $0x0  }
0xa2: {  	[sflag:s22] =	ssyncadd.s32 s6;
	_ =	sdelay $0x1  }
0xa3: {  	s23 =	simm.s32 $0x1B8B  }
0xa4: {  	_ =	swait.ge [sflag:s23], $0x1  }
0xa5: {  	[sflag:s23] =	ssyncset.done $0x0  }
0xa6: {  	s25 =	simm.s32 $0x1B8E;
	s24 =	sld [smem:$0x3FFE];
	[sflag:s23] =	ssyncadd.s32 $0xFFFFFFFF  }
0xa7: {  	s26 =	simm.s32 $execute0_lowered;
	[smem:$0x3FD2] =	sst s25  }
0xa8: {  	s7 =	sshll.u32 s26, $0x1;
	_ =	strace $0x80000046;
	[dreg:$0x1] =	wrdreg $0xFFFFFFFF  }
0xa9: {  	s28 =	simm.s32 $_size_execute0_lowered;
	s5 =	sadd.s32 s5, s7;
	[dreg:$0x0] =	wrdreg $0x0  }
0xaa: {  	s7 =	sshll.u32 s28, $0x1;
	[dreg:$0x2] =	wrdreg s5  }
0xab: {  	[dreg:$0x3] =	wrdreg s7  }
0xac: {  	[dreg:$0x4] =	wrdreg $0xC0  }
0xad: {  	_ =	task [dreg:s9], $0x5FFFF  }
0xae: {  	[dreg:$0x1] =	wrdreg $0xFFFFFFFF  }
0xaf: {  	[dreg:$0x0] =	wrdreg $0x60  }
0xb0: {  	[dreg:$0x2] =	wrdreg s2  }
0xb1: {  	[dreg:$0x3] =	wrdreg s18  }
0xb2: {  	[dreg:$0x4] =	wrdreg s4  }
0xb3: {  	[dreg:$0x5] =	wrdreg s24  }
0xb4: {  	[dreg:$0x6] =	wrdreg $0x9  }
0xb5: {  	_ =	task.clear_ibuf [dreg:s9], $0x7FFFF;
	_ =	strace $0x90000046  }
0xb6: {  	s29 =	simm.s32 $0x9;
	_ =	strace $0x80000048  }
0xb7: {  	_ =	swait.ge [sflag:s29], $0x1  }
0xb8: {  	[sflag:s29] =	ssyncadd.s32 $0xFFFFFFFF  }
0xb9: {  	_ =	strace $0x90000048  }
0xba: {  	_ =	sfence  }
0xbb: {  	s30 =	sld [smem:$0x0];
	_ =	sdelay $0x2  }
0xbc: {  	s31 =	sshll.u32 s1, $0xD;
	s1 =	sshrl.u32 s1, $0x2  }
0xbd: {  	s3 =	sand.u32 $0x4000, s31;
	s1 =	sadd.s32 s1, s30  }
0xbe: {  	s0 =	sor.u32 s3, s0;
	s1 =	sshll.u32 s1, $0x11  }
0xbf: {  	s0 =	sor.u32 s1, s0  }
0xc0: {  	s0 =	sadd.s32 $0x8F2B, s0  }
0xc1: {  	[sflag:s0] =	ssyncadd.remote.s32 $0x1  }
0xc2: {  	_ =	sfence.sel $0xFFFF  }
0xc3: {  	[dreg:$0x0] =	wrdreg $0xFFFFFFFF;
	(pc) =	sbr.abs _section_cstart, $3  }
0xc4: {  	[dreg:$0x1] =	wrdreg $0xFFFFFFFF  }
0xc5: {  	_ =	task.clear_ibuf [dreg:s9], $0x2FFFF;
	_ =	strace $0x9FFFFFFF  }
0xc6: {  	(tm) =	ssettm $0x7FFFFFFF  }
0xc7: {  	_ =	shalt  }
tec
execute0_lowered:
.L_overlay_start_1:
0x0: {  	(tag) =	ssettag $0x1  }
0x1: {  	s0 =	srdreg.scid;
	s3 =	rddreg [dreg:$0x0]  }
0x2: {  	s4 =	rddreg [dreg:$0x1];
	s6 =	stileid.u32;
	s0 =	sand.u32 $0x1, s0  }
0x3: {  	s7 =	rddreg [dreg:$0x3];
	s2 =	simm.s32 $0x0;
	s1 =	sshll.u32 s0, $0x4  }
0x4: {  	[smem:$0x7FF] =	sst s2;
	s0 =	ssub.s32 $0x2, s0;
	s1 =	sor.u32 s6, s1  }
0x5: {  	s6 =	sshll.u32 s6, $0x4;
	s14 =	sshrl.u32 s0, $0x1;
	s5 =	sshll.u32 s1, $0x4  }
0x6: {  	s6 =	sand.u32 $0x70, s6;
	s1 =	sshll.u32 s1, $0xF;
	s8 =	ssub.s32 s0, s14  }
0x7: {  	s5 =	sand.u32 $0x180, s5;
	s15 =	sor.u32 $0x800, s1;
	s17 =	sor.u32 $0x1000, s1  }
0x8: {  	s20 =	sor.u32 $0x1800, s1;
	s22 =	sor.u32 $0x2000, s1;
	s24 =	sor.u32 $0x2800, s1  }
0x9: {  	s26 =	sor.u32 $0x3000, s1;
	s9 =	sor.u32 $0x3800, s1;
	s16 =	sadd.s32 s3, s15  }
0xa: {  	s11 =	sor.u32 $0x4000, s1;
	s18 =	sadd.s32 s4, s15;
	[dreg:$0x5] =	wrdreg s16  }
0xb: {  	s13 =	sor.u32 $0x4800, s1;
	s19 =	sadd.s32 s3, s17;
	[dreg:$0x6] =	wrdreg s18  }
0xc: {  	s30 =	sadd.s32 s3, s1;
	s0 =	sadd.s32 s4, s17;
	[dreg:$0x7] =	wrdreg s19  }
0xd: {  	s31 =	sadd.s32 s4, s1;
	s21 =	sadd.s32 s3, s20;
	[dreg:$0x8] =	wrdreg s0  }
0xe: {  	s5 =	sor.u32 s6, s5;
	s23 =	sadd.s32 s3, s22;
	[dreg:$0x9] =	wrdreg s21  }
0xf: {  	s25 =	sadd.s32 s3, s24;
	s10 =	sadd.s32 s3, s9;
	[dreg:$0xb] =	wrdreg s23  }
0x10: {  	s12 =	sadd.s32 s3, s11;
	s14 =	sadd.s32 s3, s13;
	[dreg:$0xd] =	wrdreg s25  }
0x11: {  	s15 =	sor.u32 $0x5000, s1;
	s17 =	sor.u32 $0x5800, s1;
	[dreg:$0x11] =	wrdreg s10  }
0x12: {  	s6 =	sadd.s32 s5, s7;
	s5 =	sadd.s32 s4, s20;
	[dreg:$0x13] =	wrdreg s12  }
0x13: {  	s0 =	sadd.s32 s4, s22;
	s7 =	sadd.s32 s3, s26;
	[dreg:$0x15] =	wrdreg s14  }
0x14: {  	s16 =	sadd.s32 s3, s15;
	s22 =	sadd.s32 s4, s15;
	s23 =	sadd.s32 s3, s17  }
0x15: {  	s18 =	sor.u32 $0x6000, s1;
	s19 =	sor.u32 $0x6800, s1;
	s20 =	sor.u32 $0x7000, s1  }
0x16: {  	s21 =	sor.u32 $0x7800, s1;
	s10 =	simm.s32 $0x10080;
	[dreg:$0xa] =	wrdreg s5  }
0x17: {  	s12 =	simm.s32 $0x1;
	s14 =	simm.s32 $0x4000;
	[dreg:$0xc] =	wrdreg s0  }
0x18: {  	s15 =	simm.s32 $0xC000;
	s5 =	sadd.s32 s4, s24;
	[dreg:$0xf] =	wrdreg s7  }
0x19: {  	s0 =	sadd.s32 s4, s26;
	[dreg:$0x17] =	wrdreg s16;
	s24 =	sadd.s32 s4, s17  }
0x1a: {  	s25 =	sadd.s32 s3, s18;
	s26 =	sadd.s32 s4, s18;
	s28 =	sadd.s32 s3, s19  }
0x1b: {  	s29 =	sadd.s32 s4, s19;
	s1 =	sadd.s32 s4, s20;
	s7 =	smax.u32 s8, $0x1  }
0x1c: {  	s8 =	simm.s32 $0x10000;
	s16 =	simm.s32 $0x2;
	[dreg:$0xe] =	wrdreg s5  }
0x1d: {  	s17 =	simm.s32 $0x4;
	[dreg:$0x10] =	wrdreg s0;
	s5 =	sadd.s32 s4, s9  }
0x1e: {  	s18 =	simm.s32 $0x0;
	s0 =	sadd.s32 s4, s11;
	[dreg:$0x12] =	wrdreg s5  }
0x1f: {  	s9 =	simm.s32 $0x5;
	s11 =	simm.s32 $0x8000;
	[dreg:$0x14] =	wrdreg s0  }
0x20: {  	s5 =	sadd.s32 s4, s13;
	s0 =	sadd.s32 s3, s20;
	s3 =	sadd.s32 s3, s21  }
0x21: {  	s4 =	sadd.s32 s4, s21;
	s13 =	simm.s32 $0x3;
	[dreg:$0x16] =	wrdreg s5  }
0x22: {  	s5 =	sadd.s32 $0x400, s6;
	s6 =	sadd.s32 $0x200, s6;
	_ =	strace $0x80000047  }
.LBB2_1:
0x23: {  	s19 =	rddreg [dreg:$0x2]  }
0x24: {  	[tilespmem:s8], [sflag:$0x5] =	stream.linear.gather [hbm4b:s19+s2], $0x80, $0x38;
	[tilespmem:$0x10200] =	vst v63  }
0x25: {  	_ =	swait.ge [sflag:s9], $0x80  }
0x26: {  	[sflag:s9] =	ssyncset.done $0x0  }
0x27: {  	[sflag:s9] =	ssyncadd.s32 $0xFFFFFF80  }
0x28: {  	s20 =	rddreg [dreg:$0x3]  }
0x29: {  	[tilespmem:s10], [sflag:$0x5] =	stream.linear.gather [hbm4b:s20+s2], $0x80, $0x38;
	[tilespmem:$0x10200] =	vst v63  }
0x2a: {  	_ =	swait.ge [sflag:s9], $0x80  }
0x2b: {  	[sflag:s9] =	ssyncset.done $0x0  }
0x2c: {  	[sflag:s9] =	ssyncadd.s32 $0xFFFFFF80  }
0x2d: {  	[tilespmem:s2], [sflag:$0x1] =	stream.linear.gather [hbm4b:s30+s2], $0x4000, $0x38;
	[tilespmem:$0x10200] =	vst v63  }
0x2e: {  	_ = 	snop  }
0x2f: {  	[tilespmem:s11], [sflag:$0x3] =	stream.linear.gather [hbm4b:s31+s2], $0x4000, $0x38;
	[tilespmem:$0x10200] =	vst v63  }
0x30: {  	_ =	swait.ge [sflag:s12], $0x4000  }
0x31: {  	[sflag:s12] =	ssyncset.done $0x0  }
0x32: {  	[sflag:s12] =	ssyncadd.s32 $0xFFFFC000  }
0x33: {  	_ =	swait.ge [sflag:s13], $0x4000  }
0x34: {  	[sflag:s13] =	ssyncset.done $0x0  }
0x35: {  	s21 =	rddreg [dreg:$0x5];
	[sflag:s13] =	ssyncadd.s32 $0xFFFFC000  }
0x36: {  	[tilespmem:s14], [sflag:$0x2] =	stream.linear.gather [hbm4b:s21+s2], $0x4000, $0x38;
	[tilespmem:$0x10200] =	vst v63  }
0x37: {  	s20 =	rddreg [dreg:$0x6]  }
0x38: {  	[tilespmem:s15], [sflag:$0x4] =	stream.linear.gather [hbm4b:s20+s2], $0x4000, $0x38;
	[tilespmem:$0x10200] =	vst v63  }
0x39: {  	s20 =	simm.s32 $0x40  }
0x3a: {  	s21 =	simm.s32 $0x8040;
	v0 =	vld [tilespmem:s20+$0x30]  }
0x3b: {  	v1 =	vld [tilespmem:s21+$0x30]  }
0x3c: {  	v5 =	vld [tilespmem:s20+$0x10]  }
0x3d: {  	v6 =	vld [tilespmem:s20+$0x0]  }
0x3e: {  	v8 =	vld [tilespmem:s20+$0xFFFFFFC0]  }
0x3f: {  	v10 =	vld [tilespmem:s20+$0xFFFFFFE0]  }
0x40: {  	v12 =	vld [tilespmem:s21+$0x20]  }
0x41: {  	v15 =	vld [tilespmem:s20+$0xFFFFFFF0]  }
0x42: {  	v25 =	vld [tilespmem:s20+$0x20]  }
0x43: {  	v28 =	vld [tilespmem:s21+$0xFFFFFFF0]  }
0x44: {  	s19 =	simm.s32 $0x80C0;
	v30 =	vld [tilespmem:s21+$0xFFFFFFD0]  }
0x45: {  	v13 =	vimm.f32 $0.0e+00;
	v45 =	vld [tilespmem:s19+$0xFFFFFFF0];
	v4 =	vmax.f32 v0, $0.0e+00  }
0x46: {  	v9 =	vcvt.s32.f32 v1;
	v1 =	vshll.u32 v1, $0x3;
	v14 =	vmax.f32 v5, $0.0e+00  }
0x47: {  	v3 =	vld [tilespmem:s21+$0x0];
	v17 =	vmax.f32 v8, $0.0e+00;
	v18 =	vmax.f32 v10, $0.0e+00;
	v19 =	vshll.u32 v12, $0x3  }
0x48: {  	v21 =	vmax.f32 v6, $0.0e+00;
	v22 =	vmax.f32 v15, $0.0e+00;
	v12 =	vcvt.s32.f32 v12  }
0x49: {  	v31 =	vmax.f32 v25, $0.0e+00;
	v32 =	vshll.u32 v28, $0x3;
	v36 =	vshll.u32 v30, $0x3  }
0x4a: {  	v28 =	vcvt.s32.f32 v28;
	v58 =	vshll.u32 v45, $0x3;
	v4 =	vmin.f32 v4, $7.000000000e+00  }
0x4b: {  	v17 =	vmin.f32 v17, $7.000000000e+00;
	v18 =	vmin.f32 v18, $7.000000000e+00;
	v22 =	vmin.f32 v22, $7.000000000e+00  }
0x4c: {  	v7 =	vtrunc.f32 v4;
	v9 =	vsub.f32 v0, v9;
	v0 =	vcvt.s32.f32 v3  }
0x4d: {  	v21 =	vmin.f32 v21, $7.000000000e+00;
	v20 =	vtrunc.f32 v17;
	v26 =	vtrunc.f32 v18  }
0x4e: {  	v2 =	vld [tilespmem:s21+$0xFFFFFFC0];
	v31 =	vmin.f32 v31, $7.000000000e+00;
	v27 =	vtrunc.f32 v22;
	v29 =	vtrunc.f32 v21  }
0x4f: {  	v3 =	vshll.u32 v3, $0x3;
	v34 =	vtrunc.f32 v31;
	v15 =	vsub.f32 v15, v28  }
0x50: {  	v12 =	vsub.f32 v25, v12;
	v7 =	vcvt.f32.s32 v7;
	v26 =	vcvt.f32.s32 v26  }
0x51: {  	v27 =	vcvt.f32.s32 v27;
	v6 =	vsub.f32 v6, v0;
	v15 =	vmul.f32 v15, v15  }
0x52: {  	v11 =	vcvt.s32.f32 v7;
	v1 =	vadd.s32 v7, v1;
	v7 =	vmin.f32 v14, $7.000000000e+00  }
0x53: {  	v61 =	vld [tilespmem:s21+$0x10];
	v14 =	vcvt.s32.f32 v2;
	v2 =	vshll.u32 v2, $0x3;
	v16 =	vtrunc.f32 v7  }
0x54: {  	v0 =	vld [tilespmem:s19+$0x30];
	v32 =	vadd.s32 v27, v32;
	v27 =	vcvt.s32.f32 v27;
	v16 =	vcvt.f32.s32 v16  }
0x55: {  	v4 =	vsub.f32 v4, v11;
	v11 =	vld [tilespmem:s20+$0xFFFFFFD0];
	v8 =	vsub.f32 v8, v14;
	v14 =	vcvt.f32.s32 v20  }
0x56: {  	v20 =	vcvt.f32.s32 v29;
	v29 =	vld [tilespmem:s21+$0xFFFFFFE0];
	v22 =	vsub.f32 v22, v27;
	v23 =	vcvt.s32.f32 v16  }
0x57: {  	v63 =	vld [tilespmem:s19+$0x0];
	v37 =	vadd.s32 v14, v2;
	v2 =	vcvt.f32.s32 v34;
	v14 =	vcvt.s32.f32 v14  }
0x58: {  	v3 =	vadd.s32 v20, v3;
	v20 =	vcvt.s32.f32 v20;
	v8 =	vmul.f32 v8, v8;
	v35 =	vld.idx.msk [tilespmem:v1+s10+$0x0], $0xffff  }
0x59: {  	v52 =	vshll.u32 v0, $0x3;
	v39 =	vld.idx.msk [tilespmem:v1+s8+$0x0], $0xffff;
	v1 =	vcvt.s32.f32 v26;
	v7 =	vsub.f32 v7, v23  }
0x5a: {  	v55 =	vld [tilespmem:s19+$0x20];
	v38 =	vcvt.s32.f32 v2;
	v27 =	vadd.s32 v2, v19;
	v2 =	vcvt.s32.f32 v30  }
0x5b: {  	s21 =	simm.s32 $0xC0;
	v20 =	vsub.f32 v21, v20;
	v21 =	vld.idx.msk [tilespmem:v32+s10+$0x0], $0xffff;
	v24 =	vmax.f32 v11, $0.0e+00;
	v62 =	vshll.u32 v29, $0x3  }
0x5c: {  	v19 =	vsub.f32 v18, v1;
	v1 =	vshll.u32 v61, $0x3;
	v18 =	vld [tilespmem:s21+$0x30];
	v24 =	vmin.f32 v24, $7.000000000e+00  }
0x5d: {  	v34 =	vadd.s32 v26, v62;
	v16 =	vadd.s32 v16, v1;
	v1 =	vcvt.s32.f32 v29;
	v26 =	vld.idx.msk [tilespmem:v3+s8+$0x0], $0xffff  }
0x5e: {  	v30 =	vcvt.s32.f32 v61;
	v11 =	vsub.f32 v11, v2;
	v23 =	vtrunc.f32 v24;
	v3 =	vld.idx.msk [tilespmem:v3+s10+$0x0], $0xffff  }
0x5f: {  	v28 =	vld [tilespmem:s19+$0xFFFFFFC0];
	v17 =	vsub.f32 v17, v14;
	v23 =	vcvt.f32.s32 v23;
	v1 =	vsub.f32 v10, v1  }
0x60: {  	v43 =	vld.idx.msk [tilespmem:v32+s8+$0x0], $0xffff;
	v8 =	vadd.f32 v8, v13;
	v31 =	vsub.f32 v31, v38;
	v11 =	vmul.f32 v11, v11  }
0x61: {  	v33 =	vcvt.s32.f32 v23;
	v23 =	vadd.s32 v23, v36;
	v25 =	vmul.f32 v1, v1;
	v1 =	vld [tilespmem:s21+$0x10]  }
0x62: {  	v4 =	vmul.f32 v4, v35;
	v10 =	vsub.f32 v5, v30;
	v8 =	vadd.f32 v11, v8;
	v11 =	vld.idx.msk [tilespmem:v16+s10+$0x0], $0xffff  }
0x63: {  	v56 =	vmul.f32 v22, v21;
	v5 =	vmax.f32 v18, $0.0e+00;
	v16 =	vld.idx.msk [tilespmem:v16+s8+$0x0], $0xffff;
	v3 =	vmul.f32 v20, v3  }
0x64: {  	v54 =	vld.idx.msk [tilespmem:v34+s10+$0x0], $0xffff;
	v24 =	vsub.f32 v24, v33;
	v20 =	vadd.f32 v25, v8;
	v25 =	vmul.f32 v6, v6  }
0x65: {  	v8 =	vcvt.s32.f32 v63;
	v33 =	vshll.u32 v63, $0x3;
	v41 =	vadd.f32 v3, v26;
	v3 =	vld [tilespmem:s21+$0xFFFFFFE0]  }
0x66: {  	v15 =	vadd.f32 v15, v20;
	v20 =	vmul.f32 v10, v10;
	v10 =	vmul.f32 v12, v12;
	v29 =	vld.idx.msk [tilespmem:v23+s8+$0x0], $0xffff  }
0x67: {  	v26 =	vshll.u32 v55, $0x3;
	v14 =	vld.idx.msk [tilespmem:v23+s10+$0x0], $0xffff;
	v23 =	vmin.f32 v5, $7.000000000e+00;
	v5 =	vcvt.s32.f32 v0  }
0x68: {  	v30 =	vtrunc.f32 v23;
	v7 =	vmul.f32 v7, v11;
	v11 =	vld.idx.msk [tilespmem:v37+s10+$0x0], $0xffff;
	v15 =	vadd.f32 v25, v15  }
0x69: {  	v25 =	vld.idx.msk [tilespmem:v27+s10+$0x0], $0xffff;
	v35 =	vmul.f32 v19, v54;
	v0 =	vsub.f32 v18, v5;
	v18 =	vcvt.f32.s32 v30  }
0x6a: {  	v30 =	vld [tilespmem:s21+$0xFFFFFFC0];
	v5 =	vadd.f32 v4, v39;
	v4 =	vmul.f32 v9, v9;
	v9 =	vmax.f32 v1, $0.0e+00  }
0x6b: {  	v37 =	vld.idx.msk [tilespmem:v37+s8+$0x0], $0xffff;
	v39 =	vadd.f32 v56, v43;
	v40 =	vmin.f32 v9, $7.000000000e+00;
	v6 =	vcvt.s32.f32 v18  }
0x6c: {  	v9 =	vld [tilespmem:s21+$0xFFFFFFD0];
	v16 =	vadd.f32 v7, v16;
	v53 =	vadd.s32 v18, v52;
	v12 =	vtrunc.f32 v40  }
0x6d: {  	v2 =	vld [tilespmem:s21+$0x0];
	v24 =	vmul.f32 v24, v14;
	v18 =	vcvt.f32.s32 v12;
	v6 =	vsub.f32 v23, v6  }
0x6e: {  	v14 =	vld [tilespmem:s21+$0xFFFFFFF0];
	v23 =	vcvt.s32.f32 v28;
	v28 =	vshll.u32 v28, $0x3;
	v11 =	vmul.f32 v17, v11  }
0x6f: {  	v57 =	vmul.f32 v31, v25;
	v7 =	vmax.f32 v30, $0.0e+00;
	v19 =	vcvt.s32.f32 v18  }
0x70: {  	v17 =	vadd.f32 v24, v29;
	v12 =	vmin.f32 v7, $7.000000000e+00;
	v7 =	vmax.f32 v3, $0.0e+00  }
0x71: {  	v44 =	vmax.f32 v9, $0.0e+00;
	v37 =	vadd.f32 v11, v37;
	v21 =	vmin.f32 v7, $7.000000000e+00  }
0x72: {  	v42 =	vtrunc.f32 v12;
	v7 =	vmax.f32 v2, $0.0e+00;
	v29 =	vtrunc.f32 v21  }
0x73: {  	v34 =	vld.idx.msk [tilespmem:v34+s8+$0x0], $0xffff;
	v24 =	vmax.f32 v14, $0.0e+00;
	v22 =	vmin.f32 v7, $7.000000000e+00;
	v7 =	vsub.f32 v40, v19  }
0x74: {  	v11 =	vld [tilespmem:s21+$0x20];
	v59 =	vcvt.f32.s32 v42;
	v32 =	vmin.f32 v24, $7.000000000e+00;
	v24 =	vsub.f32 v30, v23  }
0x75: {  	v31 =	vtrunc.f32 v22;
	v30 =	vadd.f32 v37, v13;
	v46 =	vcvt.f32.s32 v29  }
0x76: {  	v23 =	vmin.f32 v44, $7.000000000e+00;
	v13 =	vcvt.s32.f32 v55;
	v25 =	vtrunc.f32 v32  }
0x77: {  	v27 =	vld.idx.msk [tilespmem:v27+s8+$0x0], $0xffff;
	v29 =	vtrunc.f32 v23;
	v37 =	vcvt.s32.f32 v59;
	v17 =	vadd.f32 v17, v30  }
0x78: {  	v47 =	vcvt.f32.s32 v29;
	v29 =	vadd.f32 v35, v34;
	v34 =	vcvt.f32.s32 v31  }
0x79: {  	v30 =	vld [tilespmem:s19+$0xFFFFFFE0];
	v31 =	vadd.s32 v59, v28;
	v60 =	vmax.f32 v11, $0.0e+00;
	v35 =	vadd.f32 v20, v15  }
0x7a: {  	v19 =	vld [tilespmem:s19+$0xFFFFFFD0];
	v15 =	vcvt.f32.s32 v25;
	v43 =	vcvt.s32.f32 v46;
	v49 =	vmin.f32 v60, $7.000000000e+00  }
0x7b: {  	v28 =	vadd.s32 v34, v33;
	v61 =	vtrunc.f32 v49;
	v62 =	vadd.f32 v29, v17  }
0x7c: {  	v36 =	vld [tilespmem:s19+$0x10];
	v38 =	vadd.f32 v57, v27;
	v20 =	vcvt.s32.f32 v47;
	v40 =	vcvt.f32.s32 v61  }
0x7d: {  	v17 =	vld.idx.msk [tilespmem:v53+s10+$0x0], $0xffff;
	v25 =	vadd.s32 v15, v58;
	v42 =	vcvt.s32.f32 v15;
	v39 =	vadd.f32 v39, v62  }
0x7e: {  	v29 =	vsub.f32 v23, v20;
	v23 =	vld.idx.msk [tilespmem:v53+s8+$0x0], $0xffff;
	v63 =	vshll.u32 v30, $0x3;
	v15 =	vcvt.s32.f32 v40  }
0x7f: {  	v48 =	vshll.u32 v19, $0x3;
	v20 =	vld.idx.msk [tilespmem:v31+s8+$0x0], $0xffff;
	v27 =	vadd.s32 v46, v63;
	v44 =	vadd.f32 v41, v39  }
0x80: {  	s20 =	simm.s32 $0x140;
	s21 =	simm.s32 $0x8140;
	s19 =	simm.s32 $0x8;
	v39 =	vadd.s32 v47, v48;
	v41 =	vcvt.s32.f32 v45;
	v33 =	vld.idx.msk [tilespmem:v28+s8+$0x0], $0xffff;
	v15 =	vsub.f32 v49, v15  }
.LBB2_2:
0x81: {  	s19 =	sadd.s32 $0x8, s19;
	v32 =	vsub.f32 v32, v42;
	v42 =	vld.idx.msk [tilespmem:v28+s10+$0x0], $0xffff;
	v8 =	vsub.f32 v2, v8;
	v28 =	vadd.s32 v40, v26  }
0x82: {  	v40 =	vsub.f32 v21, v43;
	v2 =	vadd.f32 v16, v44;
	v26 =	vld [tilespmem:s21+$0x30];
	p0 =	slt.u32 s19, $0x3F8;
	v21 =	vshll.u32 v36, $0x3  }
0x83: {  	v19 =	vcvt.s32.f32 v19;
	v34 =	vcvt.s32.f32 v34;
	v14 =	vsub.f32 v14, v41;
	v16 =	vld [tilespmem:s20+$0x30]  }
0x84: {  	v10 =	vadd.f32 v10, v35;
	v36 =	vcvt.s32.f32 v36;
	v38 =	vadd.f32 v38, v2;
	v41 =	vld [tilespmem:s21+$0xFFFFFFC0]  }
0x85: {  	v9 =	vsub.f32 v9, v19;
	v19 =	vsub.f32 v22, v34;
	v18 =	vadd.s32 v18, v21;
	v2 =	vld [tilespmem:s20+$0x0]  }
0x86: {  	v21 =	vmul.f32 v24, v24;
	v22 =	vcvt.s32.f32 v30;
	v30 =	vadd.f32 v5, v38;
	v24 =	vld.idx.msk [tilespmem:v25+s10+$0x0], $0xffff  }
0x87: {  	v34 =	vsub.f32 v12, v37;
	v4 =	vadd.f32 v4, v10;
	v5 =	vmul.f32 v6, v17;
	v35 =	vld.idx.msk [tilespmem:v39+s8+$0x0], $0xffff  }
0x88: {  	v6 =	vmul.f32 v9, v9;
	v3 =	vsub.f32 v3, v22;
	v9 =	vsub.f32 v1, v36;
	v37 =	vld [tilespmem:s21+$0x0]  }
0x89: {  	v11 =	vsub.f32 v11, v13;
	v4 =	vadd.f32 v21, v4;
	v1 =	vmax.f32 v16, $0.0e+00;
	v10 =	vld.idx.msk [tilespmem:v39+s10+$0x0], $0xffff  }
0x8a: {  	v13 =	vcvt.s32.f32 v26;
	v3 =	vmul.f32 v3, v3;
	v12 =	vmin.f32 v1, $7.000000000e+00;
	v17 =	vld.idx.msk [tilespmem:v18+s8+$0x0], $0xffff  }
0x8b: {  	v22 =	vshll.u32 v26, $0x3;
	v4 =	vadd.f32 v6, v4;
	v21 =	vtrunc.f32 v12;
	v6 =	vld.idx.msk [tilespmem:v18+s10+$0x0], $0xffff  }
0x8c: {  	v14 =	vmul.f32 v14, v14;
	v13 =	vsub.f32 v16, v13;
	v16 =	vmul.f32 v19, v42;
	v1 =	vld [tilespmem:s20+$0x10]  }
0x8d: {  	v19 =	vadd.f32 v3, v4;
	v18 =	vcvt.f32.s32 v21;
	v21 =	vmul.f32 v8, v8;
	v31 =	vld.idx.msk [tilespmem:v31+s10+$0x0], $0xffff  }
0x8e: {  	v5 =	vadd.f32 v5, v23;
	v4 =	vmul.f32 v0, v0;
	v33 =	vadd.f32 v16, v33;
	v0 =	vmovc v13;
	v36 =	vld [tilespmem:s20+$0xFFFFFFC0]  }
0x8f: {  	v8 =	vcvt.s32.f32 v37;
	v23 =	vadd.s32 v18, v22;
	v13 =	vmul.f32 v29, v10;
	v3 =	vld [tilespmem:s20+$0xFFFFFFE0]  }
0x90: {  	v26 =	vadd.f32 v14, v19;
	v10 =	vcvt.s32.f32 v18;
	v29 =	vmul.f32 v9, v9;
	v22 =	vld.idx.msk [tilespmem:v27+s10+$0x0], $0xffff  }
0x91: {  	v39 =	vmul.f32 v32, v24;
	v7 =	vmul.f32 v7, v6;
	v9 =	vmax.f32 v1, $0.0e+00;
	v38 =	vld [tilespmem:s21+$0x20]  }
0x92: {  	v6 =	vsub.f32 v12, v10;
	v10 =	vmul.f32 v11, v11;
	v19 =	vld [tilespmem:s21+$0xFFFFFFD0];
	v24 =	vmin.f32 v9, $7.000000000e+00  }
0x93: {  	v11 =	vcvt.s32.f32 v41;
	v16 =	vadd.f32 v7, v17;
	v9 =	vld [tilespmem:s20+$0xFFFFFFD0];
	v12 =	vtrunc.f32 v24  }
0x94: {  	v41 =	vshll.u32 v41, $0x3;
	v7 =	vmax.f32 v36, $0.0e+00;
	v14 =	vld [tilespmem:s20+$0xFFFFFFF0];
	v18 =	vcvt.f32.s32 v12  }
0x95: {  	v42 =	vadd.f32 v21, v26;
	v12 =	vmin.f32 v7, $7.000000000e+00;
	v7 =	vmax.f32 v3, $0.0e+00;
	v43 =	vld.idx.msk [tilespmem:v28+s10+$0x0], $0xffff  }
0x96: {  	v21 =	vmin.f32 v7, $7.000000000e+00;
	v40 =	vmul.f32 v40, v22;
	v26 =	vshll.u32 v38, $0x3;
	v17 =	vld.idx.msk [tilespmem:v23+s10+$0x0], $0xffff  }
0x97: {  	v44 =	vtrunc.f32 v12;
	v7 =	vmax.f32 v2, $0.0e+00;
	v45 =	vcvt.s32.f32 v18;
	v25 =	vld.idx.msk [tilespmem:v25+s8+$0x0], $0xffff  }
0x98: {  	v31 =	vmul.f32 v34, v31;
	v34 =	vadd.f32 v13, v35;
	v46 =	vmax.f32 v9, $0.0e+00;
	v27 =	vld.idx.msk [tilespmem:v27+s8+$0x0], $0xffff  }
0x99: {  	v13 =	vtrunc.f32 v21;
	v22 =	vmin.f32 v7, $7.000000000e+00;
	v47 =	vld [tilespmem:s21+$0xFFFFFFF0];
	v32 =	vmax.f32 v14, $0.0e+00  }
0x9a: {  	v20 =	vadd.f32 v31, v20;
	v7 =	vsub.f32 v24, v45;
	v32 =	vmin.f32 v32, $7.000000000e+00  }
0x9b: {  	v24 =	vsub.f32 v36, v11;
	v36 =	vmin.f32 v46, $7.000000000e+00;
	v15 =	vmul.f32 v15, v43  }
0x9c: {  	v20 =	vadd.f32 v20, v30;
	v31 =	vtrunc.f32 v22;
	v43 =	vtrunc.f32 v32;
	v11 =	vld [tilespmem:s20+$0x20]  }
0x9d: {  	v45 =	vcvt.f32.s32 v13;
	v13 =	vcvt.s32.f32 v38;
	v38 =	vadd.f32 v39, v25  }
0x9e: {  	v20 =	vadd.f32 v34, v20;
	v25 =	vtrunc.f32 v36;
	v39 =	vshll.u32 v47, $0x3  }
0x9f: {  	v44 =	vcvt.f32.s32 v44;
	v46 =	vcvt.f32.s32 v25;
	v25 =	vadd.f32 v40, v27;
	v30 =	vld [tilespmem:s21+$0xFFFFFFE0]  }
0xa0: {  	v48 =	vshll.u32 v19, $0x3;
	v34 =	vcvt.f32.s32 v31;
	v27 =	vshll.u32 v37, $0x3;
	v49 =	vld.idx.msk [tilespmem:v28+s8+$0x0], $0xffff  }
0xa1: {  	v35 =	vadd.f32 v29, v42;
	v31 =	vadd.s32 v44, v41;
	v37 =	vmax.f32 v11, $0.0e+00  }
0xa2: {  	v41 =	vcvt.f32.s32 v43;
	v28 =	vadd.s32 v34, v27;
	v50 =	vmin.f32 v37, $7.000000000e+00  }
0xa3: {  	v20 =	vadd.f32 v25, v20;
	v27 =	vcvt.s32.f32 v46;
	v29 =	vtrunc.f32 v50  }
.Ltmp0:
0xa4: {  	v25 =	vadd.s32 v41, v39;
	v37 =	vcvt.s32.f32 v44;
	v40 =	vcvt.f32.s32 v29;
	(pc) =	sbr.rel @p0 .LBB2_2-.Ltmp0, $4  }
0xa5: {  	v39 =	vadd.f32 v38, v20;
	v29 =	vsub.f32 v36, v27;
	v27 =	vshll.u32 v30, $0x3;
	v36 =	vld [tilespmem:s21+$0x10]  }
0xa6: {  	v42 =	vcvt.s32.f32 v41;
	v38 =	vadd.f32 v15, v49;
	v51 =	vcvt.s32.f32 v40;
	v23 =	vld.idx.msk [tilespmem:v23+s8+$0x0], $0xffff  }
0xa7: {  	v43 =	vcvt.s32.f32 v45;
	v44 =	vadd.f32 v33, v39;
	v27 =	vadd.s32 v45, v27;
	v20 =	vld.idx.msk [tilespmem:v31+s8+$0x0], $0xffff  }
0xa8: {  	s20 =	sadd.s32 $0x80, s20;
	v41 =	vcvt.s32.f32 v47;
	v39 =	vadd.s32 v46, v48;
	s21 =	sadd.s32 $0x80, s21;
	v33 =	vld.idx.msk [tilespmem:v28+s8+$0x0], $0xffff;
	v15 =	vsub.f32 v50, v51  }
0xa9: {  	_ =	sdelay $0x3  }
0xaa: {  	v28 =	vld.idx.msk [tilespmem:v28+s10+$0x0], $0xffff  }
0xab: {  	v61 =	vld.idx.msk [tilespmem:v25+s10+$0x0], $0xffff  }
0xac: {  	v46 =	vld.idx.msk [tilespmem:v39+s8+$0x0], $0xffff  }
0xad: {  	v26 =	vadd.s32 v40, v26;
	v62 =	vld.idx.msk [tilespmem:v39+s10+$0x0], $0xffff  }
0xae: {  	v31 =	vld.idx.msk [tilespmem:v31+s10+$0x0], $0xffff;
	v45 =	vshll.u32 v36, $0x3  }
0xaf: {  	v47 =	vld.idx.msk [tilespmem:v27+s10+$0x0], $0xffff;
	v18 =	vadd.s32 v18, v45  }
0xb0: {  	v25 =	vld.idx.msk [tilespmem:v25+s8+$0x0], $0xffff  }
0xb1: {  	v2 =	vsub.f32 v2, v8;
	v8 =	vsub.f32 v21, v43;
	v21 =	vld.idx.msk [tilespmem:v27+s8+$0x0], $0xffff  }
0xb2: {  	v48 =	vld.idx.msk [tilespmem:v26+s10+$0x0], $0xffff  }
0xb3: {  	v26 =	vld.idx.msk [tilespmem:v26+s8+$0x0], $0xffff  }
0xb4: {  	v16 =	vadd.f32 v16, v44;
	v12 =	vsub.f32 v12, v37;
	v63 =	vld.idx.msk [tilespmem:v18+s8+$0x0], $0xffff  }
0xb5: {  	v32 =	vsub.f32 v32, v42;
	v19 =	vcvt.s32.f32 v19;
	v27 =	vcvt.s32.f32 v34;
	v18 =	vld.idx.msk [tilespmem:v18+s10+$0x0], $0xffff;
	_ =	swait.ge [sflag:s16], $0x4000  }
0xb6: {  	v10 =	vadd.f32 v10, v35;
	v16 =	vadd.f32 v38, v16;
	v12 =	vmul.f32 v12, v31;
	[sflag:s16] =	ssyncset.done $0x0  }
0xb7: {  	v9 =	vsub.f32 v9, v19;
	v19 =	vsub.f32 v22, v27;
	[sflag:s16] =	ssyncadd.s32 $0xFFFFC000  }
0xb8: {  	v5 =	vadd.f32 v5, v16;
	v16 =	vmul.f32 v29, v62;
	v12 =	vadd.f32 v12, v20;
	_ =	swait.ge [sflag:s17], $0x4000  }
0xb9: {  	v22 =	vcvt.s32.f32 v30;
	v4 =	vadd.f32 v4, v10;
	v20 =	vmul.f32 v24, v24;
	[sflag:s17] =	ssyncset.done $0x0  }
0xba: {  	v8 =	vmul.f32 v8, v47;
	v10 =	vadd.f32 v16, v46;
	v5 =	vadd.f32 v12, v5;
	s19 =	rddreg [dreg:$0x7];
	[sflag:s17] =	ssyncadd.s32 $0xFFFFC000  }
0xbb: {  	v9 =	vmul.f32 v9, v9;
	v3 =	vsub.f32 v3, v22;
	v4 =	vadd.f32 v20, v4;
	[tilespmem:s2], [sflag:$0x1] =	stream.linear.gather [hbm4b:s19+s2], $0x4000, $0x38;
	[tilespmem:$0x10200] =	vst v63  }
0xbc: {  	v8 =	vadd.f32 v8, v21;
	v12 =	vmul.f32 v32, v61;
	v5 =	vadd.f32 v10, v5;
	s20 =	rddreg [dreg:$0x8]  }
0xbd: {  	v14 =	vsub.f32 v14, v41;
	v3 =	vmul.f32 v3, v3;
	v4 =	vadd.f32 v9, v4;
	[tilespmem:s11], [sflag:$0x3] =	stream.linear.gather [hbm4b:s20+s2], $0x4000, $0x38;
	[tilespmem:$0x10200] =	vst v63  }
0xbe: {  	v9 =	vmul.f32 v19, v28;
	v12 =	vadd.f32 v12, v25;
	v5 =	vadd.f32 v8, v5;
	s20 =	simm.s32 $0x4040  }
0xbf: {  	s21 =	simm.s32 $0xC040;
	v10 =	vcvt.s32.f32 v36;
	v8 =	vmul.f32 v14, v14;
	v3 =	vadd.f32 v3, v4;
	v4 =	vld [tilespmem:s20+$0x30]  }
0xc0: {  	v7 =	vmul.f32 v7, v18;
	v9 =	vadd.f32 v9, v33;
	v5 =	vadd.f32 v12, v5;
	v14 =	vld [tilespmem:s21+$0x20]  }
0xc1: {  	v2 =	vmul.f32 v2, v2;
	v1 =	vsub.f32 v1, v10;
	v3 =	vadd.f32 v8, v3;
	v16 =	vld [tilespmem:s20+$0xFFFFFFF0]  }
0xc2: {  	v7 =	vadd.f32 v7, v63;
	v8 =	vmul.f32 v15, v48;
	v29 =	vld [tilespmem:s21+$0xFFFFFFF0];
	v5 =	vadd.f32 v9, v5  }
0xc3: {  	v10 =	vsub.f32 v11, v13;
	v1 =	vmul.f32 v1, v1;
	v31 =	vld [tilespmem:s21+$0xFFFFFFD0];
	v2 =	vadd.f32 v2, v3  }
0xc4: {  	v6 =	vmul.f32 v6, v17;
	v8 =	vadd.f32 v8, v26;
	v5 =	vadd.f32 v7, v5  }
0xc5: {  	v0 =	vmul.f32 v0, v0;
	v10 =	vmul.f32 v10, v10;
	v26 =	vld [tilespmem:s20+$0x20];
	v1 =	vadd.f32 v1, v2  }
0xc6: {  	v6 =	vadd.f32 v6, v23;
	v9 =	vld [tilespmem:s21+$0x30];
	v11 =	vmax.f32 v4, $0.0e+00;
	v5 =	vadd.f32 v8, v5  }
0xc7: {  	v1 =	vadd.f32 v10, v1;
	v20 =	vshll.u32 v14, $0x3;
	v23 =	vmax.f32 v16, $0.0e+00  }
0xc8: {  	v14 =	vcvt.s32.f32 v14;
	v49 =	vshll.u32 v29, $0x3;
	v53 =	vshll.u32 v31, $0x3  }
0xc9: {  	v7 =	vld [tilespmem:s21+$0x0];
	v29 =	vcvt.s32.f32 v29;
	v2 =	vmin.f32 v11, $7.000000000e+00;
	v23 =	vmin.f32 v23, $7.000000000e+00  }
0xca: {  	v55 =	vld [tilespmem:s21+$0x10];
	v48 =	vmax.f32 v26, $0.0e+00;
	v12 =	vtrunc.f32 v2;
	v13 =	vadd.f32 v6, v5  }
0xcb: {  	v8 =	vld [tilespmem:s20+$0x0];
	v5 =	vcvt.s32.f32 v9;
	v0 =	vadd.f32 v0, v1;
	v1 =	vshll.u32 v9, $0x3  }
0xcc: {  	v11 =	vld [tilespmem:s20+$0x10];
	v28 =	vtrunc.f32 v23;
	v32 =	vmin.f32 v48, $7.000000000e+00;
	v10 =	vcvt.f32.s32 v12  }
0xcd: {  	v3 =	vld [tilespmem:s21+$0xFFFFFFC0];
	v16 =	vsub.f32 v16, v29;
	v28 =	vcvt.f32.s32 v28;
	v51 =	vtrunc.f32 v32  }
0xce: {  	v6 =	vld [tilespmem:s20+$0xFFFFFFE0];
	v4 =	vsub.f32 v4, v5;
	v5 =	vcvt.s32.f32 v7;
	v7 =	vshll.u32 v7, $0x3  }
0xcf: {  	v12 =	vld [tilespmem:s20+$0xFFFFFFC0];
	v16 =	vmul.f32 v16, v16;
	v9 =	vcvt.s32.f32 v10;
	v1 =	vadd.s32 v10, v1  }
0xd0: {  	v22 =	vmax.f32 v8, $0.0e+00;
	v33 =	vadd.s32 v28, v49;
	v28 =	vcvt.s32.f32 v28  }
0xd1: {  	v15 =	vmax.f32 v11, $0.0e+00;
	v5 =	vsub.f32 v8, v5;
	v8 =	vcvt.s32.f32 v31  }
0xd2: {  	v22 =	vmin.f32 v22, $7.000000000e+00;
	v31 =	vcvt.s32.f32 v55;
	v4 =	vmul.f32 v4, v4  }
0xd3: {  	v10 =	vmin.f32 v15, $7.000000000e+00;
	v15 =	vcvt.s32.f32 v3;
	v19 =	vmax.f32 v6, $0.0e+00  }
0xd4: {  	s19 =	simm.s32 $0xC0C0;
	v30 =	vtrunc.f32 v22;
	v17 =	vtrunc.f32 v10;
	v18 =	vmax.f32 v12, $0.0e+00  }
0xd5: {  	v48 =	vld [tilespmem:s19+$0x20];
	v19 =	vmin.f32 v19, $7.000000000e+00;
	v17 =	vcvt.f32.s32 v17;
	v18 =	vmin.f32 v18, $7.000000000e+00  }
0xd6: {  	v9 =	vsub.f32 v2, v9;
	v2 =	vld [tilespmem:s20+$0xFFFFFFD0];
	v27 =	vtrunc.f32 v19;
	v21 =	vtrunc.f32 v18  }
0xd7: {  	v12 =	vsub.f32 v12, v15;
	v52 =	vld.idx.msk [tilespmem:v1+s10+$0x0], $0xffff;
	v15 =	vcvt.f32.s32 v21;
	v21 =	vcvt.f32.s32 v30  }
0xd8: {  	v3 =	vshll.u32 v3, $0x3;
	v27 =	vcvt.f32.s32 v27;
	v58 =	vld.idx.msk [tilespmem:v1+s8+$0x0], $0xffff;
	v24 =	vcvt.s32.f32 v17  }
0xd9: {  	v30 =	vld [tilespmem:s21+$0xFFFFFFE0];
	s21 =	simm.s32 $0x40C0;
	v7 =	vadd.s32 v21, v7;
	v54 =	vadd.s32 v15, v3;
	v3 =	vcvt.f32.s32 v51  }
0xda: {  	v23 =	vsub.f32 v23, v28;
	v1 =	vcvt.s32.f32 v27;
	v28 =	vld [tilespmem:s21+$0x30];
	v21 =	vcvt.s32.f32 v21  }
0xdb: {  	v25 =	vmax.f32 v2, $0.0e+00;
	v57 =	vcvt.s32.f32 v3;
	v20 =	vadd.s32 v3, v20;
	v3 =	vld [tilespmem:s19+$0x30]  }
0xdc: {  	v19 =	vsub.f32 v19, v1;
	v1 =	vshll.u32 v55, $0x3;
	v21 =	vsub.f32 v22, v21;
	v22 =	vld.idx.msk [tilespmem:v33+s10+$0x0], $0xffff  }
0xdd: {  	v12 =	vmul.f32 v12, v12;
	v25 =	vmin.f32 v25, $7.000000000e+00;
	v17 =	vadd.s32 v17, v1;
	v33 =	vld.idx.msk [tilespmem:v33+s8+$0x0], $0xffff  }
0xde: {  	v10 =	vsub.f32 v10, v24;
	v24 =	vtrunc.f32 v25;
	v1 =	vcvt.s32.f32 v30;
	v59 =	vld.idx.msk [tilespmem:v7+s8+$0x0], $0xffff  }
0xdf: {  	v8 =	vsub.f32 v2, v8;
	v0 =	vadd.f32 v12, v0;
	v24 =	vcvt.f32.s32 v24;
	v7 =	vld.idx.msk [tilespmem:v7+s10+$0x0], $0xffff  }
0xe0: {  	v15 =	vcvt.s32.f32 v15;
	v1 =	vsub.f32 v6, v1;
	v6 =	vsub.f32 v11, v31;
	v31 =	vld [tilespmem:s19+$0x0]  }
0xe1: {  	v12 =	vsub.f32 v26, v14;
	v50 =	vcvt.s32.f32 v24;
	v24 =	vadd.s32 v24, v53;
	v38 =	vld.idx.msk [tilespmem:v54+s8+$0x0], $0xffff  }
0xe2: {  	v8 =	vmul.f32 v8, v8;
	v15 =	vsub.f32 v18, v15;
	v9 =	vmul.f32 v9, v52;
	v62 =	vld.idx.msk [tilespmem:v17+s10+$0x0], $0xffff  }
0xe3: {  	v56 =	vshll.u32 v30, $0x3;
	v11 =	vmax.f32 v28, $0.0e+00;
	v23 =	vmul.f32 v23, v22;
	v22 =	vld.idx.msk [tilespmem:v54+s10+$0x0], $0xffff  }
0xe4: {  	v27 =	vadd.s32 v27, v56;
	v60 =	vsub.f32 v32, v57;
	v11 =	vmin.f32 v11, $7.000000000e+00;
	v51 =	vld.idx.msk [tilespmem:v20+s10+$0x0], $0xffff  }
0xe5: {  	v25 =	vsub.f32 v25, v50;
	v18 =	vcvt.s32.f32 v3;
	v26 =	vtrunc.f32 v11;
	v54 =	vld [tilespmem:s19+$0xFFFFFFF0]  }
0xe6: {  	v61 =	vshll.u32 v3, $0x3;
	v3 =	vadd.f32 v8, v0;
	v63 =	vmul.f32 v6, v6;
	v30 =	vld.idx.msk [tilespmem:v24+s8+$0x0], $0xffff  }
0xe7: {  	v14 =	vld.idx.msk [tilespmem:v24+s10+$0x0], $0xffff;
	v24 =	vmul.f32 v1, v1;
	v0 =	vsub.f32 v28, v18;
	v18 =	vcvt.f32.s32 v26  }
0xe8: {  	v1 =	vld [tilespmem:s21+$0x10];
	v26 =	vshll.u32 v48, $0x3;
	v23 =	vadd.f32 v23, v33;
	v7 =	vmul.f32 v21, v7  }
0xe9: {  	v20 =	vld.idx.msk [tilespmem:v20+s8+$0x0], $0xffff;
	v8 =	vcvt.s32.f32 v31;
	v21 =	vadd.f32 v24, v3;
	v24 =	vmul.f32 v5, v5  }
0xea: {  	v29 =	vld [tilespmem:s19+$0xFFFFFFC0];
	v5 =	vadd.f32 v9, v58;
	v41 =	vadd.s32 v18, v61;
	v9 =	vcvt.s32.f32 v18  }
0xeb: {  	v17 =	vld.idx.msk [tilespmem:v17+s8+$0x0], $0xffff;
	v39 =	vadd.f32 v7, v59;
	v15 =	vmul.f32 v15, v22;
	v56 =	vmul.f32 v60, v51  }
0xec: {  	v28 =	vld [tilespmem:s21+$0xFFFFFFC0];
	v59 =	vshll.u32 v54, $0x3;
	v21 =	vadd.f32 v16, v21;
	v7 =	vmul.f32 v25, v14  }
0xed: {  	v3 =	vld [tilespmem:s21+$0xFFFFFFE0];
	v6 =	vmax.f32 v1, $0.0e+00;
	v14 =	vmul.f32 v10, v62;
	v10 =	vmul.f32 v12, v12  }
0xee: {  	v25 =	vld.idx.msk [tilespmem:v27+s10+$0x0], $0xffff;
	v15 =	vadd.f32 v15, v38;
	v38 =	vadd.f32 v56, v20;
	v49 =	vmin.f32 v6, $7.000000000e+00  }
0xef: {  	v2 =	vld [tilespmem:s21+$0x0];
	v6 =	vsub.f32 v11, v9;
	v11 =	vcvt.s32.f32 v29;
	v29 =	vshll.u32 v29, $0x3  }
0xf0: {  	v50 =	vadd.f32 v24, v21;
	v12 =	vtrunc.f32 v49;
	v16 =	vadd.f32 v14, v17;
	v14 =	vld [tilespmem:s21+$0xFFFFFFF0]  }
0xf1: {  	v17 =	vmax.f32 v28, $0.0e+00;
	v30 =	vadd.f32 v7, v30;
	v15 =	vadd.f32 v15, v13  }
0xf2: {  	v9 =	vld [tilespmem:s21+$0xFFFFFFD0];
	v18 =	vcvt.f32.s32 v12;
	v12 =	vmin.f32 v17, $7.000000000e+00;
	v17 =	vmax.f32 v3, $0.0e+00  }
0xf3: {  	v13 =	vcvt.s32.f32 v48;
	v21 =	vmin.f32 v17, $7.000000000e+00;
	v17 =	vmul.f32 v19, v25  }
0xf4: {  	v27 =	vld.idx.msk [tilespmem:v27+s8+$0x0], $0xffff;
	v15 =	vadd.f32 v30, v15;
	v25 =	vtrunc.f32 v12;
	v24 =	vcvt.s32.f32 v18  }
0xf5: {  	v19 =	vmax.f32 v2, $0.0e+00;
	v53 =	vtrunc.f32 v21;
	v7 =	vmax.f32 v14, $0.0e+00  }
0xf6: {  	v32 =	vmin.f32 v7, $7.000000000e+00;
	v7 =	vsub.f32 v49, v24;
	v24 =	vsub.f32 v28, v11;
	v11 =	vld [tilespmem:s21+$0x20]  }
0xf7: {  	v52 =	vmax.f32 v9, $0.0e+00;
	v22 =	vmin.f32 v19, $7.000000000e+00;
	v44 =	vcvt.f32.s32 v53  }
0xf8: {  	v25 =	vcvt.f32.s32 v25;
	v55 =	vmin.f32 v52, $7.000000000e+00;
	v57 =	vtrunc.f32 v22  }
0xf9: {  	v17 =	vadd.f32 v17, v27;
	v27 =	vshll.u32 v31, $0x3;
	v58 =	vtrunc.f32 v55  }
0xfa: {  	v19 =	vld [tilespmem:s19+$0xFFFFFFD0];
	v34 =	vcvt.f32.s32 v57;
	v31 =	vadd.s32 v25, v29;
	v37 =	vcvt.s32.f32 v25  }
0xfb: {  	v30 =	vld [tilespmem:s19+$0xFFFFFFE0];
	v43 =	vcvt.s32.f32 v44;
	v28 =	vtrunc.f32 v32;
	v29 =	vmax.f32 v11, $0.0e+00  }
0xfc: {  	v33 =	vcvt.f32.s32 v58;
	v15 =	vadd.f32 v17, v15;
	v62 =	vmin.f32 v29, $7.000000000e+00  }
0xfd: {  	v36 =	vld [tilespmem:s19+$0x10];
	v61 =	vcvt.f32.s32 v28;
	v28 =	vadd.s32 v34, v27;
	v29 =	vtrunc.f32 v62  }
0xfe: {  	v35 =	vadd.f32 v63, v50;
	v17 =	vld.idx.msk [tilespmem:v41+s10+$0x0], $0xffff;
	v27 =	vcvt.s32.f32 v33;
	v40 =	vcvt.f32.s32 v29  }
0xff: {  	v60 =	vshll.u32 v19, $0x3;
	v15 =	vadd.f32 v23, v15;
	v23 =	vld.idx.msk [tilespmem:v41+s8+$0x0], $0xffff;
	v41 =	vcvt.s32.f32 v54  }
0x100: {  	v29 =	vsub.f32 v55, v27;
	v27 =	vshll.u32 v30, $0x3;
	v63 =	vcvt.s32.f32 v40  }
0x101: {  	v25 =	vadd.s32 v61, v59;
	v42 =	vcvt.s32.f32 v61;
	v20 =	vld.idx.msk [tilespmem:v31+s8+$0x0], $0xffff;
	v27 =	vadd.s32 v44, v27  }
0x102: {  	s20 =	simm.s32 $0x4140;
	s19 =	simm.s32 $0x8;
	s21 =	simm.s32 $0xC140;
	v44 =	vadd.f32 v39, v15;
	v39 =	vadd.s32 v33, v60;
	v33 =	vld.idx.msk [tilespmem:v28+s8+$0x0], $0xffff;
	v15 =	vsub.f32 v62, v63  }
.LBB2_4:
0x103: {  	s19 =	sadd.s32 $0x8, s19;
	v32 =	vsub.f32 v32, v42;
	v42 =	vld.idx.msk [tilespmem:v28+s10+$0x0], $0xffff;
	v8 =	vsub.f32 v2, v8;
	v28 =	vadd.s32 v40, v26  }
0x104: {  	v40 =	vsub.f32 v21, v43;
	v2 =	vadd.f32 v16, v44;
	v26 =	vld [tilespmem:s21+$0x30];
	p0 =	slt.u32 s19, $0x3F8;
	v21 =	vshll.u32 v36, $0x3  }
0x105: {  	v19 =	vcvt.s32.f32 v19;
	v34 =	vcvt.s32.f32 v34;
	v14 =	vsub.f32 v14, v41;
	v16 =	vld [tilespmem:s20+$0x30]  }
0x106: {  	v10 =	vadd.f32 v10, v35;
	v36 =	vcvt.s32.f32 v36;
	v38 =	vadd.f32 v38, v2;
	v41 =	vld [tilespmem:s21+$0xFFFFFFC0]  }
0x107: {  	v9 =	vsub.f32 v9, v19;
	v19 =	vsub.f32 v22, v34;
	v18 =	vadd.s32 v18, v21;
	v2 =	vld [tilespmem:s20+$0x0]  }
0x108: {  	v21 =	vmul.f32 v24, v24;
	v22 =	vcvt.s32.f32 v30;
	v30 =	vadd.f32 v5, v38;
	v24 =	vld.idx.msk [tilespmem:v25+s10+$0x0], $0xffff  }
0x109: {  	v34 =	vsub.f32 v12, v37;
	v4 =	vadd.f32 v4, v10;
	v5 =	vmul.f32 v6, v17;
	v35 =	vld.idx.msk [tilespmem:v39+s8+$0x0], $0xffff  }
0x10a: {  	v6 =	vmul.f32 v9, v9;
	v3 =	vsub.f32 v3, v22;
	v9 =	vsub.f32 v1, v36;
	v37 =	vld [tilespmem:s21+$0x0]  }
0x10b: {  	v11 =	vsub.f32 v11, v13;
	v4 =	vadd.f32 v21, v4;
	v1 =	vmax.f32 v16, $0.0e+00;
	v10 =	vld.idx.msk [tilespmem:v39+s10+$0x0], $0xffff  }
0x10c: {  	v13 =	vcvt.s32.f32 v26;
	v3 =	vmul.f32 v3, v3;
	v12 =	vmin.f32 v1, $7.000000000e+00;
	v17 =	vld.idx.msk [tilespmem:v18+s8+$0x0], $0xffff  }
0x10d: {  	v22 =	vshll.u32 v26, $0x3;
	v4 =	vadd.f32 v6, v4;
	v21 =	vtrunc.f32 v12;
	v6 =	vld.idx.msk [tilespmem:v18+s10+$0x0], $0xffff  }
0x10e: {  	v14 =	vmul.f32 v14, v14;
	v13 =	vsub.f32 v16, v13;
	v16 =	vmul.f32 v19, v42;
	v1 =	vld [tilespmem:s20+$0x10]  }
0x10f: {  	v19 =	vadd.f32 v3, v4;
	v18 =	vcvt.f32.s32 v21;
	v21 =	vmul.f32 v8, v8;
	v31 =	vld.idx.msk [tilespmem:v31+s10+$0x0], $0xffff  }
0x110: {  	v5 =	vadd.f32 v5, v23;
	v4 =	vmul.f32 v0, v0;
	v33 =	vadd.f32 v16, v33;
	v0 =	vmovc v13;
	v36 =	vld [tilespmem:s20+$0xFFFFFFC0]  }
0x111: {  	v8 =	vcvt.s32.f32 v37;
	v23 =	vadd.s32 v18, v22;
	v13 =	vmul.f32 v29, v10;
	v3 =	vld [tilespmem:s20+$0xFFFFFFE0]  }
0x112: {  	v26 =	vadd.f32 v14, v19;
	v10 =	vcvt.s32.f32 v18;
	v29 =	vmul.f32 v9, v9;
	v22 =	vld.idx.msk [tilespmem:v27+s10+$0x0], $0xffff  }
0x113: {  	v39 =	vmul.f32 v32, v24;
	v7 =	vmul.f32 v7, v6;
	v9 =	vmax.f32 v1, $0.0e+00;
	v38 =	vld [tilespmem:s21+$0x20]  }
0x114: {  	v6 =	vsub.f32 v12, v10;
	v10 =	vmul.f32 v11, v11;
	v19 =	vld [tilespmem:s21+$0xFFFFFFD0];
	v24 =	vmin.f32 v9, $7.000000000e+00  }
0x115: {  	v11 =	vcvt.s32.f32 v41;
	v16 =	vadd.f32 v7, v17;
	v9 =	vld [tilespmem:s20+$0xFFFFFFD0];
	v12 =	vtrunc.f32 v24  }
0x116: {  	v41 =	vshll.u32 v41, $0x3;
	v7 =	vmax.f32 v36, $0.0e+00;
	v14 =	vld [tilespmem:s20+$0xFFFFFFF0];
	v18 =	vcvt.f32.s32 v12  }
0x117: {  	v42 =	vadd.f32 v21, v26;
	v12 =	vmin.f32 v7, $7.000000000e+00;
	v7 =	vmax.f32 v3, $0.0e+00;
	v43 =	vld.idx.msk [tilespmem:v28+s10+$0x0], $0xffff  }
0x118: {  	v21 =	vmin.f32 v7, $7.000000000e+00;
	v40 =	vmul.f32 v40, v22;
	v26 =	vshll.u32 v38, $0x3;
	v17 =	vld.idx.msk [tilespmem:v23+s10+$0x0], $0xffff  }
0x119: {  	v44 =	vtrunc.f32 v12;
	v7 =	vmax.f32 v2, $0.0e+00;
	v45 =	vcvt.s32.f32 v18;
	v25 =	vld.idx.msk [tilespmem:v25+s8+$0x0], $0xffff  }
0x11a: {  	v31 =	vmul.f32 v34, v31;
	v34 =	vadd.f32 v13, v35;
	v46 =	vmax.f32 v9, $0.0e+00;
	v27 =	vld.idx.msk [tilespmem:v27+s8+$0x0], $0xffff  }
0x11b: {  	v13 =	vtrunc.f32 v21;
	v22 =	vmin.f32 v7, $7.000000000e+00;
	v47 =	vld [tilespmem:s21+$0xFFFFFFF0];
	v32 =	vmax.f32 v14, $0.0e+00  }
0x11c: {  	v20 =	vadd.f32 v31, v20;
	v7 =	vsub.f32 v24, v45;
	v32 =	vmin.f32 v32, $7.000000000e+00  }
0x11d: {  	v24 =	vsub.f32 v36, v11;
	v36 =	vmin.f32 v46, $7.000000000e+00;
	v15 =	vmul.f32 v15, v43  }
0x11e: {  	v20 =	vadd.f32 v20, v30;
	v31 =	vtrunc.f32 v22;
	v43 =	vtrunc.f32 v32;
	v11 =	vld [tilespmem:s20+$0x20]  }
0x11f: {  	v45 =	vcvt.f32.s32 v13;
	v13 =	vcvt.s32.f32 v38;
	v38 =	vadd.f32 v39, v25  }
0x120: {  	v20 =	vadd.f32 v34, v20;
	v25 =	vtrunc.f32 v36;
	v39 =	vshll.u32 v47, $0x3  }
0x121: {  	v44 =	vcvt.f32.s32 v44;
	v46 =	vcvt.f32.s32 v25;
	v25 =	vadd.f32 v40, v27;
	v30 =	vld [tilespmem:s21+$0xFFFFFFE0]  }
0x122: {  	v48 =	vshll.u32 v19, $0x3;
	v34 =	vcvt.f32.s32 v31;
	v27 =	vshll.u32 v37, $0x3;
	v49 =	vld.idx.msk [tilespmem:v28+s8+$0x0], $0xffff  }
0x123: {  	v35 =	vadd.f32 v29, v42;
	v31 =	vadd.s32 v44, v41;
	v37 =	vmax.f32 v11, $0.0e+00  }
0x124: {  	v41 =	vcvt.f32.s32 v43;
	v28 =	vadd.s32 v34, v27;
	v50 =	vmin.f32 v37, $7.000000000e+00  }
0x125: {  	v20 =	vadd.f32 v25, v20;
	v27 =	vcvt.s32.f32 v46;
	v29 =	vtrunc.f32 v50  }
.Ltmp1:
0x126: {  	v25 =	vadd.s32 v41, v39;
	v37 =	vcvt.s32.f32 v44;
	v40 =	vcvt.f32.s32 v29;
	(pc) =	sbr.rel @p0 .LBB2_4-.Ltmp1, $4  }
0x127: {  	v39 =	vadd.f32 v38, v20;
	v29 =	vsub.f32 v36, v27;
	v27 =	vshll.u32 v30, $0x3;
	v36 =	vld [tilespmem:s21+$0x10]  }
0x128: {  	v42 =	vcvt.s32.f32 v41;
	v38 =	vadd.f32 v15, v49;
	v51 =	vcvt.s32.f32 v40;
	v23 =	vld.idx.msk [tilespmem:v23+s8+$0x0], $0xffff  }
0x129: {  	v43 =	vcvt.s32.f32 v45;
	v44 =	vadd.f32 v33, v39;
	v27 =	vadd.s32 v45, v27;
	v20 =	vld.idx.msk [tilespmem:v31+s8+$0x0], $0xffff  }
0x12a: {  	s20 =	sadd.s32 $0x80, s20;
	v41 =	vcvt.s32.f32 v47;
	v39 =	vadd.s32 v46, v48;
	s21 =	sadd.s32 $0x80, s21;
	v33 =	vld.idx.msk [tilespmem:v28+s8+$0x0], $0xffff;
	v15 =	vsub.f32 v50, v51  }
0x12b: {  	_ =	sdelay $0x3  }
0x12c: {  	v28 =	vld.idx.msk [tilespmem:v28+s10+$0x0], $0xffff  }
0x12d: {  	v61 =	vld.idx.msk [tilespmem:v25+s10+$0x0], $0xffff  }
0x12e: {  	v46 =	vld.idx.msk [tilespmem:v39+s8+$0x0], $0xffff  }
0x12f: {  	v26 =	vadd.s32 v40, v26;
	v62 =	vld.idx.msk [tilespmem:v39+s10+$0x0], $0xffff  }
0x130: {  	v31 =	vld.idx.msk [tilespmem:v31+s10+$0x0], $0xffff;
	v45 =	vshll.u32 v36, $0x3  }
0x131: {  	v47 =	vld.idx.msk [tilespmem:v27+s10+$0x0], $0xffff;
	v18 =	vadd.s32 v18, v45  }
0x132: {  	v25 =	vld.idx.msk [tilespmem:v25+s8+$0x0], $0xffff  }
0x133: {  	v2 =	vsub.f32 v2, v8;
	v8 =	vsub.f32 v21, v43;
	v21 =	vld.idx.msk [tilespmem:v27+s8+$0x0], $0xffff  }
0x134: {  	v48 =	vld.idx.msk [tilespmem:v26+s10+$0x0], $0xffff  }
0x135: {  	v26 =	vld.idx.msk [tilespmem:v26+s8+$0x0], $0xffff  }
0x136: {  	v16 =	vadd.f32 v16, v44;
	v12 =	vsub.f32 v12, v37;
	v63 =	vld.idx.msk [tilespmem:v18+s8+$0x0], $0xffff  }
0x137: {  	v32 =	vsub.f32 v32, v42;
	v19 =	vcvt.s32.f32 v19;
	v27 =	vcvt.s32.f32 v34;
	v18 =	vld.idx.msk [tilespmem:v18+s10+$0x0], $0xffff;
	_ =	swait.ge [sflag:s12], $0x4000  }
0x138: {  	v10 =	vadd.f32 v10, v35;
	v16 =	vadd.f32 v38, v16;
	v12 =	vmul.f32 v12, v31;
	[sflag:s12] =	ssyncset.done $0x0  }
0x139: {  	v9 =	vsub.f32 v9, v19;
	v19 =	vsub.f32 v22, v27;
	[sflag:s12] =	ssyncadd.s32 $0xFFFFC000  }
0x13a: {  	v5 =	vadd.f32 v5, v16;
	v16 =	vmul.f32 v29, v62;
	v12 =	vadd.f32 v12, v20;
	_ =	swait.ge [sflag:s13], $0x4000  }
0x13b: {  	v22 =	vcvt.s32.f32 v30;
	v4 =	vadd.f32 v4, v10;
	v20 =	vmul.f32 v24, v24;
	[sflag:s13] =	ssyncset.done $0x0  }
0x13c: {  	v8 =	vmul.f32 v8, v47;
	v10 =	vadd.f32 v16, v46;
	v5 =	vadd.f32 v12, v5;
	s19 =	rddreg [dreg:$0x9];
	[sflag:s13] =	ssyncadd.s32 $0xFFFFC000  }
0x13d: {  	v9 =	vmul.f32 v9, v9;
	v3 =	vsub.f32 v3, v22;
	v4 =	vadd.f32 v20, v4;
	[tilespmem:s14], [sflag:$0x2] =	stream.linear.gather [hbm4b:s19+s2], $0x4000, $0x38;
	[tilespmem:$0x10200] =	vst v63  }
0x13e: {  	v8 =	vadd.f32 v8, v21;
	v12 =	vmul.f32 v32, v61;
	v5 =	vadd.f32 v10, v5;
	s20 =	rddreg [dreg:$0xa]  }
0x13f: {  	v14 =	vsub.f32 v14, v41;
	v3 =	vmul.f32 v3, v3;
	v4 =	vadd.f32 v9, v4;
	[tilespmem:s15], [sflag:$0x4] =	stream.linear.gather [hbm4b:s20+s2], $0x4000, $0x38;
	[tilespmem:$0x10200] =	vst v63  }
0x140: {  	v9 =	vmul.f32 v19, v28;
	v12 =	vadd.f32 v12, v25;
	v5 =	vadd.f32 v8, v5;
	s20 =	simm.s32 $0x40  }
0x141: {  	s21 =	simm.s32 $0x8040;
	v10 =	vcvt.s32.f32 v36;
	v8 =	vmul.f32 v14, v14;
	v3 =	vadd.f32 v3, v4;
	v4 =	vld [tilespmem:s20+$0x30]  }
0x142: {  	v7 =	vmul.f32 v7, v18;
	v9 =	vadd.f32 v9, v33;
	v5 =	vadd.f32 v12, v5;
	v14 =	vld [tilespmem:s21+$0x20]  }
0x143: {  	v2 =	vmul.f32 v2, v2;
	v1 =	vsub.f32 v1, v10;
	v3 =	vadd.f32 v8, v3;
	v16 =	vld [tilespmem:s20+$0xFFFFFFF0]  }
0x144: {  	v7 =	vadd.f32 v7, v63;
	v8 =	vmul.f32 v15, v48;
	v29 =	vld [tilespmem:s21+$0xFFFFFFF0];
	v5 =	vadd.f32 v9, v5  }
0x145: {  	v10 =	vsub.f32 v11, v13;
	v1 =	vmul.f32 v1, v1;
	v31 =	vld [tilespmem:s21+$0xFFFFFFD0];
	v2 =	vadd.f32 v2, v3  }
0x146: {  	v6 =	vmul.f32 v6, v17;
	v8 =	vadd.f32 v8, v26;
	v5 =	vadd.f32 v7, v5  }
0x147: {  	v0 =	vmul.f32 v0, v0;
	v10 =	vmul.f32 v10, v10;
	v26 =	vld [tilespmem:s20+$0x20];
	v1 =	vadd.f32 v1, v2  }
0x148: {  	v6 =	vadd.f32 v6, v23;
	v9 =	vld [tilespmem:s21+$0x30];
	v11 =	vmax.f32 v4, $0.0e+00;
	v5 =	vadd.f32 v8, v5  }
0x149: {  	v1 =	vadd.f32 v10, v1;
	v20 =	vshll.u32 v14, $0x3;
	v23 =	vmax.f32 v16, $0.0e+00  }
0x14a: {  	v14 =	vcvt.s32.f32 v14;
	v49 =	vshll.u32 v29, $0x3;
	v53 =	vshll.u32 v31, $0x3  }
0x14b: {  	v7 =	vld [tilespmem:s21+$0x0];
	v29 =	vcvt.s32.f32 v29;
	v2 =	vmin.f32 v11, $7.000000000e+00;
	v23 =	vmin.f32 v23, $7.000000000e+00  }
0x14c: {  	v55 =	vld [tilespmem:s21+$0x10];
	v48 =	vmax.f32 v26, $0.0e+00;
	v12 =	vtrunc.f32 v2;
	v13 =	vadd.f32 v6, v5  }
0x14d: {  	v8 =	vld [tilespmem:s20+$0x0];
	v5 =	vcvt.s32.f32 v9;
	v0 =	vadd.f32 v0, v1;
	v1 =	vshll.u32 v9, $0x3  }
0x14e: {  	v11 =	vld [tilespmem:s20+$0x10];
	v28 =	vtrunc.f32 v23;
	v32 =	vmin.f32 v48, $7.000000000e+00;
	v10 =	vcvt.f32.s32 v12  }
0x14f: {  	v3 =	vld [tilespmem:s21+$0xFFFFFFC0];
	v16 =	vsub.f32 v16, v29;
	v28 =	vcvt.f32.s32 v28;
	v51 =	vtrunc.f32 v32  }
0x150: {  	v6 =	vld [tilespmem:s20+$0xFFFFFFE0];
	v4 =	vsub.f32 v4, v5;
	v5 =	vcvt.s32.f32 v7;
	v7 =	vshll.u32 v7, $0x3  }
0x151: {  	v12 =	vld [tilespmem:s20+$0xFFFFFFC0];
	v16 =	vmul.f32 v16, v16;
	v9 =	vcvt.s32.f32 v10;
	v1 =	vadd.s32 v10, v1  }
0x152: {  	v22 =	vmax.f32 v8, $0.0e+00;
	v33 =	vadd.s32 v28, v49;
	v28 =	vcvt.s32.f32 v28  }
0x153: {  	v15 =	vmax.f32 v11, $0.0e+00;
	v5 =	vsub.f32 v8, v5;
	v8 =	vcvt.s32.f32 v31  }
0x154: {  	v22 =	vmin.f32 v22, $7.000000000e+00;
	v31 =	vcvt.s32.f32 v55;
	v4 =	vmul.f32 v4, v4  }
0x155: {  	v10 =	vmin.f32 v15, $7.000000000e+00;
	v15 =	vcvt.s32.f32 v3;
	v19 =	vmax.f32 v6, $0.0e+00  }
0x156: {  	s19 =	simm.s32 $0x80C0;
	v30 =	vtrunc.f32 v22;
	v17 =	vtrunc.f32 v10;
	v18 =	vmax.f32 v12, $0.0e+00  }
0x157: {  	v48 =	vld [tilespmem:s19+$0x20];
	v19 =	vmin.f32 v19, $7.000000000e+00;
	v17 =	vcvt.f32.s32 v17;
	v18 =	vmin.f32 v18, $7.000000000e+00  }
0x158: {  	v9 =	vsub.f32 v2, v9;
	v2 =	vld [tilespmem:s20+$0xFFFFFFD0];
	v27 =	vtrunc.f32 v19;
	v21 =	vtrunc.f32 v18  }
0x159: {  	v12 =	vsub.f32 v12, v15;
	v52 =	vld.idx.msk [tilespmem:v1+s10+$0x0], $0xffff;
	v15 =	vcvt.f32.s32 v21;
	v21 =	vcvt.f32.s32 v30  }
0x15a: {  	v3 =	vshll.u32 v3, $0x3;
	v27 =	vcvt.f32.s32 v27;
	v58 =	vld.idx.msk [tilespmem:v1+s8+$0x0], $0xffff;
	v24 =	vcvt.s32.f32 v17  }
0x15b: {  	v30 =	vld [tilespmem:s21+$0xFFFFFFE0];
	s21 =	simm.s32 $0xC0;
	v7 =	vadd.s32 v21, v7;
	v54 =	vadd.s32 v15, v3;
	v3 =	vcvt.f32.s32 v51  }
0x15c: {  	v23 =	vsub.f32 v23, v28;
	v1 =	vcvt.s32.f32 v27;
	v28 =	vld [tilespmem:s21+$0x30];
	v21 =	vcvt.s32.f32 v21  }
0x15d: {  	v25 =	vmax.f32 v2, $0.0e+00;
	v57 =	vcvt.s32.f32 v3;
	v20 =	vadd.s32 v3, v20;
	v3 =	vld [tilespmem:s19+$0x30]  }
0x15e: {  	v19 =	vsub.f32 v19, v1;
	v1 =	vshll.u32 v55, $0x3;
	v21 =	vsub.f32 v22, v21;
	v22 =	vld.idx.msk [tilespmem:v33+s10+$0x0], $0xffff  }
0x15f: {  	v12 =	vmul.f32 v12, v12;
	v25 =	vmin.f32 v25, $7.000000000e+00;
	v17 =	vadd.s32 v17, v1;
	v33 =	vld.idx.msk [tilespmem:v33+s8+$0x0], $0xffff  }
0x160: {  	v10 =	vsub.f32 v10, v24;
	v24 =	vtrunc.f32 v25;
	v1 =	vcvt.s32.f32 v30;
	v59 =	vld.idx.msk [tilespmem:v7+s8+$0x0], $0xffff  }
0x161: {  	v8 =	vsub.f32 v2, v8;
	v0 =	vadd.f32 v12, v0;
	v24 =	vcvt.f32.s32 v24;
	v7 =	vld.idx.msk [tilespmem:v7+s10+$0x0], $0xffff  }
0x162: {  	v15 =	vcvt.s32.f32 v15;
	v1 =	vsub.f32 v6, v1;
	v6 =	vsub.f32 v11, v31;
	v31 =	vld [tilespmem:s19+$0x0]  }
0x163: {  	v12 =	vsub.f32 v26, v14;
	v50 =	vcvt.s32.f32 v24;
	v24 =	vadd.s32 v24, v53;
	v38 =	vld.idx.msk [tilespmem:v54+s8+$0x0], $0xffff  }
0x164: {  	v8 =	vmul.f32 v8, v8;
	v15 =	vsub.f32 v18, v15;
	v9 =	vmul.f32 v9, v52;
	v62 =	vld.idx.msk [tilespmem:v17+s10+$0x0], $0xffff  }
0x165: {  	v56 =	vshll.u32 v30, $0x3;
	v11 =	vmax.f32 v28, $0.0e+00;
	v23 =	vmul.f32 v23, v22;
	v22 =	vld.idx.msk [tilespmem:v54+s10+$0x0], $0xffff  }
0x166: {  	v27 =	vadd.s32 v27, v56;
	v60 =	vsub.f32 v32, v57;
	v11 =	vmin.f32 v11, $7.000000000e+00;
	v51 =	vld.idx.msk [tilespmem:v20+s10+$0x0], $0xffff  }
0x167: {  	v25 =	vsub.f32 v25, v50;
	v18 =	vcvt.s32.f32 v3;
	v26 =	vtrunc.f32 v11;
	v54 =	vld [tilespmem:s19+$0xFFFFFFF0]  }
0x168: {  	v61 =	vshll.u32 v3, $0x3;
	v3 =	vadd.f32 v8, v0;
	v63 =	vmul.f32 v6, v6;
	v30 =	vld.idx.msk [tilespmem:v24+s8+$0x0], $0xffff  }
0x169: {  	v14 =	vld.idx.msk [tilespmem:v24+s10+$0x0], $0xffff;
	v24 =	vmul.f32 v1, v1;
	v0 =	vsub.f32 v28, v18;
	v18 =	vcvt.f32.s32 v26  }
0x16a: {  	v1 =	vld [tilespmem:s21+$0x10];
	v26 =	vshll.u32 v48, $0x3;
	v23 =	vadd.f32 v23, v33;
	v7 =	vmul.f32 v21, v7  }
0x16b: {  	v20 =	vld.idx.msk [tilespmem:v20+s8+$0x0], $0xffff;
	v8 =	vcvt.s32.f32 v31;
	v21 =	vadd.f32 v24, v3;
	v24 =	vmul.f32 v5, v5  }
0x16c: {  	v29 =	vld [tilespmem:s19+$0xFFFFFFC0];
	v5 =	vadd.f32 v9, v58;
	v41 =	vadd.s32 v18, v61;
	v9 =	vcvt.s32.f32 v18  }
0x16d: {  	v17 =	vld.idx.msk [tilespmem:v17+s8+$0x0], $0xffff;
	v39 =	vadd.f32 v7, v59;
	v15 =	vmul.f32 v15, v22;
	v56 =	vmul.f32 v60, v51  }
0x16e: {  	v28 =	vld [tilespmem:s21+$0xFFFFFFC0];
	v59 =	vshll.u32 v54, $0x3;
	v21 =	vadd.f32 v16, v21;
	v7 =	vmul.f32 v25, v14  }
0x16f: {  	v3 =	vld [tilespmem:s21+$0xFFFFFFE0];
	v6 =	vmax.f32 v1, $0.0e+00;
	v14 =	vmul.f32 v10, v62;
	v10 =	vmul.f32 v12, v12  }
0x170: {  	v25 =	vld.idx.msk [tilespmem:v27+s10+$0x0], $0xffff;
	v15 =	vadd.f32 v15, v38;
	v38 =	vadd.f32 v56, v20;
	v49 =	vmin.f32 v6, $7.000000000e+00  }
0x171: {  	v2 =	vld [tilespmem:s21+$0x0];
	v6 =	vsub.f32 v11, v9;
	v11 =	vcvt.s32.f32 v29;
	v29 =	vshll.u32 v29, $0x3  }
0x172: {  	v50 =	vadd.f32 v24, v21;
	v12 =	vtrunc.f32 v49;
	v16 =	vadd.f32 v14, v17;
	v14 =	vld [tilespmem:s21+$0xFFFFFFF0]  }
0x173: {  	v17 =	vmax.f32 v28, $0.0e+00;
	v30 =	vadd.f32 v7, v30;
	v15 =	vadd.f32 v15, v13  }
0x174: {  	v9 =	vld [tilespmem:s21+$0xFFFFFFD0];
	v18 =	vcvt.f32.s32 v12;
	v12 =	vmin.f32 v17, $7.000000000e+00;
	v17 =	vmax.f32 v3, $0.0e+00  }
0x175: {  	v13 =	vcvt.s32.f32 v48;
	v21 =	vmin.f32 v17, $7.000000000e+00;
	v17 =	vmul.f32 v19, v25  }
0x176: {  	v27 =	vld.idx.msk [tilespmem:v27+s8+$0x0], $0xffff;
	v15 =	vadd.f32 v30, v15;
	v25 =	vtrunc.f32 v12;
	v24 =	vcvt.s32.f32 v18  }
0x177: {  	v19 =	vmax.f32 v2, $0.0e+00;
	v53 =	vtrunc.f32 v21;
	v7 =	vmax.f32 v14, $0.0e+00  }
0x178: {  	v32 =	vmin.f32 v7, $7.000000000e+00;
	v7 =	vsub.f32 v49, v24;
	v24 =	vsub.f32 v28, v11;
	v11 =	vld [tilespmem:s21+$0x20]  }
0x179: {  	v52 =	vmax.f32 v9, $0.0e+00;
	v22 =	vmin.f32 v19, $7.000000000e+00;
	v44 =	vcvt.f32.s32 v53  }
0x17a: {  	v25 =	vcvt.f32.s32 v25;
	v55 =	vmin.f32 v52, $7.000000000e+00;
	v57 =	vtrunc.f32 v22  }
0x17b: {  	v17 =	vadd.f32 v17, v27;
	v27 =	vshll.u32 v31, $0x3;
	v58 =	vtrunc.f32 v55  }
0x17c: {  	v19 =	vld [tilespmem:s19+$0xFFFFFFD0];
	v34 =	vcvt.f32.s32 v57;
	v31 =	vadd.s32 v25, v29;
	v37 =	vcvt.s32.f32 v25  }
0x17d: {  	v30 =	vld [tilespmem:s19+$0xFFFFFFE0];
	v43 =	vcvt.s32.f32 v44;
	v28 =	vtrunc.f32 v32;
	v29 =	vmax.f32 v11, $0.0e+00  }
0x17e: {  	v33 =	vcvt.f32.s32 v58;
	v15 =	vadd.f32 v17, v15;
	v62 =	vmin.f32 v29, $7.000000000e+00  }
0x17f: {  	v36 =	vld [tilespmem:s19+$0x10];
	v61 =	vcvt.f32.s32 v28;
	v28 =	vadd.s32 v34, v27;
	v29 =	vtrunc.f32 v62  }
0x180: {  	v35 =	vadd.f32 v63, v50;
	v17 =	vld.idx.msk [tilespmem:v41+s10+$0x0], $0xffff;
	v27 =	vcvt.s32.f32 v33;
	v40 =	vcvt.f32.s32 v29  }
0x181: {  	v60 =	vshll.u32 v19, $0x3;
	v15 =	vadd.f32 v23, v15;
	v23 =	vld.idx.msk [tilespmem:v41+s8+$0x0], $0xffff;
	v41 =	vcvt.s32.f32 v54  }
0x182: {  	v29 =	vsub.f32 v55, v27;
	v27 =	vshll.u32 v30, $0x3;
	v63 =	vcvt.s32.f32 v40  }
0x183: {  	v25 =	vadd.s32 v61, v59;
	v42 =	vcvt.s32.f32 v61;
	v20 =	vld.idx.msk [tilespmem:v31+s8+$0x0], $0xffff;
	v27 =	vadd.s32 v44, v27  }
0x184: {  	s20 =	simm.s32 $0x140;
	s19 =	simm.s32 $0x8;
	s21 =	simm.s32 $0x8140;
	v44 =	vadd.f32 v39, v15;
	v39 =	vadd.s32 v33, v60;
	v33 =	vld.idx.msk [tilespmem:v28+s8+$0x0], $0xffff;
	v15 =	vsub.f32 v62, v63  }
.LBB2_6:
0x185: {  	s19 =	sadd.s32 $0x8, s19;
	v32 =	vsub.f32 v32, v42;
	v42 =	vld.idx.msk [tilespmem:v28+s10+$0x0], $0xffff;
	v8 =	vsub.f32 v2, v8;
	v28 =	vadd.s32 v40, v26  }
0x186: {  	v40 =	vsub.f32 v21, v43;
	v2 =	vadd.f32 v16, v44;
	v26 =	vld [tilespmem:s21+$0x30];
	p0 =	slt.u32 s19, $0x3F8;
	v21 =	vshll.u32 v36, $0x3  }
0x187: {  	v19 =	vcvt.s32.f32 v19;
	v34 =	vcvt.s32.f32 v34;
	v14 =	vsub.f32 v14, v41;
	v16 =	vld [tilespmem:s20+$0x30]  }
0x188: {  	v10 =	vadd.f32 v10, v35;
	v36 =	vcvt.s32.f32 v36;
	v38 =	vadd.f32 v38, v2;
	v41 =	vld [tilespmem:s21+$0xFFFFFFC0]  }
0x189: {  	v9 =	vsub.f32 v9, v19;
	v19 =	vsub.f32 v22, v34;
	v18 =	vadd.s32 v18, v21;
	v2 =	vld [tilespmem:s20+$0x0]  }
0x18a: {  	v21 =	vmul.f32 v24, v24;
	v22 =	vcvt.s32.f32 v30;
	v30 =	vadd.f32 v5, v38;
	v24 =	vld.idx.msk [tilespmem:v25+s10+$0x0], $0xffff  }
0x18b: {  	v34 =	vsub.f32 v12, v37;
	v4 =	vadd.f32 v4, v10;
	v5 =	vmul.f32 v6, v17;
	v35 =	vld.idx.msk [tilespmem:v39+s8+$0x0], $0xffff  }
0x18c: {  	v6 =	vmul.f32 v9, v9;
	v3 =	vsub.f32 v3, v22;
	v9 =	vsub.f32 v1, v36;
	v37 =	vld [tilespmem:s21+$0x0]  }
0x18d: {  	v11 =	vsub.f32 v11, v13;
	v4 =	vadd.f32 v21, v4;
	v1 =	vmax.f32 v16, $0.0e+00;
	v10 =	vld.idx.msk [tilespmem:v39+s10+$0x0], $0xffff  }
0x18e: {  	v13 =	vcvt.s32.f32 v26;
	v3 =	vmul.f32 v3, v3;
	v12 =	vmin.f32 v1, $7.000000000e+00;
	v17 =	vld.idx.msk [tilespmem:v18+s8+$0x0], $0xffff  }
0x18f: {  	v22 =	vshll.u32 v26, $0x3;
	v4 =	vadd.f32 v6, v4;
	v21 =	vtrunc.f32 v12;
	v6 =	vld.idx.msk [tilespmem:v18+s10+$0x0], $0xffff  }
0x190: {  	v14 =	vmul.f32 v14, v14;
	v13 =	vsub.f32 v16, v13;
	v16 =	vmul.f32 v19, v42;
	v1 =	vld [tilespmem:s20+$0x10]  }
0x191: {  	v19 =	vadd.f32 v3, v4;
	v18 =	vcvt.f32.s32 v21;
	v21 =	vmul.f32 v8, v8;
	v31 =	vld.idx.msk [tilespmem:v31+s10+$0x0], $0xffff  }
0x192: {  	v5 =	vadd.f32 v5, v23;
	v4 =	vmul.f32 v0, v0;
	v33 =	vadd.f32 v16, v33;
	v0 =	vmovc v13;
	v36 =	vld [tilespmem:s20+$0xFFFFFFC0]  }
0x193: {  	v8 =	vcvt.s32.f32 v37;
	v23 =	vadd.s32 v18, v22;
	v13 =	vmul.f32 v29, v10;
	v3 =	vld [tilespmem:s20+$0xFFFFFFE0]  }
0x194: {  	v26 =	vadd.f32 v14, v19;
	v10 =	vcvt.s32.f32 v18;
	v29 =	vmul.f32 v9, v9;
	v22 =	vld.idx.msk [tilespmem:v27+s10+$0x0], $0xffff  }
0x195: {  	v39 =	vmul.f32 v32, v24;
	v7 =	vmul.f32 v7, v6;
	v9 =	vmax.f32 v1, $0.0e+00;
	v38 =	vld [tilespmem:s21+$0x20]  }
0x196: {  	v6 =	vsub.f32 v12, v10;
	v10 =	vmul.f32 v11, v11;
	v19 =	vld [tilespmem:s21+$0xFFFFFFD0];
	v24 =	vmin.f32 v9, $7.000000000e+00  }
0x197: {  	v11 =	vcvt.s32.f32 v41;
	v16 =	vadd.f32 v7, v17;
	v9 =	vld [tilespmem:s20+$0xFFFFFFD0];
	v12 =	vtrunc.f32 v24  }
0x198: {  	v41 =	vshll.u32 v41, $0x3;
	v7 =	vmax.f32 v36, $0.0e+00;
	v14 =	vld [tilespmem:s20+$0xFFFFFFF0];
	v18 =	vcvt.f32.s32 v12  }
0x199: {  	v42 =	vadd.f32 v21, v26;
	v12 =	vmin.f32 v7, $7.000000000e+00;
	v7 =	vmax.f32 v3, $0.0e+00;
	v43 =	vld.idx.msk [tilespmem:v28+s10+$0x0], $0xffff  }
0x19a: {  	v21 =	vmin.f32 v7, $7.000000000e+00;
	v40 =	vmul.f32 v40, v22;
	v26 =	vshll.u32 v38, $0x3;
	v17 =	vld.idx.msk [tilespmem:v23+s10+$0x0], $0xffff  }
0x19b: {  	v44 =	vtrunc.f32 v12;
	v7 =	vmax.f32 v2, $0.0e+00;
	v45 =	vcvt.s32.f32 v18;
	v25 =	vld.idx.msk [tilespmem:v25+s8+$0x0], $0xffff  }
0x19c: {  	v31 =	vmul.f32 v34, v31;
	v34 =	vadd.f32 v13, v35;
	v46 =	vmax.f32 v9, $0.0e+00;
	v27 =	vld.idx.msk [tilespmem:v27+s8+$0x0], $0xffff  }
0x19d: {  	v13 =	vtrunc.f32 v21;
	v22 =	vmin.f32 v7, $7.000000000e+00;
	v47 =	vld [tilespmem:s21+$0xFFFFFFF0];
	v32 =	vmax.f32 v14, $0.0e+00  }
0x19e: {  	v20 =	vadd.f32 v31, v20;
	v7 =	vsub.f32 v24, v45;
	v32 =	vmin.f32 v32, $7.000000000e+00  }
0x19f: {  	v24 =	vsub.f32 v36, v11;
	v36 =	vmin.f32 v46, $7.000000000e+00;
	v15 =	vmul.f32 v15, v43  }
0x1a0: {  	v20 =	vadd.f32 v20, v30;
	v31 =	vtrunc.f32 v22;
	v43 =	vtrunc.f32 v32;
	v11 =	vld [tilespmem:s20+$0x20]  }
0x1a1: {  	v45 =	vcvt.f32.s32 v13;
	v13 =	vcvt.s32.f32 v38;
	v38 =	vadd.f32 v39, v25  }
0x1a2: {  	v20 =	vadd.f32 v34, v20;
	v25 =	vtrunc.f32 v36;
	v39 =	vshll.u32 v47, $0x3  }
0x1a3: {  	v44 =	vcvt.f32.s32 v44;
	v46 =	vcvt.f32.s32 v25;
	v25 =	vadd.f32 v40, v27;
	v30 =	vld [tilespmem:s21+$0xFFFFFFE0]  }
0x1a4: {  	v48 =	vshll.u32 v19, $0x3;
	v34 =	vcvt.f32.s32 v31;
	v27 =	vshll.u32 v37, $0x3;
	v49 =	vld.idx.msk [tilespmem:v28+s8+$0x0], $0xffff  }
0x1a5: {  	v35 =	vadd.f32 v29, v42;
	v31 =	vadd.s32 v44, v41;
	v37 =	vmax.f32 v11, $0.0e+00  }
0x1a6: {  	v41 =	vcvt.f32.s32 v43;
	v28 =	vadd.s32 v34, v27;
	v50 =	vmin.f32 v37, $7.000000000e+00  }
0x1a7: {  	v20 =	vadd.f32 v25, v20;
	v27 =	vcvt.s32.f32 v46;
	v29 =	vtrunc.f32 v50  }
.Ltmp2:
0x1a8: {  	v25 =	vadd.s32 v41, v39;
	v37 =	vcvt.s32.f32 v44;
	v40 =	vcvt.f32.s32 v29;
	(pc) =	sbr.rel @p0 .LBB2_6-.Ltmp2, $4  }
0x1a9: {  	v39 =	vadd.f32 v38, v20;
	v29 =	vsub.f32 v36, v27;
	v27 =	vshll.u32 v30, $0x3;
	v36 =	vld [tilespmem:s21+$0x10]  }
0x1aa: {  	v42 =	vcvt.s32.f32 v41;
	v38 =	vadd.f32 v15, v49;
	v51 =	vcvt.s32.f32 v40;
	v23 =	vld.idx.msk [tilespmem:v23+s8+$0x0], $0xffff  }
0x1ab: {  	v43 =	vcvt.s32.f32 v45;
	v44 =	vadd.f32 v33, v39;
	v27 =	vadd.s32 v45, v27;
	v20 =	vld.idx.msk [tilespmem:v31+s8+$0x0], $0xffff  }
0x1ac: {  	s20 =	sadd.s32 $0x80, s20;
	v41 =	vcvt.s32.f32 v47;
	v39 =	vadd.s32 v46, v48;
	s21 =	sadd.s32 $0x80, s21;
	v33 =	vld.idx.msk [tilespmem:v28+s8+$0x0], $0xffff;
	v15 =	vsub.f32 v50, v51  }
0x1ad: {  	_ =	sdelay $0x3  }
0x1ae: {  	v28 =	vld.idx.msk [tilespmem:v28+s10+$0x0], $0xffff  }
0x1af: {  	v61 =	vld.idx.msk [tilespmem:v25+s10+$0x0], $0xffff  }
0x1b0: {  	v46 =	vld.idx.msk [tilespmem:v39+s8+$0x0], $0xffff  }
0x1b1: {  	v26 =	vadd.s32 v40, v26;
	v62 =	vld.idx.msk [tilespmem:v39+s10+$0x0], $0xffff  }
0x1b2: {  	v31 =	vld.idx.msk [tilespmem:v31+s10+$0x0], $0xffff;
	v45 =	vshll.u32 v36, $0x3  }
0x1b3: {  	v47 =	vld.idx.msk [tilespmem:v27+s10+$0x0], $0xffff;
	v18 =	vadd.s32 v18, v45  }
0x1b4: {  	v25 =	vld.idx.msk [tilespmem:v25+s8+$0x0], $0xffff  }
0x1b5: {  	v2 =	vsub.f32 v2, v8;
	v8 =	vsub.f32 v21, v43;
	v21 =	vld.idx.msk [tilespmem:v27+s8+$0x0], $0xffff  }
0x1b6: {  	v48 =	vld.idx.msk [tilespmem:v26+s10+$0x0], $0xffff  }
0x1b7: {  	v26 =	vld.idx.msk [tilespmem:v26+s8+$0x0], $0xffff  }
0x1b8: {  	v16 =	vadd.f32 v16, v44;
	v12 =	vsub.f32 v12, v37;
	v63 =	vld.idx.msk [tilespmem:v18+s8+$0x0], $0xffff  }
0x1b9: {  	v32 =	vsub.f32 v32, v42;
	v19 =	vcvt.s32.f32 v19;
	v27 =	vcvt.s32.f32 v34;
	v18 =	vld.idx.msk [tilespmem:v18+s10+$0x0], $0xffff;
	_ =	swait.ge [sflag:s16], $0x4000  }
0x1ba: {  	v10 =	vadd.f32 v10, v35;
	v16 =	vadd.f32 v38, v16;
	v12 =	vmul.f32 v12, v31;
	[sflag:s16] =	ssyncset.done $0x0  }
0x1bb: {  	v9 =	vsub.f32 v9, v19;
	v19 =	vsub.f32 v22, v27;
	[sflag:s16] =	ssyncadd.s32 $0xFFFFC000  }
0x1bc: {  	v5 =	vadd.f32 v5, v16;
	v16 =	vmul.f32 v29, v62;
	v12 =	vadd.f32 v12, v20;
	_ =	swait.ge [sflag:s17], $0x4000  }
0x1bd: {  	v22 =	vcvt.s32.f32 v30;
	v4 =	vadd.f32 v4, v10;
	v20 =	vmul.f32 v24, v24;
	[sflag:s17] =	ssyncset.done $0x0  }
0x1be: {  	v8 =	vmul.f32 v8, v47;
	v10 =	vadd.f32 v16, v46;
	v5 =	vadd.f32 v12, v5;
	s19 =	rddreg [dreg:$0xb];
	[sflag:s17] =	ssyncadd.s32 $0xFFFFC000  }
0x1bf: {  	v9 =	vmul.f32 v9, v9;
	v3 =	vsub.f32 v3, v22;
	v4 =	vadd.f32 v20, v4;
	[tilespmem:s2], [sflag:$0x1] =	stream.linear.gather [hbm4b:s19+s2], $0x4000, $0x38;
	[tilespmem:$0x10200] =	vst v63  }
0x1c0: {  	v8 =	vadd.f32 v8, v21;
	v12 =	vmul.f32 v32, v61;
	v5 =	vadd.f32 v10, v5;
	s20 =	rddreg [dreg:$0xc]  }
0x1c1: {  	v14 =	vsub.f32 v14, v41;
	v3 =	vmul.f32 v3, v3;
	v4 =	vadd.f32 v9, v4;
	[tilespmem:s11], [sflag:$0x3] =	stream.linear.gather [hbm4b:s20+s2], $0x4000, $0x38;
	[tilespmem:$0x10200] =	vst v63  }
0x1c2: {  	v9 =	vmul.f32 v19, v28;
	v12 =	vadd.f32 v12, v25;
	v5 =	vadd.f32 v8, v5;
	s20 =	simm.s32 $0x4040  }
0x1c3: {  	s21 =	simm.s32 $0xC040;
	v10 =	vcvt.s32.f32 v36;
	v8 =	vmul.f32 v14, v14;
	v3 =	vadd.f32 v3, v4;
	v4 =	vld [tilespmem:s20+$0x30]  }
0x1c4: {  	v7 =	vmul.f32 v7, v18;
	v9 =	vadd.f32 v9, v33;
	v5 =	vadd.f32 v12, v5;
	v14 =	vld [tilespmem:s21+$0x20]  }
0x1c5: {  	v2 =	vmul.f32 v2, v2;
	v1 =	vsub.f32 v1, v10;
	v3 =	vadd.f32 v8, v3;
	v16 =	vld [tilespmem:s20+$0xFFFFFFF0]  }
0x1c6: {  	v7 =	vadd.f32 v7, v63;
	v8 =	vmul.f32 v15, v48;
	v29 =	vld [tilespmem:s21+$0xFFFFFFF0];
	v5 =	vadd.f32 v9, v5  }
0x1c7: {  	v10 =	vsub.f32 v11, v13;
	v1 =	vmul.f32 v1, v1;
	v31 =	vld [tilespmem:s21+$0xFFFFFFD0];
	v2 =	vadd.f32 v2, v3  }
0x1c8: {  	v6 =	vmul.f32 v6, v17;
	v8 =	vadd.f32 v8, v26;
	v5 =	vadd.f32 v7, v5  }
0x1c9: {  	v0 =	vmul.f32 v0, v0;
	v10 =	vmul.f32 v10, v10;
	v26 =	vld [tilespmem:s20+$0x20];
	v1 =	vadd.f32 v1, v2  }
0x1ca: {  	v6 =	vadd.f32 v6, v23;
	v9 =	vld [tilespmem:s21+$0x30];
	v11 =	vmax.f32 v4, $0.0e+00;
	v5 =	vadd.f32 v8, v5  }
0x1cb: {  	v1 =	vadd.f32 v10, v1;
	v20 =	vshll.u32 v14, $0x3;
	v23 =	vmax.f32 v16, $0.0e+00  }
0x1cc: {  	v14 =	vcvt.s32.f32 v14;
	v49 =	vshll.u32 v29, $0x3;
	v53 =	vshll.u32 v31, $0x3  }
0x1cd: {  	v7 =	vld [tilespmem:s21+$0x0];
	v29 =	vcvt.s32.f32 v29;
	v2 =	vmin.f32 v11, $7.000000000e+00;
	v23 =	vmin.f32 v23, $7.000000000e+00  }
0x1ce: {  	v55 =	vld [tilespmem:s21+$0x10];
	v48 =	vmax.f32 v26, $0.0e+00;
	v12 =	vtrunc.f32 v2;
	v13 =	vadd.f32 v6, v5  }
0x1cf: {  	v8 =	vld [tilespmem:s20+$0x0];
	v5 =	vcvt.s32.f32 v9;
	v0 =	vadd.f32 v0, v1;
	v1 =	vshll.u32 v9, $0x3  }
0x1d0: {  	v11 =	vld [tilespmem:s20+$0x10];
	v28 =	vtrunc.f32 v23;
	v32 =	vmin.f32 v48, $7.000000000e+00;
	v10 =	vcvt.f32.s32 v12  }
0x1d1: {  	v3 =	vld [tilespmem:s21+$0xFFFFFFC0];
	v16 =	vsub.f32 v16, v29;
	v28 =	vcvt.f32.s32 v28;
	v51 =	vtrunc.f32 v32  }
0x1d2: {  	v6 =	vld [tilespmem:s20+$0xFFFFFFE0];
	v4 =	vsub.f32 v4, v5;
	v5 =	vcvt.s32.f32 v7;
	v7 =	vshll.u32 v7, $0x3  }
0x1d3: {  	v12 =	vld [tilespmem:s20+$0xFFFFFFC0];
	v16 =	vmul.f32 v16, v16;
	v9 =	vcvt.s32.f32 v10;
	v1 =	vadd.s32 v10, v1  }
0x1d4: {  	v22 =	vmax.f32 v8, $0.0e+00;
	v33 =	vadd.s32 v28, v49;
	v28 =	vcvt.s32.f32 v28  }
0x1d5: {  	v15 =	vmax.f32 v11, $0.0e+00;
	v5 =	vsub.f32 v8, v5;
	v8 =	vcvt.s32.f32 v31  }
0x1d6: {  	v22 =	vmin.f32 v22, $7.000000000e+00;
	v31 =	vcvt.s32.f32 v55;
	v4 =	vmul.f32 v4, v4  }
0x1d7: {  	v10 =	vmin.f32 v15, $7.000000000e+00;
	v15 =	vcvt.s32.f32 v3;
	v19 =	vmax.f32 v6, $0.0e+00  }
0x1d8: {  	s19 =	simm.s32 $0xC0C0;
	v30 =	vtrunc.f32 v22;
	v17 =	vtrunc.f32 v10;
	v18 =	vmax.f32 v12, $0.0e+00  }
0x1d9: {  	v48 =	vld [tilespmem:s19+$0x20];
	v19 =	vmin.f32 v19, $7.000000000e+00;
	v17 =	vcvt.f32.s32 v17;
	v18 =	vmin.f32 v18, $7.000000000e+00  }
0x1da: {  	v9 =	vsub.f32 v2, v9;
	v2 =	vld [tilespmem:s20+$0xFFFFFFD0];
	v27 =	vtrunc.f32 v19;
	v21 =	vtrunc.f32 v18  }
0x1db: {  	v12 =	vsub.f32 v12, v15;
	v52 =	vld.idx.msk [tilespmem:v1+s10+$0x0], $0xffff;
	v15 =	vcvt.f32.s32 v21;
	v21 =	vcvt.f32.s32 v30  }
0x1dc: {  	v3 =	vshll.u32 v3, $0x3;
	v27 =	vcvt.f32.s32 v27;
	v58 =	vld.idx.msk [tilespmem:v1+s8+$0x0], $0xffff;
	v24 =	vcvt.s32.f32 v17  }
0x1dd: {  	v30 =	vld [tilespmem:s21+$0xFFFFFFE0];
	s21 =	simm.s32 $0x40C0;
	v7 =	vadd.s32 v21, v7;
	v54 =	vadd.s32 v15, v3;
	v3 =	vcvt.f32.s32 v51  }
0x1de: {  	v23 =	vsub.f32 v23, v28;
	v1 =	vcvt.s32.f32 v27;
	v28 =	vld [tilespmem:s21+$0x30];
	v21 =	vcvt.s32.f32 v21  }
0x1df: {  	v25 =	vmax.f32 v2, $0.0e+00;
	v57 =	vcvt.s32.f32 v3;
	v20 =	vadd.s32 v3, v20;
	v3 =	vld [tilespmem:s19+$0x30]  }
0x1e0: {  	v19 =	vsub.f32 v19, v1;
	v1 =	vshll.u32 v55, $0x3;
	v21 =	vsub.f32 v22, v21;
	v22 =	vld.idx.msk [tilespmem:v33+s10+$0x0], $0xffff  }
0x1e1: {  	v12 =	vmul.f32 v12, v12;
	v25 =	vmin.f32 v25, $7.000000000e+00;
	v17 =	vadd.s32 v17, v1;
	v33 =	vld.idx.msk [tilespmem:v33+s8+$0x0], $0xffff  }
0x1e2: {  	v10 =	vsub.f32 v10, v24;
	v24 =	vtrunc.f32 v25;
	v1 =	vcvt.s32.f32 v30;
	v59 =	vld.idx.msk [tilespmem:v7+s8+$0x0], $0xffff  }
0x1e3: {  	v8 =	vsub.f32 v2, v8;
	v0 =	vadd.f32 v12, v0;
	v24 =	vcvt.f32.s32 v24;
	v7 =	vld.idx.msk [tilespmem:v7+s10+$0x0], $0xffff  }
0x1e4: {  	v15 =	vcvt.s32.f32 v15;
	v1 =	vsub.f32 v6, v1;
	v6 =	vsub.f32 v11, v31;
	v31 =	vld [tilespmem:s19+$0x0]  }
0x1e5: {  	v12 =	vsub.f32 v26, v14;
	v50 =	vcvt.s32.f32 v24;
	v24 =	vadd.s32 v24, v53;
	v38 =	vld.idx.msk [tilespmem:v54+s8+$0x0], $0xffff  }
0x1e6: {  	v8 =	vmul.f32 v8, v8;
	v15 =	vsub.f32 v18, v15;
	v9 =	vmul.f32 v9, v52;
	v62 =	vld.idx.msk [tilespmem:v17+s10+$0x0], $0xffff  }
0x1e7: {  	v56 =	vshll.u32 v30, $0x3;
	v11 =	vmax.f32 v28, $0.0e+00;
	v23 =	vmul.f32 v23, v22;
	v22 =	vld.idx.msk [tilespmem:v54+s10+$0x0], $0xffff  }
0x1e8: {  	v27 =	vadd.s32 v27, v56;
	v60 =	vsub.f32 v32, v57;
	v11 =	vmin.f32 v11, $7.000000000e+00;
	v51 =	vld.idx.msk [tilespmem:v20+s10+$0x0], $0xffff  }
0x1e9: {  	v25 =	vsub.f32 v25, v50;
	v18 =	vcvt.s32.f32 v3;
	v26 =	vtrunc.f32 v11;
	v54 =	vld [tilespmem:s19+$0xFFFFFFF0]  }
0x1ea: {  	v61 =	vshll.u32 v3, $0x3;
	v3 =	vadd.f32 v8, v0;
	v63 =	vmul.f32 v6, v6;
	v30 =	vld.idx.msk [tilespmem:v24+s8+$0x0], $0xffff  }
0x1eb: {  	v14 =	vld.idx.msk [tilespmem:v24+s10+$0x0], $0xffff;
	v24 =	vmul.f32 v1, v1;
	v0 =	vsub.f32 v28, v18;
	v18 =	vcvt.f32.s32 v26  }
0x1ec: {  	v1 =	vld [tilespmem:s21+$0x10];
	v26 =	vshll.u32 v48, $0x3;
	v23 =	vadd.f32 v23, v33;
	v7 =	vmul.f32 v21, v7  }
0x1ed: {  	v20 =	vld.idx.msk [tilespmem:v20+s8+$0x0], $0xffff;
	v8 =	vcvt.s32.f32 v31;
	v21 =	vadd.f32 v24, v3;
	v24 =	vmul.f32 v5, v5  }
0x1ee: {  	v29 =	vld [tilespmem:s19+$0xFFFFFFC0];
	v5 =	vadd.f32 v9, v58;
	v41 =	vadd.s32 v18, v61;
	v9 =	vcvt.s32.f32 v18  }
0x1ef: {  	v17 =	vld.idx.msk [tilespmem:v17+s8+$0x0], $0xffff;
	v39 =	vadd.f32 v7, v59;
	v15 =	vmul.f32 v15, v22;
	v56 =	vmul.f32 v60, v51  }
0x1f0: {  	v28 =	vld [tilespmem:s21+$0xFFFFFFC0];
	v59 =	vshll.u32 v54, $0x3;
	v21 =	vadd.f32 v16, v21;
	v7 =	vmul.f32 v25, v14  }
0x1f1: {  	v3 =	vld [tilespmem:s21+$0xFFFFFFE0];
	v6 =	vmax.f32 v1, $0.0e+00;
	v14 =	vmul.f32 v10, v62;
	v10 =	vmul.f32 v12, v12  }
0x1f2: {  	v25 =	vld.idx.msk [tilespmem:v27+s10+$0x0], $0xffff;
	v15 =	vadd.f32 v15, v38;
	v38 =	vadd.f32 v56, v20;
	v49 =	vmin.f32 v6, $7.000000000e+00  }
0x1f3: {  	v2 =	vld [tilespmem:s21+$0x0];
	v6 =	vsub.f32 v11, v9;
	v11 =	vcvt.s32.f32 v29;
	v29 =	vshll.u32 v29, $0x3  }
0x1f4: {  	v50 =	vadd.f32 v24, v21;
	v12 =	vtrunc.f32 v49;
	v16 =	vadd.f32 v14, v17;
	v14 =	vld [tilespmem:s21+$0xFFFFFFF0]  }
0x1f5: {  	v17 =	vmax.f32 v28, $0.0e+00;
	v30 =	vadd.f32 v7, v30;
	v15 =	vadd.f32 v15, v13  }
0x1f6: {  	v9 =	vld [tilespmem:s21+$0xFFFFFFD0];
	v18 =	vcvt.f32.s32 v12;
	v12 =	vmin.f32 v17, $7.000000000e+00;
	v17 =	vmax.f32 v3, $0.0e+00  }
0x1f7: {  	v13 =	vcvt.s32.f32 v48;
	v21 =	vmin.f32 v17, $7.000000000e+00;
	v17 =	vmul.f32 v19, v25  }
0x1f8: {  	v27 =	vld.idx.msk [tilespmem:v27+s8+$0x0], $0xffff;
	v15 =	vadd.f32 v30, v15;
	v25 =	vtrunc.f32 v12;
	v24 =	vcvt.s32.f32 v18  }
0x1f9: {  	v19 =	vmax.f32 v2, $0.0e+00;
	v53 =	vtrunc.f32 v21;
	v7 =	vmax.f32 v14, $0.0e+00  }
0x1fa: {  	v32 =	vmin.f32 v7, $7.000000000e+00;
	v7 =	vsub.f32 v49, v24;
	v24 =	vsub.f32 v28, v11;
	v11 =	vld [tilespmem:s21+$0x20]  }
0x1fb: {  	v52 =	vmax.f32 v9, $0.0e+00;
	v22 =	vmin.f32 v19, $7.000000000e+00;
	v44 =	vcvt.f32.s32 v53  }
0x1fc: {  	v25 =	vcvt.f32.s32 v25;
	v55 =	vmin.f32 v52, $7.000000000e+00;
	v57 =	vtrunc.f32 v22  }
0x1fd: {  	v17 =	vadd.f32 v17, v27;
	v27 =	vshll.u32 v31, $0x3;
	v58 =	vtrunc.f32 v55  }
0x1fe: {  	v19 =	vld [tilespmem:s19+$0xFFFFFFD0];
	v34 =	vcvt.f32.s32 v57;
	v31 =	vadd.s32 v25, v29;
	v37 =	vcvt.s32.f32 v25  }
0x1ff: {  	v30 =	vld [tilespmem:s19+$0xFFFFFFE0];
	v43 =	vcvt.s32.f32 v44;
	v28 =	vtrunc.f32 v32;
	v29 =	vmax.f32 v11, $0.0e+00  }
0x200: {  	v33 =	vcvt.f32.s32 v58;
	v15 =	vadd.f32 v17, v15;
	v62 =	vmin.f32 v29, $7.000000000e+00  }
0x201: {  	v36 =	vld [tilespmem:s19+$0x10];
	v61 =	vcvt.f32.s32 v28;
	v28 =	vadd.s32 v34, v27;
	v29 =	vtrunc.f32 v62  }
0x202: {  	v35 =	vadd.f32 v63, v50;
	v17 =	vld.idx.msk [tilespmem:v41+s10+$0x0], $0xffff;
	v27 =	vcvt.s32.f32 v33;
	v40 =	vcvt.f32.s32 v29  }
0x203: {  	v60 =	vshll.u32 v19, $0x3;
	v15 =	vadd.f32 v23, v15;
	v23 =	vld.idx.msk [tilespmem:v41+s8+$0x0], $0xffff;
	v41 =	vcvt.s32.f32 v54  }
0x204: {  	v29 =	vsub.f32 v55, v27;
	v27 =	vshll.u32 v30, $0x3;
	v63 =	vcvt.s32.f32 v40  }
0x205: {  	v25 =	vadd.s32 v61, v59;
	v42 =	vcvt.s32.f32 v61;
	v20 =	vld.idx.msk [tilespmem:v31+s8+$0x0], $0xffff;
	v27 =	vadd.s32 v44, v27  }
0x206: {  	s20 =	simm.s32 $0x4140;
	s19 =	simm.s32 $0x8;
	s21 =	simm.s32 $0xC140;
	v44 =	vadd.f32 v39, v15;
	v39 =	vadd.s32 v33, v60;
	v33 =	vld.idx.msk [tilespmem:v28+s8+$0x0], $0xffff;
	v15 =	vsub.f32 v62, v63  }
.LBB2_8:
0x207: {  	s19 =	sadd.s32 $0x8, s19;
	v32 =	vsub.f32 v32, v42;
	v42 =	vld.idx.msk [tilespmem:v28+s10+$0x0], $0xffff;
	v8 =	vsub.f32 v2, v8;
	v28 =	vadd.s32 v40, v26  }
0x208: {  	v40 =	vsub.f32 v21, v43;
	v2 =	vadd.f32 v16, v44;
	v26 =	vld [tilespmem:s21+$0x30];
	p0 =	slt.u32 s19, $0x3F8;
	v21 =	vshll.u32 v36, $0x3  }
0x209: {  	v19 =	vcvt.s32.f32 v19;
	v34 =	vcvt.s32.f32 v34;
	v14 =	vsub.f32 v14, v41;
	v16 =	vld [tilespmem:s20+$0x30]  }
0x20a: {  	v10 =	vadd.f32 v10, v35;
	v36 =	vcvt.s32.f32 v36;
	v38 =	vadd.f32 v38, v2;
	v41 =	vld [tilespmem:s21+$0xFFFFFFC0]  }
0x20b: {  	v9 =	vsub.f32 v9, v19;
	v19 =	vsub.f32 v22, v34;
	v18 =	vadd.s32 v18, v21;
	v2 =	vld [tilespmem:s20+$0x0]  }
0x20c: {  	v21 =	vmul.f32 v24, v24;
	v22 =	vcvt.s32.f32 v30;
	v30 =	vadd.f32 v5, v38;
	v24 =	vld.idx.msk [tilespmem:v25+s10+$0x0], $0xffff  }
0x20d: {  	v34 =	vsub.f32 v12, v37;
	v4 =	vadd.f32 v4, v10;
	v5 =	vmul.f32 v6, v17;
	v35 =	vld.idx.msk [tilespmem:v39+s8+$0x0], $0xffff  }
0x20e: {  	v6 =	vmul.f32 v9, v9;
	v3 =	vsub.f32 v3, v22;
	v9 =	vsub.f32 v1, v36;
	v37 =	vld [tilespmem:s21+$0x0]  }
0x20f: {  	v11 =	vsub.f32 v11, v13;
	v4 =	vadd.f32 v21, v4;
	v1 =	vmax.f32 v16, $0.0e+00;
	v10 =	vld.idx.msk [tilespmem:v39+s10+$0x0], $0xffff  }
0x210: {  	v13 =	vcvt.s32.f32 v26;
	v3 =	vmul.f32 v3, v3;
	v12 =	vmin.f32 v1, $7.000000000e+00;
	v17 =	vld.idx.msk [tilespmem:v18+s8+$0x0], $0xffff  }
0x211: {  	v22 =	vshll.u32 v26, $0x3;
	v4 =	vadd.f32 v6, v4;
	v21 =	vtrunc.f32 v12;
	v6 =	vld.idx.msk [tilespmem:v18+s10+$0x0], $0xffff  }
0x212: {  	v14 =	vmul.f32 v14, v14;
	v13 =	vsub.f32 v16, v13;
	v16 =	vmul.f32 v19, v42;
	v1 =	vld [tilespmem:s20+$0x10]  }
0x213: {  	v19 =	vadd.f32 v3, v4;
	v18 =	vcvt.f32.s32 v21;
	v21 =	vmul.f32 v8, v8;
	v31 =	vld.idx.msk [tilespmem:v31+s10+$0x0], $0xffff  }
0x214: {  	v5 =	vadd.f32 v5, v23;
	v4 =	vmul.f32 v0, v0;
	v33 =	vadd.f32 v16, v33;
	v0 =	vmovc v13;
	v36 =	vld [tilespmem:s20+$0xFFFFFFC0]  }
0x215: {  	v8 =	vcvt.s32.f32 v37;
	v23 =	vadd.s32 v18, v22;
	v13 =	vmul.f32 v29, v10;
	v3 =	vld [tilespmem:s20+$0xFFFFFFE0]  }
0x216: {  	v26 =	vadd.f32 v14, v19;
	v10 =	vcvt.s32.f32 v18;
	v29 =	vmul.f32 v9, v9;
	v22 =	vld.idx.msk [tilespmem:v27+s10+$0x0], $0xffff  }
0x217: {  	v39 =	vmul.f32 v32, v24;
	v7 =	vmul.f32 v7, v6;
	v9 =	vmax.f32 v1, $0.0e+00;
	v38 =	vld [tilespmem:s21+$0x20]  }
0x218: {  	v6 =	vsub.f32 v12, v10;
	v10 =	vmul.f32 v11, v11;
	v19 =	vld [tilespmem:s21+$0xFFFFFFD0];
	v24 =	vmin.f32 v9, $7.000000000e+00  }
0x219: {  	v11 =	vcvt.s32.f32 v41;
	v16 =	vadd.f32 v7, v17;
	v9 =	vld [tilespmem:s20+$0xFFFFFFD0];
	v12 =	vtrunc.f32 v24  }
0x21a: {  	v41 =	vshll.u32 v41, $0x3;
	v7 =	vmax.f32 v36, $0.0e+00;
	v14 =	vld [tilespmem:s20+$0xFFFFFFF0];
	v18 =	vcvt.f32.s32 v12  }
0x21b: {  	v42 =	vadd.f32 v21, v26;
	v12 =	vmin.f32 v7, $7.000000000e+00;
	v7 =	vmax.f32 v3, $0.0e+00;
	v43 =	vld.idx.msk [tilespmem:v28+s10+$0x0], $0xffff  }
0x21c: {  	v21 =	vmin.f32 v7, $7.000000000e+00;
	v40 =	vmul.f32 v40, v22;
	v26 =	vshll.u32 v38, $0x3;
	v17 =	vld.idx.msk [tilespmem:v23+s10+$0x0], $0xffff  }
0x21d: {  	v44 =	vtrunc.f32 v12;
	v7 =	vmax.f32 v2, $0.0e+00;
	v45 =	vcvt.s32.f32 v18;
	v25 =	vld.idx.msk [tilespmem:v25+s8+$0x0], $0xffff  }
0x21e: {  	v31 =	vmul.f32 v34, v31;
	v34 =	vadd.f32 v13, v35;
	v46 =	vmax.f32 v9, $0.0e+00;
	v27 =	vld.idx.msk [tilespmem:v27+s8+$0x0], $0xffff  }
0x21f: {  	v13 =	vtrunc.f32 v21;
	v22 =	vmin.f32 v7, $7.000000000e+00;
	v47 =	vld [tilespmem:s21+$0xFFFFFFF0];
	v32 =	vmax.f32 v14, $0.0e+00  }
0x220: {  	v20 =	vadd.f32 v31, v20;
	v7 =	vsub.f32 v24, v45;
	v32 =	vmin.f32 v32, $7.000000000e+00  }
0x221: {  	v24 =	vsub.f32 v36, v11;
	v36 =	vmin.f32 v46, $7.000000000e+00;
	v15 =	vmul.f32 v15, v43  }
0x222: {  	v20 =	vadd.f32 v20, v30;
	v31 =	vtrunc.f32 v22;
	v43 =	vtrunc.f32 v32;
	v11 =	vld [tilespmem:s20+$0x20]  }
0x223: {  	v45 =	vcvt.f32.s32 v13;
	v13 =	vcvt.s32.f32 v38;
	v38 =	vadd.f32 v39, v25  }
0x224: {  	v20 =	vadd.f32 v34, v20;
	v25 =	vtrunc.f32 v36;
	v39 =	vshll.u32 v47, $0x3  }
0x225: {  	v44 =	vcvt.f32.s32 v44;
	v46 =	vcvt.f32.s32 v25;
	v25 =	vadd.f32 v40, v27;
	v30 =	vld [tilespmem:s21+$0xFFFFFFE0]  }
0x226: {  	v48 =	vshll.u32 v19, $0x3;
	v34 =	vcvt.f32.s32 v31;
	v27 =	vshll.u32 v37, $0x3;
	v49 =	vld.idx.msk [tilespmem:v28+s8+$0x0], $0xffff  }
0x227: {  	v35 =	vadd.f32 v29, v42;
	v31 =	vadd.s32 v44, v41;
	v37 =	vmax.f32 v11, $0.0e+00  }
0x228: {  	v41 =	vcvt.f32.s32 v43;
	v28 =	vadd.s32 v34, v27;
	v50 =	vmin.f32 v37, $7.000000000e+00  }
0x229: {  	v20 =	vadd.f32 v25, v20;
	v27 =	vcvt.s32.f32 v46;
	v29 =	vtrunc.f32 v50  }
.Ltmp3:
0x22a: {  	v25 =	vadd.s32 v41, v39;
	v37 =	vcvt.s32.f32 v44;
	v40 =	vcvt.f32.s32 v29;
	(pc) =	sbr.rel @p0 .LBB2_8-.Ltmp3, $4  }
0x22b: {  	v39 =	vadd.f32 v38, v20;
	v29 =	vsub.f32 v36, v27;
	v27 =	vshll.u32 v30, $0x3;
	v36 =	vld [tilespmem:s21+$0x10]  }
0x22c: {  	v42 =	vcvt.s32.f32 v41;
	v38 =	vadd.f32 v15, v49;
	v51 =	vcvt.s32.f32 v40;
	v23 =	vld.idx.msk [tilespmem:v23+s8+$0x0], $0xffff  }
0x22d: {  	v43 =	vcvt.s32.f32 v45;
	v44 =	vadd.f32 v33, v39;
	v27 =	vadd.s32 v45, v27;
	v20 =	vld.idx.msk [tilespmem:v31+s8+$0x0], $0xffff  }
0x22e: {  	s20 =	sadd.s32 $0x80, s20;
	v41 =	vcvt.s32.f32 v47;
	v39 =	vadd.s32 v46, v48;
	s21 =	sadd.s32 $0x80, s21;
	v33 =	vld.idx.msk [tilespmem:v28+s8+$0x0], $0xffff;
	v15 =	vsub.f32 v50, v51  }
0x22f: {  	_ =	sdelay $0x3  }
0x230: {  	v28 =	vld.idx.msk [tilespmem:v28+s10+$0x0], $0xffff  }
0x231: {  	v61 =	vld.idx.msk [tilespmem:v25+s10+$0x0], $0xffff  }
0x232: {  	v46 =	vld.idx.msk [tilespmem:v39+s8+$0x0], $0xffff  }
0x233: {  	v26 =	vadd.s32 v40, v26;
	v62 =	vld.idx.msk [tilespmem:v39+s10+$0x0], $0xffff  }
0x234: {  	v31 =	vld.idx.msk [tilespmem:v31+s10+$0x0], $0xffff;
	v45 =	vshll.u32 v36, $0x3  }
0x235: {  	v47 =	vld.idx.msk [tilespmem:v27+s10+$0x0], $0xffff;
	v18 =	vadd.s32 v18, v45  }
0x236: {  	v25 =	vld.idx.msk [tilespmem:v25+s8+$0x0], $0xffff  }
0x237: {  	v2 =	vsub.f32 v2, v8;
	v8 =	vsub.f32 v21, v43;
	v21 =	vld.idx.msk [tilespmem:v27+s8+$0x0], $0xffff  }
0x238: {  	v48 =	vld.idx.msk [tilespmem:v26+s10+$0x0], $0xffff  }
0x239: {  	v26 =	vld.idx.msk [tilespmem:v26+s8+$0x0], $0xffff  }
0x23a: {  	v16 =	vadd.f32 v16, v44;
	v12 =	vsub.f32 v12, v37;
	v63 =	vld.idx.msk [tilespmem:v18+s8+$0x0], $0xffff  }
0x23b: {  	v32 =	vsub.f32 v32, v42;
	v19 =	vcvt.s32.f32 v19;
	v27 =	vcvt.s32.f32 v34;
	v18 =	vld.idx.msk [tilespmem:v18+s10+$0x0], $0xffff;
	_ =	swait.ge [sflag:s12], $0x4000  }
0x23c: {  	v10 =	vadd.f32 v10, v35;
	v16 =	vadd.f32 v38, v16;
	v12 =	vmul.f32 v12, v31;
	[sflag:s12] =	ssyncset.done $0x0  }
0x23d: {  	v9 =	vsub.f32 v9, v19;
	v19 =	vsub.f32 v22, v27;
	[sflag:s12] =	ssyncadd.s32 $0xFFFFC000  }
0x23e: {  	v5 =	vadd.f32 v5, v16;
	v16 =	vmul.f32 v29, v62;
	v12 =	vadd.f32 v12, v20;
	_ =	swait.ge [sflag:s13], $0x4000  }
0x23f: {  	v22 =	vcvt.s32.f32 v30;
	v4 =	vadd.f32 v4, v10;
	v20 =	vmul.f32 v24, v24;
	[sflag:s13] =	ssyncset.done $0x0  }
0x240: {  	v8 =	vmul.f32 v8, v47;
	v10 =	vadd.f32 v16, v46;
	v5 =	vadd.f32 v12, v5;
	s19 =	rddreg [dreg:$0xd];
	[sflag:s13] =	ssyncadd.s32 $0xFFFFC000  }
0x241: {  	v9 =	vmul.f32 v9, v9;
	v3 =	vsub.f32 v3, v22;
	v4 =	vadd.f32 v20, v4;
	[tilespmem:s14], [sflag:$0x2] =	stream.linear.gather [hbm4b:s19+s2], $0x4000, $0x38;
	[tilespmem:$0x10200] =	vst v63  }
0x242: {  	v8 =	vadd.f32 v8, v21;
	v12 =	vmul.f32 v32, v61;
	v5 =	vadd.f32 v10, v5;
	s20 =	rddreg [dreg:$0xe]  }
0x243: {  	v14 =	vsub.f32 v14, v41;
	v3 =	vmul.f32 v3, v3;
	v4 =	vadd.f32 v9, v4;
	[tilespmem:s15], [sflag:$0x4] =	stream.linear.gather [hbm4b:s20+s2], $0x4000, $0x38;
	[tilespmem:$0x10200] =	vst v63  }
0x244: {  	v9 =	vmul.f32 v19, v28;
	v12 =	vadd.f32 v12, v25;
	v5 =	vadd.f32 v8, v5;
	s20 =	simm.s32 $0x40  }
0x245: {  	s21 =	simm.s32 $0x8040;
	v10 =	vcvt.s32.f32 v36;
	v8 =	vmul.f32 v14, v14;
	v3 =	vadd.f32 v3, v4;
	v4 =	vld [tilespmem:s20+$0x30]  }
0x246: {  	v7 =	vmul.f32 v7, v18;
	v9 =	vadd.f32 v9, v33;
	v5 =	vadd.f32 v12, v5;
	v14 =	vld [tilespmem:s21+$0x20]  }
0x247: {  	v2 =	vmul.f32 v2, v2;
	v1 =	vsub.f32 v1, v10;
	v3 =	vadd.f32 v8, v3;
	v16 =	vld [tilespmem:s20+$0xFFFFFFF0]  }
0x248: {  	v7 =	vadd.f32 v7, v63;
	v8 =	vmul.f32 v15, v48;
	v29 =	vld [tilespmem:s21+$0xFFFFFFF0];
	v5 =	vadd.f32 v9, v5  }
0x249: {  	v10 =	vsub.f32 v11, v13;
	v1 =	vmul.f32 v1, v1;
	v31 =	vld [tilespmem:s21+$0xFFFFFFD0];
	v2 =	vadd.f32 v2, v3  }
0x24a: {  	v6 =	vmul.f32 v6, v17;
	v8 =	vadd.f32 v8, v26;
	v5 =	vadd.f32 v7, v5  }
0x24b: {  	v0 =	vmul.f32 v0, v0;
	v10 =	vmul.f32 v10, v10;
	v26 =	vld [tilespmem:s20+$0x20];
	v1 =	vadd.f32 v1, v2  }
0x24c: {  	v6 =	vadd.f32 v6, v23;
	v9 =	vld [tilespmem:s21+$0x30];
	v11 =	vmax.f32 v4, $0.0e+00;
	v5 =	vadd.f32 v8, v5  }
0x24d: {  	v1 =	vadd.f32 v10, v1;
	v20 =	vshll.u32 v14, $0x3;
	v23 =	vmax.f32 v16, $0.0e+00  }
0x24e: {  	v14 =	vcvt.s32.f32 v14;
	v49 =	vshll.u32 v29, $0x3;
	v53 =	vshll.u32 v31, $0x3  }
0x24f: {  	v7 =	vld [tilespmem:s21+$0x0];
	v29 =	vcvt.s32.f32 v29;
	v2 =	vmin.f32 v11, $7.000000000e+00;
	v23 =	vmin.f32 v23, $7.000000000e+00  }
0x250: {  	v55 =	vld [tilespmem:s21+$0x10];
	v48 =	vmax.f32 v26, $0.0e+00;
	v12 =	vtrunc.f32 v2;
	v13 =	vadd.f32 v6, v5  }
0x251: {  	v8 =	vld [tilespmem:s20+$0x0];
	v5 =	vcvt.s32.f32 v9;
	v0 =	vadd.f32 v0, v1;
	v1 =	vshll.u32 v9, $0x3  }
0x252: {  	v11 =	vld [tilespmem:s20+$0x10];
	v28 =	vtrunc.f32 v23;
	v32 =	vmin.f32 v48, $7.000000000e+00;
	v10 =	vcvt.f32.s32 v12  }
0x253: {  	v3 =	vld [tilespmem:s21+$0xFFFFFFC0];
	v16 =	vsub.f32 v16, v29;
	v28 =	vcvt.f32.s32 v28;
	v51 =	vtrunc.f32 v32  }
0x254: {  	v6 =	vld [tilespmem:s20+$0xFFFFFFE0];
	v4 =	vsub.f32 v4, v5;
	v5 =	vcvt.s32.f32 v7;
	v7 =	vshll.u32 v7, $0x3  }
0x255: {  	v12 =	vld [tilespmem:s20+$0xFFFFFFC0];
	v16 =	vmul.f32 v16, v16;
	v9 =	vcvt.s32.f32 v10;
	v1 =	vadd.s32 v10, v1  }
0x256: {  	v22 =	vmax.f32 v8, $0.0e+00;
	v33 =	vadd.s32 v28, v49;
	v28 =	vcvt.s32.f32 v28  }
0x257: {  	v15 =	vmax.f32 v11, $0.0e+00;
	v5 =	vsub.f32 v8, v5;
	v8 =	vcvt.s32.f32 v31  }
0x258: {  	v22 =	vmin.f32 v22, $7.000000000e+00;
	v31 =	vcvt.s32.f32 v55;
	v4 =	vmul.f32 v4, v4  }
0x259: {  	v10 =	vmin.f32 v15, $7.000000000e+00;
	v15 =	vcvt.s32.f32 v3;
	v19 =	vmax.f32 v6, $0.0e+00  }
0x25a: {  	s19 =	simm.s32 $0x80C0;
	v30 =	vtrunc.f32 v22;
	v17 =	vtrunc.f32 v10;
	v18 =	vmax.f32 v12, $0.0e+00  }
0x25b: {  	v48 =	vld [tilespmem:s19+$0x20];
	v19 =	vmin.f32 v19, $7.000000000e+00;
	v17 =	vcvt.f32.s32 v17;
	v18 =	vmin.f32 v18, $7.000000000e+00  }
0x25c: {  	v9 =	vsub.f32 v2, v9;
	v2 =	vld [tilespmem:s20+$0xFFFFFFD0];
	v27 =	vtrunc.f32 v19;
	v21 =	vtrunc.f32 v18  }
0x25d: {  	v12 =	vsub.f32 v12, v15;
	v52 =	vld.idx.msk [tilespmem:v1+s10+$0x0], $0xffff;
	v15 =	vcvt.f32.s32 v21;
	v21 =	vcvt.f32.s32 v30  }
0x25e: {  	v3 =	vshll.u32 v3, $0x3;
	v27 =	vcvt.f32.s32 v27;
	v58 =	vld.idx.msk [tilespmem:v1+s8+$0x0], $0xffff;
	v24 =	vcvt.s32.f32 v17  }
0x25f: {  	v30 =	vld [tilespmem:s21+$0xFFFFFFE0];
	s21 =	simm.s32 $0xC0;
	v7 =	vadd.s32 v21, v7;
	v54 =	vadd.s32 v15, v3;
	v3 =	vcvt.f32.s32 v51  }
0x260: {  	v23 =	vsub.f32 v23, v28;
	v1 =	vcvt.s32.f32 v27;
	v28 =	vld [tilespmem:s21+$0x30];
	v21 =	vcvt.s32.f32 v21  }
0x261: {  	v25 =	vmax.f32 v2, $0.0e+00;
	v57 =	vcvt.s32.f32 v3;
	v20 =	vadd.s32 v3, v20;
	v3 =	vld [tilespmem:s19+$0x30]  }
0x262: {  	v19 =	vsub.f32 v19, v1;
	v1 =	vshll.u32 v55, $0x3;
	v21 =	vsub.f32 v22, v21;
	v22 =	vld.idx.msk [tilespmem:v33+s10+$0x0], $0xffff  }
0x263: {  	v12 =	vmul.f32 v12, v12;
	v25 =	vmin.f32 v25, $7.000000000e+00;
	v17 =	vadd.s32 v17, v1;
	v33 =	vld.idx.msk [tilespmem:v33+s8+$0x0], $0xffff  }
0x264: {  	v10 =	vsub.f32 v10, v24;
	v24 =	vtrunc.f32 v25;
	v1 =	vcvt.s32.f32 v30;
	v59 =	vld.idx.msk [tilespmem:v7+s8+$0x0], $0xffff  }
0x265: {  	v8 =	vsub.f32 v2, v8;
	v0 =	vadd.f32 v12, v0;
	v24 =	vcvt.f32.s32 v24;
	v7 =	vld.idx.msk [tilespmem:v7+s10+$0x0], $0xffff  }
0x266: {  	v15 =	vcvt.s32.f32 v15;
	v1 =	vsub.f32 v6, v1;
	v6 =	vsub.f32 v11, v31;
	v31 =	vld [tilespmem:s19+$0x0]  }
0x267: {  	v12 =	vsub.f32 v26, v14;
	v50 =	vcvt.s32.f32 v24;
	v24 =	vadd.s32 v24, v53;
	v38 =	vld.idx.msk [tilespmem:v54+s8+$0x0], $0xffff  }
0x268: {  	v8 =	vmul.f32 v8, v8;
	v15 =	vsub.f32 v18, v15;
	v9 =	vmul.f32 v9, v52;
	v62 =	vld.idx.msk [tilespmem:v17+s10+$0x0], $0xffff  }
0x269: {  	v56 =	vshll.u32 v30, $0x3;
	v11 =	vmax.f32 v28, $0.0e+00;
	v23 =	vmul.f32 v23, v22;
	v22 =	vld.idx.msk [tilespmem:v54+s10+$0x0], $0xffff  }
0x26a: {  	v27 =	vadd.s32 v27, v56;
	v60 =	vsub.f32 v32, v57;
	v11 =	vmin.f32 v11, $7.000000000e+00;
	v51 =	vld.idx.msk [tilespmem:v20+s10+$0x0], $0xffff  }
0x26b: {  	v25 =	vsub.f32 v25, v50;
	v18 =	vcvt.s32.f32 v3;
	v26 =	vtrunc.f32 v11;
	v54 =	vld [tilespmem:s19+$0xFFFFFFF0]  }
0x26c: {  	v61 =	vshll.u32 v3, $0x3;
	v3 =	vadd.f32 v8, v0;
	v63 =	vmul.f32 v6, v6;
	v30 =	vld.idx.msk [tilespmem:v24+s8+$0x0], $0xffff  }
0x26d: {  	v14 =	vld.idx.msk [tilespmem:v24+s10+$0x0], $0xffff;
	v24 =	vmul.f32 v1, v1;
	v0 =	vsub.f32 v28, v18;
	v18 =	vcvt.f32.s32 v26  }
0x26e: {  	v1 =	vld [tilespmem:s21+$0x10];
	v26 =	vshll.u32 v48, $0x3;
	v23 =	vadd.f32 v23, v33;
	v7 =	vmul.f32 v21, v7  }
0x26f: {  	v20 =	vld.idx.msk [tilespmem:v20+s8+$0x0], $0xffff;
	v8 =	vcvt.s32.f32 v31;
	v21 =	vadd.f32 v24, v3;
	v24 =	vmul.f32 v5, v5  }
0x270: {  	v29 =	vld [tilespmem:s19+$0xFFFFFFC0];
	v5 =	vadd.f32 v9, v58;
	v41 =	vadd.s32 v18, v61;
	v9 =	vcvt.s32.f32 v18  }
0x271: {  	v17 =	vld.idx.msk [tilespmem:v17+s8+$0x0], $0xffff;
	v39 =	vadd.f32 v7, v59;
	v15 =	vmul.f32 v15, v22;
	v56 =	vmul.f32 v60, v51  }
0x272: {  	v28 =	vld [tilespmem:s21+$0xFFFFFFC0];
	v59 =	vshll.u32 v54, $0x3;
	v21 =	vadd.f32 v16, v21;
	v7 =	vmul.f32 v25, v14  }
0x273: {  	v3 =	vld [tilespmem:s21+$0xFFFFFFE0];
	v6 =	vmax.f32 v1, $0.0e+00;
	v14 =	vmul.f32 v10, v62;
	v10 =	vmul.f32 v12, v12  }
0x274: {  	v25 =	vld.idx.msk [tilespmem:v27+s10+$0x0], $0xffff;
	v15 =	vadd.f32 v15, v38;
	v38 =	vadd.f32 v56, v20;
	v49 =	vmin.f32 v6, $7.000000000e+00  }
0x275: {  	v2 =	vld [tilespmem:s21+$0x0];
	v6 =	vsub.f32 v11, v9;
	v11 =	vcvt.s32.f32 v29;
	v29 =	vshll.u32 v29, $0x3  }
0x276: {  	v50 =	vadd.f32 v24, v21;
	v12 =	vtrunc.f32 v49;
	v16 =	vadd.f32 v14, v17;
	v14 =	vld [tilespmem:s21+$0xFFFFFFF0]  }
0x277: {  	v17 =	vmax.f32 v28, $0.0e+00;
	v30 =	vadd.f32 v7, v30;
	v15 =	vadd.f32 v15, v13  }
0x278: {  	v9 =	vld [tilespmem:s21+$0xFFFFFFD0];
	v18 =	vcvt.f32.s32 v12;
	v12 =	vmin.f32 v17, $7.000000000e+00;
	v17 =	vmax.f32 v3, $0.0e+00  }
0x279: {  	v13 =	vcvt.s32.f32 v48;
	v21 =	vmin.f32 v17, $7.000000000e+00;
	v17 =	vmul.f32 v19, v25  }
0x27a: {  	v27 =	vld.idx.msk [tilespmem:v27+s8+$0x0], $0xffff;
	v15 =	vadd.f32 v30, v15;
	v25 =	vtrunc.f32 v12;
	v24 =	vcvt.s32.f32 v18  }
0x27b: {  	v19 =	vmax.f32 v2, $0.0e+00;
	v53 =	vtrunc.f32 v21;
	v7 =	vmax.f32 v14, $0.0e+00  }
0x27c: {  	v32 =	vmin.f32 v7, $7.000000000e+00;
	v7 =	vsub.f32 v49, v24;
	v24 =	vsub.f32 v28, v11;
	v11 =	vld [tilespmem:s21+$0x20]  }
0x27d: {  	v52 =	vmax.f32 v9, $0.0e+00;
	v22 =	vmin.f32 v19, $7.000000000e+00;
	v44 =	vcvt.f32.s32 v53  }
0x27e: {  	v25 =	vcvt.f32.s32 v25;
	v55 =	vmin.f32 v52, $7.000000000e+00;
	v57 =	vtrunc.f32 v22  }
0x27f: {  	v17 =	vadd.f32 v17, v27;
	v27 =	vshll.u32 v31, $0x3;
	v58 =	vtrunc.f32 v55  }
0x280: {  	v19 =	vld [tilespmem:s19+$0xFFFFFFD0];
	v34 =	vcvt.f32.s32 v57;
	v31 =	vadd.s32 v25, v29;
	v37 =	vcvt.s32.f32 v25  }
0x281: {  	v30 =	vld [tilespmem:s19+$0xFFFFFFE0];
	v43 =	vcvt.s32.f32 v44;
	v28 =	vtrunc.f32 v32;
	v29 =	vmax.f32 v11, $0.0e+00  }
0x282: {  	v33 =	vcvt.f32.s32 v58;
	v15 =	vadd.f32 v17, v15;
	v62 =	vmin.f32 v29, $7.000000000e+00  }
0x283: {  	v36 =	vld [tilespmem:s19+$0x10];
	v61 =	vcvt.f32.s32 v28;
	v28 =	vadd.s32 v34, v27;
	v29 =	vtrunc.f32 v62  }
0x284: {  	v35 =	vadd.f32 v63, v50;
	v17 =	vld.idx.msk [tilespmem:v41+s10+$0x0], $0xffff;
	v27 =	vcvt.s32.f32 v33;
	v40 =	vcvt.f32.s32 v29  }
0x285: {  	v60 =	vshll.u32 v19, $0x3;
	v15 =	vadd.f32 v23, v15;
	v23 =	vld.idx.msk [tilespmem:v41+s8+$0x0], $0xffff;
	v41 =	vcvt.s32.f32 v54  }
0x286: {  	v29 =	vsub.f32 v55, v27;
	v27 =	vshll.u32 v30, $0x3;
	v63 =	vcvt.s32.f32 v40  }
0x287: {  	v25 =	vadd.s32 v61, v59;
	v42 =	vcvt.s32.f32 v61;
	v20 =	vld.idx.msk [tilespmem:v31+s8+$0x0], $0xffff;
	v27 =	vadd.s32 v44, v27  }
0x288: {  	s20 =	simm.s32 $0x140;
	s19 =	simm.s32 $0x8;
	s21 =	simm.s32 $0x8140;
	v44 =	vadd.f32 v39, v15;
	v39 =	vadd.s32 v33, v60;
	v33 =	vld.idx.msk [tilespmem:v28+s8+$0x0], $0xffff;
	v15 =	vsub.f32 v62, v63  }
.LBB2_10:
0x289: {  	s19 =	sadd.s32 $0x8, s19;
	v32 =	vsub.f32 v32, v42;
	v42 =	vld.idx.msk [tilespmem:v28+s10+$0x0], $0xffff;
	v8 =	vsub.f32 v2, v8;
	v28 =	vadd.s32 v40, v26  }
0x28a: {  	v40 =	vsub.f32 v21, v43;
	v2 =	vadd.f32 v16, v44;
	v26 =	vld [tilespmem:s21+$0x30];
	p0 =	slt.u32 s19, $0x3F8;
	v21 =	vshll.u32 v36, $0x3  }
0x28b: {  	v19 =	vcvt.s32.f32 v19;
	v34 =	vcvt.s32.f32 v34;
	v14 =	vsub.f32 v14, v41;
	v16 =	vld [tilespmem:s20+$0x30]  }
0x28c: {  	v10 =	vadd.f32 v10, v35;
	v36 =	vcvt.s32.f32 v36;
	v38 =	vadd.f32 v38, v2;
	v41 =	vld [tilespmem:s21+$0xFFFFFFC0]  }
0x28d: {  	v9 =	vsub.f32 v9, v19;
	v19 =	vsub.f32 v22, v34;
	v18 =	vadd.s32 v18, v21;
	v2 =	vld [tilespmem:s20+$0x0]  }
0x28e: {  	v21 =	vmul.f32 v24, v24;
	v22 =	vcvt.s32.f32 v30;
	v30 =	vadd.f32 v5, v38;
	v24 =	vld.idx.msk [tilespmem:v25+s10+$0x0], $0xffff  }
0x28f: {  	v34 =	vsub.f32 v12, v37;
	v4 =	vadd.f32 v4, v10;
	v5 =	vmul.f32 v6, v17;
	v35 =	vld.idx.msk [tilespmem:v39+s8+$0x0], $0xffff  }
0x290: {  	v6 =	vmul.f32 v9, v9;
	v3 =	vsub.f32 v3, v22;
	v9 =	vsub.f32 v1, v36;
	v37 =	vld [tilespmem:s21+$0x0]  }
0x291: {  	v11 =	vsub.f32 v11, v13;
	v4 =	vadd.f32 v21, v4;
	v1 =	vmax.f32 v16, $0.0e+00;
	v10 =	vld.idx.msk [tilespmem:v39+s10+$0x0], $0xffff  }
0x292: {  	v13 =	vcvt.s32.f32 v26;
	v3 =	vmul.f32 v3, v3;
	v12 =	vmin.f32 v1, $7.000000000e+00;
	v17 =	vld.idx.msk [tilespmem:v18+s8+$0x0], $0xffff  }
0x293: {  	v22 =	vshll.u32 v26, $0x3;
	v4 =	vadd.f32 v6, v4;
	v21 =	vtrunc.f32 v12;
	v6 =	vld.idx.msk [tilespmem:v18+s10+$0x0], $0xffff  }
0x294: {  	v14 =	vmul.f32 v14, v14;
	v13 =	vsub.f32 v16, v13;
	v16 =	vmul.f32 v19, v42;
	v1 =	vld [tilespmem:s20+$0x10]  }
0x295: {  	v19 =	vadd.f32 v3, v4;
	v18 =	vcvt.f32.s32 v21;
	v21 =	vmul.f32 v8, v8;
	v31 =	vld.idx.msk [tilespmem:v31+s10+$0x0], $0xffff  }
0x296: {  	v5 =	vadd.f32 v5, v23;
	v4 =	vmul.f32 v0, v0;
	v33 =	vadd.f32 v16, v33;
	v0 =	vmovc v13;
	v36 =	vld [tilespmem:s20+$0xFFFFFFC0]  }
0x297: {  	v8 =	vcvt.s32.f32 v37;
	v23 =	vadd.s32 v18, v22;
	v13 =	vmul.f32 v29, v10;
	v3 =	vld [tilespmem:s20+$0xFFFFFFE0]  }
0x298: {  	v26 =	vadd.f32 v14, v19;
	v10 =	vcvt.s32.f32 v18;
	v29 =	vmul.f32 v9, v9;
	v22 =	vld.idx.msk [tilespmem:v27+s10+$0x0], $0xffff  }
0x299: {  	v39 =	vmul.f32 v32, v24;
	v7 =	vmul.f32 v7, v6;
	v9 =	vmax.f32 v1, $0.0e+00;
	v38 =	vld [tilespmem:s21+$0x20]  }
0x29a: {  	v6 =	vsub.f32 v12, v10;
	v10 =	vmul.f32 v11, v11;
	v19 =	vld [tilespmem:s21+$0xFFFFFFD0];
	v24 =	vmin.f32 v9, $7.000000000e+00  }
0x29b: {  	v11 =	vcvt.s32.f32 v41;
	v16 =	vadd.f32 v7, v17;
	v9 =	vld [tilespmem:s20+$0xFFFFFFD0];
	v12 =	vtrunc.f32 v24  }
0x29c: {  	v41 =	vshll.u32 v41, $0x3;
	v7 =	vmax.f32 v36, $0.0e+00;
	v14 =	vld [tilespmem:s20+$0xFFFFFFF0];
	v18 =	vcvt.f32.s32 v12  }
0x29d: {  	v42 =	vadd.f32 v21, v26;
	v12 =	vmin.f32 v7, $7.000000000e+00;
	v7 =	vmax.f32 v3, $0.0e+00;
	v43 =	vld.idx.msk [tilespmem:v28+s10+$0x0], $0xffff  }
0x29e: {  	v21 =	vmin.f32 v7, $7.000000000e+00;
	v40 =	vmul.f32 v40, v22;
	v26 =	vshll.u32 v38, $0x3;
	v17 =	vld.idx.msk [tilespmem:v23+s10+$0x0], $0xffff  }
0x29f: {  	v44 =	vtrunc.f32 v12;
	v7 =	vmax.f32 v2, $0.0e+00;
	v45 =	vcvt.s32.f32 v18;
	v25 =	vld.idx.msk [tilespmem:v25+s8+$0x0], $0xffff  }
0x2a0: {  	v31 =	vmul.f32 v34, v31;
	v34 =	vadd.f32 v13, v35;
	v46 =	vmax.f32 v9, $0.0e+00;
	v27 =	vld.idx.msk [tilespmem:v27+s8+$0x0], $0xffff  }
0x2a1: {  	v13 =	vtrunc.f32 v21;
	v22 =	vmin.f32 v7, $7.000000000e+00;
	v47 =	vld [tilespmem:s21+$0xFFFFFFF0];
	v32 =	vmax.f32 v14, $0.0e+00  }
0x2a2: {  	v20 =	vadd.f32 v31, v20;
	v7 =	vsub.f32 v24, v45;
	v32 =	vmin.f32 v32, $7.000000000e+00  }
0x2a3: {  	v24 =	vsub.f32 v36, v11;
	v36 =	vmin.f32 v46, $7.000000000e+00;
	v15 =	vmul.f32 v15, v43  }
0x2a4: {  	v20 =	vadd.f32 v20, v30;
	v31 =	vtrunc.f32 v22;
	v43 =	vtrunc.f32 v32;
	v11 =	vld [tilespmem:s20+$0x20]  }
0x2a5: {  	v45 =	vcvt.f32.s32 v13;
	v13 =	vcvt.s32.f32 v38;
	v38 =	vadd.f32 v39, v25  }
0x2a6: {  	v20 =	vadd.f32 v34, v20;
	v25 =	vtrunc.f32 v36;
	v39 =	vshll.u32 v47, $0x3  }
0x2a7: {  	v44 =	vcvt.f32.s32 v44;
	v46 =	vcvt.f32.s32 v25;
	v25 =	vadd.f32 v40, v27;
	v30 =	vld [tilespmem:s21+$0xFFFFFFE0]  }
0x2a8: {  	v48 =	vshll.u32 v19, $0x3;
	v34 =	vcvt.f32.s32 v31;
	v27 =	vshll.u32 v37, $0x3;
	v49 =	vld.idx.msk [tilespmem:v28+s8+$0x0], $0xffff  }
0x2a9: {  	v35 =	vadd.f32 v29, v42;
	v31 =	vadd.s32 v44, v41;
	v37 =	vmax.f32 v11, $0.0e+00  }
0x2aa: {  	v41 =	vcvt.f32.s32 v43;
	v28 =	vadd.s32 v34, v27;
	v50 =	vmin.f32 v37, $7.000000000e+00  }
0x2ab: {  	v20 =	vadd.f32 v25, v20;
	v27 =	vcvt.s32.f32 v46;
	v29 =	vtrunc.f32 v50  }
.Ltmp4:
0x2ac: {  	v25 =	vadd.s32 v41, v39;
	v37 =	vcvt.s32.f32 v44;
	v40 =	vcvt.f32.s32 v29;
	(pc) =	sbr.rel @p0 .LBB2_10-.Ltmp4, $4  }
0x2ad: {  	v39 =	vadd.f32 v38, v20;
	v29 =	vsub.f32 v36, v27;
	v27 =	vshll.u32 v30, $0x3;
	v36 =	vld [tilespmem:s21+$0x10]  }
0x2ae: {  	v42 =	vcvt.s32.f32 v41;
	v38 =	vadd.f32 v15, v49;
	v51 =	vcvt.s32.f32 v40;
	v23 =	vld.idx.msk [tilespmem:v23+s8+$0x0], $0xffff  }
0x2af: {  	v43 =	vcvt.s32.f32 v45;
	v44 =	vadd.f32 v33, v39;
	v27 =	vadd.s32 v45, v27;
	v20 =	vld.idx.msk [tilespmem:v31+s8+$0x0], $0xffff  }
0x2b0: {  	s20 =	sadd.s32 $0x80, s20;
	v41 =	vcvt.s32.f32 v47;
	v39 =	vadd.s32 v46, v48;
	s21 =	sadd.s32 $0x80, s21;
	v33 =	vld.idx.msk [tilespmem:v28+s8+$0x0], $0xffff;
	v15 =	vsub.f32 v50, v51  }
0x2b1: {  	_ =	sdelay $0x3  }
0x2b2: {  	v28 =	vld.idx.msk [tilespmem:v28+s10+$0x0], $0xffff  }
0x2b3: {  	v61 =	vld.idx.msk [tilespmem:v25+s10+$0x0], $0xffff  }
0x2b4: {  	v46 =	vld.idx.msk [tilespmem:v39+s8+$0x0], $0xffff  }
0x2b5: {  	v26 =	vadd.s32 v40, v26;
	v62 =	vld.idx.msk [tilespmem:v39+s10+$0x0], $0xffff  }
0x2b6: {  	v31 =	vld.idx.msk [tilespmem:v31+s10+$0x0], $0xffff;
	v45 =	vshll.u32 v36, $0x3  }
0x2b7: {  	v47 =	vld.idx.msk [tilespmem:v27+s10+$0x0], $0xffff;
	v18 =	vadd.s32 v18, v45  }
0x2b8: {  	v25 =	vld.idx.msk [tilespmem:v25+s8+$0x0], $0xffff  }
0x2b9: {  	v2 =	vsub.f32 v2, v8;
	v8 =	vsub.f32 v21, v43;
	v21 =	vld.idx.msk [tilespmem:v27+s8+$0x0], $0xffff  }
0x2ba: {  	v48 =	vld.idx.msk [tilespmem:v26+s10+$0x0], $0xffff  }
0x2bb: {  	v26 =	vld.idx.msk [tilespmem:v26+s8+$0x0], $0xffff  }
0x2bc: {  	v16 =	vadd.f32 v16, v44;
	v12 =	vsub.f32 v12, v37;
	v63 =	vld.idx.msk [tilespmem:v18+s8+$0x0], $0xffff  }
0x2bd: {  	v32 =	vsub.f32 v32, v42;
	v19 =	vcvt.s32.f32 v19;
	v27 =	vcvt.s32.f32 v34;
	v18 =	vld.idx.msk [tilespmem:v18+s10+$0x0], $0xffff;
	_ =	swait.ge [sflag:s16], $0x4000  }
0x2be: {  	v10 =	vadd.f32 v10, v35;
	v16 =	vadd.f32 v38, v16;
	v12 =	vmul.f32 v12, v31;
	[sflag:s16] =	ssyncset.done $0x0  }
0x2bf: {  	v9 =	vsub.f32 v9, v19;
	v19 =	vsub.f32 v22, v27;
	[sflag:s16] =	ssyncadd.s32 $0xFFFFC000  }
0x2c0: {  	v5 =	vadd.f32 v5, v16;
	v16 =	vmul.f32 v29, v62;
	v12 =	vadd.f32 v12, v20;
	_ =	swait.ge [sflag:s17], $0x4000  }
0x2c1: {  	v22 =	vcvt.s32.f32 v30;
	v4 =	vadd.f32 v4, v10;
	v20 =	vmul.f32 v24, v24;
	[sflag:s17] =	ssyncset.done $0x0  }
0x2c2: {  	v8 =	vmul.f32 v8, v47;
	v10 =	vadd.f32 v16, v46;
	v5 =	vadd.f32 v12, v5;
	s19 =	rddreg [dreg:$0xf];
	[sflag:s17] =	ssyncadd.s32 $0xFFFFC000  }
0x2c3: {  	v9 =	vmul.f32 v9, v9;
	v3 =	vsub.f32 v3, v22;
	v4 =	vadd.f32 v20, v4;
	[tilespmem:s2], [sflag:$0x1] =	stream.linear.gather [hbm4b:s19+s2], $0x4000, $0x38;
	[tilespmem:$0x10200] =	vst v63  }
0x2c4: {  	v8 =	vadd.f32 v8, v21;
	v12 =	vmul.f32 v32, v61;
	v5 =	vadd.f32 v10, v5;
	s20 =	rddreg [dreg:$0x10]  }
0x2c5: {  	v14 =	vsub.f32 v14, v41;
	v3 =	vmul.f32 v3, v3;
	v4 =	vadd.f32 v9, v4;
	[tilespmem:s11], [sflag:$0x3] =	stream.linear.gather [hbm4b:s20+s2], $0x4000, $0x38;
	[tilespmem:$0x10200] =	vst v63  }
0x2c6: {  	v9 =	vmul.f32 v19, v28;
	v12 =	vadd.f32 v12, v25;
	v5 =	vadd.f32 v8, v5;
	s20 =	simm.s32 $0x4040  }
0x2c7: {  	s21 =	simm.s32 $0xC040;
	v10 =	vcvt.s32.f32 v36;
	v8 =	vmul.f32 v14, v14;
	v3 =	vadd.f32 v3, v4;
	v4 =	vld [tilespmem:s20+$0x30]  }
0x2c8: {  	v7 =	vmul.f32 v7, v18;
	v9 =	vadd.f32 v9, v33;
	v5 =	vadd.f32 v12, v5;
	v14 =	vld [tilespmem:s21+$0x20]  }
0x2c9: {  	v2 =	vmul.f32 v2, v2;
	v1 =	vsub.f32 v1, v10;
	v3 =	vadd.f32 v8, v3;
	v16 =	vld [tilespmem:s20+$0xFFFFFFF0]  }
0x2ca: {  	v7 =	vadd.f32 v7, v63;
	v8 =	vmul.f32 v15, v48;
	v29 =	vld [tilespmem:s21+$0xFFFFFFF0];
	v5 =	vadd.f32 v9, v5  }
0x2cb: {  	v10 =	vsub.f32 v11, v13;
	v1 =	vmul.f32 v1, v1;
	v31 =	vld [tilespmem:s21+$0xFFFFFFD0];
	v2 =	vadd.f32 v2, v3  }
0x2cc: {  	v6 =	vmul.f32 v6, v17;
	v8 =	vadd.f32 v8, v26;
	v5 =	vadd.f32 v7, v5  }
0x2cd: {  	v0 =	vmul.f32 v0, v0;
	v10 =	vmul.f32 v10, v10;
	v26 =	vld [tilespmem:s20+$0x20];
	v1 =	vadd.f32 v1, v2  }
0x2ce: {  	v6 =	vadd.f32 v6, v23;
	v9 =	vld [tilespmem:s21+$0x30];
	v11 =	vmax.f32 v4, $0.0e+00;
	v5 =	vadd.f32 v8, v5  }
0x2cf: {  	v1 =	vadd.f32 v10, v1;
	v20 =	vshll.u32 v14, $0x3;
	v23 =	vmax.f32 v16, $0.0e+00  }
0x2d0: {  	v14 =	vcvt.s32.f32 v14;
	v49 =	vshll.u32 v29, $0x3;
	v53 =	vshll.u32 v31, $0x3  }
0x2d1: {  	v7 =	vld [tilespmem:s21+$0x0];
	v29 =	vcvt.s32.f32 v29;
	v2 =	vmin.f32 v11, $7.000000000e+00;
	v23 =	vmin.f32 v23, $7.000000000e+00  }
0x2d2: {  	v55 =	vld [tilespmem:s21+$0x10];
	v48 =	vmax.f32 v26, $0.0e+00;
	v12 =	vtrunc.f32 v2;
	v13 =	vadd.f32 v6, v5  }
0x2d3: {  	v8 =	vld [tilespmem:s20+$0x0];
	v5 =	vcvt.s32.f32 v9;
	v0 =	vadd.f32 v0, v1;
	v1 =	vshll.u32 v9, $0x3  }
0x2d4: {  	v11 =	vld [tilespmem:s20+$0x10];
	v28 =	vtrunc.f32 v23;
	v32 =	vmin.f32 v48, $7.000000000e+00;
	v10 =	vcvt.f32.s32 v12  }
0x2d5: {  	v3 =	vld [tilespmem:s21+$0xFFFFFFC0];
	v16 =	vsub.f32 v16, v29;
	v28 =	vcvt.f32.s32 v28;
	v51 =	vtrunc.f32 v32  }
0x2d6: {  	v6 =	vld [tilespmem:s20+$0xFFFFFFE0];
	v4 =	vsub.f32 v4, v5;
	v5 =	vcvt.s32.f32 v7;
	v7 =	vshll.u32 v7, $0x3  }
0x2d7: {  	v12 =	vld [tilespmem:s20+$0xFFFFFFC0];
	v16 =	vmul.f32 v16, v16;
	v9 =	vcvt.s32.f32 v10;
	v1 =	vadd.s32 v10, v1  }
0x2d8: {  	v22 =	vmax.f32 v8, $0.0e+00;
	v33 =	vadd.s32 v28, v49;
	v28 =	vcvt.s32.f32 v28  }
0x2d9: {  	v15 =	vmax.f32 v11, $0.0e+00;
	v5 =	vsub.f32 v8, v5;
	v8 =	vcvt.s32.f32 v31  }
0x2da: {  	v22 =	vmin.f32 v22, $7.000000000e+00;
	v31 =	vcvt.s32.f32 v55;
	v4 =	vmul.f32 v4, v4  }
0x2db: {  	v10 =	vmin.f32 v15, $7.000000000e+00;
	v15 =	vcvt.s32.f32 v3;
	v19 =	vmax.f32 v6, $0.0e+00  }
0x2dc: {  	s19 =	simm.s32 $0xC0C0;
	v30 =	vtrunc.f32 v22;
	v17 =	vtrunc.f32 v10;
	v18 =	vmax.f32 v12, $0.0e+00  }
0x2dd: {  	v48 =	vld [tilespmem:s19+$0x20];
	v19 =	vmin.f32 v19, $7.000000000e+00;
	v17 =	vcvt.f32.s32 v17;
	v18 =	vmin.f32 v18, $7.000000000e+00  }
0x2de: {  	v9 =	vsub.f32 v2, v9;
	v2 =	vld [tilespmem:s20+$0xFFFFFFD0];
	v27 =	vtrunc.f32 v19;
	v21 =	vtrunc.f32 v18  }
0x2df: {  	v12 =	vsub.f32 v12, v15;
	v52 =	vld.idx.msk [tilespmem:v1+s10+$0x0], $0xffff;
	v15 =	vcvt.f32.s32 v21;
	v21 =	vcvt.f32.s32 v30  }
0x2e0: {  	v3 =	vshll.u32 v3, $0x3;
	v27 =	vcvt.f32.s32 v27;
	v58 =	vld.idx.msk [tilespmem:v1+s8+$0x0], $0xffff;
	v24 =	vcvt.s32.f32 v17  }
0x2e1: {  	v30 =	vld [tilespmem:s21+$0xFFFFFFE0];
	s21 =	simm.s32 $0x40C0;
	v7 =	vadd.s32 v21, v7;
	v54 =	vadd.s32 v15, v3;
	v3 =	vcvt.f32.s32 v51  }
0x2e2: {  	v23 =	vsub.f32 v23, v28;
	v1 =	vcvt.s32.f32 v27;
	v28 =	vld [tilespmem:s21+$0x30];
	v21 =	vcvt.s32.f32 v21  }
0x2e3: {  	v25 =	vmax.f32 v2, $0.0e+00;
	v57 =	vcvt.s32.f32 v3;
	v20 =	vadd.s32 v3, v20;
	v3 =	vld [tilespmem:s19+$0x30]  }
0x2e4: {  	v19 =	vsub.f32 v19, v1;
	v1 =	vshll.u32 v55, $0x3;
	v21 =	vsub.f32 v22, v21;
	v22 =	vld.idx.msk [tilespmem:v33+s10+$0x0], $0xffff  }
0x2e5: {  	v12 =	vmul.f32 v12, v12;
	v25 =	vmin.f32 v25, $7.000000000e+00;
	v17 =	vadd.s32 v17, v1;
	v33 =	vld.idx.msk [tilespmem:v33+s8+$0x0], $0xffff  }
0x2e6: {  	v10 =	vsub.f32 v10, v24;
	v24 =	vtrunc.f32 v25;
	v1 =	vcvt.s32.f32 v30;
	v59 =	vld.idx.msk [tilespmem:v7+s8+$0x0], $0xffff  }
0x2e7: {  	v8 =	vsub.f32 v2, v8;
	v0 =	vadd.f32 v12, v0;
	v24 =	vcvt.f32.s32 v24;
	v7 =	vld.idx.msk [tilespmem:v7+s10+$0x0], $0xffff  }
0x2e8: {  	v15 =	vcvt.s32.f32 v15;
	v1 =	vsub.f32 v6, v1;
	v6 =	vsub.f32 v11, v31;
	v31 =	vld [tilespmem:s19+$0x0]  }
0x2e9: {  	v12 =	vsub.f32 v26, v14;
	v50 =	vcvt.s32.f32 v24;
	v24 =	vadd.s32 v24, v53;
	v38 =	vld.idx.msk [tilespmem:v54+s8+$0x0], $0xffff  }
0x2ea: {  	v8 =	vmul.f32 v8, v8;
	v15 =	vsub.f32 v18, v15;
	v9 =	vmul.f32 v9, v52;
	v62 =	vld.idx.msk [tilespmem:v17+s10+$0x0], $0xffff  }
0x2eb: {  	v56 =	vshll.u32 v30, $0x3;
	v11 =	vmax.f32 v28, $0.0e+00;
	v23 =	vmul.f32 v23, v22;
	v22 =	vld.idx.msk [tilespmem:v54+s10+$0x0], $0xffff  }
0x2ec: {  	v27 =	vadd.s32 v27, v56;
	v60 =	vsub.f32 v32, v57;
	v11 =	vmin.f32 v11, $7.000000000e+00;
	v51 =	vld.idx.msk [tilespmem:v20+s10+$0x0], $0xffff  }
0x2ed: {  	v25 =	vsub.f32 v25, v50;
	v18 =	vcvt.s32.f32 v3;
	v26 =	vtrunc.f32 v11;
	v54 =	vld [tilespmem:s19+$0xFFFFFFF0]  }
0x2ee: {  	v61 =	vshll.u32 v3, $0x3;
	v3 =	vadd.f32 v8, v0;
	v63 =	vmul.f32 v6, v6;
	v30 =	vld.idx.msk [tilespmem:v24+s8+$0x0], $0xffff  }
0x2ef: {  	v14 =	vld.idx.msk [tilespmem:v24+s10+$0x0], $0xffff;
	v24 =	vmul.f32 v1, v1;
	v0 =	vsub.f32 v28, v18;
	v18 =	vcvt.f32.s32 v26  }
0x2f0: {  	v1 =	vld [tilespmem:s21+$0x10];
	v26 =	vshll.u32 v48, $0x3;
	v23 =	vadd.f32 v23, v33;
	v7 =	vmul.f32 v21, v7  }
0x2f1: {  	v20 =	vld.idx.msk [tilespmem:v20+s8+$0x0], $0xffff;
	v8 =	vcvt.s32.f32 v31;
	v21 =	vadd.f32 v24, v3;
	v24 =	vmul.f32 v5, v5  }
0x2f2: {  	v29 =	vld [tilespmem:s19+$0xFFFFFFC0];
	v5 =	vadd.f32 v9, v58;
	v41 =	vadd.s32 v18, v61;
	v9 =	vcvt.s32.f32 v18  }
0x2f3: {  	v17 =	vld.idx.msk [tilespmem:v17+s8+$0x0], $0xffff;
	v39 =	vadd.f32 v7, v59;
	v15 =	vmul.f32 v15, v22;
	v56 =	vmul.f32 v60, v51  }
0x2f4: {  	v28 =	vld [tilespmem:s21+$0xFFFFFFC0];
	v59 =	vshll.u32 v54, $0x3;
	v21 =	vadd.f32 v16, v21;
	v7 =	vmul.f32 v25, v14  }
0x2f5: {  	v3 =	vld [tilespmem:s21+$0xFFFFFFE0];
	v6 =	vmax.f32 v1, $0.0e+00;
	v14 =	vmul.f32 v10, v62;
	v10 =	vmul.f32 v12, v12  }
0x2f6: {  	v25 =	vld.idx.msk [tilespmem:v27+s10+$0x0], $0xffff;
	v15 =	vadd.f32 v15, v38;
	v38 =	vadd.f32 v56, v20;
	v49 =	vmin.f32 v6, $7.000000000e+00  }
0x2f7: {  	v2 =	vld [tilespmem:s21+$0x0];
	v6 =	vsub.f32 v11, v9;
	v11 =	vcvt.s32.f32 v29;
	v29 =	vshll.u32 v29, $0x3  }
0x2f8: {  	v50 =	vadd.f32 v24, v21;
	v12 =	vtrunc.f32 v49;
	v16 =	vadd.f32 v14, v17;
	v14 =	vld [tilespmem:s21+$0xFFFFFFF0]  }
0x2f9: {  	v17 =	vmax.f32 v28, $0.0e+00;
	v30 =	vadd.f32 v7, v30;
	v15 =	vadd.f32 v15, v13  }
0x2fa: {  	v9 =	vld [tilespmem:s21+$0xFFFFFFD0];
	v18 =	vcvt.f32.s32 v12;
	v12 =	vmin.f32 v17, $7.000000000e+00;
	v17 =	vmax.f32 v3, $0.0e+00  }
0x2fb: {  	v13 =	vcvt.s32.f32 v48;
	v21 =	vmin.f32 v17, $7.000000000e+00;
	v17 =	vmul.f32 v19, v25  }
0x2fc: {  	v27 =	vld.idx.msk [tilespmem:v27+s8+$0x0], $0xffff;
	v15 =	vadd.f32 v30, v15;
	v25 =	vtrunc.f32 v12;
	v24 =	vcvt.s32.f32 v18  }
0x2fd: {  	v19 =	vmax.f32 v2, $0.0e+00;
	v53 =	vtrunc.f32 v21;
	v7 =	vmax.f32 v14, $0.0e+00  }
0x2fe: {  	v32 =	vmin.f32 v7, $7.000000000e+00;
	v7 =	vsub.f32 v49, v24;
	v24 =	vsub.f32 v28, v11;
	v11 =	vld [tilespmem:s21+$0x20]  }
0x2ff: {  	v52 =	vmax.f32 v9, $0.0e+00;
	v22 =	vmin.f32 v19, $7.000000000e+00;
	v44 =	vcvt.f32.s32 v53  }
0x300: {  	v25 =	vcvt.f32.s32 v25;
	v55 =	vmin.f32 v52, $7.000000000e+00;
	v57 =	vtrunc.f32 v22  }
0x301: {  	v17 =	vadd.f32 v17, v27;
	v27 =	vshll.u32 v31, $0x3;
	v58 =	vtrunc.f32 v55  }
0x302: {  	v19 =	vld [tilespmem:s19+$0xFFFFFFD0];
	v34 =	vcvt.f32.s32 v57;
	v31 =	vadd.s32 v25, v29;
	v37 =	vcvt.s32.f32 v25  }
0x303: {  	v30 =	vld [tilespmem:s19+$0xFFFFFFE0];
	v43 =	vcvt.s32.f32 v44;
	v28 =	vtrunc.f32 v32;
	v29 =	vmax.f32 v11, $0.0e+00  }
0x304: {  	v33 =	vcvt.f32.s32 v58;
	v15 =	vadd.f32 v17, v15;
	v62 =	vmin.f32 v29, $7.000000000e+00  }
0x305: {  	v36 =	vld [tilespmem:s19+$0x10];
	v61 =	vcvt.f32.s32 v28;
	v28 =	vadd.s32 v34, v27;
	v29 =	vtrunc.f32 v62  }
0x306: {  	v35 =	vadd.f32 v63, v50;
	v17 =	vld.idx.msk [tilespmem:v41+s10+$0x0], $0xffff;
	v27 =	vcvt.s32.f32 v33;
	v40 =	vcvt.f32.s32 v29  }
0x307: {  	v60 =	vshll.u32 v19, $0x3;
	v15 =	vadd.f32 v23, v15;
	v23 =	vld.idx.msk [tilespmem:v41+s8+$0x0], $0xffff;
	v41 =	vcvt.s32.f32 v54  }
0x308: {  	v29 =	vsub.f32 v55, v27;
	v27 =	vshll.u32 v30, $0x3;
	v63 =	vcvt.s32.f32 v40  }
0x309: {  	v25 =	vadd.s32 v61, v59;
	v42 =	vcvt.s32.f32 v61;
	v20 =	vld.idx.msk [tilespmem:v31+s8+$0x0], $0xffff;
	v27 =	vadd.s32 v44, v27  }
0x30a: {  	s20 =	simm.s32 $0x4140;
	s19 =	simm.s32 $0x8;
	s21 =	simm.s32 $0xC140;
	v44 =	vadd.f32 v39, v15;
	v39 =	vadd.s32 v33, v60;
	v33 =	vld.idx.msk [tilespmem:v28+s8+$0x0], $0xffff;
	v15 =	vsub.f32 v62, v63  }
.LBB2_12:
0x30b: {  	s19 =	sadd.s32 $0x8, s19;
	v32 =	vsub.f32 v32, v42;
	v42 =	vld.idx.msk [tilespmem:v28+s10+$0x0], $0xffff;
	v8 =	vsub.f32 v2, v8;
	v28 =	vadd.s32 v40, v26  }
0x30c: {  	v40 =	vsub.f32 v21, v43;
	v2 =	vadd.f32 v16, v44;
	v26 =	vld [tilespmem:s21+$0x30];
	p0 =	slt.u32 s19, $0x3F8;
	v21 =	vshll.u32 v36, $0x3  }
0x30d: {  	v19 =	vcvt.s32.f32 v19;
	v34 =	vcvt.s32.f32 v34;
	v14 =	vsub.f32 v14, v41;
	v16 =	vld [tilespmem:s20+$0x30]  }
0x30e: {  	v10 =	vadd.f32 v10, v35;
	v36 =	vcvt.s32.f32 v36;
	v38 =	vadd.f32 v38, v2;
	v41 =	vld [tilespmem:s21+$0xFFFFFFC0]  }
0x30f: {  	v9 =	vsub.f32 v9, v19;
	v19 =	vsub.f32 v22, v34;
	v18 =	vadd.s32 v18, v21;
	v2 =	vld [tilespmem:s20+$0x0]  }
0x310: {  	v21 =	vmul.f32 v24, v24;
	v22 =	vcvt.s32.f32 v30;
	v30 =	vadd.f32 v5, v38;
	v24 =	vld.idx.msk [tilespmem:v25+s10+$0x0], $0xffff  }
0x311: {  	v34 =	vsub.f32 v12, v37;
	v4 =	vadd.f32 v4, v10;
	v5 =	vmul.f32 v6, v17;
	v35 =	vld.idx.msk [tilespmem:v39+s8+$0x0], $0xffff  }
0x312: {  	v6 =	vmul.f32 v9, v9;
	v3 =	vsub.f32 v3, v22;
	v9 =	vsub.f32 v1, v36;
	v37 =	vld [tilespmem:s21+$0x0]  }
0x313: {  	v11 =	vsub.f32 v11, v13;
	v4 =	vadd.f32 v21, v4;
	v1 =	vmax.f32 v16, $0.0e+00;
	v10 =	vld.idx.msk [tilespmem:v39+s10+$0x0], $0xffff  }
0x314: {  	v13 =	vcvt.s32.f32 v26;
	v3 =	vmul.f32 v3, v3;
	v12 =	vmin.f32 v1, $7.000000000e+00;
	v17 =	vld.idx.msk [tilespmem:v18+s8+$0x0], $0xffff  }
0x315: {  	v22 =	vshll.u32 v26, $0x3;
	v4 =	vadd.f32 v6, v4;
	v21 =	vtrunc.f32 v12;
	v6 =	vld.idx.msk [tilespmem:v18+s10+$0x0], $0xffff  }
0x316: {  	v14 =	vmul.f32 v14, v14;
	v13 =	vsub.f32 v16, v13;
	v16 =	vmul.f32 v19, v42;
	v1 =	vld [tilespmem:s20+$0x10]  }
0x317: {  	v19 =	vadd.f32 v3, v4;
	v18 =	vcvt.f32.s32 v21;
	v21 =	vmul.f32 v8, v8;
	v31 =	vld.idx.msk [tilespmem:v31+s10+$0x0], $0xffff  }
0x318: {  	v5 =	vadd.f32 v5, v23;
	v4 =	vmul.f32 v0, v0;
	v33 =	vadd.f32 v16, v33;
	v0 =	vmovc v13;
	v36 =	vld [tilespmem:s20+$0xFFFFFFC0]  }
0x319: {  	v8 =	vcvt.s32.f32 v37;
	v23 =	vadd.s32 v18, v22;
	v13 =	vmul.f32 v29, v10;
	v3 =	vld [tilespmem:s20+$0xFFFFFFE0]  }
0x31a: {  	v26 =	vadd.f32 v14, v19;
	v10 =	vcvt.s32.f32 v18;
	v29 =	vmul.f32 v9, v9;
	v22 =	vld.idx.msk [tilespmem:v27+s10+$0x0], $0xffff  }
0x31b: {  	v39 =	vmul.f32 v32, v24;
	v7 =	vmul.f32 v7, v6;
	v9 =	vmax.f32 v1, $0.0e+00;
	v38 =	vld [tilespmem:s21+$0x20]  }
0x31c: {  	v6 =	vsub.f32 v12, v10;
	v10 =	vmul.f32 v11, v11;
	v19 =	vld [tilespmem:s21+$0xFFFFFFD0];
	v24 =	vmin.f32 v9, $7.000000000e+00  }
0x31d: {  	v11 =	vcvt.s32.f32 v41;
	v16 =	vadd.f32 v7, v17;
	v9 =	vld [tilespmem:s20+$0xFFFFFFD0];
	v12 =	vtrunc.f32 v24  }
0x31e: {  	v41 =	vshll.u32 v41, $0x3;
	v7 =	vmax.f32 v36, $0.0e+00;
	v14 =	vld [tilespmem:s20+$0xFFFFFFF0];
	v18 =	vcvt.f32.s32 v12  }
0x31f: {  	v42 =	vadd.f32 v21, v26;
	v12 =	vmin.f32 v7, $7.000000000e+00;
	v7 =	vmax.f32 v3, $0.0e+00;
	v43 =	vld.idx.msk [tilespmem:v28+s10+$0x0], $0xffff  }
0x320: {  	v21 =	vmin.f32 v7, $7.000000000e+00;
	v40 =	vmul.f32 v40, v22;
	v26 =	vshll.u32 v38, $0x3;
	v17 =	vld.idx.msk [tilespmem:v23+s10+$0x0], $0xffff  }
0x321: {  	v44 =	vtrunc.f32 v12;
	v7 =	vmax.f32 v2, $0.0e+00;
	v45 =	vcvt.s32.f32 v18;
	v25 =	vld.idx.msk [tilespmem:v25+s8+$0x0], $0xffff  }
0x322: {  	v31 =	vmul.f32 v34, v31;
	v34 =	vadd.f32 v13, v35;
	v46 =	vmax.f32 v9, $0.0e+00;
	v27 =	vld.idx.msk [tilespmem:v27+s8+$0x0], $0xffff  }
0x323: {  	v13 =	vtrunc.f32 v21;
	v22 =	vmin.f32 v7, $7.000000000e+00;
	v47 =	vld [tilespmem:s21+$0xFFFFFFF0];
	v32 =	vmax.f32 v14, $0.0e+00  }
0x324: {  	v20 =	vadd.f32 v31, v20;
	v7 =	vsub.f32 v24, v45;
	v32 =	vmin.f32 v32, $7.000000000e+00  }
0x325: {  	v24 =	vsub.f32 v36, v11;
	v36 =	vmin.f32 v46, $7.000000000e+00;
	v15 =	vmul.f32 v15, v43  }
0x326: {  	v20 =	vadd.f32 v20, v30;
	v31 =	vtrunc.f32 v22;
	v43 =	vtrunc.f32 v32;
	v11 =	vld [tilespmem:s20+$0x20]  }
0x327: {  	v45 =	vcvt.f32.s32 v13;
	v13 =	vcvt.s32.f32 v38;
	v38 =	vadd.f32 v39, v25  }
0x328: {  	v20 =	vadd.f32 v34, v20;
	v25 =	vtrunc.f32 v36;
	v39 =	vshll.u32 v47, $0x3  }
0x329: {  	v44 =	vcvt.f32.s32 v44;
	v46 =	vcvt.f32.s32 v25;
	v25 =	vadd.f32 v40, v27;
	v30 =	vld [tilespmem:s21+$0xFFFFFFE0]  }
0x32a: {  	v48 =	vshll.u32 v19, $0x3;
	v34 =	vcvt.f32.s32 v31;
	v27 =	vshll.u32 v37, $0x3;
	v49 =	vld.idx.msk [tilespmem:v28+s8+$0x0], $0xffff  }
0x32b: {  	v35 =	vadd.f32 v29, v42;
	v31 =	vadd.s32 v44, v41;
	v37 =	vmax.f32 v11, $0.0e+00  }
0x32c: {  	v41 =	vcvt.f32.s32 v43;
	v28 =	vadd.s32 v34, v27;
	v50 =	vmin.f32 v37, $7.000000000e+00  }
0x32d: {  	v20 =	vadd.f32 v25, v20;
	v27 =	vcvt.s32.f32 v46;
	v29 =	vtrunc.f32 v50  }
.Ltmp5:
0x32e: {  	v25 =	vadd.s32 v41, v39;
	v37 =	vcvt.s32.f32 v44;
	v40 =	vcvt.f32.s32 v29;
	(pc) =	sbr.rel @p0 .LBB2_12-.Ltmp5, $4  }
0x32f: {  	v39 =	vadd.f32 v38, v20;
	v29 =	vsub.f32 v36, v27;
	v27 =	vshll.u32 v30, $0x3;
	v36 =	vld [tilespmem:s21+$0x10]  }
0x330: {  	v42 =	vcvt.s32.f32 v41;
	v38 =	vadd.f32 v15, v49;
	v51 =	vcvt.s32.f32 v40;
	v23 =	vld.idx.msk [tilespmem:v23+s8+$0x0], $0xffff  }
0x331: {  	v43 =	vcvt.s32.f32 v45;
	v44 =	vadd.f32 v33, v39;
	v27 =	vadd.s32 v45, v27;
	v20 =	vld.idx.msk [tilespmem:v31+s8+$0x0], $0xffff  }
0x332: {  	s20 =	sadd.s32 $0x80, s20;
	v41 =	vcvt.s32.f32 v47;
	v39 =	vadd.s32 v46, v48;
	s21 =	sadd.s32 $0x80, s21;
	v33 =	vld.idx.msk [tilespmem:v28+s8+$0x0], $0xffff;
	v15 =	vsub.f32 v50, v51  }
0x333: {  	_ =	sdelay $0x3  }
0x334: {  	v28 =	vld.idx.msk [tilespmem:v28+s10+$0x0], $0xffff  }
0x335: {  	v61 =	vld.idx.msk [tilespmem:v25+s10+$0x0], $0xffff  }
0x336: {  	v46 =	vld.idx.msk [tilespmem:v39+s8+$0x0], $0xffff  }
0x337: {  	v26 =	vadd.s32 v40, v26;
	v62 =	vld.idx.msk [tilespmem:v39+s10+$0x0], $0xffff  }
0x338: {  	v31 =	vld.idx.msk [tilespmem:v31+s10+$0x0], $0xffff;
	v45 =	vshll.u32 v36, $0x3  }
0x339: {  	v47 =	vld.idx.msk [tilespmem:v27+s10+$0x0], $0xffff;
	v18 =	vadd.s32 v18, v45  }
0x33a: {  	v25 =	vld.idx.msk [tilespmem:v25+s8+$0x0], $0xffff  }
0x33b: {  	v2 =	vsub.f32 v2, v8;
	v8 =	vsub.f32 v21, v43;
	v21 =	vld.idx.msk [tilespmem:v27+s8+$0x0], $0xffff  }
0x33c: {  	v48 =	vld.idx.msk [tilespmem:v26+s10+$0x0], $0xffff  }
0x33d: {  	v26 =	vld.idx.msk [tilespmem:v26+s8+$0x0], $0xffff  }
0x33e: {  	v16 =	vadd.f32 v16, v44;
	v12 =	vsub.f32 v12, v37;
	v63 =	vld.idx.msk [tilespmem:v18+s8+$0x0], $0xffff  }
0x33f: {  	v32 =	vsub.f32 v32, v42;
	v19 =	vcvt.s32.f32 v19;
	v27 =	vcvt.s32.f32 v34;
	v18 =	vld.idx.msk [tilespmem:v18+s10+$0x0], $0xffff;
	_ =	swait.ge [sflag:s12], $0x4000  }
0x340: {  	v10 =	vadd.f32 v10, v35;
	v16 =	vadd.f32 v38, v16;
	v12 =	vmul.f32 v12, v31;
	[sflag:s12] =	ssyncset.done $0x0  }
0x341: {  	v9 =	vsub.f32 v9, v19;
	v19 =	vsub.f32 v22, v27;
	[sflag:s12] =	ssyncadd.s32 $0xFFFFC000  }
0x342: {  	v5 =	vadd.f32 v5, v16;
	v16 =	vmul.f32 v29, v62;
	v12 =	vadd.f32 v12, v20;
	_ =	swait.ge [sflag:s13], $0x4000  }
0x343: {  	v22 =	vcvt.s32.f32 v30;
	v4 =	vadd.f32 v4, v10;
	v20 =	vmul.f32 v24, v24;
	[sflag:s13] =	ssyncset.done $0x0  }
0x344: {  	v8 =	vmul.f32 v8, v47;
	v10 =	vadd.f32 v16, v46;
	v5 =	vadd.f32 v12, v5;
	s19 =	rddreg [dreg:$0x11];
	[sflag:s13] =	ssyncadd.s32 $0xFFFFC000  }
0x345: {  	v9 =	vmul.f32 v9, v9;
	v3 =	vsub.f32 v3, v22;
	v4 =	vadd.f32 v20, v4;
	[tilespmem:s14], [sflag:$0x2] =	stream.linear.gather [hbm4b:s19+s2], $0x4000, $0x38;
	[tilespmem:$0x10200] =	vst v63  }
0x346: {  	v8 =	vadd.f32 v8, v21;
	v12 =	vmul.f32 v32, v61;
	v5 =	vadd.f32 v10, v5;
	s20 =	rddreg [dreg:$0x12]  }
0x347: {  	v14 =	vsub.f32 v14, v41;
	v3 =	vmul.f32 v3, v3;
	v4 =	vadd.f32 v9, v4;
	[tilespmem:s15], [sflag:$0x4] =	stream.linear.gather [hbm4b:s20+s2], $0x4000, $0x38;
	[tilespmem:$0x10200] =	vst v63  }
0x348: {  	v9 =	vmul.f32 v19, v28;
	v12 =	vadd.f32 v12, v25;
	v5 =	vadd.f32 v8, v5;
	s20 =	simm.s32 $0x40  }
0x349: {  	s21 =	simm.s32 $0x8040;
	v10 =	vcvt.s32.f32 v36;
	v8 =	vmul.f32 v14, v14;
	v3 =	vadd.f32 v3, v4;
	v4 =	vld [tilespmem:s20+$0x30]  }
0x34a: {  	v7 =	vmul.f32 v7, v18;
	v9 =	vadd.f32 v9, v33;
	v5 =	vadd.f32 v12, v5;
	v14 =	vld [tilespmem:s21+$0x20]  }
0x34b: {  	v2 =	vmul.f32 v2, v2;
	v1 =	vsub.f32 v1, v10;
	v3 =	vadd.f32 v8, v3;
	v16 =	vld [tilespmem:s20+$0xFFFFFFF0]  }
0x34c: {  	v7 =	vadd.f32 v7, v63;
	v8 =	vmul.f32 v15, v48;
	v29 =	vld [tilespmem:s21+$0xFFFFFFF0];
	v5 =	vadd.f32 v9, v5  }
0x34d: {  	v10 =	vsub.f32 v11, v13;
	v1 =	vmul.f32 v1, v1;
	v31 =	vld [tilespmem:s21+$0xFFFFFFD0];
	v2 =	vadd.f32 v2, v3  }
0x34e: {  	v6 =	vmul.f32 v6, v17;
	v8 =	vadd.f32 v8, v26;
	v5 =	vadd.f32 v7, v5  }
0x34f: {  	v0 =	vmul.f32 v0, v0;
	v10 =	vmul.f32 v10, v10;
	v26 =	vld [tilespmem:s20+$0x20];
	v1 =	vadd.f32 v1, v2  }
0x350: {  	v6 =	vadd.f32 v6, v23;
	v9 =	vld [tilespmem:s21+$0x30];
	v11 =	vmax.f32 v4, $0.0e+00;
	v5 =	vadd.f32 v8, v5  }
0x351: {  	v1 =	vadd.f32 v10, v1;
	v20 =	vshll.u32 v14, $0x3;
	v23 =	vmax.f32 v16, $0.0e+00  }
0x352: {  	v14 =	vcvt.s32.f32 v14;
	v49 =	vshll.u32 v29, $0x3;
	v53 =	vshll.u32 v31, $0x3  }
0x353: {  	v7 =	vld [tilespmem:s21+$0x0];
	v29 =	vcvt.s32.f32 v29;
	v2 =	vmin.f32 v11, $7.000000000e+00;
	v23 =	vmin.f32 v23, $7.000000000e+00  }
0x354: {  	v55 =	vld [tilespmem:s21+$0x10];
	v48 =	vmax.f32 v26, $0.0e+00;
	v12 =	vtrunc.f32 v2;
	v13 =	vadd.f32 v6, v5  }
0x355: {  	v8 =	vld [tilespmem:s20+$0x0];
	v5 =	vcvt.s32.f32 v9;
	v0 =	vadd.f32 v0, v1;
	v1 =	vshll.u32 v9, $0x3  }
0x356: {  	v11 =	vld [tilespmem:s20+$0x10];
	v28 =	vtrunc.f32 v23;
	v32 =	vmin.f32 v48, $7.000000000e+00;
	v10 =	vcvt.f32.s32 v12  }
0x357: {  	v3 =	vld [tilespmem:s21+$0xFFFFFFC0];
	v16 =	vsub.f32 v16, v29;
	v28 =	vcvt.f32.s32 v28;
	v51 =	vtrunc.f32 v32  }
0x358: {  	v6 =	vld [tilespmem:s20+$0xFFFFFFE0];
	v4 =	vsub.f32 v4, v5;
	v5 =	vcvt.s32.f32 v7;
	v7 =	vshll.u32 v7, $0x3  }
0x359: {  	v12 =	vld [tilespmem:s20+$0xFFFFFFC0];
	v16 =	vmul.f32 v16, v16;
	v9 =	vcvt.s32.f32 v10;
	v1 =	vadd.s32 v10, v1  }
0x35a: {  	v22 =	vmax.f32 v8, $0.0e+00;
	v33 =	vadd.s32 v28, v49;
	v28 =	vcvt.s32.f32 v28  }
0x35b: {  	v15 =	vmax.f32 v11, $0.0e+00;
	v5 =	vsub.f32 v8, v5;
	v8 =	vcvt.s32.f32 v31  }
0x35c: {  	v22 =	vmin.f32 v22, $7.000000000e+00;
	v31 =	vcvt.s32.f32 v55;
	v4 =	vmul.f32 v4, v4  }
0x35d: {  	v10 =	vmin.f32 v15, $7.000000000e+00;
	v15 =	vcvt.s32.f32 v3;
	v19 =	vmax.f32 v6, $0.0e+00  }
0x35e: {  	s19 =	simm.s32 $0x80C0;
	v30 =	vtrunc.f32 v22;
	v17 =	vtrunc.f32 v10;
	v18 =	vmax.f32 v12, $0.0e+00  }
0x35f: {  	v48 =	vld [tilespmem:s19+$0x20];
	v19 =	vmin.f32 v19, $7.000000000e+00;
	v17 =	vcvt.f32.s32 v17;
	v18 =	vmin.f32 v18, $7.000000000e+00  }
0x360: {  	v9 =	vsub.f32 v2, v9;
	v2 =	vld [tilespmem:s20+$0xFFFFFFD0];
	v27 =	vtrunc.f32 v19;
	v21 =	vtrunc.f32 v18  }
0x361: {  	v12 =	vsub.f32 v12, v15;
	v52 =	vld.idx.msk [tilespmem:v1+s10+$0x0], $0xffff;
	v15 =	vcvt.f32.s32 v21;
	v21 =	vcvt.f32.s32 v30  }
0x362: {  	v3 =	vshll.u32 v3, $0x3;
	v27 =	vcvt.f32.s32 v27;
	v58 =	vld.idx.msk [tilespmem:v1+s8+$0x0], $0xffff;
	v24 =	vcvt.s32.f32 v17  }
0x363: {  	v30 =	vld [tilespmem:s21+$0xFFFFFFE0];
	s21 =	simm.s32 $0xC0;
	v7 =	vadd.s32 v21, v7;
	v54 =	vadd.s32 v15, v3;
	v3 =	vcvt.f32.s32 v51  }
0x364: {  	v23 =	vsub.f32 v23, v28;
	v1 =	vcvt.s32.f32 v27;
	v28 =	vld [tilespmem:s21+$0x30];
	v21 =	vcvt.s32.f32 v21  }
0x365: {  	v25 =	vmax.f32 v2, $0.0e+00;
	v57 =	vcvt.s32.f32 v3;
	v20 =	vadd.s32 v3, v20;
	v3 =	vld [tilespmem:s19+$0x30]  }
0x366: {  	v19 =	vsub.f32 v19, v1;
	v1 =	vshll.u32 v55, $0x3;
	v21 =	vsub.f32 v22, v21;
	v22 =	vld.idx.msk [tilespmem:v33+s10+$0x0], $0xffff  }
0x367: {  	v12 =	vmul.f32 v12, v12;
	v25 =	vmin.f32 v25, $7.000000000e+00;
	v17 =	vadd.s32 v17, v1;
	v33 =	vld.idx.msk [tilespmem:v33+s8+$0x0], $0xffff  }
0x368: {  	v10 =	vsub.f32 v10, v24;
	v24 =	vtrunc.f32 v25;
	v1 =	vcvt.s32.f32 v30;
	v59 =	vld.idx.msk [tilespmem:v7+s8+$0x0], $0xffff  }
0x369: {  	v8 =	vsub.f32 v2, v8;
	v0 =	vadd.f32 v12, v0;
	v24 =	vcvt.f32.s32 v24;
	v7 =	vld.idx.msk [tilespmem:v7+s10+$0x0], $0xffff  }
0x36a: {  	v15 =	vcvt.s32.f32 v15;
	v1 =	vsub.f32 v6, v1;
	v6 =	vsub.f32 v11, v31;
	v31 =	vld [tilespmem:s19+$0x0]  }
0x36b: {  	v12 =	vsub.f32 v26, v14;
	v50 =	vcvt.s32.f32 v24;
	v24 =	vadd.s32 v24, v53;
	v38 =	vld.idx.msk [tilespmem:v54+s8+$0x0], $0xffff  }
0x36c: {  	v8 =	vmul.f32 v8, v8;
	v15 =	vsub.f32 v18, v15;
	v9 =	vmul.f32 v9, v52;
	v62 =	vld.idx.msk [tilespmem:v17+s10+$0x0], $0xffff  }
0x36d: {  	v56 =	vshll.u32 v30, $0x3;
	v11 =	vmax.f32 v28, $0.0e+00;
	v23 =	vmul.f32 v23, v22;
	v22 =	vld.idx.msk [tilespmem:v54+s10+$0x0], $0xffff  }
0x36e: {  	v27 =	vadd.s32 v27, v56;
	v60 =	vsub.f32 v32, v57;
	v11 =	vmin.f32 v11, $7.000000000e+00;
	v51 =	vld.idx.msk [tilespmem:v20+s10+$0x0], $0xffff  }
0x36f: {  	v25 =	vsub.f32 v25, v50;
	v18 =	vcvt.s32.f32 v3;
	v26 =	vtrunc.f32 v11;
	v54 =	vld [tilespmem:s19+$0xFFFFFFF0]  }
0x370: {  	v61 =	vshll.u32 v3, $0x3;
	v3 =	vadd.f32 v8, v0;
	v63 =	vmul.f32 v6, v6;
	v30 =	vld.idx.msk [tilespmem:v24+s8+$0x0], $0xffff  }
0x371: {  	v14 =	vld.idx.msk [tilespmem:v24+s10+$0x0], $0xffff;
	v24 =	vmul.f32 v1, v1;
	v0 =	vsub.f32 v28, v18;
	v18 =	vcvt.f32.s32 v26  }
0x372: {  	v1 =	vld [tilespmem:s21+$0x10];
	v26 =	vshll.u32 v48, $0x3;
	v23 =	vadd.f32 v23, v33;
	v7 =	vmul.f32 v21, v7  }
0x373: {  	v20 =	vld.idx.msk [tilespmem:v20+s8+$0x0], $0xffff;
	v8 =	vcvt.s32.f32 v31;
	v21 =	vadd.f32 v24, v3;
	v24 =	vmul.f32 v5, v5  }
0x374: {  	v29 =	vld [tilespmem:s19+$0xFFFFFFC0];
	v5 =	vadd.f32 v9, v58;
	v41 =	vadd.s32 v18, v61;
	v9 =	vcvt.s32.f32 v18  }
0x375: {  	v17 =	vld.idx.msk [tilespmem:v17+s8+$0x0], $0xffff;
	v39 =	vadd.f32 v7, v59;
	v15 =	vmul.f32 v15, v22;
	v56 =	vmul.f32 v60, v51  }
0x376: {  	v28 =	vld [tilespmem:s21+$0xFFFFFFC0];
	v59 =	vshll.u32 v54, $0x3;
	v21 =	vadd.f32 v16, v21;
	v7 =	vmul.f32 v25, v14  }
0x377: {  	v3 =	vld [tilespmem:s21+$0xFFFFFFE0];
	v6 =	vmax.f32 v1, $0.0e+00;
	v14 =	vmul.f32 v10, v62;
	v10 =	vmul.f32 v12, v12  }
0x378: {  	v25 =	vld.idx.msk [tilespmem:v27+s10+$0x0], $0xffff;
	v15 =	vadd.f32 v15, v38;
	v38 =	vadd.f32 v56, v20;
	v49 =	vmin.f32 v6, $7.000000000e+00  }
0x379: {  	v2 =	vld [tilespmem:s21+$0x0];
	v6 =	vsub.f32 v11, v9;
	v11 =	vcvt.s32.f32 v29;
	v29 =	vshll.u32 v29, $0x3  }
0x37a: {  	v50 =	vadd.f32 v24, v21;
	v12 =	vtrunc.f32 v49;
	v16 =	vadd.f32 v14, v17;
	v14 =	vld [tilespmem:s21+$0xFFFFFFF0]  }
0x37b: {  	v17 =	vmax.f32 v28, $0.0e+00;
	v30 =	vadd.f32 v7, v30;
	v15 =	vadd.f32 v15, v13  }
0x37c: {  	v9 =	vld [tilespmem:s21+$0xFFFFFFD0];
	v18 =	vcvt.f32.s32 v12;
	v12 =	vmin.f32 v17, $7.000000000e+00;
	v17 =	vmax.f32 v3, $0.0e+00  }
0x37d: {  	v13 =	vcvt.s32.f32 v48;
	v21 =	vmin.f32 v17, $7.000000000e+00;
	v17 =	vmul.f32 v19, v25  }
0x37e: {  	v27 =	vld.idx.msk [tilespmem:v27+s8+$0x0], $0xffff;
	v15 =	vadd.f32 v30, v15;
	v25 =	vtrunc.f32 v12;
	v24 =	vcvt.s32.f32 v18  }
0x37f: {  	v19 =	vmax.f32 v2, $0.0e+00;
	v53 =	vtrunc.f32 v21;
	v7 =	vmax.f32 v14, $0.0e+00  }
0x380: {  	v32 =	vmin.f32 v7, $7.000000000e+00;
	v7 =	vsub.f32 v49, v24;
	v24 =	vsub.f32 v28, v11;
	v11 =	vld [tilespmem:s21+$0x20]  }
0x381: {  	v52 =	vmax.f32 v9, $0.0e+00;
	v22 =	vmin.f32 v19, $7.000000000e+00;
	v44 =	vcvt.f32.s32 v53  }
0x382: {  	v25 =	vcvt.f32.s32 v25;
	v55 =	vmin.f32 v52, $7.000000000e+00;
	v57 =	vtrunc.f32 v22  }
0x383: {  	v17 =	vadd.f32 v17, v27;
	v27 =	vshll.u32 v31, $0x3;
	v58 =	vtrunc.f32 v55  }
0x384: {  	v19 =	vld [tilespmem:s19+$0xFFFFFFD0];
	v34 =	vcvt.f32.s32 v57;
	v31 =	vadd.s32 v25, v29;
	v37 =	vcvt.s32.f32 v25  }
0x385: {  	v30 =	vld [tilespmem:s19+$0xFFFFFFE0];
	v43 =	vcvt.s32.f32 v44;
	v28 =	vtrunc.f32 v32;
	v29 =	vmax.f32 v11, $0.0e+00  }
0x386: {  	v33 =	vcvt.f32.s32 v58;
	v15 =	vadd.f32 v17, v15;
	v62 =	vmin.f32 v29, $7.000000000e+00  }
0x387: {  	v36 =	vld [tilespmem:s19+$0x10];
	v61 =	vcvt.f32.s32 v28;
	v28 =	vadd.s32 v34, v27;
	v29 =	vtrunc.f32 v62  }
0x388: {  	v35 =	vadd.f32 v63, v50;
	v17 =	vld.idx.msk [tilespmem:v41+s10+$0x0], $0xffff;
	v27 =	vcvt.s32.f32 v33;
	v40 =	vcvt.f32.s32 v29  }
0x389: {  	v60 =	vshll.u32 v19, $0x3;
	v15 =	vadd.f32 v23, v15;
	v23 =	vld.idx.msk [tilespmem:v41+s8+$0x0], $0xffff;
	v41 =	vcvt.s32.f32 v54  }
0x38a: {  	v29 =	vsub.f32 v55, v27;
	v27 =	vshll.u32 v30, $0x3;
	v63 =	vcvt.s32.f32 v40  }
0x38b: {  	v25 =	vadd.s32 v61, v59;
	v42 =	vcvt.s32.f32 v61;
	v20 =	vld.idx.msk [tilespmem:v31+s8+$0x0], $0xffff;
	v27 =	vadd.s32 v44, v27  }
0x38c: {  	s20 =	simm.s32 $0x140;
	s19 =	simm.s32 $0x8;
	s21 =	simm.s32 $0x8140;
	v44 =	vadd.f32 v39, v15;
	v39 =	vadd.s32 v33, v60;
	v33 =	vld.idx.msk [tilespmem:v28+s8+$0x0], $0xffff;
	v15 =	vsub.f32 v62, v63  }
.LBB2_14:
0x38d: {  	s19 =	sadd.s32 $0x8, s19;
	v32 =	vsub.f32 v32, v42;
	v42 =	vld.idx.msk [tilespmem:v28+s10+$0x0], $0xffff;
	v8 =	vsub.f32 v2, v8;
	v28 =	vadd.s32 v40, v26  }
0x38e: {  	v40 =	vsub.f32 v21, v43;
	v2 =	vadd.f32 v16, v44;
	v26 =	vld [tilespmem:s21+$0x30];
	p0 =	slt.u32 s19, $0x3F8;
	v21 =	vshll.u32 v36, $0x3  }
0x38f: {  	v19 =	vcvt.s32.f32 v19;
	v34 =	vcvt.s32.f32 v34;
	v14 =	vsub.f32 v14, v41;
	v16 =	vld [tilespmem:s20+$0x30]  }
0x390: {  	v10 =	vadd.f32 v10, v35;
	v36 =	vcvt.s32.f32 v36;
	v38 =	vadd.f32 v38, v2;
	v41 =	vld [tilespmem:s21+$0xFFFFFFC0]  }
0x391: {  	v9 =	vsub.f32 v9, v19;
	v19 =	vsub.f32 v22, v34;
	v18 =	vadd.s32 v18, v21;
	v2 =	vld [tilespmem:s20+$0x0]  }
0x392: {  	v21 =	vmul.f32 v24, v24;
	v22 =	vcvt.s32.f32 v30;
	v30 =	vadd.f32 v5, v38;
	v24 =	vld.idx.msk [tilespmem:v25+s10+$0x0], $0xffff  }
0x393: {  	v34 =	vsub.f32 v12, v37;
	v4 =	vadd.f32 v4, v10;
	v5 =	vmul.f32 v6, v17;
	v35 =	vld.idx.msk [tilespmem:v39+s8+$0x0], $0xffff  }
0x394: {  	v6 =	vmul.f32 v9, v9;
	v3 =	vsub.f32 v3, v22;
	v9 =	vsub.f32 v1, v36;
	v37 =	vld [tilespmem:s21+$0x0]  }
0x395: {  	v11 =	vsub.f32 v11, v13;
	v4 =	vadd.f32 v21, v4;
	v1 =	vmax.f32 v16, $0.0e+00;
	v10 =	vld.idx.msk [tilespmem:v39+s10+$0x0], $0xffff  }
0x396: {  	v13 =	vcvt.s32.f32 v26;
	v3 =	vmul.f32 v3, v3;
	v12 =	vmin.f32 v1, $7.000000000e+00;
	v17 =	vld.idx.msk [tilespmem:v18+s8+$0x0], $0xffff  }
0x397: {  	v22 =	vshll.u32 v26, $0x3;
	v4 =	vadd.f32 v6, v4;
	v21 =	vtrunc.f32 v12;
	v6 =	vld.idx.msk [tilespmem:v18+s10+$0x0], $0xffff  }
0x398: {  	v14 =	vmul.f32 v14, v14;
	v13 =	vsub.f32 v16, v13;
	v16 =	vmul.f32 v19, v42;
	v1 =	vld [tilespmem:s20+$0x10]  }
0x399: {  	v19 =	vadd.f32 v3, v4;
	v18 =	vcvt.f32.s32 v21;
	v21 =	vmul.f32 v8, v8;
	v31 =	vld.idx.msk [tilespmem:v31+s10+$0x0], $0xffff  }
0x39a: {  	v5 =	vadd.f32 v5, v23;
	v4 =	vmul.f32 v0, v0;
	v33 =	vadd.f32 v16, v33;
	v0 =	vmovc v13;
	v36 =	vld [tilespmem:s20+$0xFFFFFFC0]  }
0x39b: {  	v8 =	vcvt.s32.f32 v37;
	v23 =	vadd.s32 v18, v22;
	v13 =	vmul.f32 v29, v10;
	v3 =	vld [tilespmem:s20+$0xFFFFFFE0]  }
0x39c: {  	v26 =	vadd.f32 v14, v19;
	v10 =	vcvt.s32.f32 v18;
	v29 =	vmul.f32 v9, v9;
	v22 =	vld.idx.msk [tilespmem:v27+s10+$0x0], $0xffff  }
0x39d: {  	v39 =	vmul.f32 v32, v24;
	v7 =	vmul.f32 v7, v6;
	v9 =	vmax.f32 v1, $0.0e+00;
	v38 =	vld [tilespmem:s21+$0x20]  }
0x39e: {  	v6 =	vsub.f32 v12, v10;
	v10 =	vmul.f32 v11, v11;
	v19 =	vld [tilespmem:s21+$0xFFFFFFD0];
	v24 =	vmin.f32 v9, $7.000000000e+00  }
0x39f: {  	v11 =	vcvt.s32.f32 v41;
	v16 =	vadd.f32 v7, v17;
	v9 =	vld [tilespmem:s20+$0xFFFFFFD0];
	v12 =	vtrunc.f32 v24  }
0x3a0: {  	v41 =	vshll.u32 v41, $0x3;
	v7 =	vmax.f32 v36, $0.0e+00;
	v14 =	vld [tilespmem:s20+$0xFFFFFFF0];
	v18 =	vcvt.f32.s32 v12  }
0x3a1: {  	v42 =	vadd.f32 v21, v26;
	v12 =	vmin.f32 v7, $7.000000000e+00;
	v7 =	vmax.f32 v3, $0.0e+00;
	v43 =	vld.idx.msk [tilespmem:v28+s10+$0x0], $0xffff  }
0x3a2: {  	v21 =	vmin.f32 v7, $7.000000000e+00;
	v40 =	vmul.f32 v40, v22;
	v26 =	vshll.u32 v38, $0x3;
	v17 =	vld.idx.msk [tilespmem:v23+s10+$0x0], $0xffff  }
0x3a3: {  	v44 =	vtrunc.f32 v12;
	v7 =	vmax.f32 v2, $0.0e+00;
	v45 =	vcvt.s32.f32 v18;
	v25 =	vld.idx.msk [tilespmem:v25+s8+$0x0], $0xffff  }
0x3a4: {  	v31 =	vmul.f32 v34, v31;
	v34 =	vadd.f32 v13, v35;
	v46 =	vmax.f32 v9, $0.0e+00;
	v27 =	vld.idx.msk [tilespmem:v27+s8+$0x0], $0xffff  }
0x3a5: {  	v13 =	vtrunc.f32 v21;
	v22 =	vmin.f32 v7, $7.000000000e+00;
	v47 =	vld [tilespmem:s21+$0xFFFFFFF0];
	v32 =	vmax.f32 v14, $0.0e+00  }
0x3a6: {  	v20 =	vadd.f32 v31, v20;
	v7 =	vsub.f32 v24, v45;
	v32 =	vmin.f32 v32, $7.000000000e+00  }
0x3a7: {  	v24 =	vsub.f32 v36, v11;
	v36 =	vmin.f32 v46, $7.000000000e+00;
	v15 =	vmul.f32 v15, v43  }
0x3a8: {  	v20 =	vadd.f32 v20, v30;
	v31 =	vtrunc.f32 v22;
	v43 =	vtrunc.f32 v32;
	v11 =	vld [tilespmem:s20+$0x20]  }
0x3a9: {  	v45 =	vcvt.f32.s32 v13;
	v13 =	vcvt.s32.f32 v38;
	v38 =	vadd.f32 v39, v25  }
0x3aa: {  	v20 =	vadd.f32 v34, v20;
	v25 =	vtrunc.f32 v36;
	v39 =	vshll.u32 v47, $0x3  }
0x3ab: {  	v44 =	vcvt.f32.s32 v44;
	v46 =	vcvt.f32.s32 v25;
	v25 =	vadd.f32 v40, v27;
	v30 =	vld [tilespmem:s21+$0xFFFFFFE0]  }
0x3ac: {  	v48 =	vshll.u32 v19, $0x3;
	v34 =	vcvt.f32.s32 v31;
	v27 =	vshll.u32 v37, $0x3;
	v49 =	vld.idx.msk [tilespmem:v28+s8+$0x0], $0xffff  }
0x3ad: {  	v35 =	vadd.f32 v29, v42;
	v31 =	vadd.s32 v44, v41;
	v37 =	vmax.f32 v11, $0.0e+00  }
0x3ae: {  	v41 =	vcvt.f32.s32 v43;
	v28 =	vadd.s32 v34, v27;
	v50 =	vmin.f32 v37, $7.000000000e+00  }
0x3af: {  	v20 =	vadd.f32 v25, v20;
	v27 =	vcvt.s32.f32 v46;
	v29 =	vtrunc.f32 v50  }
.Ltmp6:
0x3b0: {  	v25 =	vadd.s32 v41, v39;
	v37 =	vcvt.s32.f32 v44;
	v40 =	vcvt.f32.s32 v29;
	(pc) =	sbr.rel @p0 .LBB2_14-.Ltmp6, $4  }
0x3b1: {  	v39 =	vadd.f32 v38, v20;
	v29 =	vsub.f32 v36, v27;
	v27 =	vshll.u32 v30, $0x3;
	v36 =	vld [tilespmem:s21+$0x10]  }
0x3b2: {  	v42 =	vcvt.s32.f32 v41;
	v38 =	vadd.f32 v15, v49;
	v51 =	vcvt.s32.f32 v40;
	v23 =	vld.idx.msk [tilespmem:v23+s8+$0x0], $0xffff  }
0x3b3: {  	v43 =	vcvt.s32.f32 v45;
	v44 =	vadd.f32 v33, v39;
	v27 =	vadd.s32 v45, v27;
	v20 =	vld.idx.msk [tilespmem:v31+s8+$0x0], $0xffff  }
0x3b4: {  	s20 =	sadd.s32 $0x80, s20;
	v41 =	vcvt.s32.f32 v47;
	v39 =	vadd.s32 v46, v48;
	s21 =	sadd.s32 $0x80, s21;
	v33 =	vld.idx.msk [tilespmem:v28+s8+$0x0], $0xffff;
	v15 =	vsub.f32 v50, v51  }
0x3b5: {  	_ =	sdelay $0x3  }
0x3b6: {  	v28 =	vld.idx.msk [tilespmem:v28+s10+$0x0], $0xffff  }
0x3b7: {  	v61 =	vld.idx.msk [tilespmem:v25+s10+$0x0], $0xffff  }
0x3b8: {  	v46 =	vld.idx.msk [tilespmem:v39+s8+$0x0], $0xffff  }
0x3b9: {  	v26 =	vadd.s32 v40, v26;
	v62 =	vld.idx.msk [tilespmem:v39+s10+$0x0], $0xffff  }
0x3ba: {  	v31 =	vld.idx.msk [tilespmem:v31+s10+$0x0], $0xffff;
	v45 =	vshll.u32 v36, $0x3  }
0x3bb: {  	v47 =	vld.idx.msk [tilespmem:v27+s10+$0x0], $0xffff;
	v18 =	vadd.s32 v18, v45  }
0x3bc: {  	v25 =	vld.idx.msk [tilespmem:v25+s8+$0x0], $0xffff  }
0x3bd: {  	v2 =	vsub.f32 v2, v8;
	v8 =	vsub.f32 v21, v43;
	v21 =	vld.idx.msk [tilespmem:v27+s8+$0x0], $0xffff  }
0x3be: {  	v48 =	vld.idx.msk [tilespmem:v26+s10+$0x0], $0xffff  }
0x3bf: {  	v26 =	vld.idx.msk [tilespmem:v26+s8+$0x0], $0xffff  }
0x3c0: {  	v16 =	vadd.f32 v16, v44;
	v12 =	vsub.f32 v12, v37;
	v63 =	vld.idx.msk [tilespmem:v18+s8+$0x0], $0xffff  }
0x3c1: {  	v32 =	vsub.f32 v32, v42;
	v19 =	vcvt.s32.f32 v19;
	v27 =	vcvt.s32.f32 v34;
	v18 =	vld.idx.msk [tilespmem:v18+s10+$0x0], $0xffff;
	_ =	swait.ge [sflag:s16], $0x4000  }
0x3c2: {  	v10 =	vadd.f32 v10, v35;
	v16 =	vadd.f32 v38, v16;
	v12 =	vmul.f32 v12, v31;
	[sflag:s16] =	ssyncset.done $0x0  }
0x3c3: {  	v9 =	vsub.f32 v9, v19;
	v19 =	vsub.f32 v22, v27;
	[sflag:s16] =	ssyncadd.s32 $0xFFFFC000  }
0x3c4: {  	v5 =	vadd.f32 v5, v16;
	v16 =	vmul.f32 v29, v62;
	v12 =	vadd.f32 v12, v20;
	_ =	swait.ge [sflag:s17], $0x4000  }
0x3c5: {  	v22 =	vcvt.s32.f32 v30;
	v4 =	vadd.f32 v4, v10;
	v20 =	vmul.f32 v24, v24;
	[sflag:s17] =	ssyncset.done $0x0  }
0x3c6: {  	v8 =	vmul.f32 v8, v47;
	v10 =	vadd.f32 v16, v46;
	v5 =	vadd.f32 v12, v5;
	s19 =	rddreg [dreg:$0x13];
	[sflag:s17] =	ssyncadd.s32 $0xFFFFC000  }
0x3c7: {  	v9 =	vmul.f32 v9, v9;
	v3 =	vsub.f32 v3, v22;
	v4 =	vadd.f32 v20, v4;
	[tilespmem:s2], [sflag:$0x1] =	stream.linear.gather [hbm4b:s19+s2], $0x4000, $0x38;
	[tilespmem:$0x10200] =	vst v63  }
0x3c8: {  	v8 =	vadd.f32 v8, v21;
	v12 =	vmul.f32 v32, v61;
	v5 =	vadd.f32 v10, v5;
	s20 =	rddreg [dreg:$0x14]  }
0x3c9: {  	v14 =	vsub.f32 v14, v41;
	v3 =	vmul.f32 v3, v3;
	v4 =	vadd.f32 v9, v4;
	[tilespmem:s11], [sflag:$0x3] =	stream.linear.gather [hbm4b:s20+s2], $0x4000, $0x38;
	[tilespmem:$0x10200] =	vst v63  }
0x3ca: {  	v9 =	vmul.f32 v19, v28;
	v12 =	vadd.f32 v12, v25;
	v5 =	vadd.f32 v8, v5;
	s20 =	simm.s32 $0x4040  }
0x3cb: {  	s21 =	simm.s32 $0xC040;
	v10 =	vcvt.s32.f32 v36;
	v8 =	vmul.f32 v14, v14;
	v3 =	vadd.f32 v3, v4;
	v4 =	vld [tilespmem:s20+$0x30]  }
0x3cc: {  	v7 =	vmul.f32 v7, v18;
	v9 =	vadd.f32 v9, v33;
	v5 =	vadd.f32 v12, v5;
	v14 =	vld [tilespmem:s21+$0x20]  }
0x3cd: {  	v2 =	vmul.f32 v2, v2;
	v1 =	vsub.f32 v1, v10;
	v3 =	vadd.f32 v8, v3;
	v16 =	vld [tilespmem:s20+$0xFFFFFFF0]  }
0x3ce: {  	v7 =	vadd.f32 v7, v63;
	v8 =	vmul.f32 v15, v48;
	v29 =	vld [tilespmem:s21+$0xFFFFFFF0];
	v5 =	vadd.f32 v9, v5  }
0x3cf: {  	v10 =	vsub.f32 v11, v13;
	v1 =	vmul.f32 v1, v1;
	v31 =	vld [tilespmem:s21+$0xFFFFFFD0];
	v2 =	vadd.f32 v2, v3  }
0x3d0: {  	v6 =	vmul.f32 v6, v17;
	v8 =	vadd.f32 v8, v26;
	v5 =	vadd.f32 v7, v5  }
0x3d1: {  	v0 =	vmul.f32 v0, v0;
	v10 =	vmul.f32 v10, v10;
	v26 =	vld [tilespmem:s20+$0x20];
	v1 =	vadd.f32 v1, v2  }
0x3d2: {  	v6 =	vadd.f32 v6, v23;
	v9 =	vld [tilespmem:s21+$0x30];
	v11 =	vmax.f32 v4, $0.0e+00;
	v5 =	vadd.f32 v8, v5  }
0x3d3: {  	v1 =	vadd.f32 v10, v1;
	v20 =	vshll.u32 v14, $0x3;
	v23 =	vmax.f32 v16, $0.0e+00  }
0x3d4: {  	v14 =	vcvt.s32.f32 v14;
	v49 =	vshll.u32 v29, $0x3;
	v53 =	vshll.u32 v31, $0x3  }
0x3d5: {  	v7 =	vld [tilespmem:s21+$0x0];
	v29 =	vcvt.s32.f32 v29;
	v2 =	vmin.f32 v11, $7.000000000e+00;
	v23 =	vmin.f32 v23, $7.000000000e+00  }
0x3d6: {  	v55 =	vld [tilespmem:s21+$0x10];
	v48 =	vmax.f32 v26, $0.0e+00;
	v12 =	vtrunc.f32 v2;
	v13 =	vadd.f32 v6, v5  }
0x3d7: {  	v8 =	vld [tilespmem:s20+$0x0];
	v5 =	vcvt.s32.f32 v9;
	v0 =	vadd.f32 v0, v1;
	v1 =	vshll.u32 v9, $0x3  }
0x3d8: {  	v11 =	vld [tilespmem:s20+$0x10];
	v28 =	vtrunc.f32 v23;
	v32 =	vmin.f32 v48, $7.000000000e+00;
	v10 =	vcvt.f32.s32 v12  }
0x3d9: {  	v3 =	vld [tilespmem:s21+$0xFFFFFFC0];
	v16 =	vsub.f32 v16, v29;
	v28 =	vcvt.f32.s32 v28;
	v51 =	vtrunc.f32 v32  }
0x3da: {  	v6 =	vld [tilespmem:s20+$0xFFFFFFE0];
	v4 =	vsub.f32 v4, v5;
	v5 =	vcvt.s32.f32 v7;
	v7 =	vshll.u32 v7, $0x3  }
0x3db: {  	v12 =	vld [tilespmem:s20+$0xFFFFFFC0];
	v16 =	vmul.f32 v16, v16;
	v9 =	vcvt.s32.f32 v10;
	v1 =	vadd.s32 v10, v1  }
0x3dc: {  	v22 =	vmax.f32 v8, $0.0e+00;
	v33 =	vadd.s32 v28, v49;
	v28 =	vcvt.s32.f32 v28  }
0x3dd: {  	v15 =	vmax.f32 v11, $0.0e+00;
	v5 =	vsub.f32 v8, v5;
	v8 =	vcvt.s32.f32 v31  }
0x3de: {  	v22 =	vmin.f32 v22, $7.000000000e+00;
	v31 =	vcvt.s32.f32 v55;
	v4 =	vmul.f32 v4, v4  }
0x3df: {  	v10 =	vmin.f32 v15, $7.000000000e+00;
	v15 =	vcvt.s32.f32 v3;
	v19 =	vmax.f32 v6, $0.0e+00  }
0x3e0: {  	s19 =	simm.s32 $0xC0C0;
	v30 =	vtrunc.f32 v22;
	v17 =	vtrunc.f32 v10;
	v18 =	vmax.f32 v12, $0.0e+00  }
0x3e1: {  	v48 =	vld [tilespmem:s19+$0x20];
	v19 =	vmin.f32 v19, $7.000000000e+00;
	v17 =	vcvt.f32.s32 v17;
	v18 =	vmin.f32 v18, $7.000000000e+00  }
0x3e2: {  	v9 =	vsub.f32 v2, v9;
	v2 =	vld [tilespmem:s20+$0xFFFFFFD0];
	v27 =	vtrunc.f32 v19;
	v21 =	vtrunc.f32 v18  }
0x3e3: {  	v12 =	vsub.f32 v12, v15;
	v52 =	vld.idx.msk [tilespmem:v1+s10+$0x0], $0xffff;
	v15 =	vcvt.f32.s32 v21;
	v21 =	vcvt.f32.s32 v30  }
0x3e4: {  	v3 =	vshll.u32 v3, $0x3;
	v27 =	vcvt.f32.s32 v27;
	v58 =	vld.idx.msk [tilespmem:v1+s8+$0x0], $0xffff;
	v24 =	vcvt.s32.f32 v17  }
0x3e5: {  	v30 =	vld [tilespmem:s21+$0xFFFFFFE0];
	s21 =	simm.s32 $0x40C0;
	v7 =	vadd.s32 v21, v7;
	v54 =	vadd.s32 v15, v3;
	v3 =	vcvt.f32.s32 v51  }
0x3e6: {  	v23 =	vsub.f32 v23, v28;
	v1 =	vcvt.s32.f32 v27;
	v28 =	vld [tilespmem:s21+$0x30];
	v21 =	vcvt.s32.f32 v21  }
0x3e7: {  	v25 =	vmax.f32 v2, $0.0e+00;
	v57 =	vcvt.s32.f32 v3;
	v20 =	vadd.s32 v3, v20;
	v3 =	vld [tilespmem:s19+$0x30]  }
0x3e8: {  	v19 =	vsub.f32 v19, v1;
	v1 =	vshll.u32 v55, $0x3;
	v21 =	vsub.f32 v22, v21;
	v22 =	vld.idx.msk [tilespmem:v33+s10+$0x0], $0xffff  }
0x3e9: {  	v12 =	vmul.f32 v12, v12;
	v25 =	vmin.f32 v25, $7.000000000e+00;
	v17 =	vadd.s32 v17, v1;
	v33 =	vld.idx.msk [tilespmem:v33+s8+$0x0], $0xffff  }
0x3ea: {  	v10 =	vsub.f32 v10, v24;
	v24 =	vtrunc.f32 v25;
	v1 =	vcvt.s32.f32 v30;
	v59 =	vld.idx.msk [tilespmem:v7+s8+$0x0], $0xffff  }
0x3eb: {  	v8 =	vsub.f32 v2, v8;
	v0 =	vadd.f32 v12, v0;
	v24 =	vcvt.f32.s32 v24;
	v7 =	vld.idx.msk [tilespmem:v7+s10+$0x0], $0xffff  }
0x3ec: {  	v15 =	vcvt.s32.f32 v15;
	v1 =	vsub.f32 v6, v1;
	v6 =	vsub.f32 v11, v31;
	v31 =	vld [tilespmem:s19+$0x0]  }
0x3ed: {  	v12 =	vsub.f32 v26, v14;
	v50 =	vcvt.s32.f32 v24;
	v24 =	vadd.s32 v24, v53;
	v38 =	vld.idx.msk [tilespmem:v54+s8+$0x0], $0xffff  }
0x3ee: {  	v8 =	vmul.f32 v8, v8;
	v15 =	vsub.f32 v18, v15;
	v9 =	vmul.f32 v9, v52;
	v62 =	vld.idx.msk [tilespmem:v17+s10+$0x0], $0xffff  }
0x3ef: {  	v56 =	vshll.u32 v30, $0x3;
	v11 =	vmax.f32 v28, $0.0e+00;
	v23 =	vmul.f32 v23, v22;
	v22 =	vld.idx.msk [tilespmem:v54+s10+$0x0], $0xffff  }
0x3f0: {  	v27 =	vadd.s32 v27, v56;
	v60 =	vsub.f32 v32, v57;
	v11 =	vmin.f32 v11, $7.000000000e+00;
	v51 =	vld.idx.msk [tilespmem:v20+s10+$0x0], $0xffff  }
0x3f1: {  	v25 =	vsub.f32 v25, v50;
	v18 =	vcvt.s32.f32 v3;
	v26 =	vtrunc.f32 v11;
	v54 =	vld [tilespmem:s19+$0xFFFFFFF0]  }
0x3f2: {  	v61 =	vshll.u32 v3, $0x3;
	v3 =	vadd.f32 v8, v0;
	v63 =	vmul.f32 v6, v6;
	v30 =	vld.idx.msk [tilespmem:v24+s8+$0x0], $0xffff  }
0x3f3: {  	v14 =	vld.idx.msk [tilespmem:v24+s10+$0x0], $0xffff;
	v24 =	vmul.f32 v1, v1;
	v0 =	vsub.f32 v28, v18;
	v18 =	vcvt.f32.s32 v26  }
0x3f4: {  	v1 =	vld [tilespmem:s21+$0x10];
	v26 =	vshll.u32 v48, $0x3;
	v23 =	vadd.f32 v23, v33;
	v7 =	vmul.f32 v21, v7  }
0x3f5: {  	v20 =	vld.idx.msk [tilespmem:v20+s8+$0x0], $0xffff;
	v8 =	vcvt.s32.f32 v31;
	v21 =	vadd.f32 v24, v3;
	v24 =	vmul.f32 v5, v5  }
0x3f6: {  	v29 =	vld [tilespmem:s19+$0xFFFFFFC0];
	v5 =	vadd.f32 v9, v58;
	v41 =	vadd.s32 v18, v61;
	v9 =	vcvt.s32.f32 v18  }
0x3f7: {  	v17 =	vld.idx.msk [tilespmem:v17+s8+$0x0], $0xffff;
	v39 =	vadd.f32 v7, v59;
	v15 =	vmul.f32 v15, v22;
	v56 =	vmul.f32 v60, v51  }
0x3f8: {  	v28 =	vld [tilespmem:s21+$0xFFFFFFC0];
	v59 =	vshll.u32 v54, $0x3;
	v21 =	vadd.f32 v16, v21;
	v7 =	vmul.f32 v25, v14  }
0x3f9: {  	v3 =	vld [tilespmem:s21+$0xFFFFFFE0];
	v6 =	vmax.f32 v1, $0.0e+00;
	v14 =	vmul.f32 v10, v62;
	v10 =	vmul.f32 v12, v12  }
0x3fa: {  	v25 =	vld.idx.msk [tilespmem:v27+s10+$0x0], $0xffff;
	v15 =	vadd.f32 v15, v38;
	v38 =	vadd.f32 v56, v20;
	v49 =	vmin.f32 v6, $7.000000000e+00  }
0x3fb: {  	v2 =	vld [tilespmem:s21+$0x0];
	v6 =	vsub.f32 v11, v9;
	v11 =	vcvt.s32.f32 v29;
	v29 =	vshll.u32 v29, $0x3  }
0x3fc: {  	v50 =	vadd.f32 v24, v21;
	v12 =	vtrunc.f32 v49;
	v16 =	vadd.f32 v14, v17;
	v14 =	vld [tilespmem:s21+$0xFFFFFFF0]  }
0x3fd: {  	v17 =	vmax.f32 v28, $0.0e+00;
	v30 =	vadd.f32 v7, v30;
	v15 =	vadd.f32 v15, v13  }
0x3fe: {  	v9 =	vld [tilespmem:s21+$0xFFFFFFD0];
	v18 =	vcvt.f32.s32 v12;
	v12 =	vmin.f32 v17, $7.000000000e+00;
	v17 =	vmax.f32 v3, $0.0e+00  }
0x3ff: {  	v13 =	vcvt.s32.f32 v48;
	v21 =	vmin.f32 v17, $7.000000000e+00;
	v17 =	vmul.f32 v19, v25  }
0x400: {  	v27 =	vld.idx.msk [tilespmem:v27+s8+$0x0], $0xffff;
	v15 =	vadd.f32 v30, v15;
	v25 =	vtrunc.f32 v12;
	v24 =	vcvt.s32.f32 v18  }
0x401: {  	v19 =	vmax.f32 v2, $0.0e+00;
	v53 =	vtrunc.f32 v21;
	v7 =	vmax.f32 v14, $0.0e+00  }
0x402: {  	v32 =	vmin.f32 v7, $7.000000000e+00;
	v7 =	vsub.f32 v49, v24;
	v24 =	vsub.f32 v28, v11;
	v11 =	vld [tilespmem:s21+$0x20]  }
0x403: {  	v52 =	vmax.f32 v9, $0.0e+00;
	v22 =	vmin.f32 v19, $7.000000000e+00;
	v44 =	vcvt.f32.s32 v53  }
0x404: {  	v25 =	vcvt.f32.s32 v25;
	v55 =	vmin.f32 v52, $7.000000000e+00;
	v57 =	vtrunc.f32 v22  }
0x405: {  	v17 =	vadd.f32 v17, v27;
	v27 =	vshll.u32 v31, $0x3;
	v58 =	vtrunc.f32 v55  }
0x406: {  	v19 =	vld [tilespmem:s19+$0xFFFFFFD0];
	v34 =	vcvt.f32.s32 v57;
	v31 =	vadd.s32 v25, v29;
	v37 =	vcvt.s32.f32 v25  }
0x407: {  	v30 =	vld [tilespmem:s19+$0xFFFFFFE0];
	v43 =	vcvt.s32.f32 v44;
	v28 =	vtrunc.f32 v32;
	v29 =	vmax.f32 v11, $0.0e+00  }
0x408: {  	v33 =	vcvt.f32.s32 v58;
	v15 =	vadd.f32 v17, v15;
	v62 =	vmin.f32 v29, $7.000000000e+00  }
0x409: {  	v36 =	vld [tilespmem:s19+$0x10];
	v61 =	vcvt.f32.s32 v28;
	v28 =	vadd.s32 v34, v27;
	v29 =	vtrunc.f32 v62  }
0x40a: {  	v35 =	vadd.f32 v63, v50;
	v17 =	vld.idx.msk [tilespmem:v41+s10+$0x0], $0xffff;
	v27 =	vcvt.s32.f32 v33;
	v40 =	vcvt.f32.s32 v29  }
0x40b: {  	v60 =	vshll.u32 v19, $0x3;
	v15 =	vadd.f32 v23, v15;
	v23 =	vld.idx.msk [tilespmem:v41+s8+$0x0], $0xffff;
	v41 =	vcvt.s32.f32 v54  }
0x40c: {  	v29 =	vsub.f32 v55, v27;
	v27 =	vshll.u32 v30, $0x3;
	v63 =	vcvt.s32.f32 v40  }
0x40d: {  	v25 =	vadd.s32 v61, v59;
	v42 =	vcvt.s32.f32 v61;
	v20 =	vld.idx.msk [tilespmem:v31+s8+$0x0], $0xffff;
	v27 =	vadd.s32 v44, v27  }
0x40e: {  	s20 =	simm.s32 $0x4140;
	s19 =	simm.s32 $0x8;
	s21 =	simm.s32 $0xC140;
	v44 =	vadd.f32 v39, v15;
	v39 =	vadd.s32 v33, v60;
	v33 =	vld.idx.msk [tilespmem:v28+s8+$0x0], $0xffff;
	v15 =	vsub.f32 v62, v63  }
.LBB2_16:
0x40f: {  	s19 =	sadd.s32 $0x8, s19;
	v32 =	vsub.f32 v32, v42;
	v42 =	vld.idx.msk [tilespmem:v28+s10+$0x0], $0xffff;
	v8 =	vsub.f32 v2, v8;
	v28 =	vadd.s32 v40, v26  }
0x410: {  	v40 =	vsub.f32 v21, v43;
	v2 =	vadd.f32 v16, v44;
	v26 =	vld [tilespmem:s21+$0x30];
	p0 =	slt.u32 s19, $0x3F8;
	v21 =	vshll.u32 v36, $0x3  }
0x411: {  	v19 =	vcvt.s32.f32 v19;
	v34 =	vcvt.s32.f32 v34;
	v14 =	vsub.f32 v14, v41;
	v16 =	vld [tilespmem:s20+$0x30]  }
0x412: {  	v10 =	vadd.f32 v10, v35;
	v36 =	vcvt.s32.f32 v36;
	v38 =	vadd.f32 v38, v2;
	v41 =	vld [tilespmem:s21+$0xFFFFFFC0]  }
0x413: {  	v9 =	vsub.f32 v9, v19;
	v19 =	vsub.f32 v22, v34;
	v18 =	vadd.s32 v18, v21;
	v2 =	vld [tilespmem:s20+$0x0]  }
0x414: {  	v21 =	vmul.f32 v24, v24;
	v22 =	vcvt.s32.f32 v30;
	v30 =	vadd.f32 v5, v38;
	v24 =	vld.idx.msk [tilespmem:v25+s10+$0x0], $0xffff  }
0x415: {  	v34 =	vsub.f32 v12, v37;
	v4 =	vadd.f32 v4, v10;
	v5 =	vmul.f32 v6, v17;
	v35 =	vld.idx.msk [tilespmem:v39+s8+$0x0], $0xffff  }
0x416: {  	v6 =	vmul.f32 v9, v9;
	v3 =	vsub.f32 v3, v22;
	v9 =	vsub.f32 v1, v36;
	v37 =	vld [tilespmem:s21+$0x0]  }
0x417: {  	v11 =	vsub.f32 v11, v13;
	v4 =	vadd.f32 v21, v4;
	v1 =	vmax.f32 v16, $0.0e+00;
	v10 =	vld.idx.msk [tilespmem:v39+s10+$0x0], $0xffff  }
0x418: {  	v13 =	vcvt.s32.f32 v26;
	v3 =	vmul.f32 v3, v3;
	v12 =	vmin.f32 v1, $7.000000000e+00;
	v17 =	vld.idx.msk [tilespmem:v18+s8+$0x0], $0xffff  }
0x419: {  	v22 =	vshll.u32 v26, $0x3;
	v4 =	vadd.f32 v6, v4;
	v21 =	vtrunc.f32 v12;
	v6 =	vld.idx.msk [tilespmem:v18+s10+$0x0], $0xffff  }
0x41a: {  	v14 =	vmul.f32 v14, v14;
	v13 =	vsub.f32 v16, v13;
	v16 =	vmul.f32 v19, v42;
	v1 =	vld [tilespmem:s20+$0x10]  }
0x41b: {  	v19 =	vadd.f32 v3, v4;
	v18 =	vcvt.f32.s32 v21;
	v21 =	vmul.f32 v8, v8;
	v31 =	vld.idx.msk [tilespmem:v31+s10+$0x0], $0xffff  }
0x41c: {  	v5 =	vadd.f32 v5, v23;
	v4 =	vmul.f32 v0, v0;
	v33 =	vadd.f32 v16, v33;
	v0 =	vmovc v13;
	v36 =	vld [tilespmem:s20+$0xFFFFFFC0]  }
0x41d: {  	v8 =	vcvt.s32.f32 v37;
	v23 =	vadd.s32 v18, v22;
	v13 =	vmul.f32 v29, v10;
	v3 =	vld [tilespmem:s20+$0xFFFFFFE0]  }
0x41e: {  	v26 =	vadd.f32 v14, v19;
	v10 =	vcvt.s32.f32 v18;
	v29 =	vmul.f32 v9, v9;
	v22 =	vld.idx.msk [tilespmem:v27+s10+$0x0], $0xffff  }
0x41f: {  	v39 =	vmul.f32 v32, v24;
	v7 =	vmul.f32 v7, v6;
	v9 =	vmax.f32 v1, $0.0e+00;
	v38 =	vld [tilespmem:s21+$0x20]  }
0x420: {  	v6 =	vsub.f32 v12, v10;
	v10 =	vmul.f32 v11, v11;
	v19 =	vld [tilespmem:s21+$0xFFFFFFD0];
	v24 =	vmin.f32 v9, $7.000000000e+00  }
0x421: {  	v11 =	vcvt.s32.f32 v41;
	v16 =	vadd.f32 v7, v17;
	v9 =	vld [tilespmem:s20+$0xFFFFFFD0];
	v12 =	vtrunc.f32 v24  }
0x422: {  	v41 =	vshll.u32 v41, $0x3;
	v7 =	vmax.f32 v36, $0.0e+00;
	v14 =	vld [tilespmem:s20+$0xFFFFFFF0];
	v18 =	vcvt.f32.s32 v12  }
0x423: {  	v42 =	vadd.f32 v21, v26;
	v12 =	vmin.f32 v7, $7.000000000e+00;
	v7 =	vmax.f32 v3, $0.0e+00;
	v43 =	vld.idx.msk [tilespmem:v28+s10+$0x0], $0xffff  }
0x424: {  	v21 =	vmin.f32 v7, $7.000000000e+00;
	v40 =	vmul.f32 v40, v22;
	v26 =	vshll.u32 v38, $0x3;
	v17 =	vld.idx.msk [tilespmem:v23+s10+$0x0], $0xffff  }
0x425: {  	v44 =	vtrunc.f32 v12;
	v7 =	vmax.f32 v2, $0.0e+00;
	v45 =	vcvt.s32.f32 v18;
	v25 =	vld.idx.msk [tilespmem:v25+s8+$0x0], $0xffff  }
0x426: {  	v31 =	vmul.f32 v34, v31;
	v34 =	vadd.f32 v13, v35;
	v46 =	vmax.f32 v9, $0.0e+00;
	v27 =	vld.idx.msk [tilespmem:v27+s8+$0x0], $0xffff  }
0x427: {  	v13 =	vtrunc.f32 v21;
	v22 =	vmin.f32 v7, $7.000000000e+00;
	v47 =	vld [tilespmem:s21+$0xFFFFFFF0];
	v32 =	vmax.f32 v14, $0.0e+00  }
0x428: {  	v20 =	vadd.f32 v31, v20;
	v7 =	vsub.f32 v24, v45;
	v32 =	vmin.f32 v32, $7.000000000e+00  }
0x429: {  	v24 =	vsub.f32 v36, v11;
	v36 =	vmin.f32 v46, $7.000000000e+00;
	v15 =	vmul.f32 v15, v43  }
0x42a: {  	v20 =	vadd.f32 v20, v30;
	v31 =	vtrunc.f32 v22;
	v43 =	vtrunc.f32 v32;
	v11 =	vld [tilespmem:s20+$0x20]  }
0x42b: {  	v45 =	vcvt.f32.s32 v13;
	v13 =	vcvt.s32.f32 v38;
	v38 =	vadd.f32 v39, v25  }
0x42c: {  	v20 =	vadd.f32 v34, v20;
	v25 =	vtrunc.f32 v36;
	v39 =	vshll.u32 v47, $0x3  }
0x42d: {  	v44 =	vcvt.f32.s32 v44;
	v46 =	vcvt.f32.s32 v25;
	v25 =	vadd.f32 v40, v27;
	v30 =	vld [tilespmem:s21+$0xFFFFFFE0]  }
0x42e: {  	v48 =	vshll.u32 v19, $0x3;
	v34 =	vcvt.f32.s32 v31;
	v27 =	vshll.u32 v37, $0x3;
	v49 =	vld.idx.msk [tilespmem:v28+s8+$0x0], $0xffff  }
0x42f: {  	v35 =	vadd.f32 v29, v42;
	v31 =	vadd.s32 v44, v41;
	v37 =	vmax.f32 v11, $0.0e+00  }
0x430: {  	v41 =	vcvt.f32.s32 v43;
	v28 =	vadd.s32 v34, v27;
	v50 =	vmin.f32 v37, $7.000000000e+00  }
0x431: {  	v20 =	vadd.f32 v25, v20;
	v27 =	vcvt.s32.f32 v46;
	v29 =	vtrunc.f32 v50  }
.Ltmp7:
0x432: {  	v25 =	vadd.s32 v41, v39;
	v37 =	vcvt.s32.f32 v44;
	v40 =	vcvt.f32.s32 v29;
	(pc) =	sbr.rel @p0 .LBB2_16-.Ltmp7, $4  }
0x433: {  	v39 =	vadd.f32 v38, v20;
	v29 =	vsub.f32 v36, v27;
	v27 =	vshll.u32 v30, $0x3;
	v36 =	vld [tilespmem:s21+$0x10]  }
0x434: {  	v42 =	vcvt.s32.f32 v41;
	v38 =	vadd.f32 v15, v49;
	v51 =	vcvt.s32.f32 v40;
	v23 =	vld.idx.msk [tilespmem:v23+s8+$0x0], $0xffff  }
0x435: {  	v43 =	vcvt.s32.f32 v45;
	v44 =	vadd.f32 v33, v39;
	v27 =	vadd.s32 v45, v27;
	v20 =	vld.idx.msk [tilespmem:v31+s8+$0x0], $0xffff  }
0x436: {  	s20 =	sadd.s32 $0x80, s20;
	v41 =	vcvt.s32.f32 v47;
	v39 =	vadd.s32 v46, v48;
	s21 =	sadd.s32 $0x80, s21;
	v33 =	vld.idx.msk [tilespmem:v28+s8+$0x0], $0xffff;
	v15 =	vsub.f32 v50, v51  }
0x437: {  	_ =	sdelay $0x3  }
0x438: {  	v28 =	vld.idx.msk [tilespmem:v28+s10+$0x0], $0xffff  }
0x439: {  	v61 =	vld.idx.msk [tilespmem:v25+s10+$0x0], $0xffff  }
0x43a: {  	v46 =	vld.idx.msk [tilespmem:v39+s8+$0x0], $0xffff  }
0x43b: {  	v26 =	vadd.s32 v40, v26;
	v62 =	vld.idx.msk [tilespmem:v39+s10+$0x0], $0xffff  }
0x43c: {  	v31 =	vld.idx.msk [tilespmem:v31+s10+$0x0], $0xffff;
	v45 =	vshll.u32 v36, $0x3  }
0x43d: {  	v47 =	vld.idx.msk [tilespmem:v27+s10+$0x0], $0xffff;
	v18 =	vadd.s32 v18, v45  }
0x43e: {  	v25 =	vld.idx.msk [tilespmem:v25+s8+$0x0], $0xffff  }
0x43f: {  	v2 =	vsub.f32 v2, v8;
	v8 =	vsub.f32 v21, v43;
	v21 =	vld.idx.msk [tilespmem:v27+s8+$0x0], $0xffff  }
0x440: {  	v48 =	vld.idx.msk [tilespmem:v26+s10+$0x0], $0xffff  }
0x441: {  	v26 =	vld.idx.msk [tilespmem:v26+s8+$0x0], $0xffff  }
0x442: {  	v16 =	vadd.f32 v16, v44;
	v12 =	vsub.f32 v12, v37;
	v63 =	vld.idx.msk [tilespmem:v18+s8+$0x0], $0xffff  }
0x443: {  	v32 =	vsub.f32 v32, v42;
	v19 =	vcvt.s32.f32 v19;
	v27 =	vcvt.s32.f32 v34;
	v18 =	vld.idx.msk [tilespmem:v18+s10+$0x0], $0xffff;
	_ =	swait.ge [sflag:s12], $0x4000  }
0x444: {  	v10 =	vadd.f32 v10, v35;
	v16 =	vadd.f32 v38, v16;
	v12 =	vmul.f32 v12, v31;
	[sflag:s12] =	ssyncset.done $0x0  }
0x445: {  	v9 =	vsub.f32 v9, v19;
	v19 =	vsub.f32 v22, v27;
	[sflag:s12] =	ssyncadd.s32 $0xFFFFC000  }
0x446: {  	v5 =	vadd.f32 v5, v16;
	v16 =	vmul.f32 v29, v62;
	v12 =	vadd.f32 v12, v20;
	_ =	swait.ge [sflag:s13], $0x4000  }
0x447: {  	v22 =	vcvt.s32.f32 v30;
	v4 =	vadd.f32 v4, v10;
	v20 =	vmul.f32 v24, v24;
	[sflag:s13] =	ssyncset.done $0x0  }
0x448: {  	v8 =	vmul.f32 v8, v47;
	v10 =	vadd.f32 v16, v46;
	v5 =	vadd.f32 v12, v5;
	s19 =	rddreg [dreg:$0x15];
	[sflag:s13] =	ssyncadd.s32 $0xFFFFC000  }
0x449: {  	v9 =	vmul.f32 v9, v9;
	v3 =	vsub.f32 v3, v22;
	v4 =	vadd.f32 v20, v4;
	[tilespmem:s14], [sflag:$0x2] =	stream.linear.gather [hbm4b:s19+s2], $0x4000, $0x38;
	[tilespmem:$0x10200] =	vst v63  }
0x44a: {  	v8 =	vadd.f32 v8, v21;
	v12 =	vmul.f32 v32, v61;
	v5 =	vadd.f32 v10, v5;
	s20 =	rddreg [dreg:$0x16]  }
0x44b: {  	v14 =	vsub.f32 v14, v41;
	v3 =	vmul.f32 v3, v3;
	v4 =	vadd.f32 v9, v4;
	[tilespmem:s15], [sflag:$0x4] =	stream.linear.gather [hbm4b:s20+s2], $0x4000, $0x38;
	[tilespmem:$0x10200] =	vst v63  }
0x44c: {  	v9 =	vmul.f32 v19, v28;
	v12 =	vadd.f32 v12, v25;
	v5 =	vadd.f32 v8, v5;
	s20 =	simm.s32 $0x40  }
0x44d: {  	s21 =	simm.s32 $0x8040;
	v10 =	vcvt.s32.f32 v36;
	v8 =	vmul.f32 v14, v14;
	v3 =	vadd.f32 v3, v4;
	v4 =	vld [tilespmem:s20+$0x30]  }
0x44e: {  	v7 =	vmul.f32 v7, v18;
	v9 =	vadd.f32 v9, v33;
	v5 =	vadd.f32 v12, v5;
	v14 =	vld [tilespmem:s21+$0x20]  }
0x44f: {  	v2 =	vmul.f32 v2, v2;
	v1 =	vsub.f32 v1, v10;
	v3 =	vadd.f32 v8, v3;
	v16 =	vld [tilespmem:s20+$0xFFFFFFF0]  }
0x450: {  	v7 =	vadd.f32 v7, v63;
	v8 =	vmul.f32 v15, v48;
	v29 =	vld [tilespmem:s21+$0xFFFFFFF0];
	v5 =	vadd.f32 v9, v5  }
0x451: {  	v10 =	vsub.f32 v11, v13;
	v1 =	vmul.f32 v1, v1;
	v31 =	vld [tilespmem:s21+$0xFFFFFFD0];
	v2 =	vadd.f32 v2, v3  }
0x452: {  	v6 =	vmul.f32 v6, v17;
	v8 =	vadd.f32 v8, v26;
	v5 =	vadd.f32 v7, v5  }
0x453: {  	v0 =	vmul.f32 v0, v0;
	v10 =	vmul.f32 v10, v10;
	v26 =	vld [tilespmem:s20+$0x20];
	v1 =	vadd.f32 v1, v2  }
0x454: {  	v6 =	vadd.f32 v6, v23;
	v9 =	vld [tilespmem:s21+$0x30];
	v11 =	vmax.f32 v4, $0.0e+00;
	v5 =	vadd.f32 v8, v5  }
0x455: {  	v1 =	vadd.f32 v10, v1;
	v20 =	vshll.u32 v14, $0x3;
	v23 =	vmax.f32 v16, $0.0e+00  }
0x456: {  	v14 =	vcvt.s32.f32 v14;
	v49 =	vshll.u32 v29, $0x3;
	v53 =	vshll.u32 v31, $0x3  }
0x457: {  	v7 =	vld [tilespmem:s21+$0x0];
	v29 =	vcvt.s32.f32 v29;
	v2 =	vmin.f32 v11, $7.000000000e+00;
	v23 =	vmin.f32 v23, $7.000000000e+00  }
0x458: {  	v55 =	vld [tilespmem:s21+$0x10];
	v48 =	vmax.f32 v26, $0.0e+00;
	v12 =	vtrunc.f32 v2;
	v13 =	vadd.f32 v6, v5  }
0x459: {  	v8 =	vld [tilespmem:s20+$0x0];
	v5 =	vcvt.s32.f32 v9;
	v0 =	vadd.f32 v0, v1;
	v1 =	vshll.u32 v9, $0x3  }
0x45a: {  	v11 =	vld [tilespmem:s20+$0x10];
	v28 =	vtrunc.f32 v23;
	v32 =	vmin.f32 v48, $7.000000000e+00;
	v10 =	vcvt.f32.s32 v12  }
0x45b: {  	v3 =	vld [tilespmem:s21+$0xFFFFFFC0];
	v16 =	vsub.f32 v16, v29;
	v28 =	vcvt.f32.s32 v28;
	v51 =	vtrunc.f32 v32  }
0x45c: {  	v6 =	vld [tilespmem:s20+$0xFFFFFFE0];
	v4 =	vsub.f32 v4, v5;
	v5 =	vcvt.s32.f32 v7;
	v7 =	vshll.u32 v7, $0x3  }
0x45d: {  	v12 =	vld [tilespmem:s20+$0xFFFFFFC0];
	v16 =	vmul.f32 v16, v16;
	v9 =	vcvt.s32.f32 v10;
	v1 =	vadd.s32 v10, v1  }
0x45e: {  	v22 =	vmax.f32 v8, $0.0e+00;
	v33 =	vadd.s32 v28, v49;
	v28 =	vcvt.s32.f32 v28  }
0x45f: {  	v15 =	vmax.f32 v11, $0.0e+00;
	v5 =	vsub.f32 v8, v5;
	v8 =	vcvt.s32.f32 v31  }
0x460: {  	v22 =	vmin.f32 v22, $7.000000000e+00;
	v31 =	vcvt.s32.f32 v55;
	v4 =	vmul.f32 v4, v4  }
0x461: {  	v10 =	vmin.f32 v15, $7.000000000e+00;
	v15 =	vcvt.s32.f32 v3;
	v19 =	vmax.f32 v6, $0.0e+00  }
0x462: {  	s19 =	simm.s32 $0x80C0;
	v30 =	vtrunc.f32 v22;
	v17 =	vtrunc.f32 v10;
	v18 =	vmax.f32 v12, $0.0e+00  }
0x463: {  	v48 =	vld [tilespmem:s19+$0x20];
	v19 =	vmin.f32 v19, $7.000000000e+00;
	v17 =	vcvt.f32.s32 v17;
	v18 =	vmin.f32 v18, $7.000000000e+00  }
0x464: {  	v9 =	vsub.f32 v2, v9;
	v2 =	vld [tilespmem:s20+$0xFFFFFFD0];
	v27 =	vtrunc.f32 v19;
	v21 =	vtrunc.f32 v18  }
0x465: {  	v12 =	vsub.f32 v12, v15;
	v52 =	vld.idx.msk [tilespmem:v1+s10+$0x0], $0xffff;
	v15 =	vcvt.f32.s32 v21;
	v21 =	vcvt.f32.s32 v30  }
0x466: {  	v3 =	vshll.u32 v3, $0x3;
	v27 =	vcvt.f32.s32 v27;
	v58 =	vld.idx.msk [tilespmem:v1+s8+$0x0], $0xffff;
	v24 =	vcvt.s32.f32 v17  }
0x467: {  	v30 =	vld [tilespmem:s21+$0xFFFFFFE0];
	s21 =	simm.s32 $0xC0;
	v7 =	vadd.s32 v21, v7;
	v54 =	vadd.s32 v15, v3;
	v3 =	vcvt.f32.s32 v51  }
0x468: {  	v23 =	vsub.f32 v23, v28;
	v1 =	vcvt.s32.f32 v27;
	v28 =	vld [tilespmem:s21+$0x30];
	v21 =	vcvt.s32.f32 v21  }
0x469: {  	v25 =	vmax.f32 v2, $0.0e+00;
	v57 =	vcvt.s32.f32 v3;
	v20 =	vadd.s32 v3, v20;
	v3 =	vld [tilespmem:s19+$0x30]  }
0x46a: {  	v19 =	vsub.f32 v19, v1;
	v1 =	vshll.u32 v55, $0x3;
	v21 =	vsub.f32 v22, v21;
	v22 =	vld.idx.msk [tilespmem:v33+s10+$0x0], $0xffff  }
0x46b: {  	v12 =	vmul.f32 v12, v12;
	v25 =	vmin.f32 v25, $7.000000000e+00;
	v17 =	vadd.s32 v17, v1;
	v33 =	vld.idx.msk [tilespmem:v33+s8+$0x0], $0xffff  }
0x46c: {  	v10 =	vsub.f32 v10, v24;
	v24 =	vtrunc.f32 v25;
	v1 =	vcvt.s32.f32 v30;
	v59 =	vld.idx.msk [tilespmem:v7+s8+$0x0], $0xffff  }
0x46d: {  	v8 =	vsub.f32 v2, v8;
	v0 =	vadd.f32 v12, v0;
	v24 =	vcvt.f32.s32 v24;
	v7 =	vld.idx.msk [tilespmem:v7+s10+$0x0], $0xffff  }
0x46e: {  	v15 =	vcvt.s32.f32 v15;
	v1 =	vsub.f32 v6, v1;
	v6 =	vsub.f32 v11, v31;
	v31 =	vld [tilespmem:s19+$0x0]  }
0x46f: {  	v12 =	vsub.f32 v26, v14;
	v50 =	vcvt.s32.f32 v24;
	v24 =	vadd.s32 v24, v53;
	v38 =	vld.idx.msk [tilespmem:v54+s8+$0x0], $0xffff  }
0x470: {  	v8 =	vmul.f32 v8, v8;
	v15 =	vsub.f32 v18, v15;
	v9 =	vmul.f32 v9, v52;
	v62 =	vld.idx.msk [tilespmem:v17+s10+$0x0], $0xffff  }
0x471: {  	v56 =	vshll.u32 v30, $0x3;
	v11 =	vmax.f32 v28, $0.0e+00;
	v23 =	vmul.f32 v23, v22;
	v22 =	vld.idx.msk [tilespmem:v54+s10+$0x0], $0xffff  }
0x472: {  	v27 =	vadd.s32 v27, v56;
	v60 =	vsub.f32 v32, v57;
	v11 =	vmin.f32 v11, $7.000000000e+00;
	v51 =	vld.idx.msk [tilespmem:v20+s10+$0x0], $0xffff  }
0x473: {  	v25 =	vsub.f32 v25, v50;
	v18 =	vcvt.s32.f32 v3;
	v26 =	vtrunc.f32 v11;
	v54 =	vld [tilespmem:s19+$0xFFFFFFF0]  }
0x474: {  	v61 =	vshll.u32 v3, $0x3;
	v3 =	vadd.f32 v8, v0;
	v63 =	vmul.f32 v6, v6;
	v30 =	vld.idx.msk [tilespmem:v24+s8+$0x0], $0xffff  }
0x475: {  	v14 =	vld.idx.msk [tilespmem:v24+s10+$0x0], $0xffff;
	v24 =	vmul.f32 v1, v1;
	v0 =	vsub.f32 v28, v18;
	v18 =	vcvt.f32.s32 v26  }
0x476: {  	v1 =	vld [tilespmem:s21+$0x10];
	v26 =	vshll.u32 v48, $0x3;
	v23 =	vadd.f32 v23, v33;
	v7 =	vmul.f32 v21, v7  }
0x477: {  	v20 =	vld.idx.msk [tilespmem:v20+s8+$0x0], $0xffff;
	v8 =	vcvt.s32.f32 v31;
	v21 =	vadd.f32 v24, v3;
	v24 =	vmul.f32 v5, v5  }
0x478: {  	v29 =	vld [tilespmem:s19+$0xFFFFFFC0];
	v5 =	vadd.f32 v9, v58;
	v41 =	vadd.s32 v18, v61;
	v9 =	vcvt.s32.f32 v18  }
0x479: {  	v17 =	vld.idx.msk [tilespmem:v17+s8+$0x0], $0xffff;
	v39 =	vadd.f32 v7, v59;
	v15 =	vmul.f32 v15, v22;
	v56 =	vmul.f32 v60, v51  }
0x47a: {  	v28 =	vld [tilespmem:s21+$0xFFFFFFC0];
	v59 =	vshll.u32 v54, $0x3;
	v21 =	vadd.f32 v16, v21;
	v7 =	vmul.f32 v25, v14  }
0x47b: {  	v3 =	vld [tilespmem:s21+$0xFFFFFFE0];
	v6 =	vmax.f32 v1, $0.0e+00;
	v14 =	vmul.f32 v10, v62;
	v10 =	vmul.f32 v12, v12  }
0x47c: {  	v25 =	vld.idx.msk [tilespmem:v27+s10+$0x0], $0xffff;
	v15 =	vadd.f32 v15, v38;
	v38 =	vadd.f32 v56, v20;
	v49 =	vmin.f32 v6, $7.000000000e+00  }
0x47d: {  	v2 =	vld [tilespmem:s21+$0x0];
	v6 =	vsub.f32 v11, v9;
	v11 =	vcvt.s32.f32 v29;
	v29 =	vshll.u32 v29, $0x3  }
0x47e: {  	v50 =	vadd.f32 v24, v21;
	v12 =	vtrunc.f32 v49;
	v16 =	vadd.f32 v14, v17;
	v14 =	vld [tilespmem:s21+$0xFFFFFFF0]  }
0x47f: {  	v17 =	vmax.f32 v28, $0.0e+00;
	v30 =	vadd.f32 v7, v30;
	v15 =	vadd.f32 v15, v13  }
0x480: {  	v9 =	vld [tilespmem:s21+$0xFFFFFFD0];
	v18 =	vcvt.f32.s32 v12;
	v12 =	vmin.f32 v17, $7.000000000e+00;
	v17 =	vmax.f32 v3, $0.0e+00  }
0x481: {  	v13 =	vcvt.s32.f32 v48;
	v21 =	vmin.f32 v17, $7.000000000e+00;
	v17 =	vmul.f32 v19, v25  }
0x482: {  	v27 =	vld.idx.msk [tilespmem:v27+s8+$0x0], $0xffff;
	v15 =	vadd.f32 v30, v15;
	v25 =	vtrunc.f32 v12;
	v24 =	vcvt.s32.f32 v18  }
0x483: {  	v19 =	vmax.f32 v2, $0.0e+00;
	v53 =	vtrunc.f32 v21;
	v7 =	vmax.f32 v14, $0.0e+00  }
0x484: {  	v32 =	vmin.f32 v7, $7.000000000e+00;
	v7 =	vsub.f32 v49, v24;
	v24 =	vsub.f32 v28, v11;
	v11 =	vld [tilespmem:s21+$0x20]  }
0x485: {  	v52 =	vmax.f32 v9, $0.0e+00;
	v22 =	vmin.f32 v19, $7.000000000e+00;
	v44 =	vcvt.f32.s32 v53  }
0x486: {  	v25 =	vcvt.f32.s32 v25;
	v55 =	vmin.f32 v52, $7.000000000e+00;
	v57 =	vtrunc.f32 v22  }
0x487: {  	v17 =	vadd.f32 v17, v27;
	v27 =	vshll.u32 v31, $0x3;
	v58 =	vtrunc.f32 v55  }
0x488: {  	v19 =	vld [tilespmem:s19+$0xFFFFFFD0];
	v34 =	vcvt.f32.s32 v57;
	v31 =	vadd.s32 v25, v29;
	v37 =	vcvt.s32.f32 v25  }
0x489: {  	v30 =	vld [tilespmem:s19+$0xFFFFFFE0];
	v43 =	vcvt.s32.f32 v44;
	v28 =	vtrunc.f32 v32;
	v29 =	vmax.f32 v11, $0.0e+00  }
0x48a: {  	v33 =	vcvt.f32.s32 v58;
	v15 =	vadd.f32 v17, v15;
	v62 =	vmin.f32 v29, $7.000000000e+00  }
0x48b: {  	v36 =	vld [tilespmem:s19+$0x10];
	v61 =	vcvt.f32.s32 v28;
	v28 =	vadd.s32 v34, v27;
	v29 =	vtrunc.f32 v62  }
0x48c: {  	v35 =	vadd.f32 v63, v50;
	v17 =	vld.idx.msk [tilespmem:v41+s10+$0x0], $0xffff;
	v27 =	vcvt.s32.f32 v33;
	v40 =	vcvt.f32.s32 v29  }
0x48d: {  	v60 =	vshll.u32 v19, $0x3;
	v15 =	vadd.f32 v23, v15;
	v23 =	vld.idx.msk [tilespmem:v41+s8+$0x0], $0xffff;
	v41 =	vcvt.s32.f32 v54  }
0x48e: {  	v29 =	vsub.f32 v55, v27;
	v27 =	vshll.u32 v30, $0x3;
	v63 =	vcvt.s32.f32 v40  }
0x48f: {  	v25 =	vadd.s32 v61, v59;
	v42 =	vcvt.s32.f32 v61;
	v20 =	vld.idx.msk [tilespmem:v31+s8+$0x0], $0xffff;
	v27 =	vadd.s32 v44, v27  }
0x490: {  	s20 =	simm.s32 $0x140;
	s19 =	simm.s32 $0x8;
	s21 =	simm.s32 $0x8140;
	v44 =	vadd.f32 v39, v15;
	v39 =	vadd.s32 v33, v60;
	v33 =	vld.idx.msk [tilespmem:v28+s8+$0x0], $0xffff;
	v15 =	vsub.f32 v62, v63  }
.LBB2_18:
0x491: {  	s19 =	sadd.s32 $0x8, s19;
	v32 =	vsub.f32 v32, v42;
	v42 =	vld.idx.msk [tilespmem:v28+s10+$0x0], $0xffff;
	v8 =	vsub.f32 v2, v8;
	v28 =	vadd.s32 v40, v26  }
0x492: {  	v40 =	vsub.f32 v21, v43;
	v2 =	vadd.f32 v16, v44;
	v26 =	vld [tilespmem:s21+$0x30];
	p0 =	slt.u32 s19, $0x3F8;
	v21 =	vshll.u32 v36, $0x3  }
0x493: {  	v19 =	vcvt.s32.f32 v19;
	v34 =	vcvt.s32.f32 v34;
	v14 =	vsub.f32 v14, v41;
	v16 =	vld [tilespmem:s20+$0x30]  }
0x494: {  	v10 =	vadd.f32 v10, v35;
	v36 =	vcvt.s32.f32 v36;
	v38 =	vadd.f32 v38, v2;
	v41 =	vld [tilespmem:s21+$0xFFFFFFC0]  }
0x495: {  	v9 =	vsub.f32 v9, v19;
	v19 =	vsub.f32 v22, v34;
	v18 =	vadd.s32 v18, v21;
	v2 =	vld [tilespmem:s20+$0x0]  }
0x496: {  	v21 =	vmul.f32 v24, v24;
	v22 =	vcvt.s32.f32 v30;
	v30 =	vadd.f32 v5, v38;
	v24 =	vld.idx.msk [tilespmem:v25+s10+$0x0], $0xffff  }
0x497: {  	v34 =	vsub.f32 v12, v37;
	v4 =	vadd.f32 v4, v10;
	v5 =	vmul.f32 v6, v17;
	v35 =	vld.idx.msk [tilespmem:v39+s8+$0x0], $0xffff  }
0x498: {  	v6 =	vmul.f32 v9, v9;
	v3 =	vsub.f32 v3, v22;
	v9 =	vsub.f32 v1, v36;
	v37 =	vld [tilespmem:s21+$0x0]  }
0x499: {  	v11 =	vsub.f32 v11, v13;
	v4 =	vadd.f32 v21, v4;
	v1 =	vmax.f32 v16, $0.0e+00;
	v10 =	vld.idx.msk [tilespmem:v39+s10+$0x0], $0xffff  }
0x49a: {  	v13 =	vcvt.s32.f32 v26;
	v3 =	vmul.f32 v3, v3;
	v12 =	vmin.f32 v1, $7.000000000e+00;
	v17 =	vld.idx.msk [tilespmem:v18+s8+$0x0], $0xffff  }
0x49b: {  	v22 =	vshll.u32 v26, $0x3;
	v4 =	vadd.f32 v6, v4;
	v21 =	vtrunc.f32 v12;
	v6 =	vld.idx.msk [tilespmem:v18+s10+$0x0], $0xffff  }
0x49c: {  	v14 =	vmul.f32 v14, v14;
	v13 =	vsub.f32 v16, v13;
	v16 =	vmul.f32 v19, v42;
	v1 =	vld [tilespmem:s20+$0x10]  }
0x49d: {  	v19 =	vadd.f32 v3, v4;
	v18 =	vcvt.f32.s32 v21;
	v21 =	vmul.f32 v8, v8;
	v31 =	vld.idx.msk [tilespmem:v31+s10+$0x0], $0xffff  }
0x49e: {  	v5 =	vadd.f32 v5, v23;
	v4 =	vmul.f32 v0, v0;
	v33 =	vadd.f32 v16, v33;
	v0 =	vmovc v13;
	v36 =	vld [tilespmem:s20+$0xFFFFFFC0]  }
0x49f: {  	v8 =	vcvt.s32.f32 v37;
	v23 =	vadd.s32 v18, v22;
	v13 =	vmul.f32 v29, v10;
	v3 =	vld [tilespmem:s20+$0xFFFFFFE0]  }
0x4a0: {  	v26 =	vadd.f32 v14, v19;
	v10 =	vcvt.s32.f32 v18;
	v29 =	vmul.f32 v9, v9;
	v22 =	vld.idx.msk [tilespmem:v27+s10+$0x0], $0xffff  }
0x4a1: {  	v39 =	vmul.f32 v32, v24;
	v7 =	vmul.f32 v7, v6;
	v9 =	vmax.f32 v1, $0.0e+00;
	v38 =	vld [tilespmem:s21+$0x20]  }
0x4a2: {  	v6 =	vsub.f32 v12, v10;
	v10 =	vmul.f32 v11, v11;
	v19 =	vld [tilespmem:s21+$0xFFFFFFD0];
	v24 =	vmin.f32 v9, $7.000000000e+00  }
0x4a3: {  	v11 =	vcvt.s32.f32 v41;
	v16 =	vadd.f32 v7, v17;
	v9 =	vld [tilespmem:s20+$0xFFFFFFD0];
	v12 =	vtrunc.f32 v24  }
0x4a4: {  	v41 =	vshll.u32 v41, $0x3;
	v7 =	vmax.f32 v36, $0.0e+00;
	v14 =	vld [tilespmem:s20+$0xFFFFFFF0];
	v18 =	vcvt.f32.s32 v12  }
0x4a5: {  	v42 =	vadd.f32 v21, v26;
	v12 =	vmin.f32 v7, $7.000000000e+00;
	v7 =	vmax.f32 v3, $0.0e+00;
	v43 =	vld.idx.msk [tilespmem:v28+s10+$0x0], $0xffff  }
0x4a6: {  	v21 =	vmin.f32 v7, $7.000000000e+00;
	v40 =	vmul.f32 v40, v22;
	v26 =	vshll.u32 v38, $0x3;
	v17 =	vld.idx.msk [tilespmem:v23+s10+$0x0], $0xffff  }
0x4a7: {  	v44 =	vtrunc.f32 v12;
	v7 =	vmax.f32 v2, $0.0e+00;
	v45 =	vcvt.s32.f32 v18;
	v25 =	vld.idx.msk [tilespmem:v25+s8+$0x0], $0xffff  }
0x4a8: {  	v31 =	vmul.f32 v34, v31;
	v34 =	vadd.f32 v13, v35;
	v46 =	vmax.f32 v9, $0.0e+00;
	v27 =	vld.idx.msk [tilespmem:v27+s8+$0x0], $0xffff  }
0x4a9: {  	v13 =	vtrunc.f32 v21;
	v22 =	vmin.f32 v7, $7.000000000e+00;
	v47 =	vld [tilespmem:s21+$0xFFFFFFF0];
	v32 =	vmax.f32 v14, $0.0e+00  }
0x4aa: {  	v20 =	vadd.f32 v31, v20;
	v7 =	vsub.f32 v24, v45;
	v32 =	vmin.f32 v32, $7.000000000e+00  }
0x4ab: {  	v24 =	vsub.f32 v36, v11;
	v36 =	vmin.f32 v46, $7.000000000e+00;
	v15 =	vmul.f32 v15, v43  }
0x4ac: {  	v20 =	vadd.f32 v20, v30;
	v31 =	vtrunc.f32 v22;
	v43 =	vtrunc.f32 v32;
	v11 =	vld [tilespmem:s20+$0x20]  }
0x4ad: {  	v45 =	vcvt.f32.s32 v13;
	v13 =	vcvt.s32.f32 v38;
	v38 =	vadd.f32 v39, v25  }
0x4ae: {  	v20 =	vadd.f32 v34, v20;
	v25 =	vtrunc.f32 v36;
	v39 =	vshll.u32 v47, $0x3  }
0x4af: {  	v44 =	vcvt.f32.s32 v44;
	v46 =	vcvt.f32.s32 v25;
	v25 =	vadd.f32 v40, v27;
	v30 =	vld [tilespmem:s21+$0xFFFFFFE0]  }
0x4b0: {  	v48 =	vshll.u32 v19, $0x3;
	v34 =	vcvt.f32.s32 v31;
	v27 =	vshll.u32 v37, $0x3;
	v49 =	vld.idx.msk [tilespmem:v28+s8+$0x0], $0xffff  }
0x4b1: {  	v35 =	vadd.f32 v29, v42;
	v31 =	vadd.s32 v44, v41;
	v37 =	vmax.f32 v11, $0.0e+00  }
0x4b2: {  	v41 =	vcvt.f32.s32 v43;
	v28 =	vadd.s32 v34, v27;
	v50 =	vmin.f32 v37, $7.000000000e+00  }
0x4b3: {  	v20 =	vadd.f32 v25, v20;
	v27 =	vcvt.s32.f32 v46;
	v29 =	vtrunc.f32 v50  }
.Ltmp8:
0x4b4: {  	v25 =	vadd.s32 v41, v39;
	v37 =	vcvt.s32.f32 v44;
	v40 =	vcvt.f32.s32 v29;
	(pc) =	sbr.rel @p0 .LBB2_18-.Ltmp8, $4  }
0x4b5: {  	v39 =	vadd.f32 v38, v20;
	v29 =	vsub.f32 v36, v27;
	v27 =	vshll.u32 v30, $0x3;
	v36 =	vld [tilespmem:s21+$0x10]  }
0x4b6: {  	v42 =	vcvt.s32.f32 v41;
	v38 =	vadd.f32 v15, v49;
	v51 =	vcvt.s32.f32 v40;
	v23 =	vld.idx.msk [tilespmem:v23+s8+$0x0], $0xffff  }
0x4b7: {  	v43 =	vcvt.s32.f32 v45;
	v44 =	vadd.f32 v33, v39;
	v27 =	vadd.s32 v45, v27;
	v20 =	vld.idx.msk [tilespmem:v31+s8+$0x0], $0xffff  }
0x4b8: {  	s20 =	sadd.s32 $0x80, s20;
	v41 =	vcvt.s32.f32 v47;
	v39 =	vadd.s32 v46, v48;
	s21 =	sadd.s32 $0x80, s21;
	v33 =	vld.idx.msk [tilespmem:v28+s8+$0x0], $0xffff;
	v15 =	vsub.f32 v50, v51  }
0x4b9: {  	_ =	sdelay $0x3  }
0x4ba: {  	v28 =	vld.idx.msk [tilespmem:v28+s10+$0x0], $0xffff  }
0x4bb: {  	v61 =	vld.idx.msk [tilespmem:v25+s10+$0x0], $0xffff  }
0x4bc: {  	v46 =	vld.idx.msk [tilespmem:v39+s8+$0x0], $0xffff  }
0x4bd: {  	v26 =	vadd.s32 v40, v26;
	v62 =	vld.idx.msk [tilespmem:v39+s10+$0x0], $0xffff  }
0x4be: {  	v31 =	vld.idx.msk [tilespmem:v31+s10+$0x0], $0xffff;
	v45 =	vshll.u32 v36, $0x3  }
0x4bf: {  	v47 =	vld.idx.msk [tilespmem:v27+s10+$0x0], $0xffff;
	v18 =	vadd.s32 v18, v45  }
0x4c0: {  	v25 =	vld.idx.msk [tilespmem:v25+s8+$0x0], $0xffff  }
0x4c1: {  	v2 =	vsub.f32 v2, v8;
	v8 =	vsub.f32 v21, v43;
	v21 =	vld.idx.msk [tilespmem:v27+s8+$0x0], $0xffff  }
0x4c2: {  	v48 =	vld.idx.msk [tilespmem:v26+s10+$0x0], $0xffff  }
0x4c3: {  	v16 =	vadd.f32 v16, v44;
	v12 =	vsub.f32 v12, v37;
	v26 =	vld.idx.msk [tilespmem:v26+s8+$0x0], $0xffff  }
0x4c4: {  	v32 =	vsub.f32 v32, v42;
	v19 =	vcvt.s32.f32 v19;
	v27 =	vcvt.s32.f32 v34;
	v63 =	vld.idx.msk [tilespmem:v18+s8+$0x0], $0xffff  }
0x4c5: {  	v10 =	vadd.f32 v10, v35;
	v16 =	vadd.f32 v38, v16;
	v12 =	vmul.f32 v12, v31;
	v18 =	vld.idx.msk [tilespmem:v18+s10+$0x0], $0xffff;
	_ =	swait.ge [sflag:s16], $0x4000  }
0x4c6: {  	v9 =	vsub.f32 v9, v19;
	v19 =	vsub.f32 v22, v27;
	[sflag:s16] =	ssyncset.done $0x0  }
0x4c7: {  	v5 =	vadd.f32 v5, v16;
	v16 =	vmul.f32 v29, v62;
	v12 =	vadd.f32 v12, v20;
	[sflag:s16] =	ssyncadd.s32 $0xFFFFC000  }
0x4c8: {  	v22 =	vcvt.s32.f32 v30;
	v4 =	vadd.f32 v4, v10;
	v20 =	vmul.f32 v24, v24;
	_ =	swait.ge [sflag:s17], $0x4000  }
0x4c9: {  	v8 =	vmul.f32 v8, v47;
	v10 =	vadd.f32 v16, v46;
	v5 =	vadd.f32 v12, v5;
	[sflag:s17] =	ssyncset.done $0x0  }
0x4ca: {  	v9 =	vmul.f32 v9, v9;
	v3 =	vsub.f32 v3, v22;
	v4 =	vadd.f32 v20, v4;
	s19 =	rddreg [dreg:$0x17];
	[sflag:s17] =	ssyncadd.s32 $0xFFFFC000  }
0x4cb: {  	v8 =	vadd.f32 v8, v21;
	v12 =	vmul.f32 v32, v61;
	v5 =	vadd.f32 v10, v5;
	[tilespmem:s2], [sflag:$0x1] =	stream.linear.gather [hbm4b:s19+s2], $0x4000, $0x38;
	[tilespmem:$0x10200] =	vst v63  }
0x4cc: {  	s20 =	simm.s32 $0x4040;
	v14 =	vsub.f32 v14, v41;
	v3 =	vmul.f32 v3, v3;
	v4 =	vadd.f32 v9, v4  }
0x4cd: {  	v9 =	vmul.f32 v19, v28;
	v12 =	vadd.f32 v12, v25;
	v5 =	vadd.f32 v8, v5;
	[tilespmem:s11], [sflag:$0x3] =	stream.linear.gather [hbm4b:s22+s2], $0x4000, $0x38;
	[tilespmem:$0x10200] =	vst v63  }
0x4ce: {  	s21 =	simm.s32 $0xC040;
	v10 =	vcvt.s32.f32 v36;
	v8 =	vmul.f32 v14, v14;
	v3 =	vadd.f32 v3, v4;
	v4 =	vld [tilespmem:s20+$0x30]  }
0x4cf: {  	v7 =	vmul.f32 v7, v18;
	v9 =	vadd.f32 v9, v33;
	v5 =	vadd.f32 v12, v5;
	v14 =	vld [tilespmem:s21+$0x20]  }
0x4d0: {  	v2 =	vmul.f32 v2, v2;
	v1 =	vsub.f32 v1, v10;
	v3 =	vadd.f32 v8, v3;
	v16 =	vld [tilespmem:s20+$0xFFFFFFF0]  }
0x4d1: {  	v7 =	vadd.f32 v7, v63;
	v8 =	vmul.f32 v15, v48;
	v29 =	vld [tilespmem:s21+$0xFFFFFFF0];
	v5 =	vadd.f32 v9, v5  }
0x4d2: {  	v10 =	vsub.f32 v11, v13;
	v1 =	vmul.f32 v1, v1;
	v31 =	vld [tilespmem:s21+$0xFFFFFFD0];
	v2 =	vadd.f32 v2, v3  }
0x4d3: {  	v6 =	vmul.f32 v6, v17;
	v8 =	vadd.f32 v8, v26;
	v5 =	vadd.f32 v7, v5  }
0x4d4: {  	v0 =	vmul.f32 v0, v0;
	v10 =	vmul.f32 v10, v10;
	v26 =	vld [tilespmem:s20+$0x20];
	v1 =	vadd.f32 v1, v2  }
0x4d5: {  	v6 =	vadd.f32 v6, v23;
	v9 =	vld [tilespmem:s21+$0x30];
	v11 =	vmax.f32 v4, $0.0e+00;
	v5 =	vadd.f32 v8, v5  }
0x4d6: {  	v1 =	vadd.f32 v10, v1;
	v20 =	vshll.u32 v14, $0x3;
	v23 =	vmax.f32 v16, $0.0e+00  }
0x4d7: {  	v14 =	vcvt.s32.f32 v14;
	v49 =	vshll.u32 v29, $0x3;
	v53 =	vshll.u32 v31, $0x3  }
0x4d8: {  	v7 =	vld [tilespmem:s21+$0x0];
	v29 =	vcvt.s32.f32 v29;
	v2 =	vmin.f32 v11, $7.000000000e+00;
	v23 =	vmin.f32 v23, $7.000000000e+00  }
0x4d9: {  	v55 =	vld [tilespmem:s21+$0x10];
	v48 =	vmax.f32 v26, $0.0e+00;
	v12 =	vtrunc.f32 v2;
	v13 =	vadd.f32 v6, v5  }
0x4da: {  	v8 =	vld [tilespmem:s20+$0x0];
	v5 =	vcvt.s32.f32 v9;
	v0 =	vadd.f32 v0, v1;
	v1 =	vshll.u32 v9, $0x3  }
0x4db: {  	v11 =	vld [tilespmem:s20+$0x10];
	v28 =	vtrunc.f32 v23;
	v32 =	vmin.f32 v48, $7.000000000e+00;
	v10 =	vcvt.f32.s32 v12  }
0x4dc: {  	v3 =	vld [tilespmem:s21+$0xFFFFFFC0];
	v16 =	vsub.f32 v16, v29;
	v28 =	vcvt.f32.s32 v28;
	v51 =	vtrunc.f32 v32  }
0x4dd: {  	v6 =	vld [tilespmem:s20+$0xFFFFFFE0];
	v4 =	vsub.f32 v4, v5;
	v5 =	vcvt.s32.f32 v7;
	v7 =	vshll.u32 v7, $0x3  }
0x4de: {  	v12 =	vld [tilespmem:s20+$0xFFFFFFC0];
	v16 =	vmul.f32 v16, v16;
	v9 =	vcvt.s32.f32 v10;
	v1 =	vadd.s32 v10, v1  }
0x4df: {  	v22 =	vmax.f32 v8, $0.0e+00;
	v33 =	vadd.s32 v28, v49;
	v28 =	vcvt.s32.f32 v28  }
0x4e0: {  	v15 =	vmax.f32 v11, $0.0e+00;
	v5 =	vsub.f32 v8, v5;
	v8 =	vcvt.s32.f32 v31  }
0x4e1: {  	v22 =	vmin.f32 v22, $7.000000000e+00;
	v31 =	vcvt.s32.f32 v55;
	v4 =	vmul.f32 v4, v4  }
0x4e2: {  	v10 =	vmin.f32 v15, $7.000000000e+00;
	v15 =	vcvt.s32.f32 v3;
	v19 =	vmax.f32 v6, $0.0e+00  }
0x4e3: {  	s19 =	simm.s32 $0xC0C0;
	v30 =	vtrunc.f32 v22;
	v17 =	vtrunc.f32 v10;
	v18 =	vmax.f32 v12, $0.0e+00  }
0x4e4: {  	v48 =	vld [tilespmem:s19+$0x20];
	v19 =	vmin.f32 v19, $7.000000000e+00;
	v17 =	vcvt.f32.s32 v17;
	v18 =	vmin.f32 v18, $7.000000000e+00  }
0x4e5: {  	v9 =	vsub.f32 v2, v9;
	v2 =	vld [tilespmem:s20+$0xFFFFFFD0];
	v27 =	vtrunc.f32 v19;
	v21 =	vtrunc.f32 v18  }
0x4e6: {  	v12 =	vsub.f32 v12, v15;
	v52 =	vld.idx.msk [tilespmem:v1+s10+$0x0], $0xffff;
	v15 =	vcvt.f32.s32 v21;
	v21 =	vcvt.f32.s32 v30  }
0x4e7: {  	v3 =	vshll.u32 v3, $0x3;
	v27 =	vcvt.f32.s32 v27;
	v58 =	vld.idx.msk [tilespmem:v1+s8+$0x0], $0xffff;
	v24 =	vcvt.s32.f32 v17  }
0x4e8: {  	v30 =	vld [tilespmem:s21+$0xFFFFFFE0];
	s21 =	simm.s32 $0x40C0;
	v7 =	vadd.s32 v21, v7;
	v54 =	vadd.s32 v15, v3;
	v3 =	vcvt.f32.s32 v51  }
0x4e9: {  	v23 =	vsub.f32 v23, v28;
	v1 =	vcvt.s32.f32 v27;
	v28 =	vld [tilespmem:s21+$0x30];
	v21 =	vcvt.s32.f32 v21  }
0x4ea: {  	v25 =	vmax.f32 v2, $0.0e+00;
	v57 =	vcvt.s32.f32 v3;
	v20 =	vadd.s32 v3, v20;
	v3 =	vld [tilespmem:s19+$0x30]  }
0x4eb: {  	v19 =	vsub.f32 v19, v1;
	v1 =	vshll.u32 v55, $0x3;
	v21 =	vsub.f32 v22, v21;
	v22 =	vld.idx.msk [tilespmem:v33+s10+$0x0], $0xffff  }
0x4ec: {  	v12 =	vmul.f32 v12, v12;
	v25 =	vmin.f32 v25, $7.000000000e+00;
	v17 =	vadd.s32 v17, v1;
	v33 =	vld.idx.msk [tilespmem:v33+s8+$0x0], $0xffff  }
0x4ed: {  	v10 =	vsub.f32 v10, v24;
	v24 =	vtrunc.f32 v25;
	v1 =	vcvt.s32.f32 v30;
	v59 =	vld.idx.msk [tilespmem:v7+s8+$0x0], $0xffff  }
0x4ee: {  	v8 =	vsub.f32 v2, v8;
	v0 =	vadd.f32 v12, v0;
	v24 =	vcvt.f32.s32 v24;
	v7 =	vld.idx.msk [tilespmem:v7+s10+$0x0], $0xffff  }
0x4ef: {  	v15 =	vcvt.s32.f32 v15;
	v1 =	vsub.f32 v6, v1;
	v6 =	vsub.f32 v11, v31;
	v31 =	vld [tilespmem:s19+$0x0]  }
0x4f0: {  	v12 =	vsub.f32 v26, v14;
	v50 =	vcvt.s32.f32 v24;
	v24 =	vadd.s32 v24, v53;
	v38 =	vld.idx.msk [tilespmem:v54+s8+$0x0], $0xffff  }
0x4f1: {  	v8 =	vmul.f32 v8, v8;
	v15 =	vsub.f32 v18, v15;
	v9 =	vmul.f32 v9, v52;
	v62 =	vld.idx.msk [tilespmem:v17+s10+$0x0], $0xffff  }
0x4f2: {  	v56 =	vshll.u32 v30, $0x3;
	v11 =	vmax.f32 v28, $0.0e+00;
	v23 =	vmul.f32 v23, v22;
	v22 =	vld.idx.msk [tilespmem:v54+s10+$0x0], $0xffff  }
0x4f3: {  	v27 =	vadd.s32 v27, v56;
	v60 =	vsub.f32 v32, v57;
	v11 =	vmin.f32 v11, $7.000000000e+00;
	v51 =	vld.idx.msk [tilespmem:v20+s10+$0x0], $0xffff  }
0x4f4: {  	v25 =	vsub.f32 v25, v50;
	v18 =	vcvt.s32.f32 v3;
	v26 =	vtrunc.f32 v11;
	v54 =	vld [tilespmem:s19+$0xFFFFFFF0]  }
0x4f5: {  	v61 =	vshll.u32 v3, $0x3;
	v3 =	vadd.f32 v8, v0;
	v63 =	vmul.f32 v6, v6;
	v30 =	vld.idx.msk [tilespmem:v24+s8+$0x0], $0xffff  }
0x4f6: {  	v14 =	vld.idx.msk [tilespmem:v24+s10+$0x0], $0xffff;
	v24 =	vmul.f32 v1, v1;
	v0 =	vsub.f32 v28, v18;
	v18 =	vcvt.f32.s32 v26  }
0x4f7: {  	v1 =	vld [tilespmem:s21+$0x10];
	v26 =	vshll.u32 v48, $0x3;
	v23 =	vadd.f32 v23, v33;
	v7 =	vmul.f32 v21, v7  }
0x4f8: {  	v20 =	vld.idx.msk [tilespmem:v20+s8+$0x0], $0xffff;
	v8 =	vcvt.s32.f32 v31;
	v21 =	vadd.f32 v24, v3;
	v24 =	vmul.f32 v5, v5  }
0x4f9: {  	v29 =	vld [tilespmem:s19+$0xFFFFFFC0];
	v5 =	vadd.f32 v9, v58;
	v41 =	vadd.s32 v18, v61;
	v9 =	vcvt.s32.f32 v18  }
0x4fa: {  	v17 =	vld.idx.msk [tilespmem:v17+s8+$0x0], $0xffff;
	v39 =	vadd.f32 v7, v59;
	v15 =	vmul.f32 v15, v22;
	v56 =	vmul.f32 v60, v51  }
0x4fb: {  	v28 =	vld [tilespmem:s21+$0xFFFFFFC0];
	v59 =	vshll.u32 v54, $0x3;
	v21 =	vadd.f32 v16, v21;
	v7 =	vmul.f32 v25, v14  }
0x4fc: {  	v3 =	vld [tilespmem:s21+$0xFFFFFFE0];
	v6 =	vmax.f32 v1, $0.0e+00;
	v14 =	vmul.f32 v10, v62;
	v10 =	vmul.f32 v12, v12  }
0x4fd: {  	v25 =	vld.idx.msk [tilespmem:v27+s10+$0x0], $0xffff;
	v15 =	vadd.f32 v15, v38;
	v38 =	vadd.f32 v56, v20;
	v49 =	vmin.f32 v6, $7.000000000e+00  }
0x4fe: {  	v2 =	vld [tilespmem:s21+$0x0];
	v6 =	vsub.f32 v11, v9;
	v11 =	vcvt.s32.f32 v29;
	v29 =	vshll.u32 v29, $0x3  }
0x4ff: {  	v50 =	vadd.f32 v24, v21;
	v12 =	vtrunc.f32 v49;
	v16 =	vadd.f32 v14, v17;
	v14 =	vld [tilespmem:s21+$0xFFFFFFF0]  }
0x500: {  	v17 =	vmax.f32 v28, $0.0e+00;
	v30 =	vadd.f32 v7, v30;
	v15 =	vadd.f32 v15, v13  }
0x501: {  	v9 =	vld [tilespmem:s21+$0xFFFFFFD0];
	v18 =	vcvt.f32.s32 v12;
	v12 =	vmin.f32 v17, $7.000000000e+00;
	v17 =	vmax.f32 v3, $0.0e+00  }
0x502: {  	v13 =	vcvt.s32.f32 v48;
	v21 =	vmin.f32 v17, $7.000000000e+00;
	v17 =	vmul.f32 v19, v25  }
0x503: {  	v27 =	vld.idx.msk [tilespmem:v27+s8+$0x0], $0xffff;
	v15 =	vadd.f32 v30, v15;
	v25 =	vtrunc.f32 v12;
	v24 =	vcvt.s32.f32 v18  }
0x504: {  	v19 =	vmax.f32 v2, $0.0e+00;
	v53 =	vtrunc.f32 v21;
	v7 =	vmax.f32 v14, $0.0e+00  }
0x505: {  	v32 =	vmin.f32 v7, $7.000000000e+00;
	v7 =	vsub.f32 v49, v24;
	v24 =	vsub.f32 v28, v11;
	v11 =	vld [tilespmem:s21+$0x20]  }
0x506: {  	v52 =	vmax.f32 v9, $0.0e+00;
	v22 =	vmin.f32 v19, $7.000000000e+00;
	v44 =	vcvt.f32.s32 v53  }
0x507: {  	v25 =	vcvt.f32.s32 v25;
	v55 =	vmin.f32 v52, $7.000000000e+00;
	v57 =	vtrunc.f32 v22  }
0x508: {  	v17 =	vadd.f32 v17, v27;
	v27 =	vshll.u32 v31, $0x3;
	v58 =	vtrunc.f32 v55  }
0x509: {  	v19 =	vld [tilespmem:s19+$0xFFFFFFD0];
	v34 =	vcvt.f32.s32 v57;
	v31 =	vadd.s32 v25, v29;
	v37 =	vcvt.s32.f32 v25  }
0x50a: {  	v30 =	vld [tilespmem:s19+$0xFFFFFFE0];
	v43 =	vcvt.s32.f32 v44;
	v28 =	vtrunc.f32 v32;
	v29 =	vmax.f32 v11, $0.0e+00  }
0x50b: {  	v33 =	vcvt.f32.s32 v58;
	v15 =	vadd.f32 v17, v15;
	v62 =	vmin.f32 v29, $7.000000000e+00  }
0x50c: {  	v36 =	vld [tilespmem:s19+$0x10];
	v61 =	vcvt.f32.s32 v28;
	v28 =	vadd.s32 v34, v27;
	v29 =	vtrunc.f32 v62  }
0x50d: {  	v35 =	vadd.f32 v63, v50;
	v17 =	vld.idx.msk [tilespmem:v41+s10+$0x0], $0xffff;
	v27 =	vcvt.s32.f32 v33;
	v40 =	vcvt.f32.s32 v29  }
0x50e: {  	v60 =	vshll.u32 v19, $0x3;
	v15 =	vadd.f32 v23, v15;
	v23 =	vld.idx.msk [tilespmem:v41+s8+$0x0], $0xffff;
	v41 =	vcvt.s32.f32 v54  }
0x50f: {  	v29 =	vsub.f32 v55, v27;
	v27 =	vshll.u32 v30, $0x3;
	v63 =	vcvt.s32.f32 v40  }
0x510: {  	v25 =	vadd.s32 v61, v59;
	v42 =	vcvt.s32.f32 v61;
	v20 =	vld.idx.msk [tilespmem:v31+s8+$0x0], $0xffff;
	v27 =	vadd.s32 v44, v27  }
0x511: {  	s20 =	simm.s32 $0x4140;
	s19 =	simm.s32 $0x8;
	s21 =	simm.s32 $0xC140;
	v44 =	vadd.f32 v39, v15;
	v39 =	vadd.s32 v33, v60;
	v33 =	vld.idx.msk [tilespmem:v28+s8+$0x0], $0xffff;
	v15 =	vsub.f32 v62, v63  }
.LBB2_20:
0x512: {  	s19 =	sadd.s32 $0x8, s19;
	v32 =	vsub.f32 v32, v42;
	v42 =	vld.idx.msk [tilespmem:v28+s10+$0x0], $0xffff;
	v8 =	vsub.f32 v2, v8;
	v28 =	vadd.s32 v40, v26  }
0x513: {  	v40 =	vsub.f32 v21, v43;
	v2 =	vadd.f32 v16, v44;
	v26 =	vld [tilespmem:s21+$0x30];
	p0 =	slt.u32 s19, $0x3F8;
	v21 =	vshll.u32 v36, $0x3  }
0x514: {  	v19 =	vcvt.s32.f32 v19;
	v34 =	vcvt.s32.f32 v34;
	v14 =	vsub.f32 v14, v41;
	v16 =	vld [tilespmem:s20+$0x30]  }
0x515: {  	v10 =	vadd.f32 v10, v35;
	v36 =	vcvt.s32.f32 v36;
	v38 =	vadd.f32 v38, v2;
	v41 =	vld [tilespmem:s21+$0xFFFFFFC0]  }
0x516: {  	v9 =	vsub.f32 v9, v19;
	v19 =	vsub.f32 v22, v34;
	v18 =	vadd.s32 v18, v21;
	v2 =	vld [tilespmem:s20+$0x0]  }
0x517: {  	v21 =	vmul.f32 v24, v24;
	v22 =	vcvt.s32.f32 v30;
	v30 =	vadd.f32 v5, v38;
	v24 =	vld.idx.msk [tilespmem:v25+s10+$0x0], $0xffff  }
0x518: {  	v34 =	vsub.f32 v12, v37;
	v4 =	vadd.f32 v4, v10;
	v5 =	vmul.f32 v6, v17;
	v35 =	vld.idx.msk [tilespmem:v39+s8+$0x0], $0xffff  }
0x519: {  	v6 =	vmul.f32 v9, v9;
	v3 =	vsub.f32 v3, v22;
	v9 =	vsub.f32 v1, v36;
	v37 =	vld [tilespmem:s21+$0x0]  }
0x51a: {  	v11 =	vsub.f32 v11, v13;
	v4 =	vadd.f32 v21, v4;
	v1 =	vmax.f32 v16, $0.0e+00;
	v10 =	vld.idx.msk [tilespmem:v39+s10+$0x0], $0xffff  }
0x51b: {  	v13 =	vcvt.s32.f32 v26;
	v3 =	vmul.f32 v3, v3;
	v12 =	vmin.f32 v1, $7.000000000e+00;
	v17 =	vld.idx.msk [tilespmem:v18+s8+$0x0], $0xffff  }
0x51c: {  	v22 =	vshll.u32 v26, $0x3;
	v4 =	vadd.f32 v6, v4;
	v21 =	vtrunc.f32 v12;
	v6 =	vld.idx.msk [tilespmem:v18+s10+$0x0], $0xffff  }
0x51d: {  	v14 =	vmul.f32 v14, v14;
	v13 =	vsub.f32 v16, v13;
	v16 =	vmul.f32 v19, v42;
	v1 =	vld [tilespmem:s20+$0x10]  }
0x51e: {  	v19 =	vadd.f32 v3, v4;
	v18 =	vcvt.f32.s32 v21;
	v21 =	vmul.f32 v8, v8;
	v31 =	vld.idx.msk [tilespmem:v31+s10+$0x0], $0xffff  }
0x51f: {  	v5 =	vadd.f32 v5, v23;
	v4 =	vmul.f32 v0, v0;
	v33 =	vadd.f32 v16, v33;
	v0 =	vmovc v13;
	v36 =	vld [tilespmem:s20+$0xFFFFFFC0]  }
0x520: {  	v8 =	vcvt.s32.f32 v37;
	v23 =	vadd.s32 v18, v22;
	v13 =	vmul.f32 v29, v10;
	v3 =	vld [tilespmem:s20+$0xFFFFFFE0]  }
0x521: {  	v26 =	vadd.f32 v14, v19;
	v10 =	vcvt.s32.f32 v18;
	v29 =	vmul.f32 v9, v9;
	v22 =	vld.idx.msk [tilespmem:v27+s10+$0x0], $0xffff  }
0x522: {  	v39 =	vmul.f32 v32, v24;
	v7 =	vmul.f32 v7, v6;
	v9 =	vmax.f32 v1, $0.0e+00;
	v38 =	vld [tilespmem:s21+$0x20]  }
0x523: {  	v6 =	vsub.f32 v12, v10;
	v10 =	vmul.f32 v11, v11;
	v19 =	vld [tilespmem:s21+$0xFFFFFFD0];
	v24 =	vmin.f32 v9, $7.000000000e+00  }
0x524: {  	v11 =	vcvt.s32.f32 v41;
	v16 =	vadd.f32 v7, v17;
	v9 =	vld [tilespmem:s20+$0xFFFFFFD0];
	v12 =	vtrunc.f32 v24  }
0x525: {  	v41 =	vshll.u32 v41, $0x3;
	v7 =	vmax.f32 v36, $0.0e+00;
	v14 =	vld [tilespmem:s20+$0xFFFFFFF0];
	v18 =	vcvt.f32.s32 v12  }
0x526: {  	v42 =	vadd.f32 v21, v26;
	v12 =	vmin.f32 v7, $7.000000000e+00;
	v7 =	vmax.f32 v3, $0.0e+00;
	v43 =	vld.idx.msk [tilespmem:v28+s10+$0x0], $0xffff  }
0x527: {  	v21 =	vmin.f32 v7, $7.000000000e+00;
	v40 =	vmul.f32 v40, v22;
	v26 =	vshll.u32 v38, $0x3;
	v17 =	vld.idx.msk [tilespmem:v23+s10+$0x0], $0xffff  }
0x528: {  	v44 =	vtrunc.f32 v12;
	v7 =	vmax.f32 v2, $0.0e+00;
	v45 =	vcvt.s32.f32 v18;
	v25 =	vld.idx.msk [tilespmem:v25+s8+$0x0], $0xffff  }
0x529: {  	v31 =	vmul.f32 v34, v31;
	v34 =	vadd.f32 v13, v35;
	v46 =	vmax.f32 v9, $0.0e+00;
	v27 =	vld.idx.msk [tilespmem:v27+s8+$0x0], $0xffff  }
0x52a: {  	v13 =	vtrunc.f32 v21;
	v22 =	vmin.f32 v7, $7.000000000e+00;
	v47 =	vld [tilespmem:s21+$0xFFFFFFF0];
	v32 =	vmax.f32 v14, $0.0e+00  }
0x52b: {  	v20 =	vadd.f32 v31, v20;
	v7 =	vsub.f32 v24, v45;
	v32 =	vmin.f32 v32, $7.000000000e+00  }
0x52c: {  	v24 =	vsub.f32 v36, v11;
	v36 =	vmin.f32 v46, $7.000000000e+00;
	v15 =	vmul.f32 v15, v43  }
0x52d: {  	v20 =	vadd.f32 v20, v30;
	v31 =	vtrunc.f32 v22;
	v43 =	vtrunc.f32 v32;
	v11 =	vld [tilespmem:s20+$0x20]  }
0x52e: {  	v45 =	vcvt.f32.s32 v13;
	v13 =	vcvt.s32.f32 v38;
	v38 =	vadd.f32 v39, v25  }
0x52f: {  	v20 =	vadd.f32 v34, v20;
	v25 =	vtrunc.f32 v36;
	v39 =	vshll.u32 v47, $0x3  }
0x530: {  	v44 =	vcvt.f32.s32 v44;
	v46 =	vcvt.f32.s32 v25;
	v25 =	vadd.f32 v40, v27;
	v30 =	vld [tilespmem:s21+$0xFFFFFFE0]  }
0x531: {  	v48 =	vshll.u32 v19, $0x3;
	v34 =	vcvt.f32.s32 v31;
	v27 =	vshll.u32 v37, $0x3;
	v49 =	vld.idx.msk [tilespmem:v28+s8+$0x0], $0xffff  }
0x532: {  	v35 =	vadd.f32 v29, v42;
	v31 =	vadd.s32 v44, v41;
	v37 =	vmax.f32 v11, $0.0e+00  }
0x533: {  	v41 =	vcvt.f32.s32 v43;
	v28 =	vadd.s32 v34, v27;
	v50 =	vmin.f32 v37, $7.000000000e+00  }
0x534: {  	v20 =	vadd.f32 v25, v20;
	v27 =	vcvt.s32.f32 v46;
	v29 =	vtrunc.f32 v50  }
.Ltmp9:
0x535: {  	v25 =	vadd.s32 v41, v39;
	v37 =	vcvt.s32.f32 v44;
	v40 =	vcvt.f32.s32 v29;
	(pc) =	sbr.rel @p0 .LBB2_20-.Ltmp9, $4  }
0x536: {  	v39 =	vadd.f32 v38, v20;
	v29 =	vsub.f32 v36, v27;
	v27 =	vshll.u32 v30, $0x3;
	v36 =	vld [tilespmem:s21+$0x10]  }
0x537: {  	v42 =	vcvt.s32.f32 v41;
	v38 =	vadd.f32 v15, v49;
	v51 =	vcvt.s32.f32 v40;
	v23 =	vld.idx.msk [tilespmem:v23+s8+$0x0], $0xffff  }
0x538: {  	v43 =	vcvt.s32.f32 v45;
	v44 =	vadd.f32 v33, v39;
	v27 =	vadd.s32 v45, v27;
	v20 =	vld.idx.msk [tilespmem:v31+s8+$0x0], $0xffff  }
0x539: {  	s20 =	sadd.s32 $0x80, s20;
	v41 =	vcvt.s32.f32 v47;
	v39 =	vadd.s32 v46, v48;
	s21 =	sadd.s32 $0x80, s21;
	v33 =	vld.idx.msk [tilespmem:v28+s8+$0x0], $0xffff;
	v15 =	vsub.f32 v50, v51  }
0x53a: {  	_ =	sdelay $0x3  }
0x53b: {  	v28 =	vld.idx.msk [tilespmem:v28+s10+$0x0], $0xffff  }
0x53c: {  	v61 =	vld.idx.msk [tilespmem:v25+s10+$0x0], $0xffff  }
0x53d: {  	v46 =	vld.idx.msk [tilespmem:v39+s8+$0x0], $0xffff  }
0x53e: {  	v26 =	vadd.s32 v40, v26;
	v62 =	vld.idx.msk [tilespmem:v39+s10+$0x0], $0xffff  }
0x53f: {  	v31 =	vld.idx.msk [tilespmem:v31+s10+$0x0], $0xffff;
	v45 =	vshll.u32 v36, $0x3  }
0x540: {  	v47 =	vld.idx.msk [tilespmem:v27+s10+$0x0], $0xffff;
	v18 =	vadd.s32 v18, v45  }
0x541: {  	v25 =	vld.idx.msk [tilespmem:v25+s8+$0x0], $0xffff  }
0x542: {  	v2 =	vsub.f32 v2, v8;
	v8 =	vsub.f32 v21, v43;
	v21 =	vld.idx.msk [tilespmem:v27+s8+$0x0], $0xffff  }
0x543: {  	v32 =	vsub.f32 v32, v42;
	v16 =	vadd.f32 v16, v44;
	v48 =	vld.idx.msk [tilespmem:v26+s10+$0x0], $0xffff  }
0x544: {  	v12 =	vsub.f32 v12, v37;
	v19 =	vcvt.s32.f32 v19;
	v27 =	vcvt.s32.f32 v34;
	v26 =	vld.idx.msk [tilespmem:v26+s8+$0x0], $0xffff  }
0x545: {  	v10 =	vadd.f32 v10, v35;
	v16 =	vadd.f32 v38, v16;
	v63 =	vld.idx.msk [tilespmem:v18+s8+$0x0], $0xffff  }
0x546: {  	v9 =	vsub.f32 v9, v19;
	v19 =	vsub.f32 v22, v27;
	v12 =	vmul.f32 v12, v31;
	v18 =	vld.idx.msk [tilespmem:v18+s10+$0x0], $0xffff;
	_ =	swait.ge [sflag:s12], $0x4000  }
0x547: {  	v22 =	vcvt.s32.f32 v30;
	v5 =	vadd.f32 v5, v16;
	v16 =	vmul.f32 v29, v62;
	[sflag:s12] =	ssyncset.done $0x0  }
0x548: {  	v4 =	vadd.f32 v4, v10;
	v12 =	vadd.f32 v12, v20;
	v20 =	vmul.f32 v24, v24;
	[sflag:s12] =	ssyncadd.s32 $0xFFFFC000  }
0x549: {  	v3 =	vsub.f32 v3, v22;
	v8 =	vmul.f32 v8, v47;
	v10 =	vadd.f32 v16, v46;
	_ =	swait.ge [sflag:s13], $0x4000  }
0x54a: {  	v9 =	vmul.f32 v9, v9;
	v5 =	vadd.f32 v12, v5;
	v4 =	vadd.f32 v20, v4;
	[sflag:s13] =	ssyncset.done $0x0  }
0x54b: {  	v14 =	vsub.f32 v14, v41;
	v8 =	vadd.f32 v8, v21;
	v12 =	vmul.f32 v32, v61;
	[sflag:s13] =	ssyncadd.s32 $0xFFFFC000  }
0x54c: {  	v3 =	vmul.f32 v3, v3;
	v5 =	vadd.f32 v10, v5;
	v4 =	vadd.f32 v9, v4;
	[tilespmem:s14], [sflag:$0x2] =	stream.linear.gather [hbm4b:s23+s2], $0x4000, $0x38;
	[tilespmem:$0x10200] =	vst v63  }
0x54d: {  	s20 =	simm.s32 $0x40;
	v10 =	vcvt.s32.f32 v36;
	v9 =	vmul.f32 v19, v28;
	v12 =	vadd.f32 v12, v25  }
0x54e: {  	v5 =	vadd.f32 v8, v5;
	v8 =	vmul.f32 v14, v14;
	v3 =	vadd.f32 v3, v4;
	[tilespmem:s15], [sflag:$0x4] =	stream.linear.gather [hbm4b:s24+s2], $0x4000, $0x38;
	[tilespmem:$0x10200] =	vst v63  }
0x54f: {  	s19 =	simm.s32 $0x8040;
	v7 =	vmul.f32 v7, v18;
	v9 =	vadd.f32 v9, v33;
	v1 =	vsub.f32 v1, v10;
	v4 =	vld [tilespmem:s20+$0x30]  }
0x550: {  	v2 =	vmul.f32 v2, v2;
	v5 =	vadd.f32 v12, v5;
	v3 =	vadd.f32 v8, v3;
	v14 =	vld [tilespmem:s19+$0x20]  }
0x551: {  	v10 =	vsub.f32 v11, v13;
	v7 =	vadd.f32 v7, v63;
	v8 =	vmul.f32 v15, v48;
	v16 =	vld [tilespmem:s20+$0xFFFFFFF0]  }
0x552: {  	v1 =	vmul.f32 v1, v1;
	v29 =	vld [tilespmem:s19+$0xFFFFFFF0];
	v5 =	vadd.f32 v9, v5;
	v2 =	vadd.f32 v2, v3  }
0x553: {  	v6 =	vmul.f32 v6, v17;
	v31 =	vld [tilespmem:s19+$0xFFFFFFD0];
	v8 =	vadd.f32 v8, v26  }
0x554: {  	v10 =	vmul.f32 v10, v10;
	v26 =	vld [tilespmem:s20+$0x20];
	v5 =	vadd.f32 v7, v5;
	v1 =	vadd.f32 v1, v2  }
0x555: {  	v0 =	vmul.f32 v0, v0;
	v6 =	vadd.f32 v6, v23;
	v9 =	vld [tilespmem:s19+$0x30]  }
0x556: {  	v11 =	vmax.f32 v4, $0.0e+00;
	v5 =	vadd.f32 v8, v5;
	v1 =	vadd.f32 v10, v1  }
0x557: {  	v20 =	vshll.u32 v14, $0x3;
	v23 =	vmax.f32 v16, $0.0e+00;
	v14 =	vcvt.s32.f32 v14  }
0x558: {  	v49 =	vshll.u32 v29, $0x3;
	v53 =	vshll.u32 v31, $0x3;
	v29 =	vcvt.s32.f32 v29  }
0x559: {  	v7 =	vld [tilespmem:s19+$0x0];
	v2 =	vmin.f32 v11, $7.000000000e+00;
	v23 =	vmin.f32 v23, $7.000000000e+00;
	v48 =	vmax.f32 v26, $0.0e+00  }
0x55a: {  	v8 =	vld [tilespmem:s20+$0x0];
	v12 =	vtrunc.f32 v2;
	v13 =	vadd.f32 v6, v5;
	v5 =	vcvt.s32.f32 v9  }
0x55b: {  	v11 =	vld [tilespmem:s20+$0x10];
	v0 =	vadd.f32 v0, v1;
	v1 =	vshll.u32 v9, $0x3;
	v28 =	vtrunc.f32 v23  }
0x55c: {  	v55 =	vld [tilespmem:s19+$0x10];
	v32 =	vmin.f32 v48, $7.000000000e+00;
	v16 =	vsub.f32 v16, v29;
	v10 =	vcvt.f32.s32 v12  }
0x55d: {  	v3 =	vld [tilespmem:s19+$0xFFFFFFC0];
	v28 =	vcvt.f32.s32 v28;
	v51 =	vtrunc.f32 v32;
	v4 =	vsub.f32 v4, v5  }
0x55e: {  	v6 =	vld [tilespmem:s20+$0xFFFFFFE0];
	v5 =	vcvt.s32.f32 v7;
	v7 =	vshll.u32 v7, $0x3;
	v16 =	vmul.f32 v16, v16  }
0x55f: {  	v12 =	vld [tilespmem:s20+$0xFFFFFFC0];
	v9 =	vcvt.s32.f32 v10;
	v1 =	vadd.s32 v10, v1;
	v22 =	vmax.f32 v8, $0.0e+00  }
0x560: {  	v33 =	vadd.s32 v28, v49;
	v28 =	vcvt.s32.f32 v28;
	v15 =	vmax.f32 v11, $0.0e+00  }
0x561: {  	v22 =	vmin.f32 v22, $7.000000000e+00;
	v5 =	vsub.f32 v8, v5;
	v8 =	vcvt.s32.f32 v31  }
0x562: {  	v31 =	vcvt.s32.f32 v55;
	v4 =	vmul.f32 v4, v4;
	v10 =	vmin.f32 v15, $7.000000000e+00  }
0x563: {  	v9 =	vsub.f32 v2, v9;
	v15 =	vcvt.s32.f32 v3;
	v19 =	vmax.f32 v6, $0.0e+00  }
0x564: {  	v30 =	vtrunc.f32 v22;
	v17 =	vtrunc.f32 v10;
	v18 =	vmax.f32 v12, $0.0e+00  }
0x565: {  	s21 =	simm.s32 $0xC0;
	v2 =	vld [tilespmem:s20+$0xFFFFFFD0];
	v19 =	vmin.f32 v19, $7.000000000e+00;
	v17 =	vcvt.f32.s32 v17;
	v18 =	vmin.f32 v18, $7.000000000e+00  }
0x566: {  	v23 =	vsub.f32 v23, v28;
	v28 =	vld [tilespmem:s21+$0x30];
	v27 =	vtrunc.f32 v19;
	v21 =	vtrunc.f32 v18  }
0x567: {  	v12 =	vsub.f32 v12, v15;
	v52 =	vld.idx.msk [tilespmem:v1+s10+$0x0], $0xffff;
	v15 =	vcvt.f32.s32 v21;
	v21 =	vcvt.f32.s32 v30  }
0x568: {  	v3 =	vshll.u32 v3, $0x3;
	v27 =	vcvt.f32.s32 v27;
	v58 =	vld.idx.msk [tilespmem:v1+s8+$0x0], $0xffff;
	v24 =	vcvt.s32.f32 v17  }
0x569: {  	v30 =	vld [tilespmem:s19+$0xFFFFFFE0];
	s19 =	simm.s32 $0x80C0;
	v7 =	vadd.s32 v21, v7;
	v54 =	vadd.s32 v15, v3;
	v3 =	vcvt.f32.s32 v51  }
0x56a: {  	v1 =	vcvt.s32.f32 v27;
	v48 =	vld [tilespmem:s19+$0x20];
	v21 =	vcvt.s32.f32 v21  }
0x56b: {  	v25 =	vmax.f32 v2, $0.0e+00;
	v57 =	vcvt.s32.f32 v3;
	v20 =	vadd.s32 v3, v20;
	v3 =	vld [tilespmem:s19+$0x30]  }
0x56c: {  	v19 =	vsub.f32 v19, v1;
	v1 =	vshll.u32 v55, $0x3;
	v21 =	vsub.f32 v22, v21;
	v22 =	vld.idx.msk [tilespmem:v33+s10+$0x0], $0xffff  }
0x56d: {  	v12 =	vmul.f32 v12, v12;
	v25 =	vmin.f32 v25, $7.000000000e+00;
	v17 =	vadd.s32 v17, v1;
	v33 =	vld.idx.msk [tilespmem:v33+s8+$0x0], $0xffff  }
0x56e: {  	v10 =	vsub.f32 v10, v24;
	v24 =	vtrunc.f32 v25;
	v1 =	vcvt.s32.f32 v30;
	v59 =	vld.idx.msk [tilespmem:v7+s8+$0x0], $0xffff  }
0x56f: {  	v8 =	vsub.f32 v2, v8;
	v0 =	vadd.f32 v12, v0;
	v24 =	vcvt.f32.s32 v24;
	v7 =	vld.idx.msk [tilespmem:v7+s10+$0x0], $0xffff  }
0x570: {  	v15 =	vcvt.s32.f32 v15;
	v1 =	vsub.f32 v6, v1;
	v6 =	vsub.f32 v11, v31;
	v31 =	vld [tilespmem:s19+$0x0]  }
0x571: {  	v12 =	vsub.f32 v26, v14;
	v50 =	vcvt.s32.f32 v24;
	v24 =	vadd.s32 v24, v53;
	v38 =	vld.idx.msk [tilespmem:v54+s8+$0x0], $0xffff  }
0x572: {  	v8 =	vmul.f32 v8, v8;
	v15 =	vsub.f32 v18, v15;
	v9 =	vmul.f32 v9, v52;
	v62 =	vld.idx.msk [tilespmem:v17+s10+$0x0], $0xffff  }
0x573: {  	v56 =	vshll.u32 v30, $0x3;
	v11 =	vmax.f32 v28, $0.0e+00;
	v23 =	vmul.f32 v23, v22;
	v22 =	vld.idx.msk [tilespmem:v54+s10+$0x0], $0xffff  }
0x574: {  	v27 =	vadd.s32 v27, v56;
	v60 =	vsub.f32 v32, v57;
	v11 =	vmin.f32 v11, $7.000000000e+00;
	v51 =	vld.idx.msk [tilespmem:v20+s10+$0x0], $0xffff  }
0x575: {  	v25 =	vsub.f32 v25, v50;
	v18 =	vcvt.s32.f32 v3;
	v26 =	vtrunc.f32 v11;
	v54 =	vld [tilespmem:s19+$0xFFFFFFF0]  }
0x576: {  	v61 =	vshll.u32 v3, $0x3;
	v3 =	vadd.f32 v8, v0;
	v63 =	vmul.f32 v6, v6;
	v30 =	vld.idx.msk [tilespmem:v24+s8+$0x0], $0xffff  }
0x577: {  	v14 =	vld.idx.msk [tilespmem:v24+s10+$0x0], $0xffff;
	v24 =	vmul.f32 v1, v1;
	v0 =	vsub.f32 v28, v18;
	v18 =	vcvt.f32.s32 v26  }
0x578: {  	v1 =	vld [tilespmem:s21+$0x10];
	v26 =	vshll.u32 v48, $0x3;
	v23 =	vadd.f32 v23, v33;
	v7 =	vmul.f32 v21, v7  }
0x579: {  	v20 =	vld.idx.msk [tilespmem:v20+s8+$0x0], $0xffff;
	v8 =	vcvt.s32.f32 v31;
	v21 =	vadd.f32 v24, v3;
	v24 =	vmul.f32 v5, v5  }
0x57a: {  	v29 =	vld [tilespmem:s19+$0xFFFFFFC0];
	v5 =	vadd.f32 v9, v58;
	v41 =	vadd.s32 v18, v61;
	v9 =	vcvt.s32.f32 v18  }
0x57b: {  	v17 =	vld.idx.msk [tilespmem:v17+s8+$0x0], $0xffff;
	v39 =	vadd.f32 v7, v59;
	v15 =	vmul.f32 v15, v22;
	v56 =	vmul.f32 v60, v51  }
0x57c: {  	v28 =	vld [tilespmem:s21+$0xFFFFFFC0];
	v59 =	vshll.u32 v54, $0x3;
	v21 =	vadd.f32 v16, v21;
	v7 =	vmul.f32 v25, v14  }
0x57d: {  	v3 =	vld [tilespmem:s21+$0xFFFFFFE0];
	v6 =	vmax.f32 v1, $0.0e+00;
	v14 =	vmul.f32 v10, v62;
	v10 =	vmul.f32 v12, v12  }
0x57e: {  	v25 =	vld.idx.msk [tilespmem:v27+s10+$0x0], $0xffff;
	v15 =	vadd.f32 v15, v38;
	v38 =	vadd.f32 v56, v20;
	v49 =	vmin.f32 v6, $7.000000000e+00  }
0x57f: {  	v2 =	vld [tilespmem:s21+$0x0];
	v6 =	vsub.f32 v11, v9;
	v11 =	vcvt.s32.f32 v29;
	v29 =	vshll.u32 v29, $0x3  }
0x580: {  	v50 =	vadd.f32 v24, v21;
	v12 =	vtrunc.f32 v49;
	v16 =	vadd.f32 v14, v17;
	v14 =	vld [tilespmem:s21+$0xFFFFFFF0]  }
0x581: {  	v17 =	vmax.f32 v28, $0.0e+00;
	v30 =	vadd.f32 v7, v30;
	v15 =	vadd.f32 v15, v13  }
0x582: {  	v9 =	vld [tilespmem:s21+$0xFFFFFFD0];
	v18 =	vcvt.f32.s32 v12;
	v12 =	vmin.f32 v17, $7.000000000e+00;
	v17 =	vmax.f32 v3, $0.0e+00  }
0x583: {  	v13 =	vcvt.s32.f32 v48;
	v21 =	vmin.f32 v17, $7.000000000e+00;
	v17 =	vmul.f32 v19, v25  }
0x584: {  	v27 =	vld.idx.msk [tilespmem:v27+s8+$0x0], $0xffff;
	v15 =	vadd.f32 v30, v15;
	v25 =	vtrunc.f32 v12;
	v24 =	vcvt.s32.f32 v18  }
0x585: {  	v19 =	vmax.f32 v2, $0.0e+00;
	v53 =	vtrunc.f32 v21;
	v7 =	vmax.f32 v14, $0.0e+00  }
0x586: {  	v32 =	vmin.f32 v7, $7.000000000e+00;
	v7 =	vsub.f32 v49, v24;
	v24 =	vsub.f32 v28, v11;
	v11 =	vld [tilespmem:s21+$0x20]  }
0x587: {  	v52 =	vmax.f32 v9, $0.0e+00;
	v22 =	vmin.f32 v19, $7.000000000e+00;
	v44 =	vcvt.f32.s32 v53  }
0x588: {  	v25 =	vcvt.f32.s32 v25;
	v55 =	vmin.f32 v52, $7.000000000e+00;
	v57 =	vtrunc.f32 v22  }
0x589: {  	v17 =	vadd.f32 v17, v27;
	v27 =	vshll.u32 v31, $0x3;
	v58 =	vtrunc.f32 v55  }
0x58a: {  	v19 =	vld [tilespmem:s19+$0xFFFFFFD0];
	v34 =	vcvt.f32.s32 v57;
	v31 =	vadd.s32 v25, v29;
	v37 =	vcvt.s32.f32 v25  }
0x58b: {  	v30 =	vld [tilespmem:s19+$0xFFFFFFE0];
	v43 =	vcvt.s32.f32 v44;
	v28 =	vtrunc.f32 v32;
	v29 =	vmax.f32 v11, $0.0e+00  }
0x58c: {  	v33 =	vcvt.f32.s32 v58;
	v15 =	vadd.f32 v17, v15;
	v62 =	vmin.f32 v29, $7.000000000e+00  }
0x58d: {  	v36 =	vld [tilespmem:s19+$0x10];
	v61 =	vcvt.f32.s32 v28;
	v28 =	vadd.s32 v34, v27;
	v29 =	vtrunc.f32 v62  }
0x58e: {  	v35 =	vadd.f32 v63, v50;
	v17 =	vld.idx.msk [tilespmem:v41+s10+$0x0], $0xffff;
	v27 =	vcvt.s32.f32 v33;
	v40 =	vcvt.f32.s32 v29  }
0x58f: {  	v60 =	vshll.u32 v19, $0x3;
	v15 =	vadd.f32 v23, v15;
	v23 =	vld.idx.msk [tilespmem:v41+s8+$0x0], $0xffff;
	v41 =	vcvt.s32.f32 v54  }
0x590: {  	v29 =	vsub.f32 v55, v27;
	v27 =	vshll.u32 v30, $0x3;
	v63 =	vcvt.s32.f32 v40  }
0x591: {  	v25 =	vadd.s32 v61, v59;
	v42 =	vcvt.s32.f32 v61;
	v20 =	vld.idx.msk [tilespmem:v31+s8+$0x0], $0xffff;
	v27 =	vadd.s32 v44, v27  }
0x592: {  	s20 =	simm.s32 $0x140;
	s19 =	simm.s32 $0x8;
	s21 =	simm.s32 $0x8140;
	v44 =	vadd.f32 v39, v15;
	v39 =	vadd.s32 v33, v60;
	v33 =	vld.idx.msk [tilespmem:v28+s8+$0x0], $0xffff;
	v15 =	vsub.f32 v62, v63  }
.LBB2_22:
0x593: {  	s19 =	sadd.s32 $0x8, s19;
	v32 =	vsub.f32 v32, v42;
	v42 =	vld.idx.msk [tilespmem:v28+s10+$0x0], $0xffff;
	v8 =	vsub.f32 v2, v8;
	v28 =	vadd.s32 v40, v26  }
0x594: {  	v40 =	vsub.f32 v21, v43;
	v2 =	vadd.f32 v16, v44;
	v26 =	vld [tilespmem:s21+$0x30];
	p0 =	slt.u32 s19, $0x3F8;
	v21 =	vshll.u32 v36, $0x3  }
0x595: {  	v19 =	vcvt.s32.f32 v19;
	v34 =	vcvt.s32.f32 v34;
	v14 =	vsub.f32 v14, v41;
	v16 =	vld [tilespmem:s20+$0x30]  }
0x596: {  	v10 =	vadd.f32 v10, v35;
	v36 =	vcvt.s32.f32 v36;
	v38 =	vadd.f32 v38, v2;
	v41 =	vld [tilespmem:s21+$0xFFFFFFC0]  }
0x597: {  	v9 =	vsub.f32 v9, v19;
	v19 =	vsub.f32 v22, v34;
	v18 =	vadd.s32 v18, v21;
	v2 =	vld [tilespmem:s20+$0x0]  }
0x598: {  	v21 =	vmul.f32 v24, v24;
	v22 =	vcvt.s32.f32 v30;
	v30 =	vadd.f32 v5, v38;
	v24 =	vld.idx.msk [tilespmem:v25+s10+$0x0], $0xffff  }
0x599: {  	v34 =	vsub.f32 v12, v37;
	v4 =	vadd.f32 v4, v10;
	v5 =	vmul.f32 v6, v17;
	v35 =	vld.idx.msk [tilespmem:v39+s8+$0x0], $0xffff  }
0x59a: {  	v6 =	vmul.f32 v9, v9;
	v3 =	vsub.f32 v3, v22;
	v9 =	vsub.f32 v1, v36;
	v37 =	vld [tilespmem:s21+$0x0]  }
0x59b: {  	v11 =	vsub.f32 v11, v13;
	v4 =	vadd.f32 v21, v4;
	v1 =	vmax.f32 v16, $0.0e+00;
	v10 =	vld.idx.msk [tilespmem:v39+s10+$0x0], $0xffff  }
0x59c: {  	v13 =	vcvt.s32.f32 v26;
	v3 =	vmul.f32 v3, v3;
	v12 =	vmin.f32 v1, $7.000000000e+00;
	v17 =	vld.idx.msk [tilespmem:v18+s8+$0x0], $0xffff  }
0x59d: {  	v22 =	vshll.u32 v26, $0x3;
	v4 =	vadd.f32 v6, v4;
	v21 =	vtrunc.f32 v12;
	v6 =	vld.idx.msk [tilespmem:v18+s10+$0x0], $0xffff  }
0x59e: {  	v14 =	vmul.f32 v14, v14;
	v13 =	vsub.f32 v16, v13;
	v16 =	vmul.f32 v19, v42;
	v1 =	vld [tilespmem:s20+$0x10]  }
0x59f: {  	v19 =	vadd.f32 v3, v4;
	v18 =	vcvt.f32.s32 v21;
	v21 =	vmul.f32 v8, v8;
	v31 =	vld.idx.msk [tilespmem:v31+s10+$0x0], $0xffff  }
0x5a0: {  	v5 =	vadd.f32 v5, v23;
	v4 =	vmul.f32 v0, v0;
	v33 =	vadd.f32 v16, v33;
	v0 =	vmovc v13;
	v36 =	vld [tilespmem:s20+$0xFFFFFFC0]  }
0x5a1: {  	v8 =	vcvt.s32.f32 v37;
	v23 =	vadd.s32 v18, v22;
	v13 =	vmul.f32 v29, v10;
	v3 =	vld [tilespmem:s20+$0xFFFFFFE0]  }
0x5a2: {  	v26 =	vadd.f32 v14, v19;
	v10 =	vcvt.s32.f32 v18;
	v29 =	vmul.f32 v9, v9;
	v22 =	vld.idx.msk [tilespmem:v27+s10+$0x0], $0xffff  }
0x5a3: {  	v39 =	vmul.f32 v32, v24;
	v7 =	vmul.f32 v7, v6;
	v9 =	vmax.f32 v1, $0.0e+00;
	v38 =	vld [tilespmem:s21+$0x20]  }
0x5a4: {  	v6 =	vsub.f32 v12, v10;
	v10 =	vmul.f32 v11, v11;
	v19 =	vld [tilespmem:s21+$0xFFFFFFD0];
	v24 =	vmin.f32 v9, $7.000000000e+00  }
0x5a5: {  	v11 =	vcvt.s32.f32 v41;
	v16 =	vadd.f32 v7, v17;
	v9 =	vld [tilespmem:s20+$0xFFFFFFD0];
	v12 =	vtrunc.f32 v24  }
0x5a6: {  	v41 =	vshll.u32 v41, $0x3;
	v7 =	vmax.f32 v36, $0.0e+00;
	v14 =	vld [tilespmem:s20+$0xFFFFFFF0];
	v18 =	vcvt.f32.s32 v12  }
0x5a7: {  	v42 =	vadd.f32 v21, v26;
	v12 =	vmin.f32 v7, $7.000000000e+00;
	v7 =	vmax.f32 v3, $0.0e+00;
	v43 =	vld.idx.msk [tilespmem:v28+s10+$0x0], $0xffff  }
0x5a8: {  	v21 =	vmin.f32 v7, $7.000000000e+00;
	v40 =	vmul.f32 v40, v22;
	v26 =	vshll.u32 v38, $0x3;
	v17 =	vld.idx.msk [tilespmem:v23+s10+$0x0], $0xffff  }
0x5a9: {  	v44 =	vtrunc.f32 v12;
	v7 =	vmax.f32 v2, $0.0e+00;
	v45 =	vcvt.s32.f32 v18;
	v25 =	vld.idx.msk [tilespmem:v25+s8+$0x0], $0xffff  }
0x5aa: {  	v31 =	vmul.f32 v34, v31;
	v34 =	vadd.f32 v13, v35;
	v46 =	vmax.f32 v9, $0.0e+00;
	v27 =	vld.idx.msk [tilespmem:v27+s8+$0x0], $0xffff  }
0x5ab: {  	v13 =	vtrunc.f32 v21;
	v22 =	vmin.f32 v7, $7.000000000e+00;
	v47 =	vld [tilespmem:s21+$0xFFFFFFF0];
	v32 =	vmax.f32 v14, $0.0e+00  }
0x5ac: {  	v20 =	vadd.f32 v31, v20;
	v7 =	vsub.f32 v24, v45;
	v32 =	vmin.f32 v32, $7.000000000e+00  }
0x5ad: {  	v24 =	vsub.f32 v36, v11;
	v36 =	vmin.f32 v46, $7.000000000e+00;
	v15 =	vmul.f32 v15, v43  }
0x5ae: {  	v20 =	vadd.f32 v20, v30;
	v31 =	vtrunc.f32 v22;
	v43 =	vtrunc.f32 v32;
	v11 =	vld [tilespmem:s20+$0x20]  }
0x5af: {  	v45 =	vcvt.f32.s32 v13;
	v13 =	vcvt.s32.f32 v38;
	v38 =	vadd.f32 v39, v25  }
0x5b0: {  	v20 =	vadd.f32 v34, v20;
	v25 =	vtrunc.f32 v36;
	v39 =	vshll.u32 v47, $0x3  }
0x5b1: {  	v44 =	vcvt.f32.s32 v44;
	v46 =	vcvt.f32.s32 v25;
	v25 =	vadd.f32 v40, v27;
	v30 =	vld [tilespmem:s21+$0xFFFFFFE0]  }
0x5b2: {  	v48 =	vshll.u32 v19, $0x3;
	v34 =	vcvt.f32.s32 v31;
	v27 =	vshll.u32 v37, $0x3;
	v49 =	vld.idx.msk [tilespmem:v28+s8+$0x0], $0xffff  }
0x5b3: {  	v35 =	vadd.f32 v29, v42;
	v31 =	vadd.s32 v44, v41;
	v37 =	vmax.f32 v11, $0.0e+00  }
0x5b4: {  	v41 =	vcvt.f32.s32 v43;
	v28 =	vadd.s32 v34, v27;
	v50 =	vmin.f32 v37, $7.000000000e+00  }
0x5b5: {  	v20 =	vadd.f32 v25, v20;
	v27 =	vcvt.s32.f32 v46;
	v29 =	vtrunc.f32 v50  }
.Ltmp10:
0x5b6: {  	v25 =	vadd.s32 v41, v39;
	v37 =	vcvt.s32.f32 v44;
	v40 =	vcvt.f32.s32 v29;
	(pc) =	sbr.rel @p0 .LBB2_22-.Ltmp10, $4  }
0x5b7: {  	v39 =	vadd.f32 v38, v20;
	v29 =	vsub.f32 v36, v27;
	v27 =	vshll.u32 v30, $0x3;
	v36 =	vld [tilespmem:s21+$0x10]  }
0x5b8: {  	v42 =	vcvt.s32.f32 v41;
	v38 =	vadd.f32 v15, v49;
	v51 =	vcvt.s32.f32 v40;
	v23 =	vld.idx.msk [tilespmem:v23+s8+$0x0], $0xffff  }
0x5b9: {  	v43 =	vcvt.s32.f32 v45;
	v44 =	vadd.f32 v33, v39;
	v27 =	vadd.s32 v45, v27;
	v20 =	vld.idx.msk [tilespmem:v31+s8+$0x0], $0xffff  }
0x5ba: {  	s20 =	sadd.s32 $0x80, s20;
	v41 =	vcvt.s32.f32 v47;
	v39 =	vadd.s32 v46, v48;
	s21 =	sadd.s32 $0x80, s21;
	v33 =	vld.idx.msk [tilespmem:v28+s8+$0x0], $0xffff;
	v15 =	vsub.f32 v50, v51  }
0x5bb: {  	_ =	sdelay $0x3  }
0x5bc: {  	v28 =	vld.idx.msk [tilespmem:v28+s10+$0x0], $0xffff  }
0x5bd: {  	v61 =	vld.idx.msk [tilespmem:v25+s10+$0x0], $0xffff  }
0x5be: {  	v46 =	vld.idx.msk [tilespmem:v39+s8+$0x0], $0xffff  }
0x5bf: {  	v26 =	vadd.s32 v40, v26;
	v62 =	vld.idx.msk [tilespmem:v39+s10+$0x0], $0xffff  }
0x5c0: {  	v31 =	vld.idx.msk [tilespmem:v31+s10+$0x0], $0xffff;
	v45 =	vshll.u32 v36, $0x3  }
0x5c1: {  	v47 =	vld.idx.msk [tilespmem:v27+s10+$0x0], $0xffff;
	v18 =	vadd.s32 v18, v45  }
0x5c2: {  	v25 =	vld.idx.msk [tilespmem:v25+s8+$0x0], $0xffff  }
0x5c3: {  	v2 =	vsub.f32 v2, v8;
	v8 =	vsub.f32 v21, v43;
	v21 =	vld.idx.msk [tilespmem:v27+s8+$0x0], $0xffff  }
0x5c4: {  	v32 =	vsub.f32 v32, v42;
	v16 =	vadd.f32 v16, v44;
	v48 =	vld.idx.msk [tilespmem:v26+s10+$0x0], $0xffff  }
0x5c5: {  	v12 =	vsub.f32 v12, v37;
	v19 =	vcvt.s32.f32 v19;
	v27 =	vcvt.s32.f32 v34;
	v26 =	vld.idx.msk [tilespmem:v26+s8+$0x0], $0xffff  }
0x5c6: {  	v10 =	vadd.f32 v10, v35;
	v16 =	vadd.f32 v38, v16;
	v63 =	vld.idx.msk [tilespmem:v18+s8+$0x0], $0xffff  }
0x5c7: {  	v9 =	vsub.f32 v9, v19;
	v19 =	vsub.f32 v22, v27;
	v12 =	vmul.f32 v12, v31;
	v18 =	vld.idx.msk [tilespmem:v18+s10+$0x0], $0xffff;
	_ =	swait.ge [sflag:s16], $0x4000  }
0x5c8: {  	v22 =	vcvt.s32.f32 v30;
	v5 =	vadd.f32 v5, v16;
	v16 =	vmul.f32 v29, v62;
	[sflag:s16] =	ssyncset.done $0x0  }
0x5c9: {  	v4 =	vadd.f32 v4, v10;
	v12 =	vadd.f32 v12, v20;
	v20 =	vmul.f32 v24, v24;
	[sflag:s16] =	ssyncadd.s32 $0xFFFFC000  }
0x5ca: {  	v3 =	vsub.f32 v3, v22;
	v8 =	vmul.f32 v8, v47;
	v10 =	vadd.f32 v16, v46;
	_ =	swait.ge [sflag:s17], $0x4000  }
0x5cb: {  	v9 =	vmul.f32 v9, v9;
	v5 =	vadd.f32 v12, v5;
	v4 =	vadd.f32 v20, v4;
	[sflag:s17] =	ssyncset.done $0x0  }
0x5cc: {  	v14 =	vsub.f32 v14, v41;
	v8 =	vadd.f32 v8, v21;
	v12 =	vmul.f32 v32, v61;
	[sflag:s17] =	ssyncadd.s32 $0xFFFFC000  }
0x5cd: {  	v3 =	vmul.f32 v3, v3;
	v5 =	vadd.f32 v10, v5;
	v4 =	vadd.f32 v9, v4;
	[tilespmem:s2], [sflag:$0x1] =	stream.linear.gather [hbm4b:s25+s2], $0x4000, $0x38;
	[tilespmem:$0x10200] =	vst v63  }
0x5ce: {  	s20 =	simm.s32 $0x4040;
	v10 =	vcvt.s32.f32 v36;
	v9 =	vmul.f32 v19, v28;
	v12 =	vadd.f32 v12, v25  }
0x5cf: {  	v5 =	vadd.f32 v8, v5;
	v8 =	vmul.f32 v14, v14;
	v3 =	vadd.f32 v3, v4;
	[tilespmem:s11], [sflag:$0x3] =	stream.linear.gather [hbm4b:s26+s2], $0x4000, $0x38;
	[tilespmem:$0x10200] =	vst v63  }
0x5d0: {  	s19 =	simm.s32 $0xC040;
	v7 =	vmul.f32 v7, v18;
	v9 =	vadd.f32 v9, v33;
	v1 =	vsub.f32 v1, v10;
	v4 =	vld [tilespmem:s20+$0x30]  }
0x5d1: {  	v2 =	vmul.f32 v2, v2;
	v5 =	vadd.f32 v12, v5;
	v3 =	vadd.f32 v8, v3;
	v14 =	vld [tilespmem:s19+$0x20]  }
0x5d2: {  	v10 =	vsub.f32 v11, v13;
	v7 =	vadd.f32 v7, v63;
	v8 =	vmul.f32 v15, v48;
	v16 =	vld [tilespmem:s20+$0xFFFFFFF0]  }
0x5d3: {  	v1 =	vmul.f32 v1, v1;
	v29 =	vld [tilespmem:s19+$0xFFFFFFF0];
	v5 =	vadd.f32 v9, v5;
	v2 =	vadd.f32 v2, v3  }
0x5d4: {  	v6 =	vmul.f32 v6, v17;
	v31 =	vld [tilespmem:s19+$0xFFFFFFD0];
	v8 =	vadd.f32 v8, v26  }
0x5d5: {  	v10 =	vmul.f32 v10, v10;
	v26 =	vld [tilespmem:s20+$0x20];
	v5 =	vadd.f32 v7, v5;
	v1 =	vadd.f32 v1, v2  }
0x5d6: {  	v0 =	vmul.f32 v0, v0;
	v6 =	vadd.f32 v6, v23;
	v9 =	vld [tilespmem:s19+$0x30]  }
0x5d7: {  	v11 =	vmax.f32 v4, $0.0e+00;
	v5 =	vadd.f32 v8, v5;
	v1 =	vadd.f32 v10, v1  }
0x5d8: {  	v20 =	vshll.u32 v14, $0x3;
	v23 =	vmax.f32 v16, $0.0e+00;
	v14 =	vcvt.s32.f32 v14  }
0x5d9: {  	v49 =	vshll.u32 v29, $0x3;
	v53 =	vshll.u32 v31, $0x3;
	v29 =	vcvt.s32.f32 v29  }
0x5da: {  	v7 =	vld [tilespmem:s19+$0x0];
	v2 =	vmin.f32 v11, $7.000000000e+00;
	v23 =	vmin.f32 v23, $7.000000000e+00;
	v48 =	vmax.f32 v26, $0.0e+00  }
0x5db: {  	v8 =	vld [tilespmem:s20+$0x0];
	v12 =	vtrunc.f32 v2;
	v13 =	vadd.f32 v6, v5;
	v5 =	vcvt.s32.f32 v9  }
0x5dc: {  	v11 =	vld [tilespmem:s20+$0x10];
	v0 =	vadd.f32 v0, v1;
	v1 =	vshll.u32 v9, $0x3;
	v28 =	vtrunc.f32 v23  }
0x5dd: {  	v55 =	vld [tilespmem:s19+$0x10];
	v32 =	vmin.f32 v48, $7.000000000e+00;
	v16 =	vsub.f32 v16, v29;
	v10 =	vcvt.f32.s32 v12  }
0x5de: {  	v3 =	vld [tilespmem:s19+$0xFFFFFFC0];
	v28 =	vcvt.f32.s32 v28;
	v51 =	vtrunc.f32 v32;
	v4 =	vsub.f32 v4, v5  }
0x5df: {  	v6 =	vld [tilespmem:s20+$0xFFFFFFE0];
	v5 =	vcvt.s32.f32 v7;
	v7 =	vshll.u32 v7, $0x3;
	v16 =	vmul.f32 v16, v16  }
0x5e0: {  	v12 =	vld [tilespmem:s20+$0xFFFFFFC0];
	v9 =	vcvt.s32.f32 v10;
	v1 =	vadd.s32 v10, v1;
	v22 =	vmax.f32 v8, $0.0e+00  }
0x5e1: {  	v33 =	vadd.s32 v28, v49;
	v28 =	vcvt.s32.f32 v28;
	v15 =	vmax.f32 v11, $0.0e+00  }
0x5e2: {  	v22 =	vmin.f32 v22, $7.000000000e+00;
	v5 =	vsub.f32 v8, v5;
	v8 =	vcvt.s32.f32 v31  }
0x5e3: {  	v31 =	vcvt.s32.f32 v55;
	v4 =	vmul.f32 v4, v4;
	v10 =	vmin.f32 v15, $7.000000000e+00  }
0x5e4: {  	v9 =	vsub.f32 v2, v9;
	v15 =	vcvt.s32.f32 v3;
	v19 =	vmax.f32 v6, $0.0e+00  }
0x5e5: {  	v30 =	vtrunc.f32 v22;
	v17 =	vtrunc.f32 v10;
	v18 =	vmax.f32 v12, $0.0e+00  }
0x5e6: {  	s21 =	simm.s32 $0x40C0;
	v2 =	vld [tilespmem:s20+$0xFFFFFFD0];
	v19 =	vmin.f32 v19, $7.000000000e+00;
	v17 =	vcvt.f32.s32 v17;
	v18 =	vmin.f32 v18, $7.000000000e+00  }
0x5e7: {  	v23 =	vsub.f32 v23, v28;
	v28 =	vld [tilespmem:s21+$0x30];
	v27 =	vtrunc.f32 v19;
	v21 =	vtrunc.f32 v18  }
0x5e8: {  	v12 =	vsub.f32 v12, v15;
	v52 =	vld.idx.msk [tilespmem:v1+s10+$0x0], $0xffff;
	v15 =	vcvt.f32.s32 v21;
	v21 =	vcvt.f32.s32 v30  }
0x5e9: {  	v3 =	vshll.u32 v3, $0x3;
	v27 =	vcvt.f32.s32 v27;
	v58 =	vld.idx.msk [tilespmem:v1+s8+$0x0], $0xffff;
	v24 =	vcvt.s32.f32 v17  }
0x5ea: {  	v30 =	vld [tilespmem:s19+$0xFFFFFFE0];
	s19 =	simm.s32 $0xC0C0;
	v7 =	vadd.s32 v21, v7;
	v54 =	vadd.s32 v15, v3;
	v3 =	vcvt.f32.s32 v51  }
0x5eb: {  	v1 =	vcvt.s32.f32 v27;
	v48 =	vld [tilespmem:s19+$0x20];
	v21 =	vcvt.s32.f32 v21  }
0x5ec: {  	v25 =	vmax.f32 v2, $0.0e+00;
	v57 =	vcvt.s32.f32 v3;
	v20 =	vadd.s32 v3, v20;
	v3 =	vld [tilespmem:s19+$0x30]  }
0x5ed: {  	v19 =	vsub.f32 v19, v1;
	v1 =	vshll.u32 v55, $0x3;
	v21 =	vsub.f32 v22, v21;
	v22 =	vld.idx.msk [tilespmem:v33+s10+$0x0], $0xffff  }
0x5ee: {  	v12 =	vmul.f32 v12, v12;
	v25 =	vmin.f32 v25, $7.000000000e+00;
	v17 =	vadd.s32 v17, v1;
	v33 =	vld.idx.msk [tilespmem:v33+s8+$0x0], $0xffff  }
0x5ef: {  	v10 =	vsub.f32 v10, v24;
	v24 =	vtrunc.f32 v25;
	v1 =	vcvt.s32.f32 v30;
	v59 =	vld.idx.msk [tilespmem:v7+s8+$0x0], $0xffff  }
0x5f0: {  	v8 =	vsub.f32 v2, v8;
	v0 =	vadd.f32 v12, v0;
	v24 =	vcvt.f32.s32 v24;
	v7 =	vld.idx.msk [tilespmem:v7+s10+$0x0], $0xffff  }
0x5f1: {  	v15 =	vcvt.s32.f32 v15;
	v1 =	vsub.f32 v6, v1;
	v6 =	vsub.f32 v11, v31;
	v31 =	vld [tilespmem:s19+$0x0]  }
0x5f2: {  	v12 =	vsub.f32 v26, v14;
	v50 =	vcvt.s32.f32 v24;
	v24 =	vadd.s32 v24, v53;
	v38 =	vld.idx.msk [tilespmem:v54+s8+$0x0], $0xffff  }
0x5f3: {  	v8 =	vmul.f32 v8, v8;
	v15 =	vsub.f32 v18, v15;
	v9 =	vmul.f32 v9, v52;
	v62 =	vld.idx.msk [tilespmem:v17+s10+$0x0], $0xffff  }
0x5f4: {  	v56 =	vshll.u32 v30, $0x3;
	v11 =	vmax.f32 v28, $0.0e+00;
	v23 =	vmul.f32 v23, v22;
	v22 =	vld.idx.msk [tilespmem:v54+s10+$0x0], $0xffff  }
0x5f5: {  	v27 =	vadd.s32 v27, v56;
	v60 =	vsub.f32 v32, v57;
	v11 =	vmin.f32 v11, $7.000000000e+00;
	v51 =	vld.idx.msk [tilespmem:v20+s10+$0x0], $0xffff  }
0x5f6: {  	v25 =	vsub.f32 v25, v50;
	v18 =	vcvt.s32.f32 v3;
	v26 =	vtrunc.f32 v11;
	v54 =	vld [tilespmem:s19+$0xFFFFFFF0]  }
0x5f7: {  	v61 =	vshll.u32 v3, $0x3;
	v3 =	vadd.f32 v8, v0;
	v63 =	vmul.f32 v6, v6;
	v30 =	vld.idx.msk [tilespmem:v24+s8+$0x0], $0xffff  }
0x5f8: {  	v14 =	vld.idx.msk [tilespmem:v24+s10+$0x0], $0xffff;
	v24 =	vmul.f32 v1, v1;
	v0 =	vsub.f32 v28, v18;
	v18 =	vcvt.f32.s32 v26  }
0x5f9: {  	v1 =	vld [tilespmem:s21+$0x10];
	v26 =	vshll.u32 v48, $0x3;
	v23 =	vadd.f32 v23, v33;
	v7 =	vmul.f32 v21, v7  }
0x5fa: {  	v20 =	vld.idx.msk [tilespmem:v20+s8+$0x0], $0xffff;
	v8 =	vcvt.s32.f32 v31;
	v21 =	vadd.f32 v24, v3;
	v24 =	vmul.f32 v5, v5  }
0x5fb: {  	v29 =	vld [tilespmem:s19+$0xFFFFFFC0];
	v5 =	vadd.f32 v9, v58;
	v41 =	vadd.s32 v18, v61;
	v9 =	vcvt.s32.f32 v18  }
0x5fc: {  	v17 =	vld.idx.msk [tilespmem:v17+s8+$0x0], $0xffff;
	v39 =	vadd.f32 v7, v59;
	v15 =	vmul.f32 v15, v22;
	v56 =	vmul.f32 v60, v51  }
0x5fd: {  	v28 =	vld [tilespmem:s21+$0xFFFFFFC0];
	v59 =	vshll.u32 v54, $0x3;
	v21 =	vadd.f32 v16, v21;
	v7 =	vmul.f32 v25, v14  }
0x5fe: {  	v3 =	vld [tilespmem:s21+$0xFFFFFFE0];
	v6 =	vmax.f32 v1, $0.0e+00;
	v14 =	vmul.f32 v10, v62;
	v10 =	vmul.f32 v12, v12  }
0x5ff: {  	v25 =	vld.idx.msk [tilespmem:v27+s10+$0x0], $0xffff;
	v15 =	vadd.f32 v15, v38;
	v38 =	vadd.f32 v56, v20;
	v49 =	vmin.f32 v6, $7.000000000e+00  }
0x600: {  	v2 =	vld [tilespmem:s21+$0x0];
	v6 =	vsub.f32 v11, v9;
	v11 =	vcvt.s32.f32 v29;
	v29 =	vshll.u32 v29, $0x3  }
0x601: {  	v50 =	vadd.f32 v24, v21;
	v12 =	vtrunc.f32 v49;
	v16 =	vadd.f32 v14, v17;
	v14 =	vld [tilespmem:s21+$0xFFFFFFF0]  }
0x602: {  	v17 =	vmax.f32 v28, $0.0e+00;
	v30 =	vadd.f32 v7, v30;
	v15 =	vadd.f32 v15, v13  }
0x603: {  	v9 =	vld [tilespmem:s21+$0xFFFFFFD0];
	v18 =	vcvt.f32.s32 v12;
	v12 =	vmin.f32 v17, $7.000000000e+00;
	v17 =	vmax.f32 v3, $0.0e+00  }
0x604: {  	v13 =	vcvt.s32.f32 v48;
	v21 =	vmin.f32 v17, $7.000000000e+00;
	v17 =	vmul.f32 v19, v25  }
0x605: {  	v27 =	vld.idx.msk [tilespmem:v27+s8+$0x0], $0xffff;
	v15 =	vadd.f32 v30, v15;
	v25 =	vtrunc.f32 v12;
	v24 =	vcvt.s32.f32 v18  }
0x606: {  	v19 =	vmax.f32 v2, $0.0e+00;
	v53 =	vtrunc.f32 v21;
	v7 =	vmax.f32 v14, $0.0e+00  }
0x607: {  	v32 =	vmin.f32 v7, $7.000000000e+00;
	v7 =	vsub.f32 v49, v24;
	v24 =	vsub.f32 v28, v11;
	v11 =	vld [tilespmem:s21+$0x20]  }
0x608: {  	v52 =	vmax.f32 v9, $0.0e+00;
	v22 =	vmin.f32 v19, $7.000000000e+00;
	v44 =	vcvt.f32.s32 v53  }
0x609: {  	v25 =	vcvt.f32.s32 v25;
	v55 =	vmin.f32 v52, $7.000000000e+00;
	v57 =	vtrunc.f32 v22  }
0x60a: {  	v17 =	vadd.f32 v17, v27;
	v27 =	vshll.u32 v31, $0x3;
	v58 =	vtrunc.f32 v55  }
0x60b: {  	v19 =	vld [tilespmem:s19+$0xFFFFFFD0];
	v34 =	vcvt.f32.s32 v57;
	v31 =	vadd.s32 v25, v29;
	v37 =	vcvt.s32.f32 v25  }
0x60c: {  	v30 =	vld [tilespmem:s19+$0xFFFFFFE0];
	v43 =	vcvt.s32.f32 v44;
	v28 =	vtrunc.f32 v32;
	v29 =	vmax.f32 v11, $0.0e+00  }
0x60d: {  	v33 =	vcvt.f32.s32 v58;
	v15 =	vadd.f32 v17, v15;
	v62 =	vmin.f32 v29, $7.000000000e+00  }
0x60e: {  	v36 =	vld [tilespmem:s19+$0x10];
	v61 =	vcvt.f32.s32 v28;
	v28 =	vadd.s32 v34, v27;
	v29 =	vtrunc.f32 v62  }
0x60f: {  	v35 =	vadd.f32 v63, v50;
	v17 =	vld.idx.msk [tilespmem:v41+s10+$0x0], $0xffff;
	v27 =	vcvt.s32.f32 v33;
	v40 =	vcvt.f32.s32 v29  }
0x610: {  	v60 =	vshll.u32 v19, $0x3;
	v15 =	vadd.f32 v23, v15;
	v23 =	vld.idx.msk [tilespmem:v41+s8+$0x0], $0xffff;
	v41 =	vcvt.s32.f32 v54  }
0x611: {  	v29 =	vsub.f32 v55, v27;
	v27 =	vshll.u32 v30, $0x3;
	v63 =	vcvt.s32.f32 v40  }
0x612: {  	v25 =	vadd.s32 v61, v59;
	v42 =	vcvt.s32.f32 v61;
	v20 =	vld.idx.msk [tilespmem:v31+s8+$0x0], $0xffff;
	v27 =	vadd.s32 v44, v27  }
0x613: {  	s20 =	simm.s32 $0x4140;
	s19 =	simm.s32 $0x8;
	s21 =	simm.s32 $0xC140;
	v44 =	vadd.f32 v39, v15;
	v39 =	vadd.s32 v33, v60;
	v33 =	vld.idx.msk [tilespmem:v28+s8+$0x0], $0xffff;
	v15 =	vsub.f32 v62, v63  }
.LBB2_24:
0x614: {  	s19 =	sadd.s32 $0x8, s19;
	v32 =	vsub.f32 v32, v42;
	v42 =	vld.idx.msk [tilespmem:v28+s10+$0x0], $0xffff;
	v8 =	vsub.f32 v2, v8;
	v28 =	vadd.s32 v40, v26  }
0x615: {  	v40 =	vsub.f32 v21, v43;
	v2 =	vadd.f32 v16, v44;
	v26 =	vld [tilespmem:s21+$0x30];
	p0 =	slt.u32 s19, $0x3F8;
	v21 =	vshll.u32 v36, $0x3  }
0x616: {  	v19 =	vcvt.s32.f32 v19;
	v34 =	vcvt.s32.f32 v34;
	v14 =	vsub.f32 v14, v41;
	v16 =	vld [tilespmem:s20+$0x30]  }
0x617: {  	v10 =	vadd.f32 v10, v35;
	v36 =	vcvt.s32.f32 v36;
	v38 =	vadd.f32 v38, v2;
	v41 =	vld [tilespmem:s21+$0xFFFFFFC0]  }
0x618: {  	v9 =	vsub.f32 v9, v19;
	v19 =	vsub.f32 v22, v34;
	v18 =	vadd.s32 v18, v21;
	v2 =	vld [tilespmem:s20+$0x0]  }
0x619: {  	v21 =	vmul.f32 v24, v24;
	v22 =	vcvt.s32.f32 v30;
	v30 =	vadd.f32 v5, v38;
	v24 =	vld.idx.msk [tilespmem:v25+s10+$0x0], $0xffff  }
0x61a: {  	v34 =	vsub.f32 v12, v37;
	v4 =	vadd.f32 v4, v10;
	v5 =	vmul.f32 v6, v17;
	v35 =	vld.idx.msk [tilespmem:v39+s8+$0x0], $0xffff  }
0x61b: {  	v6 =	vmul.f32 v9, v9;
	v3 =	vsub.f32 v3, v22;
	v9 =	vsub.f32 v1, v36;
	v37 =	vld [tilespmem:s21+$0x0]  }
0x61c: {  	v11 =	vsub.f32 v11, v13;
	v4 =	vadd.f32 v21, v4;
	v1 =	vmax.f32 v16, $0.0e+00;
	v10 =	vld.idx.msk [tilespmem:v39+s10+$0x0], $0xffff  }
0x61d: {  	v13 =	vcvt.s32.f32 v26;
	v3 =	vmul.f32 v3, v3;
	v12 =	vmin.f32 v1, $7.000000000e+00;
	v17 =	vld.idx.msk [tilespmem:v18+s8+$0x0], $0xffff  }
0x61e: {  	v22 =	vshll.u32 v26, $0x3;
	v4 =	vadd.f32 v6, v4;
	v21 =	vtrunc.f32 v12;
	v6 =	vld.idx.msk [tilespmem:v18+s10+$0x0], $0xffff  }
0x61f: {  	v14 =	vmul.f32 v14, v14;
	v13 =	vsub.f32 v16, v13;
	v16 =	vmul.f32 v19, v42;
	v1 =	vld [tilespmem:s20+$0x10]  }
0x620: {  	v19 =	vadd.f32 v3, v4;
	v18 =	vcvt.f32.s32 v21;
	v21 =	vmul.f32 v8, v8;
	v31 =	vld.idx.msk [tilespmem:v31+s10+$0x0], $0xffff  }
0x621: {  	v5 =	vadd.f32 v5, v23;
	v4 =	vmul.f32 v0, v0;
	v33 =	vadd.f32 v16, v33;
	v0 =	vmovc v13;
	v36 =	vld [tilespmem:s20+$0xFFFFFFC0]  }
0x622: {  	v8 =	vcvt.s32.f32 v37;
	v23 =	vadd.s32 v18, v22;
	v13 =	vmul.f32 v29, v10;
	v3 =	vld [tilespmem:s20+$0xFFFFFFE0]  }
0x623: {  	v26 =	vadd.f32 v14, v19;
	v10 =	vcvt.s32.f32 v18;
	v29 =	vmul.f32 v9, v9;
	v22 =	vld.idx.msk [tilespmem:v27+s10+$0x0], $0xffff  }
0x624: {  	v39 =	vmul.f32 v32, v24;
	v7 =	vmul.f32 v7, v6;
	v9 =	vmax.f32 v1, $0.0e+00;
	v38 =	vld [tilespmem:s21+$0x20]  }
0x625: {  	v6 =	vsub.f32 v12, v10;
	v10 =	vmul.f32 v11, v11;
	v19 =	vld [tilespmem:s21+$0xFFFFFFD0];
	v24 =	vmin.f32 v9, $7.000000000e+00  }
0x626: {  	v11 =	vcvt.s32.f32 v41;
	v16 =	vadd.f32 v7, v17;
	v9 =	vld [tilespmem:s20+$0xFFFFFFD0];
	v12 =	vtrunc.f32 v24  }
0x627: {  	v41 =	vshll.u32 v41, $0x3;
	v7 =	vmax.f32 v36, $0.0e+00;
	v14 =	vld [tilespmem:s20+$0xFFFFFFF0];
	v18 =	vcvt.f32.s32 v12  }
0x628: {  	v42 =	vadd.f32 v21, v26;
	v12 =	vmin.f32 v7, $7.000000000e+00;
	v7 =	vmax.f32 v3, $0.0e+00;
	v43 =	vld.idx.msk [tilespmem:v28+s10+$0x0], $0xffff  }
0x629: {  	v21 =	vmin.f32 v7, $7.000000000e+00;
	v40 =	vmul.f32 v40, v22;
	v26 =	vshll.u32 v38, $0x3;
	v17 =	vld.idx.msk [tilespmem:v23+s10+$0x0], $0xffff  }
0x62a: {  	v44 =	vtrunc.f32 v12;
	v7 =	vmax.f32 v2, $0.0e+00;
	v45 =	vcvt.s32.f32 v18;
	v25 =	vld.idx.msk [tilespmem:v25+s8+$0x0], $0xffff  }
0x62b: {  	v31 =	vmul.f32 v34, v31;
	v34 =	vadd.f32 v13, v35;
	v46 =	vmax.f32 v9, $0.0e+00;
	v27 =	vld.idx.msk [tilespmem:v27+s8+$0x0], $0xffff  }
0x62c: {  	v13 =	vtrunc.f32 v21;
	v22 =	vmin.f32 v7, $7.000000000e+00;
	v47 =	vld [tilespmem:s21+$0xFFFFFFF0];
	v32 =	vmax.f32 v14, $0.0e+00  }
0x62d: {  	v20 =	vadd.f32 v31, v20;
	v7 =	vsub.f32 v24, v45;
	v32 =	vmin.f32 v32, $7.000000000e+00  }
0x62e: {  	v24 =	vsub.f32 v36, v11;
	v36 =	vmin.f32 v46, $7.000000000e+00;
	v15 =	vmul.f32 v15, v43  }
0x62f: {  	v20 =	vadd.f32 v20, v30;
	v31 =	vtrunc.f32 v22;
	v43 =	vtrunc.f32 v32;
	v11 =	vld [tilespmem:s20+$0x20]  }
0x630: {  	v45 =	vcvt.f32.s32 v13;
	v13 =	vcvt.s32.f32 v38;
	v38 =	vadd.f32 v39, v25  }
0x631: {  	v20 =	vadd.f32 v34, v20;
	v25 =	vtrunc.f32 v36;
	v39 =	vshll.u32 v47, $0x3  }
0x632: {  	v44 =	vcvt.f32.s32 v44;
	v46 =	vcvt.f32.s32 v25;
	v25 =	vadd.f32 v40, v27;
	v30 =	vld [tilespmem:s21+$0xFFFFFFE0]  }
0x633: {  	v48 =	vshll.u32 v19, $0x3;
	v34 =	vcvt.f32.s32 v31;
	v27 =	vshll.u32 v37, $0x3;
	v49 =	vld.idx.msk [tilespmem:v28+s8+$0x0], $0xffff  }
0x634: {  	v35 =	vadd.f32 v29, v42;
	v31 =	vadd.s32 v44, v41;
	v37 =	vmax.f32 v11, $0.0e+00  }
0x635: {  	v41 =	vcvt.f32.s32 v43;
	v28 =	vadd.s32 v34, v27;
	v50 =	vmin.f32 v37, $7.000000000e+00  }
0x636: {  	v20 =	vadd.f32 v25, v20;
	v27 =	vcvt.s32.f32 v46;
	v29 =	vtrunc.f32 v50  }
.Ltmp11:
0x637: {  	v25 =	vadd.s32 v41, v39;
	v37 =	vcvt.s32.f32 v44;
	v40 =	vcvt.f32.s32 v29;
	(pc) =	sbr.rel @p0 .LBB2_24-.Ltmp11, $4  }
0x638: {  	v39 =	vadd.f32 v38, v20;
	v29 =	vsub.f32 v36, v27;
	v27 =	vshll.u32 v30, $0x3;
	v36 =	vld [tilespmem:s21+$0x10]  }
0x639: {  	v42 =	vcvt.s32.f32 v41;
	v38 =	vadd.f32 v15, v49;
	v51 =	vcvt.s32.f32 v40;
	v23 =	vld.idx.msk [tilespmem:v23+s8+$0x0], $0xffff  }
0x63a: {  	v43 =	vcvt.s32.f32 v45;
	v44 =	vadd.f32 v33, v39;
	v27 =	vadd.s32 v45, v27;
	v20 =	vld.idx.msk [tilespmem:v31+s8+$0x0], $0xffff  }
0x63b: {  	s20 =	sadd.s32 $0x80, s20;
	v41 =	vcvt.s32.f32 v47;
	v39 =	vadd.s32 v46, v48;
	s21 =	sadd.s32 $0x80, s21;
	v33 =	vld.idx.msk [tilespmem:v28+s8+$0x0], $0xffff;
	v15 =	vsub.f32 v50, v51  }
0x63c: {  	_ =	sdelay $0x3  }
0x63d: {  	v28 =	vld.idx.msk [tilespmem:v28+s10+$0x0], $0xffff  }
0x63e: {  	v61 =	vld.idx.msk [tilespmem:v25+s10+$0x0], $0xffff  }
0x63f: {  	v46 =	vld.idx.msk [tilespmem:v39+s8+$0x0], $0xffff  }
0x640: {  	v26 =	vadd.s32 v40, v26;
	v62 =	vld.idx.msk [tilespmem:v39+s10+$0x0], $0xffff  }
0x641: {  	v31 =	vld.idx.msk [tilespmem:v31+s10+$0x0], $0xffff;
	v45 =	vshll.u32 v36, $0x3  }
0x642: {  	v47 =	vld.idx.msk [tilespmem:v27+s10+$0x0], $0xffff;
	v18 =	vadd.s32 v18, v45  }
0x643: {  	v25 =	vld.idx.msk [tilespmem:v25+s8+$0x0], $0xffff  }
0x644: {  	v2 =	vsub.f32 v2, v8;
	v8 =	vsub.f32 v21, v43;
	v21 =	vld.idx.msk [tilespmem:v27+s8+$0x0], $0xffff  }
0x645: {  	v32 =	vsub.f32 v32, v42;
	v16 =	vadd.f32 v16, v44;
	v48 =	vld.idx.msk [tilespmem:v26+s10+$0x0], $0xffff  }
0x646: {  	v12 =	vsub.f32 v12, v37;
	v19 =	vcvt.s32.f32 v19;
	v27 =	vcvt.s32.f32 v34;
	v26 =	vld.idx.msk [tilespmem:v26+s8+$0x0], $0xffff  }
0x647: {  	v10 =	vadd.f32 v10, v35;
	v16 =	vadd.f32 v38, v16;
	v63 =	vld.idx.msk [tilespmem:v18+s8+$0x0], $0xffff  }
0x648: {  	v9 =	vsub.f32 v9, v19;
	v19 =	vsub.f32 v22, v27;
	v12 =	vmul.f32 v12, v31;
	v18 =	vld.idx.msk [tilespmem:v18+s10+$0x0], $0xffff;
	_ =	swait.ge [sflag:s12], $0x4000  }
0x649: {  	v22 =	vcvt.s32.f32 v30;
	v5 =	vadd.f32 v5, v16;
	v16 =	vmul.f32 v29, v62;
	[sflag:s12] =	ssyncset.done $0x0  }
0x64a: {  	v4 =	vadd.f32 v4, v10;
	v12 =	vadd.f32 v12, v20;
	v20 =	vmul.f32 v24, v24;
	[sflag:s12] =	ssyncadd.s32 $0xFFFFC000  }
0x64b: {  	v3 =	vsub.f32 v3, v22;
	v8 =	vmul.f32 v8, v47;
	v10 =	vadd.f32 v16, v46;
	_ =	swait.ge [sflag:s13], $0x4000  }
0x64c: {  	v9 =	vmul.f32 v9, v9;
	v5 =	vadd.f32 v12, v5;
	v4 =	vadd.f32 v20, v4;
	[sflag:s13] =	ssyncset.done $0x0  }
0x64d: {  	v14 =	vsub.f32 v14, v41;
	v8 =	vadd.f32 v8, v21;
	v12 =	vmul.f32 v32, v61;
	[sflag:s13] =	ssyncadd.s32 $0xFFFFC000  }
0x64e: {  	v3 =	vmul.f32 v3, v3;
	v5 =	vadd.f32 v10, v5;
	v4 =	vadd.f32 v9, v4;
	[tilespmem:s14], [sflag:$0x2] =	stream.linear.gather [hbm4b:s28+s2], $0x4000, $0x38;
	[tilespmem:$0x10200] =	vst v63  }
0x64f: {  	s20 =	simm.s32 $0x40;
	v10 =	vcvt.s32.f32 v36;
	v9 =	vmul.f32 v19, v28;
	v12 =	vadd.f32 v12, v25  }
0x650: {  	v5 =	vadd.f32 v8, v5;
	v8 =	vmul.f32 v14, v14;
	v3 =	vadd.f32 v3, v4;
	[tilespmem:s15], [sflag:$0x4] =	stream.linear.gather [hbm4b:s29+s2], $0x4000, $0x38;
	[tilespmem:$0x10200] =	vst v63  }
0x651: {  	s19 =	simm.s32 $0x8040;
	v7 =	vmul.f32 v7, v18;
	v9 =	vadd.f32 v9, v33;
	v1 =	vsub.f32 v1, v10;
	v4 =	vld [tilespmem:s20+$0x30]  }
0x652: {  	v2 =	vmul.f32 v2, v2;
	v5 =	vadd.f32 v12, v5;
	v3 =	vadd.f32 v8, v3;
	v14 =	vld [tilespmem:s19+$0x20]  }
0x653: {  	v10 =	vsub.f32 v11, v13;
	v7 =	vadd.f32 v7, v63;
	v8 =	vmul.f32 v15, v48;
	v16 =	vld [tilespmem:s20+$0xFFFFFFF0]  }
0x654: {  	v1 =	vmul.f32 v1, v1;
	v29 =	vld [tilespmem:s19+$0xFFFFFFF0];
	v5 =	vadd.f32 v9, v5;
	v2 =	vadd.f32 v2, v3  }
0x655: {  	v6 =	vmul.f32 v6, v17;
	v31 =	vld [tilespmem:s19+$0xFFFFFFD0];
	v8 =	vadd.f32 v8, v26  }
0x656: {  	v10 =	vmul.f32 v10, v10;
	v26 =	vld [tilespmem:s20+$0x20];
	v5 =	vadd.f32 v7, v5;
	v1 =	vadd.f32 v1, v2  }
0x657: {  	v0 =	vmul.f32 v0, v0;
	v6 =	vadd.f32 v6, v23;
	v9 =	vld [tilespmem:s19+$0x30]  }
0x658: {  	v11 =	vmax.f32 v4, $0.0e+00;
	v5 =	vadd.f32 v8, v5;
	v1 =	vadd.f32 v10, v1  }
0x659: {  	v20 =	vshll.u32 v14, $0x3;
	v23 =	vmax.f32 v16, $0.0e+00;
	v14 =	vcvt.s32.f32 v14  }
0x65a: {  	v49 =	vshll.u32 v29, $0x3;
	v53 =	vshll.u32 v31, $0x3;
	v29 =	vcvt.s32.f32 v29  }
0x65b: {  	v7 =	vld [tilespmem:s19+$0x0];
	v2 =	vmin.f32 v11, $7.000000000e+00;
	v23 =	vmin.f32 v23, $7.000000000e+00;
	v48 =	vmax.f32 v26, $0.0e+00  }
0x65c: {  	v8 =	vld [tilespmem:s20+$0x0];
	v12 =	vtrunc.f32 v2;
	v13 =	vadd.f32 v6, v5;
	v5 =	vcvt.s32.f32 v9  }
0x65d: {  	v11 =	vld [tilespmem:s20+$0x10];
	v0 =	vadd.f32 v0, v1;
	v1 =	vshll.u32 v9, $0x3;
	v28 =	vtrunc.f32 v23  }
0x65e: {  	v55 =	vld [tilespmem:s19+$0x10];
	v32 =	vmin.f32 v48, $7.000000000e+00;
	v16 =	vsub.f32 v16, v29;
	v10 =	vcvt.f32.s32 v12  }
0x65f: {  	v3 =	vld [tilespmem:s19+$0xFFFFFFC0];
	v28 =	vcvt.f32.s32 v28;
	v51 =	vtrunc.f32 v32;
	v4 =	vsub.f32 v4, v5  }
0x660: {  	v6 =	vld [tilespmem:s20+$0xFFFFFFE0];
	v5 =	vcvt.s32.f32 v7;
	v7 =	vshll.u32 v7, $0x3;
	v16 =	vmul.f32 v16, v16  }
0x661: {  	v12 =	vld [tilespmem:s20+$0xFFFFFFC0];
	v9 =	vcvt.s32.f32 v10;
	v1 =	vadd.s32 v10, v1;
	v22 =	vmax.f32 v8, $0.0e+00  }
0x662: {  	v33 =	vadd.s32 v28, v49;
	v28 =	vcvt.s32.f32 v28;
	v15 =	vmax.f32 v11, $0.0e+00  }
0x663: {  	v22 =	vmin.f32 v22, $7.000000000e+00;
	v5 =	vsub.f32 v8, v5;
	v8 =	vcvt.s32.f32 v31  }
0x664: {  	v31 =	vcvt.s32.f32 v55;
	v4 =	vmul.f32 v4, v4;
	v10 =	vmin.f32 v15, $7.000000000e+00  }
0x665: {  	v9 =	vsub.f32 v2, v9;
	v15 =	vcvt.s32.f32 v3;
	v19 =	vmax.f32 v6, $0.0e+00  }
0x666: {  	v30 =	vtrunc.f32 v22;
	v17 =	vtrunc.f32 v10;
	v18 =	vmax.f32 v12, $0.0e+00  }
0x667: {  	s21 =	simm.s32 $0xC0;
	v2 =	vld [tilespmem:s20+$0xFFFFFFD0];
	v19 =	vmin.f32 v19, $7.000000000e+00;
	v17 =	vcvt.f32.s32 v17;
	v18 =	vmin.f32 v18, $7.000000000e+00  }
0x668: {  	v23 =	vsub.f32 v23, v28;
	v28 =	vld [tilespmem:s21+$0x30];
	v27 =	vtrunc.f32 v19;
	v21 =	vtrunc.f32 v18  }
0x669: {  	v12 =	vsub.f32 v12, v15;
	v52 =	vld.idx.msk [tilespmem:v1+s10+$0x0], $0xffff;
	v15 =	vcvt.f32.s32 v21;
	v21 =	vcvt.f32.s32 v30  }
0x66a: {  	v3 =	vshll.u32 v3, $0x3;
	v27 =	vcvt.f32.s32 v27;
	v58 =	vld.idx.msk [tilespmem:v1+s8+$0x0], $0xffff;
	v24 =	vcvt.s32.f32 v17  }
0x66b: {  	v30 =	vld [tilespmem:s19+$0xFFFFFFE0];
	s19 =	simm.s32 $0x80C0;
	v7 =	vadd.s32 v21, v7;
	v54 =	vadd.s32 v15, v3;
	v3 =	vcvt.f32.s32 v51  }
0x66c: {  	v1 =	vcvt.s32.f32 v27;
	v48 =	vld [tilespmem:s19+$0x20];
	v21 =	vcvt.s32.f32 v21  }
0x66d: {  	v25 =	vmax.f32 v2, $0.0e+00;
	v57 =	vcvt.s32.f32 v3;
	v20 =	vadd.s32 v3, v20;
	v3 =	vld [tilespmem:s19+$0x30]  }
0x66e: {  	v19 =	vsub.f32 v19, v1;
	v1 =	vshll.u32 v55, $0x3;
	v21 =	vsub.f32 v22, v21;
	v22 =	vld.idx.msk [tilespmem:v33+s10+$0x0], $0xffff  }
0x66f: {  	v12 =	vmul.f32 v12, v12;
	v25 =	vmin.f32 v25, $7.000000000e+00;
	v17 =	vadd.s32 v17, v1;
	v33 =	vld.idx.msk [tilespmem:v33+s8+$0x0], $0xffff  }
0x670: {  	v10 =	vsub.f32 v10, v24;
	v24 =	vtrunc.f32 v25;
	v1 =	vcvt.s32.f32 v30;
	v59 =	vld.idx.msk [tilespmem:v7+s8+$0x0], $0xffff  }
0x671: {  	v8 =	vsub.f32 v2, v8;
	v0 =	vadd.f32 v12, v0;
	v24 =	vcvt.f32.s32 v24;
	v7 =	vld.idx.msk [tilespmem:v7+s10+$0x0], $0xffff  }
0x672: {  	v15 =	vcvt.s32.f32 v15;
	v1 =	vsub.f32 v6, v1;
	v6 =	vsub.f32 v11, v31;
	v31 =	vld [tilespmem:s19+$0x0]  }
0x673: {  	v12 =	vsub.f32 v26, v14;
	v50 =	vcvt.s32.f32 v24;
	v24 =	vadd.s32 v24, v53;
	v38 =	vld.idx.msk [tilespmem:v54+s8+$0x0], $0xffff  }
0x674: {  	v8 =	vmul.f32 v8, v8;
	v15 =	vsub.f32 v18, v15;
	v9 =	vmul.f32 v9, v52;
	v62 =	vld.idx.msk [tilespmem:v17+s10+$0x0], $0xffff  }
0x675: {  	v56 =	vshll.u32 v30, $0x3;
	v11 =	vmax.f32 v28, $0.0e+00;
	v23 =	vmul.f32 v23, v22;
	v22 =	vld.idx.msk [tilespmem:v54+s10+$0x0], $0xffff  }
0x676: {  	v27 =	vadd.s32 v27, v56;
	v60 =	vsub.f32 v32, v57;
	v11 =	vmin.f32 v11, $7.000000000e+00;
	v51 =	vld.idx.msk [tilespmem:v20+s10+$0x0], $0xffff  }
0x677: {  	v25 =	vsub.f32 v25, v50;
	v18 =	vcvt.s32.f32 v3;
	v26 =	vtrunc.f32 v11;
	v54 =	vld [tilespmem:s19+$0xFFFFFFF0]  }
0x678: {  	v61 =	vshll.u32 v3, $0x3;
	v3 =	vadd.f32 v8, v0;
	v63 =	vmul.f32 v6, v6;
	v30 =	vld.idx.msk [tilespmem:v24+s8+$0x0], $0xffff  }
0x679: {  	v14 =	vld.idx.msk [tilespmem:v24+s10+$0x0], $0xffff;
	v24 =	vmul.f32 v1, v1;
	v0 =	vsub.f32 v28, v18;
	v18 =	vcvt.f32.s32 v26  }
0x67a: {  	v1 =	vld [tilespmem:s21+$0x10];
	v26 =	vshll.u32 v48, $0x3;
	v23 =	vadd.f32 v23, v33;
	v7 =	vmul.f32 v21, v7  }
0x67b: {  	v20 =	vld.idx.msk [tilespmem:v20+s8+$0x0], $0xffff;
	v8 =	vcvt.s32.f32 v31;
	v21 =	vadd.f32 v24, v3;
	v24 =	vmul.f32 v5, v5  }
0x67c: {  	v29 =	vld [tilespmem:s19+$0xFFFFFFC0];
	v5 =	vadd.f32 v9, v58;
	v41 =	vadd.s32 v18, v61;
	v9 =	vcvt.s32.f32 v18  }
0x67d: {  	v17 =	vld.idx.msk [tilespmem:v17+s8+$0x0], $0xffff;
	v39 =	vadd.f32 v7, v59;
	v15 =	vmul.f32 v15, v22;
	v56 =	vmul.f32 v60, v51  }
0x67e: {  	v28 =	vld [tilespmem:s21+$0xFFFFFFC0];
	v59 =	vshll.u32 v54, $0x3;
	v21 =	vadd.f32 v16, v21;
	v7 =	vmul.f32 v25, v14  }
0x67f: {  	v3 =	vld [tilespmem:s21+$0xFFFFFFE0];
	v6 =	vmax.f32 v1, $0.0e+00;
	v14 =	vmul.f32 v10, v62;
	v10 =	vmul.f32 v12, v12  }
0x680: {  	v25 =	vld.idx.msk [tilespmem:v27+s10+$0x0], $0xffff;
	v15 =	vadd.f32 v15, v38;
	v38 =	vadd.f32 v56, v20;
	v49 =	vmin.f32 v6, $7.000000000e+00  }
0x681: {  	v2 =	vld [tilespmem:s21+$0x0];
	v6 =	vsub.f32 v11, v9;
	v11 =	vcvt.s32.f32 v29;
	v29 =	vshll.u32 v29, $0x3  }
0x682: {  	v50 =	vadd.f32 v24, v21;
	v12 =	vtrunc.f32 v49;
	v16 =	vadd.f32 v14, v17;
	v14 =	vld [tilespmem:s21+$0xFFFFFFF0]  }
0x683: {  	v17 =	vmax.f32 v28, $0.0e+00;
	v30 =	vadd.f32 v7, v30;
	v15 =	vadd.f32 v15, v13  }
0x684: {  	v9 =	vld [tilespmem:s21+$0xFFFFFFD0];
	v18 =	vcvt.f32.s32 v12;
	v12 =	vmin.f32 v17, $7.000000000e+00;
	v17 =	vmax.f32 v3, $0.0e+00  }
0x685: {  	v13 =	vcvt.s32.f32 v48;
	v21 =	vmin.f32 v17, $7.000000000e+00;
	v17 =	vmul.f32 v19, v25  }
0x686: {  	v27 =	vld.idx.msk [tilespmem:v27+s8+$0x0], $0xffff;
	v15 =	vadd.f32 v30, v15;
	v25 =	vtrunc.f32 v12;
	v24 =	vcvt.s32.f32 v18  }
0x687: {  	v19 =	vmax.f32 v2, $0.0e+00;
	v53 =	vtrunc.f32 v21;
	v7 =	vmax.f32 v14, $0.0e+00  }
0x688: {  	v32 =	vmin.f32 v7, $7.000000000e+00;
	v7 =	vsub.f32 v49, v24;
	v24 =	vsub.f32 v28, v11;
	v11 =	vld [tilespmem:s21+$0x20]  }
0x689: {  	v52 =	vmax.f32 v9, $0.0e+00;
	v22 =	vmin.f32 v19, $7.000000000e+00;
	v44 =	vcvt.f32.s32 v53  }
0x68a: {  	v25 =	vcvt.f32.s32 v25;
	v55 =	vmin.f32 v52, $7.000000000e+00;
	v57 =	vtrunc.f32 v22  }
0x68b: {  	v17 =	vadd.f32 v17, v27;
	v27 =	vshll.u32 v31, $0x3;
	v58 =	vtrunc.f32 v55  }
0x68c: {  	v19 =	vld [tilespmem:s19+$0xFFFFFFD0];
	v34 =	vcvt.f32.s32 v57;
	v31 =	vadd.s32 v25, v29;
	v37 =	vcvt.s32.f32 v25  }
0x68d: {  	v30 =	vld [tilespmem:s19+$0xFFFFFFE0];
	v43 =	vcvt.s32.f32 v44;
	v28 =	vtrunc.f32 v32;
	v29 =	vmax.f32 v11, $0.0e+00  }
0x68e: {  	v33 =	vcvt.f32.s32 v58;
	v15 =	vadd.f32 v17, v15;
	v62 =	vmin.f32 v29, $7.000000000e+00  }
0x68f: {  	v36 =	vld [tilespmem:s19+$0x10];
	v61 =	vcvt.f32.s32 v28;
	v28 =	vadd.s32 v34, v27;
	v29 =	vtrunc.f32 v62  }
0x690: {  	v35 =	vadd.f32 v63, v50;
	v17 =	vld.idx.msk [tilespmem:v41+s10+$0x0], $0xffff;
	v27 =	vcvt.s32.f32 v33;
	v40 =	vcvt.f32.s32 v29  }
0x691: {  	v60 =	vshll.u32 v19, $0x3;
	v15 =	vadd.f32 v23, v15;
	v23 =	vld.idx.msk [tilespmem:v41+s8+$0x0], $0xffff;
	v41 =	vcvt.s32.f32 v54  }
0x692: {  	v29 =	vsub.f32 v55, v27;
	v27 =	vshll.u32 v30, $0x3;
	v63 =	vcvt.s32.f32 v40  }
0x693: {  	v25 =	vadd.s32 v61, v59;
	v42 =	vcvt.s32.f32 v61;
	v20 =	vld.idx.msk [tilespmem:v31+s8+$0x0], $0xffff;
	v27 =	vadd.s32 v44, v27  }
0x694: {  	s20 =	simm.s32 $0x140;
	s19 =	simm.s32 $0x8;
	s21 =	simm.s32 $0x8140;
	v44 =	vadd.f32 v39, v15;
	v39 =	vadd.s32 v33, v60;
	v33 =	vld.idx.msk [tilespmem:v28+s8+$0x0], $0xffff;
	v15 =	vsub.f32 v62, v63  }
.LBB2_26:
0x695: {  	s19 =	sadd.s32 $0x8, s19;
	v32 =	vsub.f32 v32, v42;
	v42 =	vld.idx.msk [tilespmem:v28+s10+$0x0], $0xffff;
	v8 =	vsub.f32 v2, v8;
	v28 =	vadd.s32 v40, v26  }
0x696: {  	v40 =	vsub.f32 v21, v43;
	v2 =	vadd.f32 v16, v44;
	v26 =	vld [tilespmem:s21+$0x30];
	p0 =	slt.u32 s19, $0x3F8;
	v21 =	vshll.u32 v36, $0x3  }
0x697: {  	v19 =	vcvt.s32.f32 v19;
	v34 =	vcvt.s32.f32 v34;
	v14 =	vsub.f32 v14, v41;
	v16 =	vld [tilespmem:s20+$0x30]  }
0x698: {  	v10 =	vadd.f32 v10, v35;
	v36 =	vcvt.s32.f32 v36;
	v38 =	vadd.f32 v38, v2;
	v41 =	vld [tilespmem:s21+$0xFFFFFFC0]  }
0x699: {  	v9 =	vsub.f32 v9, v19;
	v19 =	vsub.f32 v22, v34;
	v18 =	vadd.s32 v18, v21;
	v2 =	vld [tilespmem:s20+$0x0]  }
0x69a: {  	v21 =	vmul.f32 v24, v24;
	v22 =	vcvt.s32.f32 v30;
	v30 =	vadd.f32 v5, v38;
	v24 =	vld.idx.msk [tilespmem:v25+s10+$0x0], $0xffff  }
0x69b: {  	v34 =	vsub.f32 v12, v37;
	v4 =	vadd.f32 v4, v10;
	v5 =	vmul.f32 v6, v17;
	v35 =	vld.idx.msk [tilespmem:v39+s8+$0x0], $0xffff  }
0x69c: {  	v6 =	vmul.f32 v9, v9;
	v3 =	vsub.f32 v3, v22;
	v9 =	vsub.f32 v1, v36;
	v37 =	vld [tilespmem:s21+$0x0]  }
0x69d: {  	v11 =	vsub.f32 v11, v13;
	v4 =	vadd.f32 v21, v4;
	v1 =	vmax.f32 v16, $0.0e+00;
	v10 =	vld.idx.msk [tilespmem:v39+s10+$0x0], $0xffff  }
0x69e: {  	v13 =	vcvt.s32.f32 v26;
	v3 =	vmul.f32 v3, v3;
	v12 =	vmin.f32 v1, $7.000000000e+00;
	v17 =	vld.idx.msk [tilespmem:v18+s8+$0x0], $0xffff  }
0x69f: {  	v22 =	vshll.u32 v26, $0x3;
	v4 =	vadd.f32 v6, v4;
	v21 =	vtrunc.f32 v12;
	v6 =	vld.idx.msk [tilespmem:v18+s10+$0x0], $0xffff  }
0x6a0: {  	v14 =	vmul.f32 v14, v14;
	v13 =	vsub.f32 v16, v13;
	v16 =	vmul.f32 v19, v42;
	v1 =	vld [tilespmem:s20+$0x10]  }
0x6a1: {  	v19 =	vadd.f32 v3, v4;
	v18 =	vcvt.f32.s32 v21;
	v21 =	vmul.f32 v8, v8;
	v31 =	vld.idx.msk [tilespmem:v31+s10+$0x0], $0xffff  }
0x6a2: {  	v5 =	vadd.f32 v5, v23;
	v4 =	vmul.f32 v0, v0;
	v33 =	vadd.f32 v16, v33;
	v0 =	vmovc v13;
	v36 =	vld [tilespmem:s20+$0xFFFFFFC0]  }
0x6a3: {  	v8 =	vcvt.s32.f32 v37;
	v23 =	vadd.s32 v18, v22;
	v13 =	vmul.f32 v29, v10;
	v3 =	vld [tilespmem:s20+$0xFFFFFFE0]  }
0x6a4: {  	v26 =	vadd.f32 v14, v19;
	v10 =	vcvt.s32.f32 v18;
	v29 =	vmul.f32 v9, v9;
	v22 =	vld.idx.msk [tilespmem:v27+s10+$0x0], $0xffff  }
0x6a5: {  	v39 =	vmul.f32 v32, v24;
	v7 =	vmul.f32 v7, v6;
	v9 =	vmax.f32 v1, $0.0e+00;
	v38 =	vld [tilespmem:s21+$0x20]  }
0x6a6: {  	v6 =	vsub.f32 v12, v10;
	v10 =	vmul.f32 v11, v11;
	v19 =	vld [tilespmem:s21+$0xFFFFFFD0];
	v24 =	vmin.f32 v9, $7.000000000e+00  }
0x6a7: {  	v11 =	vcvt.s32.f32 v41;
	v16 =	vadd.f32 v7, v17;
	v9 =	vld [tilespmem:s20+$0xFFFFFFD0];
	v12 =	vtrunc.f32 v24  }
0x6a8: {  	v41 =	vshll.u32 v41, $0x3;
	v7 =	vmax.f32 v36, $0.0e+00;
	v14 =	vld [tilespmem:s20+$0xFFFFFFF0];
	v18 =	vcvt.f32.s32 v12  }
0x6a9: {  	v42 =	vadd.f32 v21, v26;
	v12 =	vmin.f32 v7, $7.000000000e+00;
	v7 =	vmax.f32 v3, $0.0e+00;
	v43 =	vld.idx.msk [tilespmem:v28+s10+$0x0], $0xffff  }
0x6aa: {  	v21 =	vmin.f32 v7, $7.000000000e+00;
	v40 =	vmul.f32 v40, v22;
	v26 =	vshll.u32 v38, $0x3;
	v17 =	vld.idx.msk [tilespmem:v23+s10+$0x0], $0xffff  }
0x6ab: {  	v44 =	vtrunc.f32 v12;
	v7 =	vmax.f32 v2, $0.0e+00;
	v45 =	vcvt.s32.f32 v18;
	v25 =	vld.idx.msk [tilespmem:v25+s8+$0x0], $0xffff  }
0x6ac: {  	v31 =	vmul.f32 v34, v31;
	v34 =	vadd.f32 v13, v35;
	v46 =	vmax.f32 v9, $0.0e+00;
	v27 =	vld.idx.msk [tilespmem:v27+s8+$0x0], $0xffff  }
0x6ad: {  	v13 =	vtrunc.f32 v21;
	v22 =	vmin.f32 v7, $7.000000000e+00;
	v47 =	vld [tilespmem:s21+$0xFFFFFFF0];
	v32 =	vmax.f32 v14, $0.0e+00  }
0x6ae: {  	v20 =	vadd.f32 v31, v20;
	v7 =	vsub.f32 v24, v45;
	v32 =	vmin.f32 v32, $7.000000000e+00  }
0x6af: {  	v24 =	vsub.f32 v36, v11;
	v36 =	vmin.f32 v46, $7.000000000e+00;
	v15 =	vmul.f32 v15, v43  }
0x6b0: {  	v20 =	vadd.f32 v20, v30;
	v31 =	vtrunc.f32 v22;
	v43 =	vtrunc.f32 v32;
	v11 =	vld [tilespmem:s20+$0x20]  }
0x6b1: {  	v45 =	vcvt.f32.s32 v13;
	v13 =	vcvt.s32.f32 v38;
	v38 =	vadd.f32 v39, v25  }
0x6b2: {  	v20 =	vadd.f32 v34, v20;
	v25 =	vtrunc.f32 v36;
	v39 =	vshll.u32 v47, $0x3  }
0x6b3: {  	v44 =	vcvt.f32.s32 v44;
	v46 =	vcvt.f32.s32 v25;
	v25 =	vadd.f32 v40, v27;
	v30 =	vld [tilespmem:s21+$0xFFFFFFE0]  }
0x6b4: {  	v48 =	vshll.u32 v19, $0x3;
	v34 =	vcvt.f32.s32 v31;
	v27 =	vshll.u32 v37, $0x3;
	v49 =	vld.idx.msk [tilespmem:v28+s8+$0x0], $0xffff  }
0x6b5: {  	v35 =	vadd.f32 v29, v42;
	v31 =	vadd.s32 v44, v41;
	v37 =	vmax.f32 v11, $0.0e+00  }
0x6b6: {  	v41 =	vcvt.f32.s32 v43;
	v28 =	vadd.s32 v34, v27;
	v50 =	vmin.f32 v37, $7.000000000e+00  }
0x6b7: {  	v20 =	vadd.f32 v25, v20;
	v27 =	vcvt.s32.f32 v46;
	v29 =	vtrunc.f32 v50  }
.Ltmp12:
0x6b8: {  	v25 =	vadd.s32 v41, v39;
	v37 =	vcvt.s32.f32 v44;
	v40 =	vcvt.f32.s32 v29;
	(pc) =	sbr.rel @p0 .LBB2_26-.Ltmp12, $4  }
0x6b9: {  	v39 =	vadd.f32 v38, v20;
	v29 =	vsub.f32 v36, v27;
	v27 =	vshll.u32 v30, $0x3;
	v36 =	vld [tilespmem:s21+$0x10]  }
0x6ba: {  	v42 =	vcvt.s32.f32 v41;
	v38 =	vadd.f32 v15, v49;
	v51 =	vcvt.s32.f32 v40;
	v23 =	vld.idx.msk [tilespmem:v23+s8+$0x0], $0xffff  }
0x6bb: {  	v43 =	vcvt.s32.f32 v45;
	v44 =	vadd.f32 v33, v39;
	v27 =	vadd.s32 v45, v27;
	v20 =	vld.idx.msk [tilespmem:v31+s8+$0x0], $0xffff  }
0x6bc: {  	s20 =	sadd.s32 $0x80, s20;
	v41 =	vcvt.s32.f32 v47;
	v39 =	vadd.s32 v46, v48;
	s21 =	sadd.s32 $0x80, s21;
	v33 =	vld.idx.msk [tilespmem:v28+s8+$0x0], $0xffff;
	v15 =	vsub.f32 v50, v51  }
0x6bd: {  	_ =	sdelay $0x3  }
0x6be: {  	v28 =	vld.idx.msk [tilespmem:v28+s10+$0x0], $0xffff  }
0x6bf: {  	v61 =	vld.idx.msk [tilespmem:v25+s10+$0x0], $0xffff  }
0x6c0: {  	v46 =	vld.idx.msk [tilespmem:v39+s8+$0x0], $0xffff  }
0x6c1: {  	v26 =	vadd.s32 v40, v26;
	v62 =	vld.idx.msk [tilespmem:v39+s10+$0x0], $0xffff  }
0x6c2: {  	v31 =	vld.idx.msk [tilespmem:v31+s10+$0x0], $0xffff;
	v45 =	vshll.u32 v36, $0x3  }
0x6c3: {  	v47 =	vld.idx.msk [tilespmem:v27+s10+$0x0], $0xffff;
	v18 =	vadd.s32 v18, v45  }
0x6c4: {  	v25 =	vld.idx.msk [tilespmem:v25+s8+$0x0], $0xffff  }
0x6c5: {  	v2 =	vsub.f32 v2, v8;
	v8 =	vsub.f32 v21, v43;
	v21 =	vld.idx.msk [tilespmem:v27+s8+$0x0], $0xffff  }
0x6c6: {  	v32 =	vsub.f32 v32, v42;
	v16 =	vadd.f32 v16, v44;
	v48 =	vld.idx.msk [tilespmem:v26+s10+$0x0], $0xffff  }
0x6c7: {  	v12 =	vsub.f32 v12, v37;
	v19 =	vcvt.s32.f32 v19;
	v27 =	vcvt.s32.f32 v34;
	v26 =	vld.idx.msk [tilespmem:v26+s8+$0x0], $0xffff  }
0x6c8: {  	v10 =	vadd.f32 v10, v35;
	v16 =	vadd.f32 v38, v16;
	v63 =	vld.idx.msk [tilespmem:v18+s8+$0x0], $0xffff  }
0x6c9: {  	v9 =	vsub.f32 v9, v19;
	v19 =	vsub.f32 v22, v27;
	v12 =	vmul.f32 v12, v31;
	v18 =	vld.idx.msk [tilespmem:v18+s10+$0x0], $0xffff;
	_ =	swait.ge [sflag:s16], $0x4000  }
0x6ca: {  	v22 =	vcvt.s32.f32 v30;
	v5 =	vadd.f32 v5, v16;
	v16 =	vmul.f32 v29, v62;
	[sflag:s16] =	ssyncset.done $0x0  }
0x6cb: {  	v4 =	vadd.f32 v4, v10;
	v12 =	vadd.f32 v12, v20;
	v20 =	vmul.f32 v24, v24;
	[sflag:s16] =	ssyncadd.s32 $0xFFFFC000  }
0x6cc: {  	v3 =	vsub.f32 v3, v22;
	v8 =	vmul.f32 v8, v47;
	v10 =	vadd.f32 v16, v46;
	_ =	swait.ge [sflag:s17], $0x4000  }
0x6cd: {  	v9 =	vmul.f32 v9, v9;
	v5 =	vadd.f32 v12, v5;
	v4 =	vadd.f32 v20, v4;
	[sflag:s17] =	ssyncset.done $0x0  }
0x6ce: {  	v14 =	vsub.f32 v14, v41;
	v8 =	vadd.f32 v8, v21;
	v12 =	vmul.f32 v32, v61;
	[sflag:s17] =	ssyncadd.s32 $0xFFFFC000  }
0x6cf: {  	v3 =	vmul.f32 v3, v3;
	v5 =	vadd.f32 v10, v5;
	v4 =	vadd.f32 v9, v4;
	[tilespmem:s2], [sflag:$0x1] =	stream.linear.gather [hbm4b:s0+s2], $0x4000, $0x38;
	[tilespmem:$0x10200] =	vst v63  }
0x6d0: {  	s20 =	simm.s32 $0x4040;
	v10 =	vcvt.s32.f32 v36;
	v9 =	vmul.f32 v19, v28;
	v12 =	vadd.f32 v12, v25  }
0x6d1: {  	v5 =	vadd.f32 v8, v5;
	v8 =	vmul.f32 v14, v14;
	v3 =	vadd.f32 v3, v4;
	[tilespmem:s11], [sflag:$0x3] =	stream.linear.gather [hbm4b:s1+s2], $0x4000, $0x38;
	[tilespmem:$0x10200] =	vst v63  }
0x6d2: {  	s19 =	simm.s32 $0xC040;
	v7 =	vmul.f32 v7, v18;
	v9 =	vadd.f32 v9, v33;
	v1 =	vsub.f32 v1, v10;
	v4 =	vld [tilespmem:s20+$0x30]  }
0x6d3: {  	v2 =	vmul.f32 v2, v2;
	v5 =	vadd.f32 v12, v5;
	v3 =	vadd.f32 v8, v3;
	v14 =	vld [tilespmem:s19+$0x20]  }
0x6d4: {  	v10 =	vsub.f32 v11, v13;
	v7 =	vadd.f32 v7, v63;
	v8 =	vmul.f32 v15, v48;
	v16 =	vld [tilespmem:s20+$0xFFFFFFF0]  }
0x6d5: {  	v1 =	vmul.f32 v1, v1;
	v29 =	vld [tilespmem:s19+$0xFFFFFFF0];
	v5 =	vadd.f32 v9, v5;
	v2 =	vadd.f32 v2, v3  }
0x6d6: {  	v6 =	vmul.f32 v6, v17;
	v31 =	vld [tilespmem:s19+$0xFFFFFFD0];
	v8 =	vadd.f32 v8, v26  }
0x6d7: {  	v10 =	vmul.f32 v10, v10;
	v26 =	vld [tilespmem:s20+$0x20];
	v5 =	vadd.f32 v7, v5;
	v1 =	vadd.f32 v1, v2  }
0x6d8: {  	v0 =	vmul.f32 v0, v0;
	v6 =	vadd.f32 v6, v23;
	v9 =	vld [tilespmem:s19+$0x30]  }
0x6d9: {  	v11 =	vmax.f32 v4, $0.0e+00;
	v5 =	vadd.f32 v8, v5;
	v1 =	vadd.f32 v10, v1  }
0x6da: {  	v20 =	vshll.u32 v14, $0x3;
	v23 =	vmax.f32 v16, $0.0e+00;
	v14 =	vcvt.s32.f32 v14  }
0x6db: {  	v49 =	vshll.u32 v29, $0x3;
	v53 =	vshll.u32 v31, $0x3;
	v29 =	vcvt.s32.f32 v29  }
0x6dc: {  	v7 =	vld [tilespmem:s19+$0x0];
	v2 =	vmin.f32 v11, $7.000000000e+00;
	v23 =	vmin.f32 v23, $7.000000000e+00;
	v48 =	vmax.f32 v26, $0.0e+00  }
0x6dd: {  	v8 =	vld [tilespmem:s20+$0x0];
	v12 =	vtrunc.f32 v2;
	v13 =	vadd.f32 v6, v5;
	v5 =	vcvt.s32.f32 v9  }
0x6de: {  	v11 =	vld [tilespmem:s20+$0x10];
	v0 =	vadd.f32 v0, v1;
	v1 =	vshll.u32 v9, $0x3;
	v28 =	vtrunc.f32 v23  }
0x6df: {  	v55 =	vld [tilespmem:s19+$0x10];
	v32 =	vmin.f32 v48, $7.000000000e+00;
	v16 =	vsub.f32 v16, v29;
	v10 =	vcvt.f32.s32 v12  }
0x6e0: {  	v3 =	vld [tilespmem:s19+$0xFFFFFFC0];
	v28 =	vcvt.f32.s32 v28;
	v51 =	vtrunc.f32 v32;
	v4 =	vsub.f32 v4, v5  }
0x6e1: {  	v6 =	vld [tilespmem:s20+$0xFFFFFFE0];
	v5 =	vcvt.s32.f32 v7;
	v7 =	vshll.u32 v7, $0x3;
	v16 =	vmul.f32 v16, v16  }
0x6e2: {  	v12 =	vld [tilespmem:s20+$0xFFFFFFC0];
	v9 =	vcvt.s32.f32 v10;
	v1 =	vadd.s32 v10, v1;
	v22 =	vmax.f32 v8, $0.0e+00  }
0x6e3: {  	v33 =	vadd.s32 v28, v49;
	v28 =	vcvt.s32.f32 v28;
	v15 =	vmax.f32 v11, $0.0e+00  }
0x6e4: {  	v22 =	vmin.f32 v22, $7.000000000e+00;
	v5 =	vsub.f32 v8, v5;
	v8 =	vcvt.s32.f32 v31  }
0x6e5: {  	v31 =	vcvt.s32.f32 v55;
	v4 =	vmul.f32 v4, v4;
	v10 =	vmin.f32 v15, $7.000000000e+00  }
0x6e6: {  	v9 =	vsub.f32 v2, v9;
	v15 =	vcvt.s32.f32 v3;
	v19 =	vmax.f32 v6, $0.0e+00  }
0x6e7: {  	v30 =	vtrunc.f32 v22;
	v17 =	vtrunc.f32 v10;
	v18 =	vmax.f32 v12, $0.0e+00  }
0x6e8: {  	s21 =	simm.s32 $0x40C0;
	v2 =	vld [tilespmem:s20+$0xFFFFFFD0];
	v19 =	vmin.f32 v19, $7.000000000e+00;
	v17 =	vcvt.f32.s32 v17;
	v18 =	vmin.f32 v18, $7.000000000e+00  }
0x6e9: {  	v23 =	vsub.f32 v23, v28;
	v28 =	vld [tilespmem:s21+$0x30];
	v27 =	vtrunc.f32 v19;
	v21 =	vtrunc.f32 v18  }
0x6ea: {  	v12 =	vsub.f32 v12, v15;
	v52 =	vld.idx.msk [tilespmem:v1+s10+$0x0], $0xffff;
	v15 =	vcvt.f32.s32 v21;
	v21 =	vcvt.f32.s32 v30  }
0x6eb: {  	v3 =	vshll.u32 v3, $0x3;
	v27 =	vcvt.f32.s32 v27;
	v58 =	vld.idx.msk [tilespmem:v1+s8+$0x0], $0xffff;
	v24 =	vcvt.s32.f32 v17  }
0x6ec: {  	v30 =	vld [tilespmem:s19+$0xFFFFFFE0];
	s19 =	simm.s32 $0xC0C0;
	v7 =	vadd.s32 v21, v7;
	v54 =	vadd.s32 v15, v3;
	v3 =	vcvt.f32.s32 v51  }
0x6ed: {  	v1 =	vcvt.s32.f32 v27;
	v48 =	vld [tilespmem:s19+$0x20];
	v21 =	vcvt.s32.f32 v21  }
0x6ee: {  	v25 =	vmax.f32 v2, $0.0e+00;
	v57 =	vcvt.s32.f32 v3;
	v20 =	vadd.s32 v3, v20;
	v3 =	vld [tilespmem:s19+$0x30]  }
0x6ef: {  	v19 =	vsub.f32 v19, v1;
	v1 =	vshll.u32 v55, $0x3;
	v21 =	vsub.f32 v22, v21;
	v22 =	vld.idx.msk [tilespmem:v33+s10+$0x0], $0xffff  }
0x6f0: {  	v12 =	vmul.f32 v12, v12;
	v25 =	vmin.f32 v25, $7.000000000e+00;
	v17 =	vadd.s32 v17, v1;
	v33 =	vld.idx.msk [tilespmem:v33+s8+$0x0], $0xffff  }
0x6f1: {  	v10 =	vsub.f32 v10, v24;
	v24 =	vtrunc.f32 v25;
	v1 =	vcvt.s32.f32 v30;
	v59 =	vld.idx.msk [tilespmem:v7+s8+$0x0], $0xffff  }
0x6f2: {  	v8 =	vsub.f32 v2, v8;
	v0 =	vadd.f32 v12, v0;
	v24 =	vcvt.f32.s32 v24;
	v7 =	vld.idx.msk [tilespmem:v7+s10+$0x0], $0xffff  }
0x6f3: {  	v15 =	vcvt.s32.f32 v15;
	v1 =	vsub.f32 v6, v1;
	v6 =	vsub.f32 v11, v31;
	v31 =	vld [tilespmem:s19+$0x0]  }
0x6f4: {  	v12 =	vsub.f32 v26, v14;
	v50 =	vcvt.s32.f32 v24;
	v24 =	vadd.s32 v24, v53;
	v38 =	vld.idx.msk [tilespmem:v54+s8+$0x0], $0xffff  }
0x6f5: {  	v8 =	vmul.f32 v8, v8;
	v15 =	vsub.f32 v18, v15;
	v9 =	vmul.f32 v9, v52;
	v62 =	vld.idx.msk [tilespmem:v17+s10+$0x0], $0xffff  }
0x6f6: {  	v56 =	vshll.u32 v30, $0x3;
	v11 =	vmax.f32 v28, $0.0e+00;
	v23 =	vmul.f32 v23, v22;
	v22 =	vld.idx.msk [tilespmem:v54+s10+$0x0], $0xffff  }
0x6f7: {  	v27 =	vadd.s32 v27, v56;
	v60 =	vsub.f32 v32, v57;
	v11 =	vmin.f32 v11, $7.000000000e+00;
	v51 =	vld.idx.msk [tilespmem:v20+s10+$0x0], $0xffff  }
0x6f8: {  	v25 =	vsub.f32 v25, v50;
	v18 =	vcvt.s32.f32 v3;
	v26 =	vtrunc.f32 v11;
	v54 =	vld [tilespmem:s19+$0xFFFFFFF0]  }
0x6f9: {  	v61 =	vshll.u32 v3, $0x3;
	v3 =	vadd.f32 v8, v0;
	v63 =	vmul.f32 v6, v6;
	v30 =	vld.idx.msk [tilespmem:v24+s8+$0x0], $0xffff  }
0x6fa: {  	v14 =	vld.idx.msk [tilespmem:v24+s10+$0x0], $0xffff;
	v24 =	vmul.f32 v1, v1;
	v0 =	vsub.f32 v28, v18;
	v18 =	vcvt.f32.s32 v26  }
0x6fb: {  	v1 =	vld [tilespmem:s21+$0x10];
	v26 =	vshll.u32 v48, $0x3;
	v23 =	vadd.f32 v23, v33;
	v7 =	vmul.f32 v21, v7  }
0x6fc: {  	v20 =	vld.idx.msk [tilespmem:v20+s8+$0x0], $0xffff;
	v8 =	vcvt.s32.f32 v31;
	v21 =	vadd.f32 v24, v3;
	v24 =	vmul.f32 v5, v5  }
0x6fd: {  	v29 =	vld [tilespmem:s19+$0xFFFFFFC0];
	v5 =	vadd.f32 v9, v58;
	v41 =	vadd.s32 v18, v61;
	v9 =	vcvt.s32.f32 v18  }
0x6fe: {  	v17 =	vld.idx.msk [tilespmem:v17+s8+$0x0], $0xffff;
	v39 =	vadd.f32 v7, v59;
	v15 =	vmul.f32 v15, v22;
	v56 =	vmul.f32 v60, v51  }
0x6ff: {  	v28 =	vld [tilespmem:s21+$0xFFFFFFC0];
	v59 =	vshll.u32 v54, $0x3;
	v21 =	vadd.f32 v16, v21;
	v7 =	vmul.f32 v25, v14  }
0x700: {  	v3 =	vld [tilespmem:s21+$0xFFFFFFE0];
	v6 =	vmax.f32 v1, $0.0e+00;
	v14 =	vmul.f32 v10, v62;
	v10 =	vmul.f32 v12, v12  }
0x701: {  	v25 =	vld.idx.msk [tilespmem:v27+s10+$0x0], $0xffff;
	v15 =	vadd.f32 v15, v38;
	v38 =	vadd.f32 v56, v20;
	v49 =	vmin.f32 v6, $7.000000000e+00  }
0x702: {  	v2 =	vld [tilespmem:s21+$0x0];
	v6 =	vsub.f32 v11, v9;
	v11 =	vcvt.s32.f32 v29;
	v29 =	vshll.u32 v29, $0x3  }
0x703: {  	v50 =	vadd.f32 v24, v21;
	v12 =	vtrunc.f32 v49;
	v16 =	vadd.f32 v14, v17;
	v14 =	vld [tilespmem:s21+$0xFFFFFFF0]  }
0x704: {  	v17 =	vmax.f32 v28, $0.0e+00;
	v30 =	vadd.f32 v7, v30;
	v15 =	vadd.f32 v15, v13  }
0x705: {  	v9 =	vld [tilespmem:s21+$0xFFFFFFD0];
	v18 =	vcvt.f32.s32 v12;
	v12 =	vmin.f32 v17, $7.000000000e+00;
	v17 =	vmax.f32 v3, $0.0e+00  }
0x706: {  	v13 =	vcvt.s32.f32 v48;
	v21 =	vmin.f32 v17, $7.000000000e+00;
	v17 =	vmul.f32 v19, v25  }
0x707: {  	v27 =	vld.idx.msk [tilespmem:v27+s8+$0x0], $0xffff;
	v15 =	vadd.f32 v30, v15;
	v25 =	vtrunc.f32 v12;
	v24 =	vcvt.s32.f32 v18  }
0x708: {  	v19 =	vmax.f32 v2, $0.0e+00;
	v53 =	vtrunc.f32 v21;
	v7 =	vmax.f32 v14, $0.0e+00  }
0x709: {  	v32 =	vmin.f32 v7, $7.000000000e+00;
	v7 =	vsub.f32 v49, v24;
	v24 =	vsub.f32 v28, v11;
	v11 =	vld [tilespmem:s21+$0x20]  }
0x70a: {  	v52 =	vmax.f32 v9, $0.0e+00;
	v22 =	vmin.f32 v19, $7.000000000e+00;
	v44 =	vcvt.f32.s32 v53  }
0x70b: {  	v25 =	vcvt.f32.s32 v25;
	v55 =	vmin.f32 v52, $7.000000000e+00;
	v57 =	vtrunc.f32 v22  }
0x70c: {  	v17 =	vadd.f32 v17, v27;
	v27 =	vshll.u32 v31, $0x3;
	v58 =	vtrunc.f32 v55  }
0x70d: {  	v19 =	vld [tilespmem:s19+$0xFFFFFFD0];
	v34 =	vcvt.f32.s32 v57;
	v31 =	vadd.s32 v25, v29;
	v37 =	vcvt.s32.f32 v25  }
0x70e: {  	v30 =	vld [tilespmem:s19+$0xFFFFFFE0];
	v43 =	vcvt.s32.f32 v44;
	v28 =	vtrunc.f32 v32;
	v29 =	vmax.f32 v11, $0.0e+00  }
0x70f: {  	v33 =	vcvt.f32.s32 v58;
	v15 =	vadd.f32 v17, v15;
	v62 =	vmin.f32 v29, $7.000000000e+00  }
0x710: {  	v36 =	vld [tilespmem:s19+$0x10];
	v61 =	vcvt.f32.s32 v28;
	v28 =	vadd.s32 v34, v27;
	v29 =	vtrunc.f32 v62  }
0x711: {  	v35 =	vadd.f32 v63, v50;
	v17 =	vld.idx.msk [tilespmem:v41+s10+$0x0], $0xffff;
	v27 =	vcvt.s32.f32 v33;
	v40 =	vcvt.f32.s32 v29  }
0x712: {  	v60 =	vshll.u32 v19, $0x3;
	v15 =	vadd.f32 v23, v15;
	v23 =	vld.idx.msk [tilespmem:v41+s8+$0x0], $0xffff;
	v41 =	vcvt.s32.f32 v54  }
0x713: {  	v29 =	vsub.f32 v55, v27;
	v27 =	vshll.u32 v30, $0x3;
	v63 =	vcvt.s32.f32 v40  }
0x714: {  	v25 =	vadd.s32 v61, v59;
	v42 =	vcvt.s32.f32 v61;
	v20 =	vld.idx.msk [tilespmem:v31+s8+$0x0], $0xffff;
	v27 =	vadd.s32 v44, v27  }
0x715: {  	s20 =	simm.s32 $0x4140;
	s19 =	simm.s32 $0x8;
	s21 =	simm.s32 $0xC140;
	v44 =	vadd.f32 v39, v15;
	v39 =	vadd.s32 v33, v60;
	v33 =	vld.idx.msk [tilespmem:v28+s8+$0x0], $0xffff;
	v15 =	vsub.f32 v62, v63  }
.LBB2_28:
0x716: {  	s19 =	sadd.s32 $0x8, s19;
	v32 =	vsub.f32 v32, v42;
	v42 =	vld.idx.msk [tilespmem:v28+s10+$0x0], $0xffff;
	v8 =	vsub.f32 v2, v8;
	v28 =	vadd.s32 v40, v26  }
0x717: {  	v40 =	vsub.f32 v21, v43;
	v2 =	vadd.f32 v16, v44;
	v26 =	vld [tilespmem:s21+$0x30];
	p0 =	slt.u32 s19, $0x3F8;
	v21 =	vshll.u32 v36, $0x3  }
0x718: {  	v19 =	vcvt.s32.f32 v19;
	v34 =	vcvt.s32.f32 v34;
	v14 =	vsub.f32 v14, v41;
	v16 =	vld [tilespmem:s20+$0x30]  }
0x719: {  	v10 =	vadd.f32 v10, v35;
	v36 =	vcvt.s32.f32 v36;
	v38 =	vadd.f32 v38, v2;
	v41 =	vld [tilespmem:s21+$0xFFFFFFC0]  }
0x71a: {  	v9 =	vsub.f32 v9, v19;
	v19 =	vsub.f32 v22, v34;
	v18 =	vadd.s32 v18, v21;
	v2 =	vld [tilespmem:s20+$0x0]  }
0x71b: {  	v21 =	vmul.f32 v24, v24;
	v22 =	vcvt.s32.f32 v30;
	v30 =	vadd.f32 v5, v38;
	v24 =	vld.idx.msk [tilespmem:v25+s10+$0x0], $0xffff  }
0x71c: {  	v34 =	vsub.f32 v12, v37;
	v4 =	vadd.f32 v4, v10;
	v5 =	vmul.f32 v6, v17;
	v35 =	vld.idx.msk [tilespmem:v39+s8+$0x0], $0xffff  }
0x71d: {  	v6 =	vmul.f32 v9, v9;
	v3 =	vsub.f32 v3, v22;
	v9 =	vsub.f32 v1, v36;
	v37 =	vld [tilespmem:s21+$0x0]  }
0x71e: {  	v11 =	vsub.f32 v11, v13;
	v4 =	vadd.f32 v21, v4;
	v1 =	vmax.f32 v16, $0.0e+00;
	v10 =	vld.idx.msk [tilespmem:v39+s10+$0x0], $0xffff  }
0x71f: {  	v13 =	vcvt.s32.f32 v26;
	v3 =	vmul.f32 v3, v3;
	v12 =	vmin.f32 v1, $7.000000000e+00;
	v17 =	vld.idx.msk [tilespmem:v18+s8+$0x0], $0xffff  }
0x720: {  	v22 =	vshll.u32 v26, $0x3;
	v4 =	vadd.f32 v6, v4;
	v21 =	vtrunc.f32 v12;
	v6 =	vld.idx.msk [tilespmem:v18+s10+$0x0], $0xffff  }
0x721: {  	v14 =	vmul.f32 v14, v14;
	v13 =	vsub.f32 v16, v13;
	v16 =	vmul.f32 v19, v42;
	v1 =	vld [tilespmem:s20+$0x10]  }
0x722: {  	v19 =	vadd.f32 v3, v4;
	v18 =	vcvt.f32.s32 v21;
	v21 =	vmul.f32 v8, v8;
	v31 =	vld.idx.msk [tilespmem:v31+s10+$0x0], $0xffff  }
0x723: {  	v5 =	vadd.f32 v5, v23;
	v4 =	vmul.f32 v0, v0;
	v33 =	vadd.f32 v16, v33;
	v0 =	vmovc v13;
	v36 =	vld [tilespmem:s20+$0xFFFFFFC0]  }
0x724: {  	v8 =	vcvt.s32.f32 v37;
	v23 =	vadd.s32 v18, v22;
	v13 =	vmul.f32 v29, v10;
	v3 =	vld [tilespmem:s20+$0xFFFFFFE0]  }
0x725: {  	v26 =	vadd.f32 v14, v19;
	v10 =	vcvt.s32.f32 v18;
	v29 =	vmul.f32 v9, v9;
	v22 =	vld.idx.msk [tilespmem:v27+s10+$0x0], $0xffff  }
0x726: {  	v39 =	vmul.f32 v32, v24;
	v7 =	vmul.f32 v7, v6;
	v9 =	vmax.f32 v1, $0.0e+00;
	v38 =	vld [tilespmem:s21+$0x20]  }
0x727: {  	v6 =	vsub.f32 v12, v10;
	v10 =	vmul.f32 v11, v11;
	v19 =	vld [tilespmem:s21+$0xFFFFFFD0];
	v24 =	vmin.f32 v9, $7.000000000e+00  }
0x728: {  	v11 =	vcvt.s32.f32 v41;
	v16 =	vadd.f32 v7, v17;
	v9 =	vld [tilespmem:s20+$0xFFFFFFD0];
	v12 =	vtrunc.f32 v24  }
0x729: {  	v41 =	vshll.u32 v41, $0x3;
	v7 =	vmax.f32 v36, $0.0e+00;
	v14 =	vld [tilespmem:s20+$0xFFFFFFF0];
	v18 =	vcvt.f32.s32 v12  }
0x72a: {  	v42 =	vadd.f32 v21, v26;
	v12 =	vmin.f32 v7, $7.000000000e+00;
	v7 =	vmax.f32 v3, $0.0e+00;
	v43 =	vld.idx.msk [tilespmem:v28+s10+$0x0], $0xffff  }
0x72b: {  	v21 =	vmin.f32 v7, $7.000000000e+00;
	v40 =	vmul.f32 v40, v22;
	v26 =	vshll.u32 v38, $0x3;
	v17 =	vld.idx.msk [tilespmem:v23+s10+$0x0], $0xffff  }
0x72c: {  	v44 =	vtrunc.f32 v12;
	v7 =	vmax.f32 v2, $0.0e+00;
	v45 =	vcvt.s32.f32 v18;
	v25 =	vld.idx.msk [tilespmem:v25+s8+$0x0], $0xffff  }
0x72d: {  	v31 =	vmul.f32 v34, v31;
	v34 =	vadd.f32 v13, v35;
	v46 =	vmax.f32 v9, $0.0e+00;
	v27 =	vld.idx.msk [tilespmem:v27+s8+$0x0], $0xffff  }
0x72e: {  	v13 =	vtrunc.f32 v21;
	v22 =	vmin.f32 v7, $7.000000000e+00;
	v47 =	vld [tilespmem:s21+$0xFFFFFFF0];
	v32 =	vmax.f32 v14, $0.0e+00  }
0x72f: {  	v20 =	vadd.f32 v31, v20;
	v7 =	vsub.f32 v24, v45;
	v32 =	vmin.f32 v32, $7.000000000e+00  }
0x730: {  	v24 =	vsub.f32 v36, v11;
	v36 =	vmin.f32 v46, $7.000000000e+00;
	v15 =	vmul.f32 v15, v43  }
0x731: {  	v20 =	vadd.f32 v20, v30;
	v31 =	vtrunc.f32 v22;
	v43 =	vtrunc.f32 v32;
	v11 =	vld [tilespmem:s20+$0x20]  }
0x732: {  	v45 =	vcvt.f32.s32 v13;
	v13 =	vcvt.s32.f32 v38;
	v38 =	vadd.f32 v39, v25  }
0x733: {  	v20 =	vadd.f32 v34, v20;
	v25 =	vtrunc.f32 v36;
	v39 =	vshll.u32 v47, $0x3  }
0x734: {  	v44 =	vcvt.f32.s32 v44;
	v46 =	vcvt.f32.s32 v25;
	v25 =	vadd.f32 v40, v27;
	v30 =	vld [tilespmem:s21+$0xFFFFFFE0]  }
0x735: {  	v48 =	vshll.u32 v19, $0x3;
	v34 =	vcvt.f32.s32 v31;
	v27 =	vshll.u32 v37, $0x3;
	v49 =	vld.idx.msk [tilespmem:v28+s8+$0x0], $0xffff  }
0x736: {  	v35 =	vadd.f32 v29, v42;
	v31 =	vadd.s32 v44, v41;
	v37 =	vmax.f32 v11, $0.0e+00  }
0x737: {  	v41 =	vcvt.f32.s32 v43;
	v28 =	vadd.s32 v34, v27;
	v50 =	vmin.f32 v37, $7.000000000e+00  }
0x738: {  	v20 =	vadd.f32 v25, v20;
	v27 =	vcvt.s32.f32 v46;
	v29 =	vtrunc.f32 v50  }
.Ltmp13:
0x739: {  	v25 =	vadd.s32 v41, v39;
	v37 =	vcvt.s32.f32 v44;
	v40 =	vcvt.f32.s32 v29;
	(pc) =	sbr.rel @p0 .LBB2_28-.Ltmp13, $4  }
0x73a: {  	v39 =	vadd.f32 v38, v20;
	v29 =	vsub.f32 v36, v27;
	v27 =	vshll.u32 v30, $0x3;
	v36 =	vld [tilespmem:s21+$0x10]  }
0x73b: {  	v42 =	vcvt.s32.f32 v41;
	v38 =	vadd.f32 v15, v49;
	v51 =	vcvt.s32.f32 v40;
	v23 =	vld.idx.msk [tilespmem:v23+s8+$0x0], $0xffff  }
0x73c: {  	v43 =	vcvt.s32.f32 v45;
	v44 =	vadd.f32 v33, v39;
	v27 =	vadd.s32 v45, v27;
	v20 =	vld.idx.msk [tilespmem:v31+s8+$0x0], $0xffff  }
0x73d: {  	s20 =	sadd.s32 $0x80, s20;
	v41 =	vcvt.s32.f32 v47;
	v39 =	vadd.s32 v46, v48;
	s21 =	sadd.s32 $0x80, s21;
	v33 =	vld.idx.msk [tilespmem:v28+s8+$0x0], $0xffff;
	v15 =	vsub.f32 v50, v51  }
0x73e: {  	_ =	sdelay $0x3  }
0x73f: {  	v28 =	vld.idx.msk [tilespmem:v28+s10+$0x0], $0xffff  }
0x740: {  	v61 =	vld.idx.msk [tilespmem:v25+s10+$0x0], $0xffff  }
0x741: {  	v46 =	vld.idx.msk [tilespmem:v39+s8+$0x0], $0xffff  }
0x742: {  	v26 =	vadd.s32 v40, v26;
	v62 =	vld.idx.msk [tilespmem:v39+s10+$0x0], $0xffff  }
0x743: {  	v31 =	vld.idx.msk [tilespmem:v31+s10+$0x0], $0xffff;
	v45 =	vshll.u32 v36, $0x3  }
0x744: {  	v47 =	vld.idx.msk [tilespmem:v27+s10+$0x0], $0xffff;
	v18 =	vadd.s32 v18, v45  }
0x745: {  	v25 =	vld.idx.msk [tilespmem:v25+s8+$0x0], $0xffff  }
0x746: {  	v2 =	vsub.f32 v2, v8;
	v8 =	vsub.f32 v21, v43;
	v21 =	vld.idx.msk [tilespmem:v27+s8+$0x0], $0xffff  }
0x747: {  	v48 =	vld.idx.msk [tilespmem:v26+s10+$0x0], $0xffff  }
0x748: {  	v16 =	vadd.f32 v16, v44;
	v12 =	vsub.f32 v12, v37;
	v26 =	vld.idx.msk [tilespmem:v26+s8+$0x0], $0xffff  }
0x749: {  	v32 =	vsub.f32 v32, v42;
	v19 =	vcvt.s32.f32 v19;
	v27 =	vcvt.s32.f32 v34;
	v63 =	vld.idx.msk [tilespmem:v18+s8+$0x0], $0xffff  }
0x74a: {  	v10 =	vadd.f32 v10, v35;
	v16 =	vadd.f32 v38, v16;
	v12 =	vmul.f32 v12, v31;
	v18 =	vld.idx.msk [tilespmem:v18+s10+$0x0], $0xffff;
	_ =	swait.ge [sflag:s12], $0x4000  }
0x74b: {  	v9 =	vsub.f32 v9, v19;
	v19 =	vsub.f32 v22, v27;
	[sflag:s12] =	ssyncset.done $0x0  }
0x74c: {  	v5 =	vadd.f32 v5, v16;
	v16 =	vmul.f32 v29, v62;
	v12 =	vadd.f32 v12, v20;
	[sflag:s12] =	ssyncadd.s32 $0xFFFFC000  }
0x74d: {  	v22 =	vcvt.s32.f32 v30;
	v4 =	vadd.f32 v4, v10;
	v20 =	vmul.f32 v24, v24;
	_ =	swait.ge [sflag:s13], $0x4000  }
0x74e: {  	v8 =	vmul.f32 v8, v47;
	v10 =	vadd.f32 v16, v46;
	v5 =	vadd.f32 v12, v5;
	[sflag:s13] =	ssyncset.done $0x0  }
0x74f: {  	v9 =	vmul.f32 v9, v9;
	v3 =	vsub.f32 v3, v22;
	v4 =	vadd.f32 v20, v4;
	[sflag:s13] =	ssyncadd.s32 $0xFFFFC000  }
0x750: {  	v8 =	vadd.f32 v8, v21;
	v12 =	vmul.f32 v32, v61;
	v5 =	vadd.f32 v10, v5;
	[tilespmem:s14], [sflag:$0x2] =	stream.linear.gather [hbm4b:s3+s2], $0x4000, $0x38;
	[tilespmem:$0x10200] =	vst v63  }
0x751: {  	s20 =	simm.s32 $0x40;
	v14 =	vsub.f32 v14, v41;
	v3 =	vmul.f32 v3, v3;
	v4 =	vadd.f32 v9, v4  }
0x752: {  	v9 =	vmul.f32 v19, v28;
	v12 =	vadd.f32 v12, v25;
	v5 =	vadd.f32 v8, v5;
	[tilespmem:s15], [sflag:$0x4] =	stream.linear.gather [hbm4b:s4+s2], $0x4000, $0x38;
	[tilespmem:$0x10200] =	vst v63  }
0x753: {  	s19 =	simm.s32 $0x8040;
	v10 =	vcvt.s32.f32 v36;
	v8 =	vmul.f32 v14, v14;
	v3 =	vadd.f32 v3, v4;
	v4 =	vld [tilespmem:s20+$0x30]  }
0x754: {  	v7 =	vmul.f32 v7, v18;
	v9 =	vadd.f32 v9, v33;
	v5 =	vadd.f32 v12, v5;
	v14 =	vld [tilespmem:s19+$0x20]  }
0x755: {  	v2 =	vmul.f32 v2, v2;
	v1 =	vsub.f32 v1, v10;
	v3 =	vadd.f32 v8, v3;
	v16 =	vld [tilespmem:s20+$0xFFFFFFF0]  }
0x756: {  	v7 =	vadd.f32 v7, v63;
	v8 =	vmul.f32 v15, v48;
	v29 =	vld [tilespmem:s19+$0xFFFFFFF0];
	v5 =	vadd.f32 v9, v5  }
0x757: {  	v10 =	vsub.f32 v11, v13;
	v1 =	vmul.f32 v1, v1;
	v31 =	vld [tilespmem:s19+$0xFFFFFFD0];
	v2 =	vadd.f32 v2, v3  }
0x758: {  	v6 =	vmul.f32 v6, v17;
	v8 =	vadd.f32 v8, v26;
	v5 =	vadd.f32 v7, v5  }
0x759: {  	v0 =	vmul.f32 v0, v0;
	v10 =	vmul.f32 v10, v10;
	v26 =	vld [tilespmem:s20+$0x20];
	v1 =	vadd.f32 v1, v2  }
0x75a: {  	v6 =	vadd.f32 v6, v23;
	v9 =	vld [tilespmem:s19+$0x30];
	v11 =	vmax.f32 v4, $0.0e+00;
	v5 =	vadd.f32 v8, v5  }
0x75b: {  	v1 =	vadd.f32 v10, v1;
	v20 =	vshll.u32 v14, $0x3;
	v23 =	vmax.f32 v16, $0.0e+00  }
0x75c: {  	v14 =	vcvt.s32.f32 v14;
	v48 =	vshll.u32 v29, $0x3;
	v52 =	vshll.u32 v31, $0x3  }
0x75d: {  	v7 =	vld [tilespmem:s19+$0x0];
	v29 =	vcvt.s32.f32 v29;
	v2 =	vmin.f32 v11, $7.000000000e+00;
	v23 =	vmin.f32 v23, $7.000000000e+00  }
0x75e: {  	v8 =	vld [tilespmem:s20+$0x0];
	v47 =	vmax.f32 v26, $0.0e+00;
	v12 =	vtrunc.f32 v2;
	v13 =	vadd.f32 v6, v5  }
0x75f: {  	v11 =	vld [tilespmem:s20+$0x10];
	v5 =	vcvt.s32.f32 v9;
	v0 =	vadd.f32 v0, v1;
	v1 =	vshll.u32 v9, $0x3  }
0x760: {  	v54 =	vld [tilespmem:s19+$0x10];
	v28 =	vtrunc.f32 v23;
	v32 =	vmin.f32 v47, $7.000000000e+00;
	v10 =	vcvt.f32.s32 v12  }
0x761: {  	v3 =	vld [tilespmem:s19+$0xFFFFFFC0];
	v16 =	vsub.f32 v16, v29;
	v28 =	vcvt.f32.s32 v28;
	v50 =	vtrunc.f32 v32  }
0x762: {  	v6 =	vld [tilespmem:s20+$0xFFFFFFE0];
	v4 =	vsub.f32 v4, v5;
	v5 =	vcvt.s32.f32 v7;
	v7 =	vshll.u32 v7, $0x3  }
0x763: {  	v12 =	vld [tilespmem:s20+$0xFFFFFFC0];
	v9 =	vcvt.s32.f32 v10;
	v1 =	vadd.s32 v10, v1;
	v22 =	vmax.f32 v8, $0.0e+00  }
0x764: {  	v33 =	vadd.s32 v28, v48;
	v28 =	vcvt.s32.f32 v28;
	v15 =	vmax.f32 v11, $0.0e+00  }
0x765: {  	v22 =	vmin.f32 v22, $7.000000000e+00;
	v5 =	vsub.f32 v8, v5;
	v8 =	vcvt.s32.f32 v31  }
0x766: {  	v31 =	vcvt.s32.f32 v54;
	v10 =	vmin.f32 v15, $7.000000000e+00;
	v9 =	vsub.f32 v2, v9  }
0x767: {  	v2 =	vld [tilespmem:s20+$0xFFFFFFD0];
	v15 =	vcvt.s32.f32 v3;
	v3 =	vshll.u32 v3, $0x3;
	v19 =	vmax.f32 v6, $0.0e+00  }
0x768: {  	v30 =	vtrunc.f32 v22;
	v17 =	vtrunc.f32 v10;
	v18 =	vmax.f32 v12, $0.0e+00  }
0x769: {  	s21 =	simm.s32 $0xC0;
	v19 =	vmin.f32 v19, $7.000000000e+00;
	v17 =	vcvt.f32.s32 v17;
	v18 =	vmin.f32 v18, $7.000000000e+00  }
0x76a: {  	v23 =	vsub.f32 v23, v28;
	v28 =	vld [tilespmem:s21+$0x30];
	v27 =	vtrunc.f32 v19;
	v21 =	vtrunc.f32 v18  }
0x76b: {  	v12 =	vsub.f32 v12, v15;
	v27 =	vcvt.f32.s32 v27;
	v51 =	vld.idx.msk [tilespmem:v1+s10+$0x0], $0xffff;
	v24 =	vcvt.s32.f32 v17  }
0x76c: {  	v57 =	vld.idx.msk [tilespmem:v1+s8+$0x0], $0xffff;
	v15 =	vcvt.f32.s32 v21;
	v21 =	vcvt.f32.s32 v30;
	v25 =	vmax.f32 v2, $0.0e+00  }
0x76d: {  	v30 =	vld [tilespmem:s19+$0xFFFFFFE0];
	s19 =	simm.s32 $0x80C0;
	v1 =	vcvt.s32.f32 v27;
	v25 =	vmin.f32 v25, $7.000000000e+00;
	v10 =	vsub.f32 v10, v24  }
0x76e: {  	v61 =	vld [tilespmem:s19+$0x20];
	v7 =	vadd.s32 v21, v7;
	v53 =	vadd.s32 v15, v3;
	v3 =	vcvt.f32.s32 v50  }
0x76f: {  	v21 =	vcvt.s32.f32 v21;
	v19 =	vsub.f32 v19, v1;
	v1 =	vshll.u32 v54, $0x3;
	v54 =	vld [tilespmem:s19+$0xFFFFFFF0]  }
0x770: {  	v24 =	vtrunc.f32 v25;
	v56 =	vcvt.s32.f32 v3;
	v20 =	vadd.s32 v3, v20;
	v3 =	vld [tilespmem:s19+$0x30]  }
0x771: {  	v24 =	vcvt.f32.s32 v24;
	v21 =	vsub.f32 v22, v21;
	v17 =	vadd.s32 v17, v1;
	v22 =	vld.idx.msk [tilespmem:v33+s10+$0x0], $0xffff  }
0x772: {  	v12 =	vmul.f32 v12, v12;
	v8 =	vsub.f32 v2, v8;
	v9 =	vmul.f32 v9, v51;
	v51 =	vld.idx.msk [tilespmem:v33+s8+$0x0], $0xffff  }
0x773: {  	v1 =	vcvt.s32.f32 v30;
	v49 =	vcvt.s32.f32 v24;
	v24 =	vadd.s32 v24, v52;
	v58 =	vld.idx.msk [tilespmem:v7+s8+$0x0], $0xffff  }
0x774: {  	v15 =	vcvt.s32.f32 v15;
	v0 =	vadd.f32 v12, v0;
	v12 =	vsub.f32 v26, v14;
	v7 =	vld.idx.msk [tilespmem:v7+s10+$0x0], $0xffff  }
0x775: {  	v4 =	vmul.f32 v4, v4;
	v1 =	vsub.f32 v6, v1;
	v6 =	vsub.f32 v11, v31;
	v31 =	vld [tilespmem:s19+$0x0]  }
0x776: {  	v8 =	vmul.f32 v8, v8;
	v18 =	vsub.f32 v18, v15;
	v55 =	vshll.u32 v30, $0x3;
	v60 =	vld.idx.msk [tilespmem:v17+s10+$0x0], $0xffff  }
0x777: {  	v27 =	vadd.s32 v27, v55;
	v32 =	vsub.f32 v32, v56;
	v11 =	vmax.f32 v28, $0.0e+00;
	v48 =	vld.idx.msk [tilespmem:v20+s10+$0x0], $0xffff  }
0x778: {  	v25 =	vsub.f32 v25, v49;
	v11 =	vmin.f32 v11, $7.000000000e+00;
	v15 =	vcvt.s32.f32 v3;
	v30 =	vld.idx.msk [tilespmem:v24+s8+$0x0], $0xffff  }
0x779: {  	v26 =	vtrunc.f32 v11;
	v59 =	vshll.u32 v3, $0x3;
	v35 =	vmul.f32 v6, v6;
	v14 =	vld.idx.msk [tilespmem:v24+s10+$0x0], $0xffff  }
0x77a: {  	v3 =	vadd.f32 v8, v0;
	v23 =	vmul.f32 v23, v22;
	v24 =	vmul.f32 v1, v1;
	v1 =	vld [tilespmem:s21+$0x10]  }
0x77b: {  	v0 =	vsub.f32 v28, v15;
	v15 =	vmul.f32 v16, v16;
	v16 =	vld.idx.msk [tilespmem:v17+s8+$0x0], $0xffff;
	v17 =	vcvt.f32.s32 v26  }
0x77c: {  	v28 =	vld [tilespmem:s21+$0xFFFFFFC0];
	v26 =	vshll.u32 v61, $0x3;
	v23 =	vadd.f32 v23, v51;
	v7 =	vmul.f32 v21, v7  }
0x77d: {  	v29 =	vld [tilespmem:s19+$0xFFFFFFC0];
	v8 =	vcvt.s32.f32 v31;
	v21 =	vadd.f32 v24, v3;
	v24 =	vmul.f32 v5, v5  }
0x77e: {  	v5 =	vadd.f32 v9, v57;
	v41 =	vadd.s32 v17, v59;
	v9 =	vcvt.s32.f32 v17  }
0x77f: {  	v2 =	vld [tilespmem:s21+$0x0];
	v59 =	vshll.u32 v54, $0x3;
	v39 =	vadd.f32 v7, v58;
	v32 =	vmul.f32 v32, v48  }
0x780: {  	v3 =	vld [tilespmem:s21+$0xFFFFFFE0];
	v21 =	vadd.f32 v15, v21;
	v15 =	vmul.f32 v10, v60;
	v10 =	vmul.f32 v12, v12  }
0x781: {  	v7 =	vmul.f32 v25, v14;
	v14 =	vld.idx.msk [tilespmem:v27+s10+$0x0], $0xffff;
	v6 =	vmax.f32 v1, $0.0e+00;
	v22 =	vmax.f32 v28, $0.0e+00  }
0x782: {  	v25 =	vld.idx.msk [tilespmem:v53+s10+$0x0], $0xffff;
	v62 =	vmin.f32 v6, $7.000000000e+00;
	v6 =	vsub.f32 v11, v9;
	v11 =	vcvt.s32.f32 v29  }
0x783: {  	v9 =	vld [tilespmem:s21+$0xFFFFFFD0];
	v16 =	vadd.f32 v15, v16;
	v21 =	vadd.f32 v24, v21;
	v12 =	vtrunc.f32 v62  }
0x784: {  	v29 =	vshll.u32 v29, $0x3;
	v15 =	vld [tilespmem:s21+$0xFFFFFFF0];
	v30 =	vadd.f32 v7, v30;
	v17 =	vcvt.f32.s32 v12  }
0x785: {  	v12 =	vmin.f32 v22, $7.000000000e+00;
	v22 =	vmax.f32 v3, $0.0e+00;
	v35 =	vadd.f32 v35, v21  }
0x786: {  	v63 =	vld.idx.msk [tilespmem:v53+s8+$0x0], $0xffff;
	v22 =	vmin.f32 v22, $7.000000000e+00;
	v49 =	vtrunc.f32 v12;
	v14 =	vmul.f32 v19, v14  }
0x787: {  	v27 =	vld.idx.msk [tilespmem:v27+s8+$0x0], $0xffff;
	v19 =	vmax.f32 v2, $0.0e+00;
	v50 =	vcvt.s32.f32 v17;
	v18 =	vmul.f32 v18, v25  }
0x788: {  	v53 =	vtrunc.f32 v22;
	v25 =	vsub.f32 v28, v11;
	v40 =	vcvt.f32.s32 v49  }
0x789: {  	v52 =	vmax.f32 v9, $0.0e+00;
	v7 =	vmax.f32 v15, $0.0e+00;
	v24 =	vmin.f32 v19, $7.000000000e+00  }
0x78a: {  	v11 =	vld [tilespmem:s21+$0x20];
	v57 =	vcvt.f32.s32 v53;
	v33 =	vmin.f32 v7, $7.000000000e+00;
	v7 =	vsub.f32 v62, v50  }
0x78b: {  	v18 =	vadd.f32 v18, v63;
	v55 =	vmin.f32 v52, $7.000000000e+00;
	v56 =	vtrunc.f32 v24  }
0x78c: {  	v14 =	vadd.f32 v14, v27;
	v27 =	vshll.u32 v31, $0x3;
	v37 =	vcvt.s32.f32 v40  }
0x78d: {  	v19 =	vld [tilespmem:s19+$0xFFFFFFD0];
	v28 =	vtrunc.f32 v33;
	v58 =	vtrunc.f32 v55;
	v18 =	vadd.f32 v18, v13  }
0x78e: {  	v62 =	vld.idx.msk [tilespmem:v20+s8+$0x0], $0xffff;
	v31 =	vadd.s32 v40, v29;
	v34 =	vcvt.f32.s32 v56;
	v43 =	vcvt.s32.f32 v57  }
0x78f: {  	v60 =	vcvt.f32.s32 v58;
	v20 =	vmax.f32 v11, $0.0e+00;
	v18 =	vadd.f32 v30, v18;
	v30 =	vld [tilespmem:s19+$0xFFFFFFE0]  }
0x790: {  	v13 =	vcvt.s32.f32 v61;
	v21 =	vcvt.f32.s32 v28;
	v63 =	vmin.f32 v20, $7.000000000e+00  }
0x791: {  	v28 =	vadd.s32 v34, v27;
	v27 =	vcvt.s32.f32 v60;
	v29 =	vtrunc.f32 v63  }
0x792: {  	v36 =	vld [tilespmem:s19+$0x10];
	v61 =	vshll.u32 v19, $0x3;
	v14 =	vadd.f32 v14, v18;
	v40 =	vcvt.f32.s32 v29  }
0x793: {  	v20 =	vadd.s32 v21, v59;
	v42 =	vcvt.s32.f32 v21;
	v21 =	vld.idx.msk [tilespmem:v31+s8+$0x0], $0xffff;
	v29 =	vsub.f32 v55, v27  }
0x794: {  	v18 =	vld.idx.msk [tilespmem:v41+s10+$0x0], $0xffff;
	v14 =	vadd.f32 v23, v14;
	v49 =	vcvt.s32.f32 v40;
	v27 =	vshll.u32 v30, $0x3  }
0x795: {  	v38 =	vadd.f32 v32, v62;
	v23 =	vld.idx.msk [tilespmem:v41+s8+$0x0], $0xffff;
	v41 =	vcvt.s32.f32 v54;
	v27 =	vadd.s32 v57, v27  }
0x796: {  	s20 =	simm.s32 $0x140;
	s21 =	simm.s32 $0x8140;
	s19 =	simm.s32 $0x8;
	v32 =	vld.idx.msk [tilespmem:v28+s8+$0x0], $0xffff;
	v44 =	vadd.f32 v39, v14;
	v39 =	vadd.s32 v60, v61;
	v14 =	vsub.f32 v63, v49  }
.LBB2_30:
0x797: {  	s19 =	sadd.s32 $0x8, s19;
	v33 =	vsub.f32 v33, v42;
	v42 =	vld.idx.msk [tilespmem:v28+s10+$0x0], $0xffff;
	v8 =	vsub.f32 v2, v8;
	v28 =	vadd.s32 v40, v26  }
0x798: {  	v40 =	vsub.f32 v22, v43;
	v2 =	vadd.f32 v16, v44;
	v26 =	vld [tilespmem:s21+$0x30];
	p0 =	slt.u32 s19, $0x3F8;
	v22 =	vshll.u32 v36, $0x3  }
0x799: {  	v19 =	vcvt.s32.f32 v19;
	v34 =	vcvt.s32.f32 v34;
	v15 =	vsub.f32 v15, v41;
	v16 =	vld [tilespmem:s20+$0x30]  }
0x79a: {  	v10 =	vadd.f32 v10, v35;
	v36 =	vcvt.s32.f32 v36;
	v38 =	vadd.f32 v38, v2;
	v41 =	vld [tilespmem:s21+$0xFFFFFFC0]  }
0x79b: {  	v9 =	vsub.f32 v9, v19;
	v19 =	vsub.f32 v24, v34;
	v17 =	vadd.s32 v17, v22;
	v2 =	vld [tilespmem:s20+$0x0]  }
0x79c: {  	v22 =	vmul.f32 v25, v25;
	v24 =	vcvt.s32.f32 v30;
	v30 =	vadd.f32 v5, v38;
	v25 =	vld.idx.msk [tilespmem:v20+s10+$0x0], $0xffff  }
0x79d: {  	v34 =	vsub.f32 v12, v37;
	v4 =	vadd.f32 v4, v10;
	v5 =	vmul.f32 v6, v18;
	v35 =	vld.idx.msk [tilespmem:v39+s8+$0x0], $0xffff  }
0x79e: {  	v6 =	vmul.f32 v9, v9;
	v3 =	vsub.f32 v3, v24;
	v9 =	vsub.f32 v1, v36;
	v37 =	vld [tilespmem:s21+$0x0]  }
0x79f: {  	v11 =	vsub.f32 v11, v13;
	v4 =	vadd.f32 v22, v4;
	v1 =	vmax.f32 v16, $0.0e+00;
	v10 =	vld.idx.msk [tilespmem:v39+s10+$0x0], $0xffff  }
0x7a0: {  	v13 =	vcvt.s32.f32 v26;
	v3 =	vmul.f32 v3, v3;
	v12 =	vmin.f32 v1, $7.000000000e+00;
	v18 =	vld.idx.msk [tilespmem:v17+s8+$0x0], $0xffff  }
0x7a1: {  	v24 =	vshll.u32 v26, $0x3;
	v4 =	vadd.f32 v6, v4;
	v22 =	vtrunc.f32 v12;
	v6 =	vld.idx.msk [tilespmem:v17+s10+$0x0], $0xffff  }
0x7a2: {  	v15 =	vmul.f32 v15, v15;
	v13 =	vsub.f32 v16, v13;
	v16 =	vmul.f32 v19, v42;
	v1 =	vld [tilespmem:s20+$0x10]  }
0x7a3: {  	v19 =	vadd.f32 v3, v4;
	v17 =	vcvt.f32.s32 v22;
	v22 =	vmul.f32 v8, v8;
	v31 =	vld.idx.msk [tilespmem:v31+s10+$0x0], $0xffff  }
0x7a4: {  	v5 =	vadd.f32 v5, v23;
	v4 =	vmul.f32 v0, v0;
	v32 =	vadd.f32 v16, v32;
	v0 =	vmovc v13;
	v36 =	vld [tilespmem:s20+$0xFFFFFFC0]  }
0x7a5: {  	v8 =	vcvt.s32.f32 v37;
	v23 =	vadd.s32 v17, v24;
	v13 =	vmul.f32 v29, v10;
	v3 =	vld [tilespmem:s20+$0xFFFFFFE0]  }
0x7a6: {  	v26 =	vadd.f32 v15, v19;
	v10 =	vcvt.s32.f32 v17;
	v29 =	vmul.f32 v9, v9;
	v24 =	vld.idx.msk [tilespmem:v27+s10+$0x0], $0xffff  }
0x7a7: {  	v39 =	vmul.f32 v33, v25;
	v7 =	vmul.f32 v7, v6;
	v9 =	vmax.f32 v1, $0.0e+00;
	v38 =	vld [tilespmem:s21+$0x20]  }
0x7a8: {  	v6 =	vsub.f32 v12, v10;
	v10 =	vmul.f32 v11, v11;
	v19 =	vld [tilespmem:s21+$0xFFFFFFD0];
	v25 =	vmin.f32 v9, $7.000000000e+00  }
0x7a9: {  	v11 =	vcvt.s32.f32 v41;
	v16 =	vadd.f32 v7, v18;
	v9 =	vld [tilespmem:s20+$0xFFFFFFD0];
	v12 =	vtrunc.f32 v25  }
0x7aa: {  	v41 =	vshll.u32 v41, $0x3;
	v7 =	vmax.f32 v36, $0.0e+00;
	v15 =	vld [tilespmem:s20+$0xFFFFFFF0];
	v17 =	vcvt.f32.s32 v12  }
0x7ab: {  	v42 =	vadd.f32 v22, v26;
	v12 =	vmin.f32 v7, $7.000000000e+00;
	v7 =	vmax.f32 v3, $0.0e+00;
	v43 =	vld.idx.msk [tilespmem:v28+s10+$0x0], $0xffff  }
0x7ac: {  	v22 =	vmin.f32 v7, $7.000000000e+00;
	v40 =	vmul.f32 v40, v24;
	v26 =	vshll.u32 v38, $0x3;
	v18 =	vld.idx.msk [tilespmem:v23+s10+$0x0], $0xffff  }
0x7ad: {  	v44 =	vtrunc.f32 v12;
	v7 =	vmax.f32 v2, $0.0e+00;
	v45 =	vcvt.s32.f32 v17;
	v20 =	vld.idx.msk [tilespmem:v20+s8+$0x0], $0xffff  }
0x7ae: {  	v31 =	vmul.f32 v34, v31;
	v34 =	vadd.f32 v13, v35;
	v46 =	vmax.f32 v9, $0.0e+00;
	v27 =	vld.idx.msk [tilespmem:v27+s8+$0x0], $0xffff  }
0x7af: {  	v13 =	vtrunc.f32 v22;
	v24 =	vmin.f32 v7, $7.000000000e+00;
	v47 =	vld [tilespmem:s21+$0xFFFFFFF0];
	v33 =	vmax.f32 v15, $0.0e+00  }
0x7b0: {  	v21 =	vadd.f32 v31, v21;
	v7 =	vsub.f32 v25, v45;
	v33 =	vmin.f32 v33, $7.000000000e+00  }
0x7b1: {  	v25 =	vsub.f32 v36, v11;
	v36 =	vmin.f32 v46, $7.000000000e+00;
	v14 =	vmul.f32 v14, v43  }
0x7b2: {  	v21 =	vadd.f32 v21, v30;
	v31 =	vtrunc.f32 v24;
	v43 =	vtrunc.f32 v33;
	v11 =	vld [tilespmem:s20+$0x20]  }
0x7b3: {  	v45 =	vcvt.f32.s32 v13;
	v13 =	vcvt.s32.f32 v38;
	v38 =	vadd.f32 v39, v20  }
0x7b4: {  	v21 =	vadd.f32 v34, v21;
	v20 =	vtrunc.f32 v36;
	v39 =	vshll.u32 v47, $0x3  }
0x7b5: {  	v44 =	vcvt.f32.s32 v44;
	v46 =	vcvt.f32.s32 v20;
	v20 =	vadd.f32 v40, v27;
	v30 =	vld [tilespmem:s21+$0xFFFFFFE0]  }
0x7b6: {  	v48 =	vshll.u32 v19, $0x3;
	v34 =	vcvt.f32.s32 v31;
	v27 =	vshll.u32 v37, $0x3;
	v49 =	vld.idx.msk [tilespmem:v28+s8+$0x0], $0xffff  }
0x7b7: {  	v35 =	vadd.f32 v29, v42;
	v31 =	vadd.s32 v44, v41;
	v37 =	vmax.f32 v11, $0.0e+00  }
0x7b8: {  	v41 =	vcvt.f32.s32 v43;
	v28 =	vadd.s32 v34, v27;
	v50 =	vmin.f32 v37, $7.000000000e+00  }
0x7b9: {  	v21 =	vadd.f32 v20, v21;
	v27 =	vcvt.s32.f32 v46;
	v29 =	vtrunc.f32 v50  }
.Ltmp14:
0x7ba: {  	v20 =	vadd.s32 v41, v39;
	v37 =	vcvt.s32.f32 v44;
	v40 =	vcvt.f32.s32 v29;
	(pc) =	sbr.rel @p0 .LBB2_30-.Ltmp14, $4  }
0x7bb: {  	v39 =	vadd.f32 v38, v21;
	v29 =	vsub.f32 v36, v27;
	v27 =	vshll.u32 v30, $0x3;
	v36 =	vld [tilespmem:s21+$0x10]  }
0x7bc: {  	v42 =	vcvt.s32.f32 v41;
	v38 =	vadd.f32 v14, v49;
	v51 =	vcvt.s32.f32 v40;
	v23 =	vld.idx.msk [tilespmem:v23+s8+$0x0], $0xffff  }
0x7bd: {  	v43 =	vcvt.s32.f32 v45;
	v44 =	vadd.f32 v32, v39;
	v27 =	vadd.s32 v45, v27;
	v21 =	vld.idx.msk [tilespmem:v31+s8+$0x0], $0xffff  }
0x7be: {  	s20 =	sadd.s32 $0x80, s20;
	v41 =	vcvt.s32.f32 v47;
	v39 =	vadd.s32 v46, v48;
	s21 =	sadd.s32 $0x80, s21;
	v32 =	vld.idx.msk [tilespmem:v28+s8+$0x0], $0xffff;
	v14 =	vsub.f32 v50, v51  }
0x7bf: {  	_ =	sdelay $0x3  }
0x7c0: {  	v28 =	vld.idx.msk [tilespmem:v28+s10+$0x0], $0xffff  }
0x7c1: {  	v62 =	vld.idx.msk [tilespmem:v20+s10+$0x0], $0xffff  }
0x7c2: {  	v46 =	vld.idx.msk [tilespmem:v39+s8+$0x0], $0xffff  }
0x7c3: {  	v26 =	vadd.s32 v40, v26;
	v63 =	vld.idx.msk [tilespmem:v39+s10+$0x0], $0xffff;
	v45 =	vshll.u32 v36, $0x3  }
0x7c4: {  	v31 =	vld.idx.msk [tilespmem:v31+s10+$0x0], $0xffff;
	v2 =	vsub.f32 v2, v8;
	v17 =	vadd.s32 v17, v45  }
0x7c5: {  	v8 =	vsub.f32 v22, v43;
	v22 =	vld.idx.msk [tilespmem:v27+s10+$0x0], $0xffff;
	v19 =	vcvt.s32.f32 v19;
	v34 =	vcvt.s32.f32 v34  }
0x7c6: {  	v12 =	vsub.f32 v12, v37;
	v20 =	vld.idx.msk [tilespmem:v20+s8+$0x0], $0xffff  }
0x7c7: {  	v9 =	vsub.f32 v9, v19;
	v19 =	vsub.f32 v24, v34;
	v24 =	vld.idx.msk [tilespmem:v27+s8+$0x0], $0xffff  }
0x7c8: {  	v16 =	vadd.f32 v16, v44;
	v48 =	vld.idx.msk [tilespmem:v26+s10+$0x0], $0xffff  }
0x7c9: {  	v10 =	vadd.f32 v10, v35;
	v12 =	vmul.f32 v12, v31;
	v47 =	vld.idx.msk [tilespmem:v17+s8+$0x0], $0xffff  }
0x7ca: {  	v25 =	vmul.f32 v25, v25;
	v16 =	vadd.f32 v38, v16;
	v17 =	vld.idx.msk [tilespmem:v17+s10+$0x0], $0xffff  }
0x7cb: {  	v4 =	vadd.f32 v4, v10;
	v12 =	vadd.f32 v12, v21;
	v21 =	vld.idx.msk [tilespmem:v26+s8+$0x0], $0xffff;
	v26 =	vcvt.s32.f32 v30;
	_ =	swait.ge [sflag:s16], $0x4000  }
0x7cc: {  	v33 =	vsub.f32 v33, v42;
	v5 =	vadd.f32 v5, v16;
	v16 =	vmul.f32 v29, v63;
	[sflag:s16] =	ssyncset.done $0x0  }
0x7cd: {  	v9 =	vmul.f32 v9, v9;
	v4 =	vadd.f32 v25, v4;
	v3 =	vsub.f32 v3, v26;
	[sflag:s16] =	ssyncadd.s32 $0xFFFFC000  }
0x7ce: {  	v6 =	vmul.f32 v6, v18;
	v10 =	vadd.f32 v16, v46;
	v5 =	vadd.f32 v12, v5;
	_ =	swait.ge [sflag:s17], $0x4000  }
0x7cf: {  	v8 =	vmul.f32 v8, v22;
	v4 =	vadd.f32 v9, v4;
	v3 =	vmul.f32 v3, v3;
	[sflag:s17] =	ssyncset.done $0x0  }
0x7d0: {  	s20 =	simm.s32 $0x4040;
	v15 =	vsub.f32 v15, v41;
	v5 =	vadd.f32 v10, v5;
	v10 =	vcvt.s32.f32 v36;
	[sflag:s17] =	ssyncadd.s32 $0xFFFFC000  }
0x7d1: {  	s19 =	simm.s32 $0xC040;
	v8 =	vadd.f32 v8, v24;
	v12 =	vmul.f32 v33, v62;
	v3 =	vadd.f32 v3, v4;
	v4 =	vld [tilespmem:s20+$0x30]  }
0x7d2: {  	v0 =	vmul.f32 v0, v0;
	v1 =	vsub.f32 v1, v10;
	v10 =	vsub.f32 v11, v13;
	v13 =	vld [tilespmem:s19+$0x20]  }
0x7d3: {  	v9 =	vmul.f32 v19, v28;
	v12 =	vadd.f32 v12, v20;
	v5 =	vadd.f32 v8, v5;
	v16 =	vld [tilespmem:s20+$0xFFFFFFF0]  }
0x7d4: {  	v6 =	vadd.f32 v6, v23;
	v7 =	vmul.f32 v7, v17;
	v8 =	vmul.f32 v15, v15;
	v26 =	vld [tilespmem:s20+$0x20]  }
0x7d5: {  	v2 =	vmul.f32 v2, v2;
	v9 =	vadd.f32 v9, v32;
	v29 =	vld [tilespmem:s19+$0xFFFFFFF0];
	v5 =	vadd.f32 v12, v5  }
0x7d6: {  	v7 =	vadd.f32 v7, v47;
	v3 =	vadd.f32 v8, v3;
	v8 =	vmul.f32 v14, v48  }
0x7d7: {  	v1 =	vmul.f32 v1, v1;
	v10 =	vmul.f32 v10, v10;
	v5 =	vadd.f32 v9, v5  }
0x7d8: {  	v2 =	vadd.f32 v2, v3;
	v8 =	vadd.f32 v8, v21;
	v11 =	vmax.f32 v4, $0.0e+00  }
0x7d9: {  	v20 =	vshll.u32 v13, $0x3;
	v23 =	vmax.f32 v16, $0.0e+00;
	v13 =	vcvt.s32.f32 v13  }
0x7da: {  	v31 =	vld [tilespmem:s19+$0xFFFFFFD0];
	v49 =	vmax.f32 v26, $0.0e+00;
	v50 =	vshll.u32 v29, $0x3;
	v29 =	vcvt.s32.f32 v29  }
0x7db: {  	v9 =	vld [tilespmem:s19+$0x30];
	v5 =	vadd.f32 v7, v5;
	v1 =	vadd.f32 v1, v2;
	v2 =	vmin.f32 v11, $7.000000000e+00  }
0x7dc: {  	v23 =	vmin.f32 v23, $7.000000000e+00;
	v32 =	vmin.f32 v49, $7.000000000e+00;
	v12 =	vtrunc.f32 v2  }
0x7dd: {  	v11 =	vld [tilespmem:s20+$0x10];
	v28 =	vtrunc.f32 v23;
	v52 =	vtrunc.f32 v32;
	v16 =	vsub.f32 v16, v29  }
0x7de: {  	v7 =	vld [tilespmem:s19+$0x0];
	v5 =	vadd.f32 v8, v5;
	v1 =	vadd.f32 v10, v1;
	v10 =	vcvt.f32.s32 v12  }
0x7df: {  	v3 =	vld [tilespmem:s19+$0xFFFFFFC0];
	v54 =	vshll.u32 v31, $0x3;
	v28 =	vcvt.f32.s32 v28;
	v16 =	vmul.f32 v16, v16  }
0x7e0: {  	v8 =	vld [tilespmem:s20+$0x0];
	v15 =	vadd.f32 v6, v5;
	v5 =	vcvt.s32.f32 v9;
	v0 =	vadd.f32 v0, v1  }
0x7e1: {  	v12 =	vld [tilespmem:s20+$0xFFFFFFC0];
	v1 =	vshll.u32 v9, $0x3;
	v9 =	vcvt.s32.f32 v10;
	v33 =	vadd.s32 v28, v50  }
0x7e2: {  	v28 =	vcvt.s32.f32 v28;
	v14 =	vmax.f32 v11, $0.0e+00;
	v1 =	vadd.s32 v10, v1  }
0x7e3: {  	v56 =	vld [tilespmem:s19+$0x10];
	v4 =	vsub.f32 v4, v5;
	v5 =	vcvt.s32.f32 v7;
	v10 =	vmin.f32 v14, $7.000000000e+00  }
0x7e4: {  	v6 =	vld [tilespmem:s20+$0xFFFFFFE0];
	v9 =	vsub.f32 v2, v9;
	v14 =	vcvt.s32.f32 v3;
	v3 =	vshll.u32 v3, $0x3  }
0x7e5: {  	v7 =	vshll.u32 v7, $0x3;
	v23 =	vsub.f32 v23, v28;
	v17 =	vtrunc.f32 v10  }
0x7e6: {  	v18 =	vmax.f32 v12, $0.0e+00;
	v22 =	vmax.f32 v8, $0.0e+00;
	v17 =	vcvt.f32.s32 v17  }
0x7e7: {  	v2 =	vld [tilespmem:s20+$0xFFFFFFD0];
	v18 =	vmin.f32 v18, $7.000000000e+00;
	v22 =	vmin.f32 v22, $7.000000000e+00;
	v12 =	vsub.f32 v12, v14  }
0x7e8: {  	s21 =	simm.s32 $0x40C0;
	v5 =	vsub.f32 v8, v5;
	v8 =	vcvt.s32.f32 v31;
	v31 =	vcvt.s32.f32 v56  }
0x7e9: {  	v63 =	vld [tilespmem:s21+$0xFFFFFFC0];
	v19 =	vmax.f32 v6, $0.0e+00;
	v21 =	vtrunc.f32 v18;
	v30 =	vtrunc.f32 v22  }
0x7ea: {  	v19 =	vmin.f32 v19, $7.000000000e+00;
	v14 =	vcvt.f32.s32 v21;
	v21 =	vcvt.f32.s32 v30;
	v30 =	vld [tilespmem:s19+$0xFFFFFFE0]  }
0x7eb: {  	v24 =	vcvt.s32.f32 v17;
	v53 =	vld.idx.msk [tilespmem:v1+s10+$0x0], $0xffff;
	v12 =	vmul.f32 v12, v12;
	v11 =	vsub.f32 v11, v31  }
0x7ec: {  	v59 =	vld.idx.msk [tilespmem:v1+s8+$0x0], $0xffff;
	s19 =	simm.s32 $0xC0C0;
	v25 =	vmax.f32 v2, $0.0e+00;
	v27 =	vtrunc.f32 v19;
	v8 =	vsub.f32 v2, v8  }
0x7ed: {  	v29 =	vld [tilespmem:s19+$0xFFFFFFC0];
	v25 =	vmin.f32 v25, $7.000000000e+00;
	v27 =	vcvt.f32.s32 v27;
	v10 =	vsub.f32 v10, v24  }
0x7ee: {  	v31 =	vld [tilespmem:s19+$0x0];
	v55 =	vadd.s32 v14, v3;
	v3 =	vcvt.f32.s32 v52;
	v14 =	vcvt.s32.f32 v14  }
0x7ef: {  	v49 =	vld [tilespmem:s19+$0x20];
	v7 =	vadd.s32 v21, v7;
	v21 =	vcvt.s32.f32 v21;
	v24 =	vtrunc.f32 v25  }
0x7f0: {  	v24 =	vcvt.f32.s32 v24;
	v58 =	vcvt.s32.f32 v3;
	v28 =	vadd.s32 v3, v20;
	v3 =	vld [tilespmem:s19+$0x30]  }
0x7f1: {  	v0 =	vadd.f32 v12, v0;
	v12 =	vsub.f32 v26, v13;
	v1 =	vcvt.s32.f32 v27;
	v20 =	vld [tilespmem:s21+$0x30]  }
0x7f2: {  	v21 =	vsub.f32 v22, v21;
	v22 =	vld.idx.msk [tilespmem:v33+s10+$0x0], $0xffff;
	v51 =	vcvt.s32.f32 v24;
	v24 =	vadd.s32 v24, v54  }
0x7f3: {  	v48 =	vmul.f32 v11, v11;
	v8 =	vmul.f32 v8, v8;
	v33 =	vld.idx.msk [tilespmem:v33+s8+$0x0], $0xffff;
	v57 =	vshll.u32 v30, $0x3  }
0x7f4: {  	v9 =	vmul.f32 v9, v53;
	v19 =	vsub.f32 v19, v1;
	v1 =	vshll.u32 v56, $0x3;
	v60 =	vld.idx.msk [tilespmem:v7+s8+$0x0], $0xffff  }
0x7f5: {  	v27 =	vadd.s32 v27, v57;
	v7 =	vld.idx.msk [tilespmem:v7+s10+$0x0], $0xffff;
	v17 =	vadd.s32 v17, v1;
	v1 =	vcvt.s32.f32 v30  }
0x7f6: {  	v61 =	vsub.f32 v32, v58;
	v50 =	vcvt.s32.f32 v29;
	v30 =	vsub.f32 v18, v14;
	v38 =	vld.idx.msk [tilespmem:v55+s8+$0x0], $0xffff  }
0x7f7: {  	v29 =	vshll.u32 v29, $0x3;
	v25 =	vsub.f32 v25, v51;
	v1 =	vsub.f32 v6, v1;
	v62 =	vld.idx.msk [tilespmem:v24+s8+$0x0], $0xffff  }
0x7f8: {  	v6 =	vmax.f32 v20, $0.0e+00;
	v26 =	vshll.u32 v3, $0x3;
	v22 =	vmul.f32 v23, v22;
	v13 =	vld.idx.msk [tilespmem:v24+s10+$0x0], $0xffff  }
0x7f9: {  	v14 =	vmin.f32 v6, $7.000000000e+00;
	v6 =	vcvt.s32.f32 v3;
	v18 =	vmul.f32 v1, v1;
	v1 =	vld [tilespmem:s21+$0x10]  }
0x7fa: {  	v3 =	vadd.f32 v8, v0;
	v24 =	vtrunc.f32 v14;
	v22 =	vadd.f32 v22, v33;
	v8 =	vld.idx.msk [tilespmem:v17+s10+$0x0], $0xffff  }
0x7fb: {  	v0 =	vsub.f32 v20, v6;
	v6 =	vmul.f32 v21, v7;
	v7 =	vld.idx.msk [tilespmem:v17+s8+$0x0], $0xffff;
	v17 =	vcvt.f32.s32 v24  }
0x7fc: {  	v20 =	vmul.f32 v5, v5;
	v5 =	vmul.f32 v4, v4;
	v24 =	vld.idx.msk [tilespmem:v55+s10+$0x0], $0xffff;
	v18 =	vadd.f32 v18, v3  }
0x7fd: {  	v21 =	vshll.u32 v49, $0x3;
	v55 =	vld [tilespmem:s19+$0xFFFFFFF0];
	v39 =	vadd.f32 v6, v60;
	v6 =	vadd.f32 v9, v59  }
0x7fe: {  	v3 =	vld [tilespmem:s21+$0xFFFFFFE0];
	v9 =	vcvt.s32.f32 v31;
	v26 =	vadd.s32 v17, v26;
	v4 =	vcvt.s32.f32 v17  }
0x7ff: {  	v17 =	vld.idx.msk [tilespmem:v27+s10+$0x0], $0xffff;
	v16 =	vadd.f32 v16, v18;
	v13 =	vmul.f32 v25, v13;
	v11 =	vmax.f32 v1, $0.0e+00  }
0x800: {  	v2 =	vld [tilespmem:s21+$0x0];
	v4 =	vsub.f32 v14, v4;
	v8 =	vmul.f32 v10, v8;
	v25 =	vmin.f32 v11, $7.000000000e+00  }
0x801: {  	v27 =	vld.idx.msk [tilespmem:v27+s8+$0x0], $0xffff;
	v11 =	vmul.f32 v12, v12;
	v51 =	vadd.f32 v20, v16;
	v30 =	vmul.f32 v30, v24  }
0x802: {  	v10 =	vld [tilespmem:s21+$0xFFFFFFD0];
	v60 =	vshll.u32 v55, $0x3;
	v12 =	vtrunc.f32 v25;
	v53 =	vadd.f32 v13, v62  }
0x803: {  	v18 =	vadd.f32 v8, v7;
	v7 =	vmax.f32 v63, $0.0e+00;
	v8 =	vld [tilespmem:s21+$0xFFFFFFF0];
	v12 =	vcvt.f32.s32 v12  }
0x804: {  	v16 =	vld.idx.msk [tilespmem:v28+s10+$0x0], $0xffff;
	v17 =	vmul.f32 v19, v17;
	v14 =	vmin.f32 v7, $7.000000000e+00;
	v7 =	vmax.f32 v3, $0.0e+00  }
0x805: {  	v30 =	vadd.f32 v30, v38;
	v36 =	vadd.f32 v48, v51;
	v23 =	vmin.f32 v7, $7.000000000e+00  }
0x806: {  	v19 =	vtrunc.f32 v14;
	v7 =	vmax.f32 v2, $0.0e+00;
	v20 =	vcvt.s32.f32 v12  }
0x807: {  	v15 =	vadd.f32 v30, v15;
	v17 =	vadd.f32 v17, v27;
	v27 =	vshll.u32 v31, $0x3  }
0x808: {  	v52 =	vmax.f32 v10, $0.0e+00;
	v54 =	vtrunc.f32 v23;
	v13 =	vmax.f32 v8, $0.0e+00  }
0x809: {  	v24 =	vmin.f32 v7, $7.000000000e+00;
	v57 =	vmul.f32 v61, v16;
	v32 =	vmin.f32 v13, $7.000000000e+00;
	v13 =	vld [tilespmem:s21+$0x20]  }
0x80a: {  	v16 =	vcvt.s32.f32 v49;
	v19 =	vcvt.f32.s32 v19;
	v7 =	vsub.f32 v25, v20  }
0x80b: {  	v25 =	vsub.f32 v63, v50;
	v56 =	vmin.f32 v52, $7.000000000e+00;
	v59 =	vtrunc.f32 v24  }
0x80c: {  	v62 =	vld.idx.msk [tilespmem:v28+s8+$0x0], $0xffff;
	v44 =	vcvt.f32.s32 v54;
	v15 =	vadd.f32 v53, v15;
	v30 =	vtrunc.f32 v56  }
0x80d: {  	v20 =	vld [tilespmem:s19+$0xFFFFFFD0];
	v35 =	vcvt.f32.s32 v59;
	v31 =	vadd.s32 v19, v29;
	v37 =	vcvt.s32.f32 v19  }
0x80e: {  	v61 =	vcvt.f32.s32 v30;
	v30 =	vld [tilespmem:s19+$0xFFFFFFE0];
	v17 =	vadd.f32 v17, v15;
	v29 =	vmax.f32 v13, $0.0e+00  }
0x80f: {  	v43 =	vcvt.s32.f32 v44;
	v58 =	vtrunc.f32 v32;
	v48 =	vmin.f32 v29, $7.000000000e+00  }
0x810: {  	v28 =	vadd.s32 v35, v27;
	v63 =	vcvt.f32.s32 v58;
	v29 =	vtrunc.f32 v48  }
0x811: {  	v34 =	vld [tilespmem:s19+$0x10];
	v41 =	vadd.f32 v57, v62;
	v27 =	vcvt.s32.f32 v61;
	v38 =	vcvt.f32.s32 v29  }
0x812: {  	v15 =	vld.idx.msk [tilespmem:v26+s10+$0x0], $0xffff;
	v17 =	vadd.f32 v22, v17;
	v47 =	vshll.u32 v20, $0x3;
	v19 =	vadd.s32 v63, v60  }
0x813: {  	v26 =	vld.idx.msk [tilespmem:v26+s8+$0x0], $0xffff;
	v29 =	vsub.f32 v56, v27;
	v27 =	vshll.u32 v30, $0x3;
	v49 =	vcvt.s32.f32 v38  }
0x814: {  	v42 =	vcvt.s32.f32 v63;
	v22 =	vld.idx.msk [tilespmem:v31+s8+$0x0], $0xffff;
	v40 =	vadd.s32 v61, v47;
	v27 =	vadd.s32 v44, v27  }
0x815: {  	s20 =	simm.s32 $0x4140;
	s19 =	simm.s32 $0x8;
	s21 =	simm.s32 $0xC140;
	v33 =	vld.idx.msk [tilespmem:v28+s8+$0x0], $0xffff;
	v44 =	vadd.f32 v39, v17;
	v39 =	vcvt.s32.f32 v55;
	v17 =	vsub.f32 v48, v49  }
.LBB2_32:
0x816: {  	s19 =	sadd.s32 $0x8, s19;
	v32 =	vsub.f32 v32, v42;
	v42 =	vld.idx.msk [tilespmem:v28+s10+$0x0], $0xffff;
	v9 =	vsub.f32 v2, v9;
	v28 =	vadd.s32 v38, v21  }
0x817: {  	v38 =	vsub.f32 v23, v43;
	v2 =	vadd.f32 v18, v44;
	v21 =	vld [tilespmem:s21+$0x30];
	p0 =	slt.u32 s19, $0x3F8;
	v23 =	vshll.u32 v34, $0x3  }
0x818: {  	v20 =	vcvt.s32.f32 v20;
	v35 =	vcvt.s32.f32 v35;
	v8 =	vsub.f32 v8, v39;
	v18 =	vld [tilespmem:s20+$0x30]  }
0x819: {  	v11 =	vadd.f32 v11, v36;
	v34 =	vcvt.s32.f32 v34;
	v41 =	vadd.f32 v41, v2;
	v39 =	vld [tilespmem:s21+$0xFFFFFFC0]  }
0x81a: {  	v10 =	vsub.f32 v10, v20;
	v20 =	vsub.f32 v24, v35;
	v12 =	vadd.s32 v12, v23;
	v2 =	vld [tilespmem:s20+$0x0]  }
0x81b: {  	v23 =	vmul.f32 v25, v25;
	v24 =	vcvt.s32.f32 v30;
	v30 =	vadd.f32 v6, v41;
	v25 =	vld.idx.msk [tilespmem:v19+s10+$0x0], $0xffff  }
0x81c: {  	v4 =	vmul.f32 v4, v15;
	v35 =	vsub.f32 v14, v37;
	v5 =	vadd.f32 v5, v11;
	v36 =	vld.idx.msk [tilespmem:v40+s8+$0x0], $0xffff  }
0x81d: {  	v6 =	vmul.f32 v10, v10;
	v3 =	vsub.f32 v3, v24;
	v10 =	vsub.f32 v1, v34;
	v37 =	vld [tilespmem:s21+$0x0]  }
0x81e: {  	v13 =	vsub.f32 v13, v16;
	v5 =	vadd.f32 v23, v5;
	v1 =	vmax.f32 v18, $0.0e+00;
	v11 =	vld.idx.msk [tilespmem:v40+s10+$0x0], $0xffff  }
0x81f: {  	v15 =	vcvt.s32.f32 v21;
	v3 =	vmul.f32 v3, v3;
	v14 =	vmin.f32 v1, $7.000000000e+00;
	v16 =	vld.idx.msk [tilespmem:v12+s8+$0x0], $0xffff  }
0x820: {  	v21 =	vshll.u32 v21, $0x3;
	v5 =	vadd.f32 v6, v5;
	v23 =	vtrunc.f32 v14;
	v12 =	vld.idx.msk [tilespmem:v12+s10+$0x0], $0xffff  }
0x821: {  	v8 =	vmul.f32 v8, v8;
	v6 =	vmul.f32 v20, v42;
	v15 =	vsub.f32 v18, v15;
	v1 =	vld [tilespmem:s20+$0x10]  }
0x822: {  	v20 =	vadd.f32 v3, v5;
	v18 =	vcvt.f32.s32 v23;
	v23 =	vmul.f32 v9, v9;
	v24 =	vld.idx.msk [tilespmem:v31+s10+$0x0], $0xffff  }
0x823: {  	v33 =	vadd.f32 v6, v33;
	v6 =	vadd.f32 v4, v26;
	v5 =	vmul.f32 v0, v0;
	v0 =	vmovc v15;
	v31 =	vld [tilespmem:s20+$0xFFFFFFC0]  }
0x824: {  	v9 =	vcvt.s32.f32 v37;
	v26 =	vadd.s32 v18, v21;
	v29 =	vmul.f32 v29, v11;
	v3 =	vld [tilespmem:s20+$0xFFFFFFE0]  }
0x825: {  	v40 =	vmul.f32 v10, v10;
	v15 =	vadd.f32 v8, v20;
	v4 =	vcvt.s32.f32 v18;
	v34 =	vld.idx.msk [tilespmem:v27+s10+$0x0], $0xffff  }
0x826: {  	v42 =	vmul.f32 v32, v25;
	v7 =	vmul.f32 v7, v12;
	v8 =	vmax.f32 v1, $0.0e+00;
	v41 =	vld [tilespmem:s21+$0x20]  }
0x827: {  	v11 =	vmul.f32 v13, v13;
	v4 =	vsub.f32 v14, v4;
	v20 =	vld [tilespmem:s21+$0xFFFFFFD0];
	v25 =	vmin.f32 v8, $7.000000000e+00  }
0x828: {  	v13 =	vcvt.s32.f32 v39;
	v18 =	vadd.f32 v7, v16;
	v10 =	vld [tilespmem:s20+$0xFFFFFFD0];
	v12 =	vtrunc.f32 v25  }
0x829: {  	v39 =	vshll.u32 v39, $0x3;
	v7 =	vmax.f32 v31, $0.0e+00;
	v8 =	vld [tilespmem:s20+$0xFFFFFFF0];
	v12 =	vcvt.f32.s32 v12  }
0x82a: {  	v43 =	vadd.f32 v23, v15;
	v14 =	vmin.f32 v7, $7.000000000e+00;
	v7 =	vmax.f32 v3, $0.0e+00;
	v16 =	vld.idx.msk [tilespmem:v28+s10+$0x0], $0xffff  }
0x82b: {  	v23 =	vmin.f32 v7, $7.000000000e+00;
	v34 =	vmul.f32 v38, v34;
	v21 =	vshll.u32 v41, $0x3;
	v15 =	vld.idx.msk [tilespmem:v26+s10+$0x0], $0xffff  }
0x82c: {  	v38 =	vtrunc.f32 v14;
	v7 =	vmax.f32 v2, $0.0e+00;
	v44 =	vcvt.s32.f32 v12;
	v19 =	vld.idx.msk [tilespmem:v19+s8+$0x0], $0xffff  }
0x82d: {  	v29 =	vadd.f32 v29, v36;
	v35 =	vmul.f32 v35, v24;
	v45 =	vmax.f32 v10, $0.0e+00;
	v27 =	vld.idx.msk [tilespmem:v27+s8+$0x0], $0xffff  }
0x82e: {  	v36 =	vtrunc.f32 v23;
	v24 =	vmin.f32 v7, $7.000000000e+00;
	v46 =	vld [tilespmem:s21+$0xFFFFFFF0];
	v32 =	vmax.f32 v8, $0.0e+00  }
0x82f: {  	v22 =	vadd.f32 v35, v22;
	v7 =	vsub.f32 v25, v44;
	v32 =	vmin.f32 v32, $7.000000000e+00  }
0x830: {  	v25 =	vsub.f32 v31, v13;
	v44 =	vmin.f32 v45, $7.000000000e+00;
	v17 =	vmul.f32 v17, v16  }
0x831: {  	v22 =	vadd.f32 v22, v30;
	v31 =	vtrunc.f32 v24;
	v45 =	vtrunc.f32 v32;
	v13 =	vld [tilespmem:s20+$0x20]  }
0x832: {  	v47 =	vcvt.f32.s32 v36;
	v16 =	vcvt.s32.f32 v41;
	v41 =	vadd.f32 v42, v19  }
0x833: {  	v22 =	vadd.f32 v29, v22;
	v19 =	vtrunc.f32 v44;
	v42 =	vshll.u32 v46, $0x3  }
0x834: {  	v29 =	vcvt.f32.s32 v38;
	v48 =	vcvt.f32.s32 v19;
	v19 =	vadd.f32 v34, v27;
	v30 =	vld [tilespmem:s21+$0xFFFFFFE0]  }
0x835: {  	v49 =	vshll.u32 v20, $0x3;
	v35 =	vcvt.f32.s32 v31;
	v27 =	vshll.u32 v37, $0x3;
	v50 =	vld.idx.msk [tilespmem:v28+s8+$0x0], $0xffff  }
0x836: {  	v36 =	vadd.f32 v40, v43;
	v31 =	vadd.s32 v29, v39;
	v34 =	vmax.f32 v13, $0.0e+00  }
0x837: {  	v39 =	vcvt.f32.s32 v45;
	v28 =	vadd.s32 v35, v27;
	v45 =	vmin.f32 v34, $7.000000000e+00  }
0x838: {  	v22 =	vadd.f32 v19, v22;
	v27 =	vcvt.s32.f32 v48;
	v34 =	vtrunc.f32 v45  }
.Ltmp15:
0x839: {  	v37 =	vcvt.s32.f32 v29;
	v19 =	vadd.s32 v39, v42;
	v38 =	vcvt.f32.s32 v34;
	(pc) =	sbr.rel @p0 .LBB2_32-.Ltmp15, $4  }
0x83a: {  	v40 =	vadd.f32 v41, v22;
	v29 =	vsub.f32 v44, v27;
	v27 =	vshll.u32 v30, $0x3;
	v34 =	vld [tilespmem:s21+$0x10]  }
0x83b: {  	v42 =	vcvt.s32.f32 v39;
	v41 =	vadd.f32 v17, v50;
	v51 =	vcvt.s32.f32 v38;
	v26 =	vld.idx.msk [tilespmem:v26+s8+$0x0], $0xffff  }
0x83c: {  	v43 =	vcvt.s32.f32 v47;
	v44 =	vadd.f32 v33, v40;
	v27 =	vadd.s32 v47, v27;
	v22 =	vld.idx.msk [tilespmem:v31+s8+$0x0], $0xffff  }
0x83d: {  	s20 =	sadd.s32 $0x80, s20;
	v39 =	vcvt.s32.f32 v46;
	v40 =	vadd.s32 v48, v49;
	s21 =	sadd.s32 $0x80, s21;
	v33 =	vld.idx.msk [tilespmem:v28+s8+$0x0], $0xffff;
	v17 =	vsub.f32 v45, v51  }
0x83e: {  	_ =	sdelay $0x3  }
0x83f: {  	v31 =	vld.idx.msk [tilespmem:v31+s10+$0x0], $0xffff;
	v32 =	vsub.f32 v32, v42  }
0x840: {  	v2 =	vsub.f32 v2, v9;
	v58 =	vadd.f32 v18, v44  }
0x841: {  	v59 =	vld.idx.msk [tilespmem:v40+s10+$0x0], $0xffff;
	v23 =	vsub.f32 v23, v43;
	v14 =	vsub.f32 v14, v37;
	v20 =	vcvt.s32.f32 v20  }
0x842: {  	v61 =	vld.idx.msk [tilespmem:v40+s8+$0x0], $0xffff;
	v35 =	vcvt.s32.f32 v35;
	v11 =	vadd.f32 v11, v36;
	v21 =	vadd.s32 v38, v21  }
0x843: {  	v62 =	vld.idx.msk [tilespmem:v27+s10+$0x0], $0xffff;
	v44 =	vmul.f32 v25, v25;
	v60 =	vshll.u32 v34, $0x3;
	v8 =	vsub.f32 v8, v39  }
0x844: {  	v63 =	vld.idx.msk [tilespmem:v19+s10+$0x0], $0xffff;
	v9 =	vadd.f32 v41, v58;
	v12 =	vadd.s32 v12, v60;
	v14 =	vmul.f32 v14, v31  }
0x845: {  	v45 =	vcvt.s32.f32 v30;
	v10 =	vsub.f32 v10, v20;
	v41 =	vld.idx.msk [tilespmem:v27+s8+$0x0], $0xffff;
	v5 =	vadd.f32 v5, v11  }
0x846: {  	v42 =	vld.idx.msk [tilespmem:v28+s10+$0x0], $0xffff;
	v6 =	vadd.f32 v6, v9;
	v43 =	vmul.f32 v29, v59;
	v14 =	vadd.f32 v14, v22  }
0x847: {  	v46 =	vld.idx.msk [tilespmem:v19+s8+$0x0], $0xffff;
	v3 =	vsub.f32 v3, v45;
	v10 =	vmul.f32 v10, v10;
	v5 =	vadd.f32 v44, v5  }
0x848: {  	v47 =	vmul.f32 v23, v62;
	v9 =	vadd.f32 v43, v61;
	v6 =	vadd.f32 v14, v6  }
0x849: {  	v38 =	vsub.f32 v24, v35;
	v3 =	vmul.f32 v3, v3;
	v5 =	vadd.f32 v10, v5;
	v48 =	vld.idx.msk [tilespmem:v12+s10+$0x0], $0xffff  }
0x84a: {  	v49 =	vmul.f32 v32, v63;
	v51 =	vld.idx.msk [tilespmem:v21+s10+$0x0], $0xffff;
	v50 =	vadd.f32 v47, v41;
	v6 =	vadd.f32 v9, v6  }
0x84b: {  	v53 =	vcvt.s32.f32 v34;
	v8 =	vmul.f32 v8, v8;
	v12 =	vld.idx.msk [tilespmem:v12+s8+$0x0], $0xffff;
	v3 =	vadd.f32 v3, v5  }
0x84c: {  	v52 =	vmul.f32 v38, v42;
	v11 =	vadd.f32 v49, v46;
	v6 =	vadd.f32 v50, v6  }
0x84d: {  	v2 =	vmul.f32 v2, v2;
	v1 =	vsub.f32 v1, v53;
	v54 =	vld.idx.msk [tilespmem:v21+s8+$0x0], $0xffff;
	v3 =	vadd.f32 v8, v3  }
0x84e: {  	v55 =	vadd.f32 v52, v33;
	v7 =	vmul.f32 v7, v48;
	v6 =	vadd.f32 v11, v6  }
0x84f: {  	v57 =	vsub.f32 v13, v16;
	v1 =	vmul.f32 v1, v1;
	v2 =	vadd.f32 v2, v3  }
0x850: {  	v56 =	vmul.f32 v17, v51;
	v7 =	vadd.f32 v7, v12;
	v6 =	vadd.f32 v55, v6  }
0x851: {  	v61 =	vmul.f32 v57, v57;
	v1 =	vadd.f32 v1, v2  }
0x852: {  	v58 =	vmul.f32 v4, v15;
	v59 =	vadd.f32 v56, v54;
	v60 =	vadd.f32 v7, v6  }
0x853: {  	v0 =	vmul.f32 v0, v0;
	v1 =	vadd.f32 v61, v1  }
0x854: {  	v62 =	vadd.f32 v58, v26;
	v63 =	vadd.f32 v59, v60  }
0x855: {  	v0 =	vadd.f32 v0, v1  }
0x856: {  	v2 =	vadd.f32 v62, v63  }
0x857: {  	[tilespmem:$0x10180] =	vst v0  }
0x858: {  	s19 =	simm.s32 $0x10100;
	[tilespmem:$0x10100] =	vst v2  }
0x859: {  	[hbm4b:s5+s2] =	stream.linear.scatter [tilespmem:s19], [sflag:$0x5], $0x80, $0x38;
	[tilespmem:$0x10200] =	vst v63  }
0x85a: {  	s18 =	sadd.s32 $0x1, s18;
	_ =	swait.ge [sflag:s9], $0x80  }
0x85b: {  	p0 =	sne.s32 s18, s7;
	[sflag:s9] =	ssyncset.done $0x0  }
.Ltmp16:
0x85c: {  	s21 =	simm.s32 $0x10180;
	[sflag:s9] =	ssyncadd.s32 $0xFFFFFF80;
	(pc) =	sbr.rel @p0 .LBB2_1-.Ltmp16, $4  }
0x85d: {  	[hbm4b:s6+s2] =	stream.linear.scatter [tilespmem:s21], [sflag:$0x5], $0x80, $0x38;
	[tilespmem:$0x10200] =	vst v63  }
0x85e: {  	_ =	swait.ge [sflag:s9], $0x80  }
0x85f: {  	[sflag:s9] =	ssyncset.done $0x0  }
0x860: {  	[sflag:s9] =	ssyncadd.s32 $0xFFFFFF80  }
0x861: {  	_ =	sfence.sel $0x180000  }
0x862: {  	[bflag:$0x0] =	sbarrier.arrive $0xFFFF  }
0x863: {  	_ =	strace $0x90000047  }
0x864: {  	s0 =	stileid.u32;
	[bflag:$0x2] =	sbarrier.arrive $0xFFFF  }
0x865: {  	p0 =	sne.s32 s0, $0x0;
	s0 =	rddreg [dreg:$0x4]  }
0x866: {  	s0 =	sadd.s32 @!p0 $0x100000, s0  }
0x867: {  	[sflag:s0] =	ssyncadd.tile.s32 @!p0 $0x1;
	_ =	shalt  }
.Lfunc_end2:
_tile_overlayer_lowered:
.L_overlay_start_2:
0x868: {  	(tag) =	ssettag $0x2  }
0x869: {  	s0 =	rddreg [dreg:$0x0];
	s2 =	stileid.u32  }
0x86a: {  	s1 =	rddreg [dreg:$0x1];
	p0 =	sne.s32 s2, $0x0  }
0x86b: {  	s3 =	rddreg [dreg:$0x2];
	[bflag:$0x3] =	sbarrier.arrive $0xFFFF;
	s2 =	simm.s32 @!p0 $0x1C05  }
0x86c: {  	[timem:s3], [sflag:s2] =	dma.local @!p0 [hbm:s0], s1  }
0x86d: {  	s0 =	simm.s32 @!p0 $0x5  }
0x86e: {  	_ =	swait.ge @!p0 [sflag:s0], s1  }
0x86f: {  	s1 =	ssub.s32 @!p0 $0x0, s1;
	[sflag:s0] =	ssyncset.done @!p0 $0x0  }
0x870: {  	[sflag:s0] =	ssyncadd.s32 @!p0 s1  }
0x871: {  	[bflag:$0x3] =	sbarrier.arrive $0xFFFF  }
0x872: {  	_ =	shalt  }

</sc_bundles>
